<compile_context>
chip_gen: v7x
topology: tpu7x:2x2x1
jax: 0.10.2.dev20260603
libtpu: 0.0.44.dev20260713+nightly
codegen_flags: <defaults>
</compile_context>

<pallas_src>
import functools

import jax
import jax.numpy as jnp
from jax import lax
from jax.experimental import pallas as pl
from jax.experimental.pallas import tpu as pltpu
from jax.experimental.pallas import tpu_sc as plsc

N_PTS = 50000
C = 128
K = 27
M = 20000

E_TOT = K * M
BLK = 2048
NBLK = -(-E_TOT // BLK)
E_PAD = NBLK * BLK

NCHUNK = 4
R = 12512
TRASH = R
ACC_ROWS = R + 8
U_ROWS = 544
UNITS = R // U_ROWS
LAST_U = N_PTS - 3 * R - (UNITS - 1) * U_ROWS

_TCB = 5000


def _tc_body(x_ref, w_ref, y_ref):
    y_ref[...] = jnp.dot(x_ref[...], w_ref[0],
                         preferred_element_type=jnp.float32)


def _compute_y(in_feat, w):
    nb = N_PTS // _TCB
    return pl.pallas_call(
        _tc_body,
        grid=(nb, K),
        in_specs=[
            pl.BlockSpec((_TCB, C), lambda i, k: (i, 0)),
            pl.BlockSpec((1, C, C), lambda i, k: (k, 0, 0)),
        ],
        out_specs=pl.BlockSpec((_TCB, C), lambda i, k: (k * nb + i, 0)),
        out_shape=jax.ShapeDtypeStruct((K * N_PTS, C), jnp.float32),
    )(in_feat, w)


def _sc_body(y_hbm, gi_hbm, oi_hbm, z_hbm, out_hbm,
             acc, gi_v, oi_v, co_v, rows_v):
    c = lax.axis_index("c")
    s = lax.axis_index("s")

    for p in range(2):
        chunk = c * 2 + p
        lo = chunk * R

        for ui in range(2):
            u = s + ui * 16

            @pl.when(u < UNITS)
            def _():
                pltpu.sync_copy(z_hbm.at[pl.ds(u * U_ROWS, U_ROWS)],
                                acc.at[pl.ds(u * U_ROWS, U_ROWS)])
        plsc.subcore_barrier()

        def blk_body(i, carry):
            b = s + i * 16

            @pl.when(b < NBLK)
            def _():
                pltpu.sync_copy(gi_hbm.at[b], gi_v)
                pltpu.sync_copy(oi_hbm.at[b], oi_v)
                for t in range(16):
                    def grp(l, _):
                        ov = oi_v[t, pl.ds(l * 16, 16)]
                        m = (ov >= lo) & (ov < lo + R)
                        co_v[t, pl.ds(l * 16, 16)] = jnp.where(
                            m, ov - lo, TRASH)
                        return 0
                    lax.fori_loop(0, 8, grp, 0)
                    pltpu.sync_copy(y_hbm.at[gi_v.at[t]], rows_v)
                    pltpu.sync_copy(rows_v, acc.at[co_v.at[t]], add=True)
            return carry

        lax.fori_loop(0, -(-NBLK // 16), blk_body, 0)
        plsc.subcore_barrier()

        for ui in range(2):
            u = s + ui * 16

            @pl.when((u < UNITS - 1) | ((u == UNITS - 1) & (chunk < 3)))
            def _():
                pltpu.sync_copy(
                    acc.at[pl.ds(u * U_ROWS, U_ROWS)],
                    out_hbm.at[pl.ds(chunk * R + u * U_ROWS, U_ROWS)])

            @pl.when((u == UNITS - 1) & (chunk == 3))
            def _():
                pltpu.sync_copy(
                    acc.at[pl.ds(u * U_ROWS, LAST_U)],
                    out_hbm.at[pl.ds(chunk * R + u * U_ROWS, LAST_U)])
        plsc.subcore_barrier()


@functools.partial(
    pl.kernel,
    out_type=jax.ShapeDtypeStruct((N_PTS, C), jnp.float32),
    mesh=plsc.VectorSubcoreMesh(core_axis_name="c", subcore_axis_name="s"),
    scratch_types=[
        pltpu.VMEM_SHARED((ACC_ROWS, C), jnp.float32),
        pltpu.VMEM((16, BLK // 16), jnp.int32),
        pltpu.VMEM((16, BLK // 16), jnp.int32),
        pltpu.VMEM((16, BLK // 16), jnp.int32),
        pltpu.VMEM((BLK // 16, C), jnp.float32),
    ],
)
def _sc_scatter(y_hbm, gi_hbm, oi_hbm, z_hbm, out_hbm,
                acc, gi_v, oi_v, co_v, rows_v):
    _sc_body(y_hbm, gi_hbm, oi_hbm, z_hbm, out_hbm,
             acc, gi_v, oi_v, co_v, rows_v)


def kernel(kernel, in_feat, in_maps, out_maps):
    w = kernel
    y = _compute_y(in_feat, w)

    k_off = (jnp.arange(K, dtype=jnp.int32) * N_PTS)[:, None]
    gidx = (in_maps + k_off).reshape(-1)
    oidx = out_maps.reshape(-1)
    pad = E_PAD - E_TOT
    gidx = jnp.concatenate(
        [gidx, jnp.zeros((pad,), jnp.int32)]).reshape(NBLK, 16, BLK // 16)
    oidx = jnp.concatenate(
        [oidx, jnp.full((pad,), jnp.int32(1 << 30))]
    ).reshape(NBLK, 16, BLK // 16)
    zeros = jnp.zeros((R, C), jnp.float32)

    return _sc_scatter(y, gidx, oidx, zeros)

# --- scband reference (transcript-rebuilt; emitter-appended) ---
"""Pipeline reference for scband-custom-minkowski-convolution-8177617732130 (READ-ONLY COPY).

The authoritative reference and input builder live on the scoring server;
editing this copy changes nothing except your own understanding.
"""

import jax, jax.numpy as jnp
import numpy as np

N_POINTS = 50000
C_IN = 128
C_OUT = 128
K_VOL = 27  # kernel_size=3 ** dimension=3
M_PER_OFFSET = 20000


def setup_inputs(seed: int = 0) -> dict:
    key = jax.random.key(seed)
    k1, k2, k3, k4 = jax.random.split(key, 4)
    kernel = jax.random.normal(k1, (K_VOL, C_IN, C_OUT), dtype=jnp.float32) * 0.05
    in_feat = jax.random.normal(k2, (N_POINTS, C_IN), dtype=jnp.float32)
    in_maps = jax.random.randint(k3, (K_VOL, M_PER_OFFSET), 0, N_POINTS, dtype=jnp.int32)
    out_maps = jax.random.randint(k4, (K_VOL, M_PER_OFFSET), 0, N_POINTS, dtype=jnp.int32)
    return {"kernel": kernel, "in_feat": in_feat, "in_maps": in_maps, "out_maps": out_maps}


def reference(kernel, in_feat, in_maps, out_maps):
    # Faithful model of MinkowskiConvolutionFunction on the generalized sparse conv path
    # (use_mm=False since prod(kernel_size)=27 > 1):
    # for each kernel offset k: gather input rows via in_maps[k], multiply by kernel[k],
    # scatter-add into output rows via out_maps[k]. This is exactly the kernel-map
    # gather-GEMM-scatter decomposition MinkowskiEngine executes.
    gathered = in_feat[in_maps]                                   # [K, M, C_in] gather
    contrib = jnp.einsum('kmc,kcd->kmd', gathered, kernel)        # per-offset GEMM
    out = jnp.zeros((in_feat.shape[0], kernel.shape[2]), dtype=contrib.dtype)
    out = out.at[out_maps.reshape(-1)].add(contrib.reshape(-1, kernel.shape[2]))  # scatter-add
    return out

if __name__ == "__main__":
    import jax
    _d = setup_inputs()
    print(jax.jit(kernel)(*tuple(_d.values())))

</pallas_src>

<mosaic_0001>
#map = affine_map<(d0, d1) -> (0, 0)>
#map1 = affine_map<(d0, d1) -> (0, 0, 0)>
module attributes {stable_mosaic.version = 14 : i64} {
  func.func @_sc_scatter(%arg0: i32, %arg1: i32, %arg2: memref<1350000x128xf32, #tpu.memory_space<hbm>>, %arg3: memref<264x16x128xi32, #tpu.memory_space<hbm>>, %arg4: memref<264x16x128xi32, #tpu.memory_space<hbm>>, %arg5: memref<12512x128xf32, #tpu.memory_space<hbm>>, %arg6: memref<50000x128xf32, #tpu.memory_space<hbm>>, %arg7: memref<12520x128xf32, #tpu.memory_space<vmem_shared>>, %arg8: memref<16x128xi32, #tpu.memory_space<vmem>>, %arg9: memref<16x128xi32, #tpu.memory_space<vmem>>, %arg10: memref<16x128xi32, #tpu.memory_space<vmem>>, %arg11: memref<128x128xf32, #tpu.memory_space<vmem>>) attributes {dimension_semantics = [#tpu.dimension_semantics<core_parallel>, #tpu.dimension_semantics<subcore_parallel>], iteration_bounds = array<i64: 2, 16>, scalar_prefetch = 0 : i64, scratch_operands = 5 : i64, tpu.core_type = #tpu.core_type<sc_vector_subcore>, window_params = [{transform_indices = #map}, {transform_indices = #map1}, {transform_indices = #map1}, {transform_indices = #map}, {transform_indices = #map}]} {
    %mul3A = arith.constant 2 : i32
    %mul3A_0 = arith.muli %arg0, %mul3A : i32
    %add3A = arith.constant 0 : i32
    %add3A_1 = arith.addi %mul3A_0, %add3A : i32
    %mul3A_2 = arith.constant 12512 : i32
    %mul3A_3 = arith.muli %add3A_1, %mul3A_2 : i32
    %add3A_4 = arith.constant 0 : i32
    %add3A_5 = arith.addi %arg1, %add3A_4 : i32
    %lt3A = arith.constant 23 : i32
    %lt3A_6 = arith.cmpi slt, %add3A_5, %lt3A : i32
    %convert_element_type3A = arith.extui %lt3A_6 : i1 to i32
    %cond3A = arith.constant 0 : i32
    %cond3A_7 = arith.cmpi ne, %convert_element_type3A, %cond3A : i32
    scf.if %cond3A_7 {
      %mul3A_132 = arith.constant 544 : i32
      %mul3A_133 = arith.muli %add3A_5, %mul3A_132 : i32
      %mul3A_134 = arith.constant 544 : i32
      %mul3A_135 = arith.muli %add3A_5, %mul3A_134 : i32
      "tpu.region"() ({
        %run_scoped3A = tpu.sem_alloc : memref<!tpu.dma_semaphore, #tpu.memory_space<semaphore_mem>>
        %dma_start3A = arith.constant 0 : i32
        %dma_start3A_136 = tpu.memref_slice %arg7[%mul3A_135, %dma_start3A] : memref<12520x128xf32, #tpu.memory_space<vmem_shared>> -> memref<544x128xf32, #tpu.memory_space<vmem_shared>>
        %dma_start3A_137 = arith.constant 0 : i32
        %dma_start3A_138 = tpu.memref_slice %arg5[%mul3A_133, %dma_start3A_137] : memref<12512x128xf32, #tpu.memory_space<hbm>> -> memref<544x128xf32, #tpu.memory_space<hbm>>
        tpu.enqueue_dma source(%dma_start3A_138 : memref<544x128xf32, #tpu.memory_space<hbm>>) target(%dma_start3A_136 : memref<544x128xf32, #tpu.memory_space<vmem_shared>>) target_semaphore(%run_scoped3A : memref<!tpu.dma_semaphore, #tpu.memory_space<semaphore_mem>>)
        %dma_wait3A = arith.constant 0 : i32
        %dma_wait3A_139 = tpu.memref_slice %arg7[%mul3A_135, %dma_wait3A] : memref<12520x128xf32, #tpu.memory_space<vmem_shared>> -> memref<544x128xf32, #tpu.memory_space<vmem_shared>>
        %dma_wait3A_140 = arith.constant 0 : i32
        %dma_wait3A_141 = tpu.memref_slice %arg5[%mul3A_133, %dma_wait3A_140] : memref<12512x128xf32, #tpu.memory_space<hbm>> -> memref<544x128xf32, #tpu.memory_space<hbm>>
        tpu.wait_dma2 semaphore(%run_scoped3A : memref<!tpu.dma_semaphore, #tpu.memory_space<semaphore_mem>>) src(%dma_wait3A_141 : memref<544x128xf32, #tpu.memory_space<hbm>>) dst(%dma_wait3A_139 : memref<544x128xf32, #tpu.memory_space<vmem_shared>>)
        tpu.yield
      }) : () -> ()
    } else {
    }
    %add3A_8 = arith.constant 16 : i32
    %add3A_9 = arith.addi %arg1, %add3A_8 : i32
    %lt3A_10 = arith.constant 23 : i32
    %lt3A_11 = arith.cmpi slt, %add3A_9, %lt3A_10 : i32
    %convert_element_type3A_12 = arith.extui %lt3A_11 : i1 to i32
    %cond3A_13 = arith.constant 0 : i32
    %cond3A_14 = arith.cmpi ne, %convert_element_type3A_12, %cond3A_13 : i32
    scf.if %cond3A_14 {
      %mul3A_132 = arith.constant 544 : i32
      %mul3A_133 = arith.muli %add3A_9, %mul3A_132 : i32
      %mul3A_134 = arith.constant 544 : i32
      %mul3A_135 = arith.muli %add3A_9, %mul3A_134 : i32
      "tpu.region"() ({
        %run_scoped3A = tpu.sem_alloc : memref<!tpu.dma_semaphore, #tpu.memory_space<semaphore_mem>>
        %dma_start3A = arith.constant 0 : i32
        %dma_start3A_136 = tpu.memref_slice %arg7[%mul3A_135, %dma_start3A] : memref<12520x128xf32, #tpu.memory_space<vmem_shared>> -> memref<544x128xf32, #tpu.memory_space<vmem_shared>>
        %dma_start3A_137 = arith.constant 0 : i32
        %dma_start3A_138 = tpu.memref_slice %arg5[%mul3A_133, %dma_start3A_137] : memref<12512x128xf32, #tpu.memory_space<hbm>> -> memref<544x128xf32, #tpu.memory_space<hbm>>
        tpu.enqueue_dma source(%dma_start3A_138 : memref<544x128xf32, #tpu.memory_space<hbm>>) target(%dma_start3A_136 : memref<544x128xf32, #tpu.memory_space<vmem_shared>>) target_semaphore(%run_scoped3A : memref<!tpu.dma_semaphore, #tpu.memory_space<semaphore_mem>>)
        %dma_wait3A = arith.constant 0 : i32
        %dma_wait3A_139 = tpu.memref_slice %arg7[%mul3A_135, %dma_wait3A] : memref<12520x128xf32, #tpu.memory_space<vmem_shared>> -> memref<544x128xf32, #tpu.memory_space<vmem_shared>>
        %dma_wait3A_140 = arith.constant 0 : i32
        %dma_wait3A_141 = tpu.memref_slice %arg5[%mul3A_133, %dma_wait3A_140] : memref<12512x128xf32, #tpu.memory_space<hbm>> -> memref<544x128xf32, #tpu.memory_space<hbm>>
        tpu.wait_dma2 semaphore(%run_scoped3A : memref<!tpu.dma_semaphore, #tpu.memory_space<semaphore_mem>>) src(%dma_wait3A_141 : memref<544x128xf32, #tpu.memory_space<hbm>>) dst(%dma_wait3A_139 : memref<544x128xf32, #tpu.memory_space<vmem_shared>>)
        tpu.yield
      }) : () -> ()
    } else {
    }
    %barrier3A = arith.constant 0 : index
    tpu.barrier barrier_id(%barrier3A)
    %scan3A = arith.constant 0 : i32
    %scan3A_15 = arith.constant 0 : i32
    %scan3A_16 = arith.constant 17 : i32
    %scan3A_17 = arith.addi %scan3A_15, %scan3A_16 : i32
    %scan3A_18 = arith.constant 1 : i32
    scf.for %scan3A_132 = %scan3A_15 to %scan3A_17 step %scan3A_18  : i32 {
      %mul3A_133 = arith.constant 16 : i32
      %mul3A_134 = arith.muli %scan3A_132, %mul3A_133 : i32
      %add3A_135 = arith.addi %arg1, %mul3A_134 : i32
      %lt3A_136 = arith.constant 264 : i32
      %lt3A_137 = arith.cmpi slt, %add3A_135, %lt3A_136 : i32
      %convert_element_type3A_138 = arith.extui %lt3A_137 : i1 to i32
      %cond3A_139 = arith.constant 0 : i32
      %cond3A_140 = arith.cmpi ne, %convert_element_type3A_138, %cond3A_139 : i32
      scf.if %cond3A_140 {
        "tpu.region"() ({
          %run_scoped3A_284 = tpu.sem_alloc : memref<!tpu.dma_semaphore, #tpu.memory_space<semaphore_mem>>
          %dma_start3A = arith.constant 0 : i32
          %dma_start3A_285 = arith.constant 0 : i32
          %dma_start3A_286 = tpu.memref_slice %arg3[%add3A_135, %dma_start3A, %dma_start3A_285] : memref<264x16x128xi32, #tpu.memory_space<hbm>> -> memref<1x16x128xi32, #tpu.memory_space<hbm>>
          %dma_start3A_287 = tpu.memref_squeeze %dma_start3A_286 : memref<1x16x128xi32, #tpu.memory_space<hbm>> -> memref<16x128xi32, #tpu.memory_space<hbm>>
          %dma_start3A_288 = arith.constant 0 : i32
          %dma_start3A_289 = arith.constant 0 : i32
          %dma_start3A_290 = tpu.memref_slice %arg3[%add3A_135, %dma_start3A_288, %dma_start3A_289] : memref<264x16x128xi32, #tpu.memory_space<hbm>> -> memref<1x16x128xi32, #tpu.memory_space<hbm>>
          %dma_start3A_291 = tpu.memref_squeeze %dma_start3A_290 : memref<1x16x128xi32, #tpu.memory_space<hbm>> -> memref<16x128xi32, #tpu.memory_space<hbm>>
          tpu.enqueue_dma source(%dma_start3A_291 : memref<16x128xi32, #tpu.memory_space<hbm>>) target(%arg8 : memref<16x128xi32, #tpu.memory_space<vmem>>) target_semaphore(%run_scoped3A_284 : memref<!tpu.dma_semaphore, #tpu.memory_space<semaphore_mem>>)
          %dma_wait3A = arith.constant 0 : i32
          %dma_wait3A_292 = arith.constant 0 : i32
          %dma_wait3A_293 = tpu.memref_slice %arg3[%add3A_135, %dma_wait3A, %dma_wait3A_292] : memref<264x16x128xi32, #tpu.memory_space<hbm>> -> memref<1x16x128xi32, #tpu.memory_space<hbm>>
          %dma_wait3A_294 = tpu.memref_squeeze %dma_wait3A_293 : memref<1x16x128xi32, #tpu.memory_space<hbm>> -> memref<16x128xi32, #tpu.memory_space<hbm>>
          %dma_wait3A_295 = arith.constant 0 : i32
          %dma_wait3A_296 = arith.constant 0 : i32
          %dma_wait3A_297 = tpu.memref_slice %arg3[%add3A_135, %dma_wait3A_295, %dma_wait3A_296] : memref<264x16x128xi32, #tpu.memory_space<hbm>> -> memref<1x16x128xi32, #tpu.memory_space<hbm>>
          %dma_wait3A_298 = tpu.memref_squeeze %dma_wait3A_297 : memref<1x16x128xi32, #tpu.memory_space<hbm>> -> memref<16x128xi32, #tpu.memory_space<hbm>>
          tpu.wait_dma2 semaphore(%run_scoped3A_284 : memref<!tpu.dma_semaphore, #tpu.memory_space<semaphore_mem>>) src(%dma_wait3A_298 : memref<16x128xi32, #tpu.memory_space<hbm>>) dst(%arg8 : memref<16x128xi32, #tpu.memory_space<vmem>>)
          tpu.yield
        }) : () -> ()
        "tpu.region"() ({
          %run_scoped3A_284 = tpu.sem_alloc : memref<!tpu.dma_semaphore, #tpu.memory_space<semaphore_mem>>
          %dma_start3A = arith.constant 0 : i32
          %dma_start3A_285 = arith.constant 0 : i32
          %dma_start3A_286 = tpu.memref_slice %arg4[%add3A_135, %dma_start3A, %dma_start3A_285] : memref<264x16x128xi32, #tpu.memory_space<hbm>> -> memref<1x16x128xi32, #tpu.memory_space<hbm>>
          %dma_start3A_287 = tpu.memref_squeeze %dma_start3A_286 : memref<1x16x128xi32, #tpu.memory_space<hbm>> -> memref<16x128xi32, #tpu.memory_space<hbm>>
          %dma_start3A_288 = arith.constant 0 : i32
          %dma_start3A_289 = arith.constant 0 : i32
          %dma_start3A_290 = tpu.memref_slice %arg4[%add3A_135, %dma_start3A_288, %dma_start3A_289] : memref<264x16x128xi32, #tpu.memory_space<hbm>> -> memref<1x16x128xi32, #tpu.memory_space<hbm>>
          %dma_start3A_291 = tpu.memref_squeeze %dma_start3A_290 : memref<1x16x128xi32, #tpu.memory_space<hbm>> -> memref<16x128xi32, #tpu.memory_space<hbm>>
          tpu.enqueue_dma source(%dma_start3A_291 : memref<16x128xi32, #tpu.memory_space<hbm>>) target(%arg9 : memref<16x128xi32, #tpu.memory_space<vmem>>) target_semaphore(%run_scoped3A_284 : memref<!tpu.dma_semaphore, #tpu.memory_space<semaphore_mem>>)
          %dma_wait3A = arith.constant 0 : i32
          %dma_wait3A_292 = arith.constant 0 : i32
          %dma_wait3A_293 = tpu.memref_slice %arg4[%add3A_135, %dma_wait3A, %dma_wait3A_292] : memref<264x16x128xi32, #tpu.memory_space<hbm>> -> memref<1x16x128xi32, #tpu.memory_space<hbm>>
          %dma_wait3A_294 = tpu.memref_squeeze %dma_wait3A_293 : memref<1x16x128xi32, #tpu.memory_space<hbm>> -> memref<16x128xi32, #tpu.memory_space<hbm>>
          %dma_wait3A_295 = arith.constant 0 : i32
          %dma_wait3A_296 = arith.constant 0 : i32
          %dma_wait3A_297 = tpu.memref_slice %arg4[%add3A_135, %dma_wait3A_295, %dma_wait3A_296] : memref<264x16x128xi32, #tpu.memory_space<hbm>> -> memref<1x16x128xi32, #tpu.memory_space<hbm>>
          %dma_wait3A_298 = tpu.memref_squeeze %dma_wait3A_297 : memref<1x16x128xi32, #tpu.memory_space<hbm>> -> memref<16x128xi32, #tpu.memory_space<hbm>>
          tpu.wait_dma2 semaphore(%run_scoped3A_284 : memref<!tpu.dma_semaphore, #tpu.memory_space<semaphore_mem>>) src(%dma_wait3A_298 : memref<16x128xi32, #tpu.memory_space<hbm>>) dst(%arg9 : memref<16x128xi32, #tpu.memory_space<vmem>>)
          tpu.yield
        }) : () -> ()
        %scan3A_141 = arith.constant 0 : i32
        %scan3A_142 = arith.constant 0 : i32
        %scan3A_143 = arith.constant 8 : i32
        %scan3A_144 = arith.addi %scan3A_142, %scan3A_143 : i32
        %scan3A_145 = arith.constant 1 : i32
        %scan3A_146 = scf.for %scan3A_284 = %scan3A_142 to %scan3A_144 step %scan3A_145 iter_args(%scan3A_285 = %scan3A_141) -> (i32)  : i32 {
          %mul3A_286 = arith.constant 16 : i32
          %mul3A_287 = arith.muli %scan3A_284, %mul3A_286 : i32
          %get3A = arith.constant 0 : i32
          %get3A_288 = arith.index_cast %get3A : i32 to index
          %get3A_289 = arith.index_cast %mul3A_287 : i32 to index
          %get3A_290 = tpu.vector_load %arg9[%get3A_288, %get3A_289] {strides = array<i32>} : memref<16x128xi32, #tpu.memory_space<vmem>>, vector<1x16xi32>,
          %get3A_291 = vector.shape_cast %get3A_290 : vector<1x16xi32> to vector<16xi32>
          %ge3A = vector.broadcast %mul3A_3 : i32 to vector<16xi32>
          %ge3A_292 = arith.cmpi sge, %get3A_291, %ge3A : vector<16xi32>
          %add3A_293 = arith.constant 12512 : i32
          %add3A_294 = arith.addi %mul3A_3, %add3A_293 : i32
          %lt3A_295 = vector.broadcast %add3A_294 : i32 to vector<16xi32>
          %lt3A_296 = arith.cmpi slt, %get3A_291, %lt3A_295 : vector<16xi32>
          %and3A_297 = arith.andi %ge3A_292, %lt3A_296 : vector<16xi1>
          %sub3A = vector.broadcast %mul3A_3 : i32 to vector<16xi32>
          %sub3A_298 = arith.subi %get3A_291, %sub3A : vector<16xi32>
          %jit3A = arith.constant 12512 : i32
          %broadcast_in_dim3A = vector.broadcast %jit3A : i32 to vector<16xi32>
          %select_n3A = arith.select %and3A_297, %sub3A_298, %broadcast_in_dim3A : vector<16xi1>, vector<16xi32>
          %mul3A_299 = arith.constant 16 : i32
          %mul3A_300 = arith.muli %scan3A_284, %mul3A_299 : i32
          %swap3A = arith.constant 0 : i32
          %swap3A_301 = arith.index_cast %swap3A : i32 to index
          %swap3A_302 = arith.index_cast %mul3A_300 : i32 to index
          %swap3A_303 = tpu.vector_load %arg10[%swap3A_301, %swap3A_302] {strides = array<i32>} : memref<16x128xi32, #tpu.memory_space<vmem>>, vector<1x16xi32>,
          %swap3A_304 = vector.shape_cast %swap3A_303 : vector<1x16xi32> to vector<16xi32>
          %swap3A_305 = vector.shape_cast %select_n3A : vector<16xi32> to vector<1x16xi32>
          tpu.vector_store %arg10[%swap3A_301, %swap3A_302], %swap3A_305 {strides = array<i32>} : memref<16x128xi32, #tpu.memory_space<vmem>>, vector<1x16xi32>,
          %scan3A_306 = arith.constant 0 : i32
          scf.yield %scan3A_306 : i32
        }
        %scan3A_147 = arith.constant 8 : i32
        %run_scoped3A = arith.constant 0 : i32
        "tpu.region"() ({
          %run_scoped3A_284 = tpu.sem_alloc : memref<!tpu.dma_semaphore, #tpu.memory_space<semaphore_mem>>
          %dma_start3A = arith.constant 0 : i32
          %dma_start3A_285 = tpu.memref_slice %arg8[%run_scoped3A, %dma_start3A] : memref<16x128xi32, #tpu.memory_space<vmem>> -> memref<1x128xi32, #tpu.memory_space<vmem>>
          %dma_start3A_286 = tpu.memref_squeeze %dma_start3A_285 : memref<1x128xi32, #tpu.memory_space<vmem>> -> memref<128xi32, #tpu.memory_space<vmem>>
          %dma_start3A_287 = arith.constant 0 : i32
          %dma_start3A_288 = arith.constant 0 : i32
          %dma_start3A_289 = tpu.memref_slice %arg2[%dma_start3A_287, %dma_start3A_288] : memref<1350000x128xf32, #tpu.memory_space<hbm>> -> memref<1350000x128xf32, #tpu.memory_space<hbm>>
          tpu.enqueue_indirect_dma source(%dma_start3A_289 : memref<1350000x128xf32, #tpu.memory_space<hbm>>) target(%arg11 : memref<128x128xf32, #tpu.memory_space<vmem>>) offsets(%dma_start3A_286 : memref<128xi32, #tpu.memory_space<vmem>>) semaphore(%run_scoped3A_284 : memref<!tpu.dma_semaphore, #tpu.memory_space<semaphore_mem>>)
          %dma_wait3A = arith.constant 0 : i32
          %dma_wait3A_290 = tpu.memref_slice %arg8[%run_scoped3A, %dma_wait3A] : memref<16x128xi32, #tpu.memory_space<vmem>> -> memref<1x128xi32, #tpu.memory_space<vmem>>
          %dma_wait3A_291 = tpu.memref_squeeze %dma_wait3A_290 : memref<1x128xi32, #tpu.memory_space<vmem>> -> memref<128xi32, #tpu.memory_space<vmem>>
          %dma_wait3A_292 = arith.constant 0 : i32
          %dma_wait3A_293 = arith.constant 0 : i32
          %dma_wait3A_294 = tpu.memref_slice %arg2[%dma_wait3A_292, %dma_wait3A_293] : memref<1350000x128xf32, #tpu.memory_space<hbm>> -> memref<1350000x128xf32, #tpu.memory_space<hbm>>
          tpu.wait_indirect_dma semaphore(%run_scoped3A_284 : memref<!tpu.dma_semaphore, #tpu.memory_space<semaphore_mem>>) src(%dma_wait3A_294 : memref<1350000x128xf32, #tpu.memory_space<hbm>>) dst(%arg11 : memref<128x128xf32, #tpu.memory_space<vmem>>)
          tpu.yield
        }) : () -> ()
        %run_scoped3A_148 = arith.constant 0 : i32
        "tpu.region"() ({
          %run_scoped3A_284 = tpu.sem_alloc : memref<!tpu.dma_semaphore, #tpu.memory_space<semaphore_mem>>
          %dma_start3A = arith.constant 0 : i32
          %dma_start3A_285 = tpu.memref_slice %arg10[%run_scoped3A_148, %dma_start3A] : memref<16x128xi32, #tpu.memory_space<vmem>> -> memref<1x128xi32, #tpu.memory_space<vmem>>
          %dma_start3A_286 = tpu.memref_squeeze %dma_start3A_285 : memref<1x128xi32, #tpu.memory_space<vmem>> -> memref<128xi32, #tpu.memory_space<vmem>>
          %dma_start3A_287 = arith.constant 0 : i32
          %dma_start3A_288 = arith.constant 0 : i32
          %dma_start3A_289 = tpu.memref_slice %arg7[%dma_start3A_287, %dma_start3A_288] : memref<12520x128xf32, #tpu.memory_space<vmem_shared>> -> memref<12520x128xf32, #tpu.memory_space<vmem_shared>>
          tpu.enqueue_indirect_dma source(%arg11 : memref<128x128xf32, #tpu.memory_space<vmem>>) target(%dma_start3A_289 : memref<12520x128xf32, #tpu.memory_space<vmem_shared>>) offsets(%dma_start3A_286 : memref<128xi32, #tpu.memory_space<vmem>>) semaphore(%run_scoped3A_284 : memref<!tpu.dma_semaphore, #tpu.memory_space<semaphore_mem>>) {add = true}
          %dma_wait3A = arith.constant 0 : i32
          %dma_wait3A_290 = tpu.memref_slice %arg10[%run_scoped3A_148, %dma_wait3A] : memref<16x128xi32, #tpu.memory_space<vmem>> -> memref<1x128xi32, #tpu.memory_space<vmem>>
          %dma_wait3A_291 = tpu.memref_squeeze %dma_wait3A_290 : memref<1x128xi32, #tpu.memory_space<vmem>> -> memref<128xi32, #tpu.memory_space<vmem>>
          %dma_wait3A_292 = arith.constant 0 : i32
          %dma_wait3A_293 = arith.constant 0 : i32
          %dma_wait3A_294 = tpu.memref_slice %arg7[%dma_wait3A_292, %dma_wait3A_293] : memref<12520x128xf32, #tpu.memory_space<vmem_shared>> -> memref<12520x128xf32, #tpu.memory_space<vmem_shared>>
          tpu.wait_indirect_dma semaphore(%run_scoped3A_284 : memref<!tpu.dma_semaphore, #tpu.memory_space<semaphore_mem>>) src(%arg11 : memref<128x128xf32, #tpu.memory_space<vmem>>) dst(%dma_wait3A_294 : memref<12520x128xf32, #tpu.memory_space<vmem_shared>>)
          tpu.yield
        }) : () -> ()
        %scan3A_149 = arith.constant 0 : i32
        %scan3A_150 = arith.constant 0 : i32
        %scan3A_151 = arith.constant 8 : i32
        %scan3A_152 = arith.addi %scan3A_150, %scan3A_151 : i32
        %scan3A_153 = arith.constant 1 : i32
        %scan3A_154 = scf.for %scan3A_284 = %scan3A_150 to %scan3A_152 step %scan3A_153 iter_args(%scan3A_285 = %scan3A_149) -> (i32)  : i32 {
          %mul3A_286 = arith.constant 16 : i32
          %mul3A_287 = arith.muli %scan3A_284, %mul3A_286 : i32
          %get3A = arith.constant 1 : i32
          %get3A_288 = arith.index_cast %get3A : i32 to index
          %get3A_289 = arith.index_cast %mul3A_287 : i32 to index
          %get3A_290 = tpu.vector_load %arg9[%get3A_288, %get3A_289] {strides = array<i32>} : memref<16x128xi32, #tpu.memory_space<vmem>>, vector<1x16xi32>,
          %get3A_291 = vector.shape_cast %get3A_290 : vector<1x16xi32> to vector<16xi32>
          %ge3A = vector.broadcast %mul3A_3 : i32 to vector<16xi32>
          %ge3A_292 = arith.cmpi sge, %get3A_291, %ge3A : vector<16xi32>
          %add3A_293 = arith.constant 12512 : i32
          %add3A_294 = arith.addi %mul3A_3, %add3A_293 : i32
          %lt3A_295 = vector.broadcast %add3A_294 : i32 to vector<16xi32>
          %lt3A_296 = arith.cmpi slt, %get3A_291, %lt3A_295 : vector<16xi32>
          %and3A_297 = arith.andi %ge3A_292, %lt3A_296 : vector<16xi1>
          %sub3A = vector.broadcast %mul3A_3 : i32 to vector<16xi32>
          %sub3A_298 = arith.subi %get3A_291, %sub3A : vector<16xi32>
          %jit3A = arith.constant 12512 : i32
          %broadcast_in_dim3A = vector.broadcast %jit3A : i32 to vector<16xi32>
          %select_n3A = arith.select %and3A_297, %sub3A_298, %broadcast_in_dim3A : vector<16xi1>, vector<16xi32>
          %mul3A_299 = arith.constant 16 : i32
          %mul3A_300 = arith.muli %scan3A_284, %mul3A_299 : i32
          %swap3A = arith.constant 1 : i32
          %swap3A_301 = arith.index_cast %swap3A : i32 to index
          %swap3A_302 = arith.index_cast %mul3A_300 : i32 to index
          %swap3A_303 = tpu.vector_load %arg10[%swap3A_301, %swap3A_302] {strides = array<i32>} : memref<16x128xi32, #tpu.memory_space<vmem>>, vector<1x16xi32>,
          %swap3A_304 = vector.shape_cast %swap3A_303 : vector<1x16xi32> to vector<16xi32>
          %swap3A_305 = vector.shape_cast %select_n3A : vector<16xi32> to vector<1x16xi32>
          tpu.vector_store %arg10[%swap3A_301, %swap3A_302], %swap3A_305 {strides = array<i32>} : memref<16x128xi32, #tpu.memory_space<vmem>>, vector<1x16xi32>,
          %scan3A_306 = arith.constant 0 : i32
          scf.yield %scan3A_306 : i32
        }
        %scan3A_155 = arith.constant 8 : i32
        %run_scoped3A_156 = arith.constant 1 : i32
        "tpu.region"() ({
          %run_scoped3A_284 = tpu.sem_alloc : memref<!tpu.dma_semaphore, #tpu.memory_space<semaphore_mem>>
          %dma_start3A = arith.constant 0 : i32
          %dma_start3A_285 = tpu.memref_slice %arg8[%run_scoped3A_156, %dma_start3A] : memref<16x128xi32, #tpu.memory_space<vmem>> -> memref<1x128xi32, #tpu.memory_space<vmem>>
          %dma_start3A_286 = tpu.memref_squeeze %dma_start3A_285 : memref<1x128xi32, #tpu.memory_space<vmem>> -> memref<128xi32, #tpu.memory_space<vmem>>
          %dma_start3A_287 = arith.constant 0 : i32
          %dma_start3A_288 = arith.constant 0 : i32
          %dma_start3A_289 = tpu.memref_slice %arg2[%dma_start3A_287, %dma_start3A_288] : memref<1350000x128xf32, #tpu.memory_space<hbm>> -> memref<1350000x128xf32, #tpu.memory_space<hbm>>
          tpu.enqueue_indirect_dma source(%dma_start3A_289 : memref<1350000x128xf32, #tpu.memory_space<hbm>>) target(%arg11 : memref<128x128xf32, #tpu.memory_space<vmem>>) offsets(%dma_start3A_286 : memref<128xi32, #tpu.memory_space<vmem>>) semaphore(%run_scoped3A_284 : memref<!tpu.dma_semaphore, #tpu.memory_space<semaphore_mem>>)
          %dma_wait3A = arith.constant 0 : i32
          %dma_wait3A_290 = tpu.memref_slice %arg8[%run_scoped3A_156, %dma_wait3A] : memref<16x128xi32, #tpu.memory_space<vmem>> -> memref<1x128xi32, #tpu.memory_space<vmem>>
          %dma_wait3A_291 = tpu.memref_squeeze %dma_wait3A_290 : memref<1x128xi32, #tpu.memory_space<vmem>> -> memref<128xi32, #tpu.memory_space<vmem>>
          %dma_wait3A_292 = arith.constant 0 : i32
          %dma_wait3A_293 = arith.constant 0 : i32
          %dma_wait3A_294 = tpu.memref_slice %arg2[%dma_wait3A_292, %dma_wait3A_293] : memref<1350000x128xf32, #tpu.memory_space<hbm>> -> memref<1350000x128xf32, #tpu.memory_space<hbm>>
          tpu.wait_indirect_dma semaphore(%run_scoped3A_284 : memref<!tpu.dma_semaphore, #tpu.memory_space<semaphore_mem>>) src(%dma_wait3A_294 : memref<1350000x128xf32, #tpu.memory_space<hbm>>) dst(%arg11 : memref<128x128xf32, #tpu.memory_space<vmem>>)
          tpu.yield
        }) : () -> ()
        %run_scoped3A_157 = arith.constant 1 : i32
        "tpu.region"() ({
          %run_scoped3A_284 = tpu.sem_alloc : memref<!tpu.dma_semaphore, #tpu.memory_space<semaphore_mem>>
          %dma_start3A = arith.constant 0 : i32
          %dma_start3A_285 = tpu.memref_slice %arg10[%run_scoped3A_157, %dma_start3A] : memref<16x128xi32, #tpu.memory_space<vmem>> -> memref<1x128xi32, #tpu.memory_space<vmem>>
          %dma_start3A_286 = tpu.memref_squeeze %dma_start3A_285 : memref<1x128xi32, #tpu.memory_space<vmem>> -> memref<128xi32, #tpu.memory_space<vmem>>
          %dma_start3A_287 = arith.constant 0 : i32
          %dma_start3A_288 = arith.constant 0 : i32
          %dma_start3A_289 = tpu.memref_slice %arg7[%dma_start3A_287, %dma_start3A_288] : memref<12520x128xf32, #tpu.memory_space<vmem_shared>> -> memref<12520x128xf32, #tpu.memory_space<vmem_shared>>
          tpu.enqueue_indirect_dma source(%arg11 : memref<128x128xf32, #tpu.memory_space<vmem>>) target(%dma_start3A_289 : memref<12520x128xf32, #tpu.memory_space<vmem_shared>>) offsets(%dma_start3A_286 : memref<128xi32, #tpu.memory_space<vmem>>) semaphore(%run_scoped3A_284 : memref<!tpu.dma_semaphore, #tpu.memory_space<semaphore_mem>>) {add = true}
          %dma_wait3A = arith.constant 0 : i32
          %dma_wait3A_290 = tpu.memref_slice %arg10[%run_scoped3A_157, %dma_wait3A] : memref<16x128xi32, #tpu.memory_space<vmem>> -> memref<1x128xi32, #tpu.memory_space<vmem>>
          %dma_wait3A_291 = tpu.memref_squeeze %dma_wait3A_290 : memref<1x128xi32, #tpu.memory_space<vmem>> -> memref<128xi32, #tpu.memory_space<vmem>>
          %dma_wait3A_292 = arith.constant 0 : i32
          %dma_wait3A_293 = arith.constant 0 : i32
          %dma_wait3A_294 = tpu.memref_slice %arg7[%dma_wait3A_292, %dma_wait3A_293] : memref<12520x128xf32, #tpu.memory_space<vmem_shared>> -> memref<12520x128xf32, #tpu.memory_space<vmem_shared>>
          tpu.wait_indirect_dma semaphore(%run_scoped3A_284 : memref<!tpu.dma_semaphore, #tpu.memory_space<semaphore_mem>>) src(%arg11 : memref<128x128xf32, #tpu.memory_space<vmem>>) dst(%dma_wait3A_294 : memref<12520x128xf32, #tpu.memory_space<vmem_shared>>)
          tpu.yield
        }) : () -> ()
        %scan3A_158 = arith.constant 0 : i32
        %scan3A_159 = arith.constant 0 : i32
        %scan3A_160 = arith.constant 8 : i32
        %scan3A_161 = arith.addi %scan3A_159, %scan3A_160 : i32
        %scan3A_162 = arith.constant 1 : i32
        %scan3A_163 = scf.for %scan3A_284 = %scan3A_159 to %scan3A_161 step %scan3A_162 iter_args(%scan3A_285 = %scan3A_158) -> (i32)  : i32 {
          %mul3A_286 = arith.constant 16 : i32
          %mul3A_287 = arith.muli %scan3A_284, %mul3A_286 : i32
          %get3A = arith.constant 2 : i32
          %get3A_288 = arith.index_cast %get3A : i32 to index
          %get3A_289 = arith.index_cast %mul3A_287 : i32 to index
          %get3A_290 = tpu.vector_load %arg9[%get3A_288, %get3A_289] {strides = array<i32>} : memref<16x128xi32, #tpu.memory_space<vmem>>, vector<1x16xi32>,
          %get3A_291 = vector.shape_cast %get3A_290 : vector<1x16xi32> to vector<16xi32>
          %ge3A = vector.broadcast %mul3A_3 : i32 to vector<16xi32>
          %ge3A_292 = arith.cmpi sge, %get3A_291, %ge3A : vector<16xi32>
          %add3A_293 = arith.constant 12512 : i32
          %add3A_294 = arith.addi %mul3A_3, %add3A_293 : i32
          %lt3A_295 = vector.broadcast %add3A_294 : i32 to vector<16xi32>
          %lt3A_296 = arith.cmpi slt, %get3A_291, %lt3A_295 : vector<16xi32>
          %and3A_297 = arith.andi %ge3A_292, %lt3A_296 : vector<16xi1>
          %sub3A = vector.broadcast %mul3A_3 : i32 to vector<16xi32>
          %sub3A_298 = arith.subi %get3A_291, %sub3A : vector<16xi32>
          %jit3A = arith.constant 12512 : i32
          %broadcast_in_dim3A = vector.broadcast %jit3A : i32 to vector<16xi32>
          %select_n3A = arith.select %and3A_297, %sub3A_298, %broadcast_in_dim3A : vector<16xi1>, vector<16xi32>
          %mul3A_299 = arith.constant 16 : i32
          %mul3A_300 = arith.muli %scan3A_284, %mul3A_299 : i32
          %swap3A = arith.constant 2 : i32
          %swap3A_301 = arith.index_cast %swap3A : i32 to index
          %swap3A_302 = arith.index_cast %mul3A_300 : i32 to index
          %swap3A_303 = tpu.vector_load %arg10[%swap3A_301, %swap3A_302] {strides = array<i32>} : memref<16x128xi32, #tpu.memory_space<vmem>>, vector<1x16xi32>,
          %swap3A_304 = vector.shape_cast %swap3A_303 : vector<1x16xi32> to vector<16xi32>
          %swap3A_305 = vector.shape_cast %select_n3A : vector<16xi32> to vector<1x16xi32>
          tpu.vector_store %arg10[%swap3A_301, %swap3A_302], %swap3A_305 {strides = array<i32>} : memref<16x128xi32, #tpu.memory_space<vmem>>, vector<1x16xi32>,
          %scan3A_306 = arith.constant 0 : i32
          scf.yield %scan3A_306 : i32
        }
        %scan3A_164 = arith.constant 8 : i32
        %run_scoped3A_165 = arith.constant 2 : i32
        "tpu.region"() ({
          %run_scoped3A_284 = tpu.sem_alloc : memref<!tpu.dma_semaphore, #tpu.memory_space<semaphore_mem>>
          %dma_start3A = arith.constant 0 : i32
          %dma_start3A_285 = tpu.memref_slice %arg8[%run_scoped3A_165, %dma_start3A] : memref<16x128xi32, #tpu.memory_space<vmem>> -> memref<1x128xi32, #tpu.memory_space<vmem>>
          %dma_start3A_286 = tpu.memref_squeeze %dma_start3A_285 : memref<1x128xi32, #tpu.memory_space<vmem>> -> memref<128xi32, #tpu.memory_space<vmem>>
          %dma_start3A_287 = arith.constant 0 : i32
          %dma_start3A_288 = arith.constant 0 : i32
          %dma_start3A_289 = tpu.memref_slice %arg2[%dma_start3A_287, %dma_start3A_288] : memref<1350000x128xf32, #tpu.memory_space<hbm>> -> memref<1350000x128xf32, #tpu.memory_space<hbm>>
          tpu.enqueue_indirect_dma source(%dma_start3A_289 : memref<1350000x128xf32, #tpu.memory_space<hbm>>) target(%arg11 : memref<128x128xf32, #tpu.memory_space<vmem>>) offsets(%dma_start3A_286 : memref<128xi32, #tpu.memory_space<vmem>>) semaphore(%run_scoped3A_284 : memref<!tpu.dma_semaphore, #tpu.memory_space<semaphore_mem>>)
          %dma_wait3A = arith.constant 0 : i32
          %dma_wait3A_290 = tpu.memref_slice %arg8[%run_scoped3A_165, %dma_wait3A] : memref<16x128xi32, #tpu.memory_space<vmem>> -> memref<1x128xi32, #tpu.memory_space<vmem>>
          %dma_wait3A_291 = tpu.memref_squeeze %dma_wait3A_290 : memref<1x128xi32, #tpu.memory_space<vmem>> -> memref<128xi32, #tpu.memory_space<vmem>>
          %dma_wait3A_292 = arith.constant 0 : i32
          %dma_wait3A_293 = arith.constant 0 : i32
          %dma_wait3A_294 = tpu.memref_slice %arg2[%dma_wait3A_292, %dma_wait3A_293] : memref<1350000x128xf32, #tpu.memory_space<hbm>> -> memref<1350000x128xf32, #tpu.memory_space<hbm>>
          tpu.wait_indirect_dma semaphore(%run_scoped3A_284 : memref<!tpu.dma_semaphore, #tpu.memory_space<semaphore_mem>>) src(%dma_wait3A_294 : memref<1350000x128xf32, #tpu.memory_space<hbm>>) dst(%arg11 : memref<128x128xf32, #tpu.memory_space<vmem>>)
          tpu.yield
        }) : () -> ()
        %run_scoped3A_166 = arith.constant 2 : i32
        "tpu.region"() ({
          %run_scoped3A_284 = tpu.sem_alloc : memref<!tpu.dma_semaphore, #tpu.memory_space<semaphore_mem>>
          %dma_start3A = arith.constant 0 : i32
          %dma_start3A_285 = tpu.memref_slice %arg10[%run_scoped3A_166, %dma_start3A] : memref<16x128xi32, #tpu.memory_space<vmem>> -> memref<1x128xi32, #tpu.memory_space<vmem>>
          %dma_start3A_286 = tpu.memref_squeeze %dma_start3A_285 : memref<1x128xi32, #tpu.memory_space<vmem>> -> memref<128xi32, #tpu.memory_space<vmem>>
          %dma_start3A_287 = arith.constant 0 : i32
          %dma_start3A_288 = arith.constant 0 : i32
          %dma_start3A_289 = tpu.memref_slice %arg7[%dma_start3A_287, %dma_start3A_288] : memref<12520x128xf32, #tpu.memory_space<vmem_shared>> -> memref<12520x128xf32, #tpu.memory_space<vmem_shared>>
          tpu.enqueue_indirect_dma source(%arg11 : memref<128x128xf32, #tpu.memory_space<vmem>>) target(%dma_start3A_289 : memref<12520x128xf32, #tpu.memory_space<vmem_shared>>) offsets(%dma_start3A_286 : memref<128xi32, #tpu.memory_space<vmem>>) semaphore(%run_scoped3A_284 : memref<!tpu.dma_semaphore, #tpu.memory_space<semaphore_mem>>) {add = true}
          %dma_wait3A = arith.constant 0 : i32
          %dma_wait3A_290 = tpu.memref_slice %arg10[%run_scoped3A_166, %dma_wait3A] : memref<16x128xi32, #tpu.memory_space<vmem>> -> memref<1x128xi32, #tpu.memory_space<vmem>>
          %dma_wait3A_291 = tpu.memref_squeeze %dma_wait3A_290 : memref<1x128xi32, #tpu.memory_space<vmem>> -> memref<128xi32, #tpu.memory_space<vmem>>
          %dma_wait3A_292 = arith.constant 0 : i32
          %dma_wait3A_293 = arith.constant 0 : i32
          %dma_wait3A_294 = tpu.memref_slice %arg7[%dma_wait3A_292, %dma_wait3A_293] : memref<12520x128xf32, #tpu.memory_space<vmem_shared>> -> memref<12520x128xf32, #tpu.memory_space<vmem_shared>>
          tpu.wait_indirect_dma semaphore(%run_scoped3A_284 : memref<!tpu.dma_semaphore, #tpu.memory_space<semaphore_mem>>) src(%arg11 : memref<128x128xf32, #tpu.memory_space<vmem>>) dst(%dma_wait3A_294 : memref<12520x128xf32, #tpu.memory_space<vmem_shared>>)
          tpu.yield
        }) : () -> ()
        %scan3A_167 = arith.constant 0 : i32
        %scan3A_168 = arith.constant 0 : i32
        %scan3A_169 = arith.constant 8 : i32
        %scan3A_170 = arith.addi %scan3A_168, %scan3A_169 : i32
        %scan3A_171 = arith.constant 1 : i32
        %scan3A_172 = scf.for %scan3A_284 = %scan3A_168 to %scan3A_170 step %scan3A_171 iter_args(%scan3A_285 = %scan3A_167) -> (i32)  : i32 {
          %mul3A_286 = arith.constant 16 : i32
          %mul3A_287 = arith.muli %scan3A_284, %mul3A_286 : i32
          %get3A = arith.constant 3 : i32
          %get3A_288 = arith.index_cast %get3A : i32 to index
          %get3A_289 = arith.index_cast %mul3A_287 : i32 to index
          %get3A_290 = tpu.vector_load %arg9[%get3A_288, %get3A_289] {strides = array<i32>} : memref<16x128xi32, #tpu.memory_space<vmem>>, vector<1x16xi32>,
          %get3A_291 = vector.shape_cast %get3A_290 : vector<1x16xi32> to vector<16xi32>
          %ge3A = vector.broadcast %mul3A_3 : i32 to vector<16xi32>
          %ge3A_292 = arith.cmpi sge, %get3A_291, %ge3A : vector<16xi32>
          %add3A_293 = arith.constant 12512 : i32
          %add3A_294 = arith.addi %mul3A_3, %add3A_293 : i32
          %lt3A_295 = vector.broadcast %add3A_294 : i32 to vector<16xi32>
          %lt3A_296 = arith.cmpi slt, %get3A_291, %lt3A_295 : vector<16xi32>
          %and3A_297 = arith.andi %ge3A_292, %lt3A_296 : vector<16xi1>
          %sub3A = vector.broadcast %mul3A_3 : i32 to vector<16xi32>
          %sub3A_298 = arith.subi %get3A_291, %sub3A : vector<16xi32>
          %jit3A = arith.constant 12512 : i32
          %broadcast_in_dim3A = vector.broadcast %jit3A : i32 to vector<16xi32>
          %select_n3A = arith.select %and3A_297, %sub3A_298, %broadcast_in_dim3A : vector<16xi1>, vector<16xi32>
          %mul3A_299 = arith.constant 16 : i32
          %mul3A_300 = arith.muli %scan3A_284, %mul3A_299 : i32
          %swap3A = arith.constant 3 : i32
          %swap3A_301 = arith.index_cast %swap3A : i32 to index
          %swap3A_302 = arith.index_cast %mul3A_300 : i32 to index
          %swap3A_303 = tpu.vector_load %arg10[%swap3A_301, %swap3A_302] {strides = array<i32>} : memref<16x128xi32, #tpu.memory_space<vmem>>, vector<1x16xi32>,
          %swap3A_304 = vector.shape_cast %swap3A_303 : vector<1x16xi32> to vector<16xi32>
          %swap3A_305 = vector.shape_cast %select_n3A : vector<16xi32> to vector<1x16xi32>
          tpu.vector_store %arg10[%swap3A_301, %swap3A_302], %swap3A_305 {strides = array<i32>} : memref<16x128xi32, #tpu.memory_space<vmem>>, vector<1x16xi32>,
          %scan3A_306 = arith.constant 0 : i32
          scf.yield %scan3A_306 : i32
        }
        %scan3A_173 = arith.constant 8 : i32
        %run_scoped3A_174 = arith.constant 3 : i32
        "tpu.region"() ({
          %run_scoped3A_284 = tpu.sem_alloc : memref<!tpu.dma_semaphore, #tpu.memory_space<semaphore_mem>>
          %dma_start3A = arith.constant 0 : i32
          %dma_start3A_285 = tpu.memref_slice %arg8[%run_scoped3A_174, %dma_start3A] : memref<16x128xi32, #tpu.memory_space<vmem>> -> memref<1x128xi32, #tpu.memory_space<vmem>>
          %dma_start3A_286 = tpu.memref_squeeze %dma_start3A_285 : memref<1x128xi32, #tpu.memory_space<vmem>> -> memref<128xi32, #tpu.memory_space<vmem>>
          %dma_start3A_287 = arith.constant 0 : i32
          %dma_start3A_288 = arith.constant 0 : i32
          %dma_start3A_289 = tpu.memref_slice %arg2[%dma_start3A_287, %dma_start3A_288] : memref<1350000x128xf32, #tpu.memory_space<hbm>> -> memref<1350000x128xf32, #tpu.memory_space<hbm>>
          tpu.enqueue_indirect_dma source(%dma_start3A_289 : memref<1350000x128xf32, #tpu.memory_space<hbm>>) target(%arg11 : memref<128x128xf32, #tpu.memory_space<vmem>>) offsets(%dma_start3A_286 : memref<128xi32, #tpu.memory_space<vmem>>) semaphore(%run_scoped3A_284 : memref<!tpu.dma_semaphore, #tpu.memory_space<semaphore_mem>>)
          %dma_wait3A = arith.constant 0 : i32
          %dma_wait3A_290 = tpu.memref_slice %arg8[%run_scoped3A_174, %dma_wait3A] : memref<16x128xi32, #tpu.memory_space<vmem>> -> memref<1x128xi32, #tpu.memory_space<vmem>>
          %dma_wait3A_291 = tpu.memref_squeeze %dma_wait3A_290 : memref<1x128xi32, #tpu.memory_space<vmem>> -> memref<128xi32, #tpu.memory_space<vmem>>
          %dma_wait3A_292 = arith.constant 0 : i32
          %dma_wait3A_293 = arith.constant 0 : i32
          %dma_wait3A_294 = tpu.memref_slice %arg2[%dma_wait3A_292, %dma_wait3A_293] : memref<1350000x128xf32, #tpu.memory_space<hbm>> -> memref<1350000x128xf32, #tpu.memory_space<hbm>>
          tpu.wait_indirect_dma semaphore(%run_scoped3A_284 : memref<!tpu.dma_semaphore, #tpu.memory_space<semaphore_mem>>) src(%dma_wait3A_294 : memref<1350000x128xf32, #tpu.memory_space<hbm>>) dst(%arg11 : memref<128x128xf32, #tpu.memory_space<vmem>>)
          tpu.yield
        }) : () -> ()
        %run_scoped3A_175 = arith.constant 3 : i32
        "tpu.region"() ({
          %run_scoped3A_284 = tpu.sem_alloc : memref<!tpu.dma_semaphore, #tpu.memory_space<semaphore_mem>>
          %dma_start3A = arith.constant 0 : i32
          %dma_start3A_285 = tpu.memref_slice %arg10[%run_scoped3A_175, %dma_start3A] : memref<16x128xi32, #tpu.memory_space<vmem>> -> memref<1x128xi32, #tpu.memory_space<vmem>>
          %dma_start3A_286 = tpu.memref_squeeze %dma_start3A_285 : memref<1x128xi32, #tpu.memory_space<vmem>> -> memref<128xi32, #tpu.memory_space<vmem>>
          %dma_start3A_287 = arith.constant 0 : i32
          %dma_start3A_288 = arith.constant 0 : i32
          %dma_start3A_289 = tpu.memref_slice %arg7[%dma_start3A_287, %dma_start3A_288] : memref<12520x128xf32, #tpu.memory_space<vmem_shared>> -> memref<12520x128xf32, #tpu.memory_space<vmem_shared>>
          tpu.enqueue_indirect_dma source(%arg11 : memref<128x128xf32, #tpu.memory_space<vmem>>) target(%dma_start3A_289 : memref<12520x128xf32, #tpu.memory_space<vmem_shared>>) offsets(%dma_start3A_286 : memref<128xi32, #tpu.memory_space<vmem>>) semaphore(%run_scoped3A_284 : memref<!tpu.dma_semaphore, #tpu.memory_space<semaphore_mem>>) {add = true}
          %dma_wait3A = arith.constant 0 : i32
          %dma_wait3A_290 = tpu.memref_slice %arg10[%run_scoped3A_175, %dma_wait3A] : memref<16x128xi32, #tpu.memory_space<vmem>> -> memref<1x128xi32, #tpu.memory_space<vmem>>
          %dma_wait3A_291 = tpu.memref_squeeze %dma_wait3A_290 : memref<1x128xi32, #tpu.memory_space<vmem>> -> memref<128xi32, #tpu.memory_space<vmem>>
          %dma_wait3A_292 = arith.constant 0 : i32
          %dma_wait3A_293 = arith.constant 0 : i32
          %dma_wait3A_294 = tpu.memref_slice %arg7[%dma_wait3A_292, %dma_wait3A_293] : memref<12520x128xf32, #tpu.memory_space<vmem_shared>> -> memref<12520x128xf32, #tpu.memory_space<vmem_shared>>
          tpu.wait_indirect_dma semaphore(%run_scoped3A_284 : memref<!tpu.dma_semaphore, #tpu.memory_space<semaphore_mem>>) src(%arg11 : memref<128x128xf32, #tpu.memory_space<vmem>>) dst(%dma_wait3A_294 : memref<12520x128xf32, #tpu.memory_space<vmem_shared>>)
          tpu.yield
        }) : () -> ()
        %scan3A_176 = arith.constant 0 : i32
        %scan3A_177 = arith.constant 0 : i32
        %scan3A_178 = arith.constant 8 : i32
        %scan3A_179 = arith.addi %scan3A_177, %scan3A_178 : i32
        %scan3A_180 = arith.constant 1 : i32
        %scan3A_181 = scf.for %scan3A_284 = %scan3A_177 to %scan3A_179 step %scan3A_180 iter_args(%scan3A_285 = %scan3A_176) -> (i32)  : i32 {
          %mul3A_286 = arith.constant 16 : i32
          %mul3A_287 = arith.muli %scan3A_284, %mul3A_286 : i32
          %get3A = arith.constant 4 : i32
          %get3A_288 = arith.index_cast %get3A : i32 to index
          %get3A_289 = arith.index_cast %mul3A_287 : i32 to index
          %get3A_290 = tpu.vector_load %arg9[%get3A_288, %get3A_289] {strides = array<i32>} : memref<16x128xi32, #tpu.memory_space<vmem>>, vector<1x16xi32>,
          %get3A_291 = vector.shape_cast %get3A_290 : vector<1x16xi32> to vector<16xi32>
          %ge3A = vector.broadcast %mul3A_3 : i32 to vector<16xi32>
          %ge3A_292 = arith.cmpi sge, %get3A_291, %ge3A : vector<16xi32>
          %add3A_293 = arith.constant 12512 : i32
          %add3A_294 = arith.addi %mul3A_3, %add3A_293 : i32
          %lt3A_295 = vector.broadcast %add3A_294 : i32 to vector<16xi32>
          %lt3A_296 = arith.cmpi slt, %get3A_291, %lt3A_295 : vector<16xi32>
          %and3A_297 = arith.andi %ge3A_292, %lt3A_296 : vector<16xi1>
          %sub3A = vector.broadcast %mul3A_3 : i32 to vector<16xi32>
          %sub3A_298 = arith.subi %get3A_291, %sub3A : vector<16xi32>
          %jit3A = arith.constant 12512 : i32
          %broadcast_in_dim3A = vector.broadcast %jit3A : i32 to vector<16xi32>
          %select_n3A = arith.select %and3A_297, %sub3A_298, %broadcast_in_dim3A : vector<16xi1>, vector<16xi32>
          %mul3A_299 = arith.constant 16 : i32
          %mul3A_300 = arith.muli %scan3A_284, %mul3A_299 : i32
          %swap3A = arith.constant 4 : i32
          %swap3A_301 = arith.index_cast %swap3A : i32 to index
          %swap3A_302 = arith.index_cast %mul3A_300 : i32 to index
          %swap3A_303 = tpu.vector_load %arg10[%swap3A_301, %swap3A_302] {strides = array<i32>} : memref<16x128xi32, #tpu.memory_space<vmem>>, vector<1x16xi32>,
          %swap3A_304 = vector.shape_cast %swap3A_303 : vector<1x16xi32> to vector<16xi32>
          %swap3A_305 = vector.shape_cast %select_n3A : vector<16xi32> to vector<1x16xi32>
          tpu.vector_store %arg10[%swap3A_301, %swap3A_302], %swap3A_305 {strides = array<i32>} : memref<16x128xi32, #tpu.memory_space<vmem>>, vector<1x16xi32>,
          %scan3A_306 = arith.constant 0 : i32
          scf.yield %scan3A_306 : i32
        }
        %scan3A_182 = arith.constant 8 : i32
        %run_scoped3A_183 = arith.constant 4 : i32
        "tpu.region"() ({
          %run_scoped3A_284 = tpu.sem_alloc : memref<!tpu.dma_semaphore, #tpu.memory_space<semaphore_mem>>
          %dma_start3A = arith.constant 0 : i32
          %dma_start3A_285 = tpu.memref_slice %arg8[%run_scoped3A_183, %dma_start3A] : memref<16x128xi32, #tpu.memory_space<vmem>> -> memref<1x128xi32, #tpu.memory_space<vmem>>
          %dma_start3A_286 = tpu.memref_squeeze %dma_start3A_285 : memref<1x128xi32, #tpu.memory_space<vmem>> -> memref<128xi32, #tpu.memory_space<vmem>>
          %dma_start3A_287 = arith.constant 0 : i32
          %dma_start3A_288 = arith.constant 0 : i32
          %dma_start3A_289 = tpu.memref_slice %arg2[%dma_start3A_287, %dma_start3A_288] : memref<1350000x128xf32, #tpu.memory_space<hbm>> -> memref<1350000x128xf32, #tpu.memory_space<hbm>>
          tpu.enqueue_indirect_dma source(%dma_start3A_289 : memref<1350000x128xf32, #tpu.memory_space<hbm>>) target(%arg11 : memref<128x128xf32, #tpu.memory_space<vmem>>) offsets(%dma_start3A_286 : memref<128xi32, #tpu.memory_space<vmem>>) semaphore(%run_scoped3A_284 : memref<!tpu.dma_semaphore, #tpu.memory_space<semaphore_mem>>)
          %dma_wait3A = arith.constant 0 : i32
          %dma_wait3A_290 = tpu.memref_slice %arg8[%run_scoped3A_183, %dma_wait3A] : memref<16x128xi32, #tpu.memory_space<vmem>> -> memref<1x128xi32, #tpu.memory_space<vmem>>
          %dma_wait3A_291 = tpu.memref_squeeze %dma_wait3A_290 : memref<1x128xi32, #tpu.memory_space<vmem>> -> memref<128xi32, #tpu.memory_space<vmem>>
          %dma_wait3A_292 = arith.constant 0 : i32
          %dma_wait3A_293 = arith.constant 0 : i32
          %dma_wait3A_294 = tpu.memref_slice %arg2[%dma_wait3A_292, %dma_wait3A_293] : memref<1350000x128xf32, #tpu.memory_space<hbm>> -> memref<1350000x128xf32, #tpu.memory_space<hbm>>
          tpu.wait_indirect_dma semaphore(%run_scoped3A_284 : memref<!tpu.dma_semaphore, #tpu.memory_space<semaphore_mem>>) src(%dma_wait3A_294 : memref<1350000x128xf32, #tpu.memory_space<hbm>>) dst(%arg11 : memref<128x128xf32, #tpu.memory_space<vmem>>)
          tpu.yield
        }) : () -> ()
        %run_scoped3A_184 = arith.constant 4 : i32
        "tpu.region"() ({
          %run_scoped3A_284 = tpu.sem_alloc : memref<!tpu.dma_semaphore, #tpu.memory_space<semaphore_mem>>
          %dma_start3A = arith.constant 0 : i32
          %dma_start3A_285 = tpu.memref_slice %arg10[%run_scoped3A_184, %dma_start3A] : memref<16x128xi32, #tpu.memory_space<vmem>> -> memref<1x128xi32, #tpu.memory_space<vmem>>
          %dma_start3A_286 = tpu.memref_squeeze %dma_start3A_285 : memref<1x128xi32, #tpu.memory_space<vmem>> -> memref<128xi32, #tpu.memory_space<vmem>>
          %dma_start3A_287 = arith.constant 0 : i32
          %dma_start3A_288 = arith.constant 0 : i32
          %dma_start3A_289 = tpu.memref_slice %arg7[%dma_start3A_287, %dma_start3A_288] : memref<12520x128xf32, #tpu.memory_space<vmem_shared>> -> memref<12520x128xf32, #tpu.memory_space<vmem_shared>>
          tpu.enqueue_indirect_dma source(%arg11 : memref<128x128xf32, #tpu.memory_space<vmem>>) target(%dma_start3A_289 : memref<12520x128xf32, #tpu.memory_space<vmem_shared>>) offsets(%dma_start3A_286 : memref<128xi32, #tpu.memory_space<vmem>>) semaphore(%run_scoped3A_284 : memref<!tpu.dma_semaphore, #tpu.memory_space<semaphore_mem>>) {add = true}
          %dma_wait3A = arith.constant 0 : i32
          %dma_wait3A_290 = tpu.memref_slice %arg10[%run_scoped3A_184, %dma_wait3A] : memref<16x128xi32, #tpu.memory_space<vmem>> -> memref<1x128xi32, #tpu.memory_space<vmem>>
          %dma_wait3A_291 = tpu.memref_squeeze %dma_wait3A_290 : memref<1x128xi32, #tpu.memory_space<vmem>> -> memref<128xi32, #tpu.memory_space<vmem>>
          %dma_wait3A_292 = arith.constant 0 : i32
          %dma_wait3A_293 = arith.constant 0 : i32
          %dma_wait3A_294 = tpu.memref_slice %arg7[%dma_wait3A_292, %dma_wait3A_293] : memref<12520x128xf32, #tpu.memory_space<vmem_shared>> -> memref<12520x128xf32, #tpu.memory_space<vmem_shared>>
          tpu.wait_indirect_dma semaphore(%run_scoped3A_284 : memref<!tpu.dma_semaphore, #tpu.memory_space<semaphore_mem>>) src(%arg11 : memref<128x128xf32, #tpu.memory_space<vmem>>) dst(%dma_wait3A_294 : memref<12520x128xf32, #tpu.memory_space<vmem_shared>>)
          tpu.yield
        }) : () -> ()
        %scan3A_185 = arith.constant 0 : i32
        %scan3A_186 = arith.constant 0 : i32
        %scan3A_187 = arith.constant 8 : i32
        %scan3A_188 = arith.addi %scan3A_186, %scan3A_187 : i32
        %scan3A_189 = arith.constant 1 : i32
        %scan3A_190 = scf.for %scan3A_284 = %scan3A_186 to %scan3A_188 step %scan3A_189 iter_args(%scan3A_285 = %scan3A_185) -> (i32)  : i32 {
          %mul3A_286 = arith.constant 16 : i32
          %mul3A_287 = arith.muli %scan3A_284, %mul3A_286 : i32
          %get3A = arith.constant 5 : i32
          %get3A_288 = arith.index_cast %get3A : i32 to index
          %get3A_289 = arith.index_cast %mul3A_287 : i32 to index
          %get3A_290 = tpu.vector_load %arg9[%get3A_288, %get3A_289] {strides = array<i32>} : memref<16x128xi32, #tpu.memory_space<vmem>>, vector<1x16xi32>,
          %get3A_291 = vector.shape_cast %get3A_290 : vector<1x16xi32> to vector<16xi32>
          %ge3A = vector.broadcast %mul3A_3 : i32 to vector<16xi32>
          %ge3A_292 = arith.cmpi sge, %get3A_291, %ge3A : vector<16xi32>
          %add3A_293 = arith.constant 12512 : i32
          %add3A_294 = arith.addi %mul3A_3, %add3A_293 : i32
          %lt3A_295 = vector.broadcast %add3A_294 : i32 to vector<16xi32>
          %lt3A_296 = arith.cmpi slt, %get3A_291, %lt3A_295 : vector<16xi32>
          %and3A_297 = arith.andi %ge3A_292, %lt3A_296 : vector<16xi1>
          %sub3A = vector.broadcast %mul3A_3 : i32 to vector<16xi32>
          %sub3A_298 = arith.subi %get3A_291, %sub3A : vector<16xi32>
          %jit3A = arith.constant 12512 : i32
          %broadcast_in_dim3A = vector.broadcast %jit3A : i32 to vector<16xi32>
          %select_n3A = arith.select %and3A_297, %sub3A_298, %broadcast_in_dim3A : vector<16xi1>, vector<16xi32>
          %mul3A_299 = arith.constant 16 : i32
          %mul3A_300 = arith.muli %scan3A_284, %mul3A_299 : i32
          %swap3A = arith.constant 5 : i32
          %swap3A_301 = arith.index_cast %swap3A : i32 to index
          %swap3A_302 = arith.index_cast %mul3A_300 : i32 to index
          %swap3A_303 = tpu.vector_load %arg10[%swap3A_301, %swap3A_302] {strides = array<i32>} : memref<16x128xi32, #tpu.memory_space<vmem>>, vector<1x16xi32>,
          %swap3A_304 = vector.shape_cast %swap3A_303 : vector<1x16xi32> to vector<16xi32>
          %swap3A_305 = vector.shape_cast %select_n3A : vector<16xi32> to vector<1x16xi32>
          tpu.vector_store %arg10[%swap3A_301, %swap3A_302], %swap3A_305 {strides = array<i32>} : memref<16x128xi32, #tpu.memory_space<vmem>>, vector<1x16xi32>,
          %scan3A_306 = arith.constant 0 : i32
          scf.yield %scan3A_306 : i32
        }
        %scan3A_191 = arith.constant 8 : i32
        %run_scoped3A_192 = arith.constant 5 : i32
        "tpu.region"() ({
          %run_scoped3A_284 = tpu.sem_alloc : memref<!tpu.dma_semaphore, #tpu.memory_space<semaphore_mem>>
          %dma_start3A = arith.constant 0 : i32
          %dma_start3A_285 = tpu.memref_slice %arg8[%run_scoped3A_192, %dma_start3A] : memref<16x128xi32, #tpu.memory_space<vmem>> -> memref<1x128xi32, #tpu.memory_space<vmem>>
          %dma_start3A_286 = tpu.memref_squeeze %dma_start3A_285 : memref<1x128xi32, #tpu.memory_space<vmem>> -> memref<128xi32, #tpu.memory_space<vmem>>
          %dma_start3A_287 = arith.constant 0 : i32
          %dma_start3A_288 = arith.constant 0 : i32
          %dma_start3A_289 = tpu.memref_slice %arg2[%dma_start3A_287, %dma_start3A_288] : memref<1350000x128xf32, #tpu.memory_space<hbm>> -> memref<1350000x128xf32, #tpu.memory_space<hbm>>
          tpu.enqueue_indirect_dma source(%dma_start3A_289 : memref<1350000x128xf32, #tpu.memory_space<hbm>>) target(%arg11 : memref<128x128xf32, #tpu.memory_space<vmem>>) offsets(%dma_start3A_286 : memref<128xi32, #tpu.memory_space<vmem>>) semaphore(%run_scoped3A_284 : memref<!tpu.dma_semaphore, #tpu.memory_space<semaphore_mem>>)
          %dma_wait3A = arith.constant 0 : i32
          %dma_wait3A_290 = tpu.memref_slice %arg8[%run_scoped3A_192, %dma_wait3A] : memref<16x128xi32, #tpu.memory_space<vmem>> -> memref<1x128xi32, #tpu.memory_space<vmem>>
          %dma_wait3A_291 = tpu.memref_squeeze %dma_wait3A_290 : memref<1x128xi32, #tpu.memory_space<vmem>> -> memref<128xi32, #tpu.memory_space<vmem>>
          %dma_wait3A_292 = arith.constant 0 : i32
          %dma_wait3A_293 = arith.constant 0 : i32
          %dma_wait3A_294 = tpu.memref_slice %arg2[%dma_wait3A_292, %dma_wait3A_293] : memref<1350000x128xf32, #tpu.memory_space<hbm>> -> memref<1350000x128xf32, #tpu.memory_space<hbm>>
          tpu.wait_indirect_dma semaphore(%run_scoped3A_284 : memref<!tpu.dma_semaphore, #tpu.memory_space<semaphore_mem>>) src(%dma_wait3A_294 : memref<1350000x128xf32, #tpu.memory_space<hbm>>) dst(%arg11 : memref<128x128xf32, #tpu.memory_space<vmem>>)
          tpu.yield
        }) : () -> ()
        %run_scoped3A_193 = arith.constant 5 : i32
        "tpu.region"() ({
          %run_scoped3A_284 = tpu.sem_alloc : memref<!tpu.dma_semaphore, #tpu.memory_space<semaphore_mem>>
          %dma_start3A = arith.constant 0 : i32
          %dma_start3A_285 = tpu.memref_slice %arg10[%run_scoped3A_193, %dma_start3A] : memref<16x128xi32, #tpu.memory_space<vmem>> -> memref<1x128xi32, #tpu.memory_space<vmem>>
          %dma_start3A_286 = tpu.memref_squeeze %dma_start3A_285 : memref<1x128xi32, #tpu.memory_space<vmem>> -> memref<128xi32, #tpu.memory_space<vmem>>
          %dma_start3A_287 = arith.constant 0 : i32
          %dma_start3A_288 = arith.constant 0 : i32
          %dma_start3A_289 = tpu.memref_slice %arg7[%dma_start3A_287, %dma_start3A_288] : memref<12520x128xf32, #tpu.memory_space<vmem_shared>> -> memref<12520x128xf32, #tpu.memory_space<vmem_shared>>
          tpu.enqueue_indirect_dma source(%arg11 : memref<128x128xf32, #tpu.memory_space<vmem>>) target(%dma_start3A_289 : memref<12520x128xf32, #tpu.memory_space<vmem_shared>>) offsets(%dma_start3A_286 : memref<128xi32, #tpu.memory_space<vmem>>) semaphore(%run_scoped3A_284 : memref<!tpu.dma_semaphore, #tpu.memory_space<semaphore_mem>>) {add = true}
          %dma_wait3A = arith.constant 0 : i32
          %dma_wait3A_290 = tpu.memref_slice %arg10[%run_scoped3A_193, %dma_wait3A] : memref<16x128xi32, #tpu.memory_space<vmem>> -> memref<1x128xi32, #tpu.memory_space<vmem>>
          %dma_wait3A_291 = tpu.memref_squeeze %dma_wait3A_290 : memref<1x128xi32, #tpu.memory_space<vmem>> -> memref<128xi32, #tpu.memory_space<vmem>>
          %dma_wait3A_292 = arith.constant 0 : i32
          %dma_wait3A_293 = arith.constant 0 : i32
          %dma_wait3A_294 = tpu.memref_slice %arg7[%dma_wait3A_292, %dma_wait3A_293] : memref<12520x128xf32, #tpu.memory_space<vmem_shared>> -> memref<12520x128xf32, #tpu.memory_space<vmem_shared>>
          tpu.wait_indirect_dma semaphore(%run_scoped3A_284 : memref<!tpu.dma_semaphore, #tpu.memory_space<semaphore_mem>>) src(%arg11 : memref<128x128xf32, #tpu.memory_space<vmem>>) dst(%dma_wait3A_294 : memref<12520x128xf32, #tpu.memory_space<vmem_shared>>)
          tpu.yield
        }) : () -> ()
        %scan3A_194 = arith.constant 0 : i32
        %scan3A_195 = arith.constant 0 : i32
        %scan3A_196 = arith.constant 8 : i32
        %scan3A_197 = arith.addi %scan3A_195, %scan3A_196 : i32
        %scan3A_198 = arith.constant 1 : i32
        %scan3A_199 = scf.for %scan3A_284 = %scan3A_195 to %scan3A_197 step %scan3A_198 iter_args(%scan3A_285 = %scan3A_194) -> (i32)  : i32 {
          %mul3A_286 = arith.constant 16 : i32
          %mul3A_287 = arith.muli %scan3A_284, %mul3A_286 : i32
          %get3A = arith.constant 6 : i32
          %get3A_288 = arith.index_cast %get3A : i32 to index
          %get3A_289 = arith.index_cast %mul3A_287 : i32 to index
          %get3A_290 = tpu.vector_load %arg9[%get3A_288, %get3A_289] {strides = array<i32>} : memref<16x128xi32, #tpu.memory_space<vmem>>, vector<1x16xi32>,
          %get3A_291 = vector.shape_cast %get3A_290 : vector<1x16xi32> to vector<16xi32>
          %ge3A = vector.broadcast %mul3A_3 : i32 to vector<16xi32>
          %ge3A_292 = arith.cmpi sge, %get3A_291, %ge3A : vector<16xi32>
          %add3A_293 = arith.constant 12512 : i32
          %add3A_294 = arith.addi %mul3A_3, %add3A_293 : i32
          %lt3A_295 = vector.broadcast %add3A_294 : i32 to vector<16xi32>
          %lt3A_296 = arith.cmpi slt, %get3A_291, %lt3A_295 : vector<16xi32>
          %and3A_297 = arith.andi %ge3A_292, %lt3A_296 : vector<16xi1>
          %sub3A = vector.broadcast %mul3A_3 : i32 to vector<16xi32>
          %sub3A_298 = arith.subi %get3A_291, %sub3A : vector<16xi32>
          %jit3A = arith.constant 12512 : i32
          %broadcast_in_dim3A = vector.broadcast %jit3A : i32 to vector<16xi32>
          %select_n3A = arith.select %and3A_297, %sub3A_298, %broadcast_in_dim3A : vector<16xi1>, vector<16xi32>
          %mul3A_299 = arith.constant 16 : i32
          %mul3A_300 = arith.muli %scan3A_284, %mul3A_299 : i32
          %swap3A = arith.constant 6 : i32
          %swap3A_301 = arith.index_cast %swap3A : i32 to index
          %swap3A_302 = arith.index_cast %mul3A_300 : i32 to index
          %swap3A_303 = tpu.vector_load %arg10[%swap3A_301, %swap3A_302] {strides = array<i32>} : memref<16x128xi32, #tpu.memory_space<vmem>>, vector<1x16xi32>,
          %swap3A_304 = vector.shape_cast %swap3A_303 : vector<1x16xi32> to vector<16xi32>
          %swap3A_305 = vector.shape_cast %select_n3A : vector<16xi32> to vector<1x16xi32>
          tpu.vector_store %arg10[%swap3A_301, %swap3A_302], %swap3A_305 {strides = array<i32>} : memref<16x128xi32, #tpu.memory_space<vmem>>, vector<1x16xi32>,
          %scan3A_306 = arith.constant 0 : i32
          scf.yield %scan3A_306 : i32
        }
        %scan3A_200 = arith.constant 8 : i32
        %run_scoped3A_201 = arith.constant 6 : i32
        "tpu.region"() ({
          %run_scoped3A_284 = tpu.sem_alloc : memref<!tpu.dma_semaphore, #tpu.memory_space<semaphore_mem>>
          %dma_start3A = arith.constant 0 : i32
          %dma_start3A_285 = tpu.memref_slice %arg8[%run_scoped3A_201, %dma_start3A] : memref<16x128xi32, #tpu.memory_space<vmem>> -> memref<1x128xi32, #tpu.memory_space<vmem>>
          %dma_start3A_286 = tpu.memref_squeeze %dma_start3A_285 : memref<1x128xi32, #tpu.memory_space<vmem>> -> memref<128xi32, #tpu.memory_space<vmem>>
          %dma_start3A_287 = arith.constant 0 : i32
          %dma_start3A_288 = arith.constant 0 : i32
          %dma_start3A_289 = tpu.memref_slice %arg2[%dma_start3A_287, %dma_start3A_288] : memref<1350000x128xf32, #tpu.memory_space<hbm>> -> memref<1350000x128xf32, #tpu.memory_space<hbm>>
          tpu.enqueue_indirect_dma source(%dma_start3A_289 : memref<1350000x128xf32, #tpu.memory_space<hbm>>) target(%arg11 : memref<128x128xf32, #tpu.memory_space<vmem>>) offsets(%dma_start3A_286 : memref<128xi32, #tpu.memory_space<vmem>>) semaphore(%run_scoped3A_284 : memref<!tpu.dma_semaphore, #tpu.memory_space<semaphore_mem>>)
          %dma_wait3A = arith.constant 0 : i32
          %dma_wait3A_290 = tpu.memref_slice %arg8[%run_scoped3A_201, %dma_wait3A] : memref<16x128xi32, #tpu.memory_space<vmem>> -> memref<1x128xi32, #tpu.memory_space<vmem>>
          %dma_wait3A_291 = tpu.memref_squeeze %dma_wait3A_290 : memref<1x128xi32, #tpu.memory_space<vmem>> -> memref<128xi32, #tpu.memory_space<vmem>>
          %dma_wait3A_292 = arith.constant 0 : i32
          %dma_wait3A_293 = arith.constant 0 : i32
          %dma_wait3A_294 = tpu.memref_slice %arg2[%dma_wait3A_292, %dma_wait3A_293] : memref<1350000x128xf32, #tpu.memory_space<hbm>> -> memref<1350000x128xf32, #tpu.memory_space<hbm>>
          tpu.wait_indirect_dma semaphore(%run_scoped3A_284 : memref<!tpu.dma_semaphore, #tpu.memory_space<semaphore_mem>>) src(%dma_wait3A_294 : memref<1350000x128xf32, #tpu.memory_space<hbm>>) dst(%arg11 : memref<128x128xf32, #tpu.memory_space<vmem>>)
          tpu.yield
        }) : () -> ()
        %run_scoped3A_202 = arith.constant 6 : i32
        "tpu.region"() ({
          %run_scoped3A_284 = tpu.sem_alloc : memref<!tpu.dma_semaphore, #tpu.memory_space<semaphore_mem>>
          %dma_start3A = arith.constant 0 : i32
          %dma_start3A_285 = tpu.memref_slice %arg10[%run_scoped3A_202, %dma_start3A] : memref<16x128xi32, #tpu.memory_space<vmem>> -> memref<1x128xi32, #tpu.memory_space<vmem>>
          %dma_start3A_286 = tpu.memref_squeeze %dma_start3A_285 : memref<1x128xi32, #tpu.memory_space<vmem>> -> memref<128xi32, #tpu.memory_space<vmem>>
          %dma_start3A_287 = arith.constant 0 : i32
          %dma_start3A_288 = arith.constant 0 : i32
          %dma_start3A_289 = tpu.memref_slice %arg7[%dma_start3A_287, %dma_start3A_288] : memref<12520x128xf32, #tpu.memory_space<vmem_shared>> -> memref<12520x128xf32, #tpu.memory_space<vmem_shared>>
          tpu.enqueue_indirect_dma source(%arg11 : memref<128x128xf32, #tpu.memory_space<vmem>>) target(%dma_start3A_289 : memref<12520x128xf32, #tpu.memory_space<vmem_shared>>) offsets(%dma_start3A_286 : memref<128xi32, #tpu.memory_space<vmem>>) semaphore(%run_scoped3A_284 : memref<!tpu.dma_semaphore, #tpu.memory_space<semaphore_mem>>) {add = true}
          %dma_wait3A = arith.constant 0 : i32
          %dma_wait3A_290 = tpu.memref_slice %arg10[%run_scoped3A_202, %dma_wait3A] : memref<16x128xi32, #tpu.memory_space<vmem>> -> memref<1x128xi32, #tpu.memory_space<vmem>>
          %dma_wait3A_291 = tpu.memref_squeeze %dma_wait3A_290 : memref<1x128xi32, #tpu.memory_space<vmem>> -> memref<128xi32, #tpu.memory_space<vmem>>
          %dma_wait3A_292 = arith.constant 0 : i32
          %dma_wait3A_293 = arith.constant 0 : i32
          %dma_wait3A_294 = tpu.memref_slice %arg7[%dma_wait3A_292, %dma_wait3A_293] : memref<12520x128xf32, #tpu.memory_space<vmem_shared>> -> memref<12520x128xf32, #tpu.memory_space<vmem_shared>>
          tpu.wait_indirect_dma semaphore(%run_scoped3A_284 : memref<!tpu.dma_semaphore, #tpu.memory_space<semaphore_mem>>) src(%arg11 : memref<128x128xf32, #tpu.memory_space<vmem>>) dst(%dma_wait3A_294 : memref<12520x128xf32, #tpu.memory_space<vmem_shared>>)
          tpu.yield
        }) : () -> ()
        %scan3A_203 = arith.constant 0 : i32
        %scan3A_204 = arith.constant 0 : i32
        %scan3A_205 = arith.constant 8 : i32
        %scan3A_206 = arith.addi %scan3A_204, %scan3A_205 : i32
        %scan3A_207 = arith.constant 1 : i32
        %scan3A_208 = scf.for %scan3A_284 = %scan3A_204 to %scan3A_206 step %scan3A_207 iter_args(%scan3A_285 = %scan3A_203) -> (i32)  : i32 {
          %mul3A_286 = arith.constant 16 : i32
          %mul3A_287 = arith.muli %scan3A_284, %mul3A_286 : i32
          %get3A = arith.constant 7 : i32
          %get3A_288 = arith.index_cast %get3A : i32 to index
          %get3A_289 = arith.index_cast %mul3A_287 : i32 to index
          %get3A_290 = tpu.vector_load %arg9[%get3A_288, %get3A_289] {strides = array<i32>} : memref<16x128xi32, #tpu.memory_space<vmem>>, vector<1x16xi32>,
          %get3A_291 = vector.shape_cast %get3A_290 : vector<1x16xi32> to vector<16xi32>
          %ge3A = vector.broadcast %mul3A_3 : i32 to vector<16xi32>
          %ge3A_292 = arith.cmpi sge, %get3A_291, %ge3A : vector<16xi32>
          %add3A_293 = arith.constant 12512 : i32
          %add3A_294 = arith.addi %mul3A_3, %add3A_293 : i32
          %lt3A_295 = vector.broadcast %add3A_294 : i32 to vector<16xi32>
          %lt3A_296 = arith.cmpi slt, %get3A_291, %lt3A_295 : vector<16xi32>
          %and3A_297 = arith.andi %ge3A_292, %lt3A_296 : vector<16xi1>
          %sub3A = vector.broadcast %mul3A_3 : i32 to vector<16xi32>
          %sub3A_298 = arith.subi %get3A_291, %sub3A : vector<16xi32>
          %jit3A = arith.constant 12512 : i32
          %broadcast_in_dim3A = vector.broadcast %jit3A : i32 to vector<16xi32>
          %select_n3A = arith.select %and3A_297, %sub3A_298, %broadcast_in_dim3A : vector<16xi1>, vector<16xi32>
          %mul3A_299 = arith.constant 16 : i32
          %mul3A_300 = arith.muli %scan3A_284, %mul3A_299 : i32
          %swap3A = arith.constant 7 : i32
          %swap3A_301 = arith.index_cast %swap3A : i32 to index
          %swap3A_302 = arith.index_cast %mul3A_300 : i32 to index
          %swap3A_303 = tpu.vector_load %arg10[%swap3A_301, %swap3A_302] {strides = array<i32>} : memref<16x128xi32, #tpu.memory_space<vmem>>, vector<1x16xi32>,
          %swap3A_304 = vector.shape_cast %swap3A_303 : vector<1x16xi32> to vector<16xi32>
          %swap3A_305 = vector.shape_cast %select_n3A : vector<16xi32> to vector<1x16xi32>
          tpu.vector_store %arg10[%swap3A_301, %swap3A_302], %swap3A_305 {strides = array<i32>} : memref<16x128xi32, #tpu.memory_space<vmem>>, vector<1x16xi32>,
          %scan3A_306 = arith.constant 0 : i32
          scf.yield %scan3A_306 : i32
        }
        %scan3A_209 = arith.constant 8 : i32
        %run_scoped3A_210 = arith.constant 7 : i32
        "tpu.region"() ({
          %run_scoped3A_284 = tpu.sem_alloc : memref<!tpu.dma_semaphore, #tpu.memory_space<semaphore_mem>>
          %dma_start3A = arith.constant 0 : i32
          %dma_start3A_285 = tpu.memref_slice %arg8[%run_scoped3A_210, %dma_start3A] : memref<16x128xi32, #tpu.memory_space<vmem>> -> memref<1x128xi32, #tpu.memory_space<vmem>>
          %dma_start3A_286 = tpu.memref_squeeze %dma_start3A_285 : memref<1x128xi32, #tpu.memory_space<vmem>> -> memref<128xi32, #tpu.memory_space<vmem>>
          %dma_start3A_287 = arith.constant 0 : i32
          %dma_start3A_288 = arith.constant 0 : i32
          %dma_start3A_289 = tpu.memref_slice %arg2[%dma_start3A_287, %dma_start3A_288] : memref<1350000x128xf32, #tpu.memory_space<hbm>> -> memref<1350000x128xf32, #tpu.memory_space<hbm>>
          tpu.enqueue_indirect_dma source(%dma_start3A_289 : memref<1350000x128xf32, #tpu.memory_space<hbm>>) target(%arg11 : memref<128x128xf32, #tpu.memory_space<vmem>>) offsets(%dma_start3A_286 : memref<128xi32, #tpu.memory_space<vmem>>) semaphore(%run_scoped3A_284 : memref<!tpu.dma_semaphore, #tpu.memory_space<semaphore_mem>>)
          %dma_wait3A = arith.constant 0 : i32
          %dma_wait3A_290 = tpu.memref_slice %arg8[%run_scoped3A_210, %dma_wait3A] : memref<16x128xi32, #tpu.memory_space<vmem>> -> memref<1x128xi32, #tpu.memory_space<vmem>>
          %dma_wait3A_291 = tpu.memref_squeeze %dma_wait3A_290 : memref<1x128xi32, #tpu.memory_space<vmem>> -> memref<128xi32, #tpu.memory_space<vmem>>
          %dma_wait3A_292 = arith.constant 0 : i32
          %dma_wait3A_293 = arith.constant 0 : i32
          %dma_wait3A_294 = tpu.memref_slice %arg2[%dma_wait3A_292, %dma_wait3A_293] : memref<1350000x128xf32, #tpu.memory_space<hbm>> -> memref<1350000x128xf32, #tpu.memory_space<hbm>>
          tpu.wait_indirect_dma semaphore(%run_scoped3A_284 : memref<!tpu.dma_semaphore, #tpu.memory_space<semaphore_mem>>) src(%dma_wait3A_294 : memref<1350000x128xf32, #tpu.memory_space<hbm>>) dst(%arg11 : memref<128x128xf32, #tpu.memory_space<vmem>>)
          tpu.yield
        }) : () -> ()
        %run_scoped3A_211 = arith.constant 7 : i32
        "tpu.region"() ({
          %run_scoped3A_284 = tpu.sem_alloc : memref<!tpu.dma_semaphore, #tpu.memory_space<semaphore_mem>>
          %dma_start3A = arith.constant 0 : i32
          %dma_start3A_285 = tpu.memref_slice %arg10[%run_scoped3A_211, %dma_start3A] : memref<16x128xi32, #tpu.memory_space<vmem>> -> memref<1x128xi32, #tpu.memory_space<vmem>>
          %dma_start3A_286 = tpu.memref_squeeze %dma_start3A_285 : memref<1x128xi32, #tpu.memory_space<vmem>> -> memref<128xi32, #tpu.memory_space<vmem>>
          %dma_start3A_287 = arith.constant 0 : i32
          %dma_start3A_288 = arith.constant 0 : i32
          %dma_start3A_289 = tpu.memref_slice %arg7[%dma_start3A_287, %dma_start3A_288] : memref<12520x128xf32, #tpu.memory_space<vmem_shared>> -> memref<12520x128xf32, #tpu.memory_space<vmem_shared>>
          tpu.enqueue_indirect_dma source(%arg11 : memref<128x128xf32, #tpu.memory_space<vmem>>) target(%dma_start3A_289 : memref<12520x128xf32, #tpu.memory_space<vmem_shared>>) offsets(%dma_start3A_286 : memref<128xi32, #tpu.memory_space<vmem>>) semaphore(%run_scoped3A_284 : memref<!tpu.dma_semaphore, #tpu.memory_space<semaphore_mem>>) {add = true}
          %dma_wait3A = arith.constant 0 : i32
          %dma_wait3A_290 = tpu.memref_slice %arg10[%run_scoped3A_211, %dma_wait3A] : memref<16x128xi32, #tpu.memory_space<vmem>> -> memref<1x128xi32, #tpu.memory_space<vmem>>
          %dma_wait3A_291 = tpu.memref_squeeze %dma_wait3A_290 : memref<1x128xi32, #tpu.memory_space<vmem>> -> memref<128xi32, #tpu.memory_space<vmem>>
          %dma_wait3A_292 = arith.constant 0 : i32
          %dma_wait3A_293 = arith.constant 0 : i32
          %dma_wait3A_294 = tpu.memref_slice %arg7[%dma_wait3A_292, %dma_wait3A_293] : memref<12520x128xf32, #tpu.memory_space<vmem_shared>> -> memref<12520x128xf32, #tpu.memory_space<vmem_shared>>
          tpu.wait_indirect_dma semaphore(%run_scoped3A_284 : memref<!tpu.dma_semaphore, #tpu.memory_space<semaphore_mem>>) src(%arg11 : memref<128x128xf32, #tpu.memory_space<vmem>>) dst(%dma_wait3A_294 : memref<12520x128xf32, #tpu.memory_space<vmem_shared>>)
          tpu.yield
        }) : () -> ()
        %scan3A_212 = arith.constant 0 : i32
        %scan3A_213 = arith.constant 0 : i32
        %scan3A_214 = arith.constant 8 : i32
        %scan3A_215 = arith.addi %scan3A_213, %scan3A_214 : i32
        %scan3A_216 = arith.constant 1 : i32
        %scan3A_217 = scf.for %scan3A_284 = %scan3A_213 to %scan3A_215 step %scan3A_216 iter_args(%scan3A_285 = %scan3A_212) -> (i32)  : i32 {
          %mul3A_286 = arith.constant 16 : i32
          %mul3A_287 = arith.muli %scan3A_284, %mul3A_286 : i32
          %get3A = arith.constant 8 : i32
          %get3A_288 = arith.index_cast %get3A : i32 to index
          %get3A_289 = arith.index_cast %mul3A_287 : i32 to index
          %get3A_290 = tpu.vector_load %arg9[%get3A_288, %get3A_289] {strides = array<i32>} : memref<16x128xi32, #tpu.memory_space<vmem>>, vector<1x16xi32>,
          %get3A_291 = vector.shape_cast %get3A_290 : vector<1x16xi32> to vector<16xi32>
          %ge3A = vector.broadcast %mul3A_3 : i32 to vector<16xi32>
          %ge3A_292 = arith.cmpi sge, %get3A_291, %ge3A : vector<16xi32>
          %add3A_293 = arith.constant 12512 : i32
          %add3A_294 = arith.addi %mul3A_3, %add3A_293 : i32
          %lt3A_295 = vector.broadcast %add3A_294 : i32 to vector<16xi32>
          %lt3A_296 = arith.cmpi slt, %get3A_291, %lt3A_295 : vector<16xi32>
          %and3A_297 = arith.andi %ge3A_292, %lt3A_296 : vector<16xi1>
          %sub3A = vector.broadcast %mul3A_3 : i32 to vector<16xi32>
          %sub3A_298 = arith.subi %get3A_291, %sub3A : vector<16xi32>
          %jit3A = arith.constant 12512 : i32
          %broadcast_in_dim3A = vector.broadcast %jit3A : i32 to vector<16xi32>
          %select_n3A = arith.select %and3A_297, %sub3A_298, %broadcast_in_dim3A : vector<16xi1>, vector<16xi32>
          %mul3A_299 = arith.constant 16 : i32
          %mul3A_300 = arith.muli %scan3A_284, %mul3A_299 : i32
          %swap3A = arith.constant 8 : i32
          %swap3A_301 = arith.index_cast %swap3A : i32 to index
          %swap3A_302 = arith.index_cast %mul3A_300 : i32 to index
          %swap3A_303 = tpu.vector_load %arg10[%swap3A_301, %swap3A_302] {strides = array<i32>} : memref<16x128xi32, #tpu.memory_space<vmem>>, vector<1x16xi32>,
          %swap3A_304 = vector.shape_cast %swap3A_303 : vector<1x16xi32> to vector<16xi32>
          %swap3A_305 = vector.shape_cast %select_n3A : vector<16xi32> to vector<1x16xi32>
          tpu.vector_store %arg10[%swap3A_301, %swap3A_302], %swap3A_305 {strides = array<i32>} : memref<16x128xi32, #tpu.memory_space<vmem>>, vector<1x16xi32>,
          %scan3A_306 = arith.constant 0 : i32
          scf.yield %scan3A_306 : i32
        }
        %scan3A_218 = arith.constant 8 : i32
        %run_scoped3A_219 = arith.constant 8 : i32
        "tpu.region"() ({
          %run_scoped3A_284 = tpu.sem_alloc : memref<!tpu.dma_semaphore, #tpu.memory_space<semaphore_mem>>
          %dma_start3A = arith.constant 0 : i32
          %dma_start3A_285 = tpu.memref_slice %arg8[%run_scoped3A_219, %dma_start3A] : memref<16x128xi32, #tpu.memory_space<vmem>> -> memref<1x128xi32, #tpu.memory_space<vmem>>
          %dma_start3A_286 = tpu.memref_squeeze %dma_start3A_285 : memref<1x128xi32, #tpu.memory_space<vmem>> -> memref<128xi32, #tpu.memory_space<vmem>>
          %dma_start3A_287 = arith.constant 0 : i32
          %dma_start3A_288 = arith.constant 0 : i32
          %dma_start3A_289 = tpu.memref_slice %arg2[%dma_start3A_287, %dma_start3A_288] : memref<1350000x128xf32, #tpu.memory_space<hbm>> -> memref<1350000x128xf32, #tpu.memory_space<hbm>>
          tpu.enqueue_indirect_dma source(%dma_start3A_289 : memref<1350000x128xf32, #tpu.memory_space<hbm>>) target(%arg11 : memref<128x128xf32, #tpu.memory_space<vmem>>) offsets(%dma_start3A_286 : memref<128xi32, #tpu.memory_space<vmem>>) semaphore(%run_scoped3A_284 : memref<!tpu.dma_semaphore, #tpu.memory_space<semaphore_mem>>)
          %dma_wait3A = arith.constant 0 : i32
          %dma_wait3A_290 = tpu.memref_slice %arg8[%run_scoped3A_219, %dma_wait3A] : memref<16x128xi32, #tpu.memory_space<vmem>> -> memref<1x128xi32, #tpu.memory_space<vmem>>
          %dma_wait3A_291 = tpu.memref_squeeze %dma_wait3A_290 : memref<1x128xi32, #tpu.memory_space<vmem>> -> memref<128xi32, #tpu.memory_space<vmem>>
          %dma_wait3A_292 = arith.constant 0 : i32
          %dma_wait3A_293 = arith.constant 0 : i32
          %dma_wait3A_294 = tpu.memref_slice %arg2[%dma_wait3A_292, %dma_wait3A_293] : memref<1350000x128xf32, #tpu.memory_space<hbm>> -> memref<1350000x128xf32, #tpu.memory_space<hbm>>
          tpu.wait_indirect_dma semaphore(%run_scoped3A_284 : memref<!tpu.dma_semaphore, #tpu.memory_space<semaphore_mem>>) src(%dma_wait3A_294 : memref<1350000x128xf32, #tpu.memory_space<hbm>>) dst(%arg11 : memref<128x128xf32, #tpu.memory_space<vmem>>)
          tpu.yield
        }) : () -> ()
        %run_scoped3A_220 = arith.constant 8 : i32
        "tpu.region"() ({
          %run_scoped3A_284 = tpu.sem_alloc : memref<!tpu.dma_semaphore, #tpu.memory_space<semaphore_mem>>
          %dma_start3A = arith.constant 0 : i32
          %dma_start3A_285 = tpu.memref_slice %arg10[%run_scoped3A_220, %dma_start3A] : memref<16x128xi32, #tpu.memory_space<vmem>> -> memref<1x128xi32, #tpu.memory_space<vmem>>
          %dma_start3A_286 = tpu.memref_squeeze %dma_start3A_285 : memref<1x128xi32, #tpu.memory_space<vmem>> -> memref<128xi32, #tpu.memory_space<vmem>>
          %dma_start3A_287 = arith.constant 0 : i32
          %dma_start3A_288 = arith.constant 0 : i32
          %dma_start3A_289 = tpu.memref_slice %arg7[%dma_start3A_287, %dma_start3A_288] : memref<12520x128xf32, #tpu.memory_space<vmem_shared>> -> memref<12520x128xf32, #tpu.memory_space<vmem_shared>>
          tpu.enqueue_indirect_dma source(%arg11 : memref<128x128xf32, #tpu.memory_space<vmem>>) target(%dma_start3A_289 : memref<12520x128xf32, #tpu.memory_space<vmem_shared>>) offsets(%dma_start3A_286 : memref<128xi32, #tpu.memory_space<vmem>>) semaphore(%run_scoped3A_284 : memref<!tpu.dma_semaphore, #tpu.memory_space<semaphore_mem>>) {add = true}
          %dma_wait3A = arith.constant 0 : i32
          %dma_wait3A_290 = tpu.memref_slice %arg10[%run_scoped3A_220, %dma_wait3A] : memref<16x128xi32, #tpu.memory_space<vmem>> -> memref<1x128xi32, #tpu.memory_space<vmem>>
          %dma_wait3A_291 = tpu.memref_squeeze %dma_wait3A_290 : memref<1x128xi32, #tpu.memory_space<vmem>> -> memref<128xi32, #tpu.memory_space<vmem>>
          %dma_wait3A_292 = arith.constant 0 : i32
          %dma_wait3A_293 = arith.constant 0 : i32
          %dma_wait3A_294 = tpu.memref_slice %arg7[%dma_wait3A_292, %dma_wait3A_293] : memref<12520x128xf32, #tpu.memory_space<vmem_shared>> -> memref<12520x128xf32, #tpu.memory_space<vmem_shared>>
          tpu.wait_indirect_dma semaphore(%run_scoped3A_284 : memref<!tpu.dma_semaphore, #tpu.memory_space<semaphore_mem>>) src(%arg11 : memref<128x128xf32, #tpu.memory_space<vmem>>) dst(%dma_wait3A_294 : memref<12520x128xf32, #tpu.memory_space<vmem_shared>>)
          tpu.yield
        }) : () -> ()
        %scan3A_221 = arith.constant 0 : i32
        %scan3A_222 = arith.constant 0 : i32
        %scan3A_223 = arith.constant 8 : i32
        %scan3A_224 = arith.addi %scan3A_222, %scan3A_223 : i32
        %scan3A_225 = arith.constant 1 : i32
        %scan3A_226 = scf.for %scan3A_284 = %scan3A_222 to %scan3A_224 step %scan3A_225 iter_args(%scan3A_285 = %scan3A_221) -> (i32)  : i32 {
          %mul3A_286 = arith.constant 16 : i32
          %mul3A_287 = arith.muli %scan3A_284, %mul3A_286 : i32
          %get3A = arith.constant 9 : i32
          %get3A_288 = arith.index_cast %get3A : i32 to index
          %get3A_289 = arith.index_cast %mul3A_287 : i32 to index
          %get3A_290 = tpu.vector_load %arg9[%get3A_288, %get3A_289] {strides = array<i32>} : memref<16x128xi32, #tpu.memory_space<vmem>>, vector<1x16xi32>,
          %get3A_291 = vector.shape_cast %get3A_290 : vector<1x16xi32> to vector<16xi32>
          %ge3A = vector.broadcast %mul3A_3 : i32 to vector<16xi32>
          %ge3A_292 = arith.cmpi sge, %get3A_291, %ge3A : vector<16xi32>
          %add3A_293 = arith.constant 12512 : i32
          %add3A_294 = arith.addi %mul3A_3, %add3A_293 : i32
          %lt3A_295 = vector.broadcast %add3A_294 : i32 to vector<16xi32>
          %lt3A_296 = arith.cmpi slt, %get3A_291, %lt3A_295 : vector<16xi32>
          %and3A_297 = arith.andi %ge3A_292, %lt3A_296 : vector<16xi1>
          %sub3A = vector.broadcast %mul3A_3 : i32 to vector<16xi32>
          %sub3A_298 = arith.subi %get3A_291, %sub3A : vector<16xi32>
          %jit3A = arith.constant 12512 : i32
          %broadcast_in_dim3A = vector.broadcast %jit3A : i32 to vector<16xi32>
          %select_n3A = arith.select %and3A_297, %sub3A_298, %broadcast_in_dim3A : vector<16xi1>, vector<16xi32>
          %mul3A_299 = arith.constant 16 : i32
          %mul3A_300 = arith.muli %scan3A_284, %mul3A_299 : i32
          %swap3A = arith.constant 9 : i32
          %swap3A_301 = arith.index_cast %swap3A : i32 to index
          %swap3A_302 = arith.index_cast %mul3A_300 : i32 to index
          %swap3A_303 = tpu.vector_load %arg10[%swap3A_301, %swap3A_302] {strides = array<i32>} : memref<16x128xi32, #tpu.memory_space<vmem>>, vector<1x16xi32>,
          %swap3A_304 = vector.shape_cast %swap3A_303 : vector<1x16xi32> to vector<16xi32>
          %swap3A_305 = vector.shape_cast %select_n3A : vector<16xi32> to vector<1x16xi32>
          tpu.vector_store %arg10[%swap3A_301, %swap3A_302], %swap3A_305 {strides = array<i32>} : memref<16x128xi32, #tpu.memory_space<vmem>>, vector<1x16xi32>,
          %scan3A_306 = arith.constant 0 : i32
          scf.yield %scan3A_306 : i32
        }
        %scan3A_227 = arith.constant 8 : i32
        %run_scoped3A_228 = arith.constant 9 : i32
        "tpu.region"() ({
          %run_scoped3A_284 = tpu.sem_alloc : memref<!tpu.dma_semaphore, #tpu.memory_space<semaphore_mem>>
          %dma_start3A = arith.constant 0 : i32
          %dma_start3A_285 = tpu.memref_slice %arg8[%run_scoped3A_228, %dma_start3A] : memref<16x128xi32, #tpu.memory_space<vmem>> -> memref<1x128xi32, #tpu.memory_space<vmem>>
          %dma_start3A_286 = tpu.memref_squeeze %dma_start3A_285 : memref<1x128xi32, #tpu.memory_space<vmem>> -> memref<128xi32, #tpu.memory_space<vmem>>
          %dma_start3A_287 = arith.constant 0 : i32
          %dma_start3A_288 = arith.constant 0 : i32
          %dma_start3A_289 = tpu.memref_slice %arg2[%dma_start3A_287, %dma_start3A_288] : memref<1350000x128xf32, #tpu.memory_space<hbm>> -> memref<1350000x128xf32, #tpu.memory_space<hbm>>
          tpu.enqueue_indirect_dma source(%dma_start3A_289 : memref<1350000x128xf32, #tpu.memory_space<hbm>>) target(%arg11 : memref<128x128xf32, #tpu.memory_space<vmem>>) offsets(%dma_start3A_286 : memref<128xi32, #tpu.memory_space<vmem>>) semaphore(%run_scoped3A_284 : memref<!tpu.dma_semaphore, #tpu.memory_space<semaphore_mem>>)
          %dma_wait3A = arith.constant 0 : i32
          %dma_wait3A_290 = tpu.memref_slice %arg8[%run_scoped3A_228, %dma_wait3A] : memref<16x128xi32, #tpu.memory_space<vmem>> -> memref<1x128xi32, #tpu.memory_space<vmem>>
          %dma_wait3A_291 = tpu.memref_squeeze %dma_wait3A_290 : memref<1x128xi32, #tpu.memory_space<vmem>> -> memref<128xi32, #tpu.memory_space<vmem>>
          %dma_wait3A_292 = arith.constant 0 : i32
          %dma_wait3A_293 = arith.constant 0 : i32
          %dma_wait3A_294 = tpu.memref_slice %arg2[%dma_wait3A_292, %dma_wait3A_293] : memref<1350000x128xf32, #tpu.memory_space<hbm>> -> memref<1350000x128xf32, #tpu.memory_space<hbm>>
          tpu.wait_indirect_dma semaphore(%run_scoped3A_284 : memref<!tpu.dma_semaphore, #tpu.memory_space<semaphore_mem>>) src(%dma_wait3A_294 : memref<1350000x128xf32, #tpu.memory_space<hbm>>) dst(%arg11 : memref<128x128xf32, #tpu.memory_space<vmem>>)
          tpu.yield
        }) : () -> ()
        %run_scoped3A_229 = arith.constant 9 : i32
        "tpu.region"() ({
          %run_scoped3A_284 = tpu.sem_alloc : memref<!tpu.dma_semaphore, #tpu.memory_space<semaphore_mem>>
          %dma_start3A = arith.constant 0 : i32
          %dma_start3A_285 = tpu.memref_slice %arg10[%run_scoped3A_229, %dma_start3A] : memref<16x128xi32, #tpu.memory_space<vmem>> -> memref<1x128xi32, #tpu.memory_space<vmem>>
          %dma_start3A_286 = tpu.memref_squeeze %dma_start3A_285 : memref<1x128xi32, #tpu.memory_space<vmem>> -> memref<128xi32, #tpu.memory_space<vmem>>
          %dma_start3A_287 = arith.constant 0 : i32
          %dma_start3A_288 = arith.constant 0 : i32
          %dma_start3A_289 = tpu.memref_slice %arg7[%dma_start3A_287, %dma_start3A_288] : memref<12520x128xf32, #tpu.memory_space<vmem_shared>> -> memref<12520x128xf32, #tpu.memory_space<vmem_shared>>
          tpu.enqueue_indirect_dma source(%arg11 : memref<128x128xf32, #tpu.memory_space<vmem>>) target(%dma_start3A_289 : memref<12520x128xf32, #tpu.memory_space<vmem_shared>>) offsets(%dma_start3A_286 : memref<128xi32, #tpu.memory_space<vmem>>) semaphore(%run_scoped3A_284 : memref<!tpu.dma_semaphore, #tpu.memory_space<semaphore_mem>>) {add = true}
          %dma_wait3A = arith.constant 0 : i32
          %dma_wait3A_290 = tpu.memref_slice %arg10[%run_scoped3A_229, %dma_wait3A] : memref<16x128xi32, #tpu.memory_space<vmem>> -> memref<1x128xi32, #tpu.memory_space<vmem>>
          %dma_wait3A_291 = tpu.memref_squeeze %dma_wait3A_290 : memref<1x128xi32, #tpu.memory_space<vmem>> -> memref<128xi32, #tpu.memory_space<vmem>>
          %dma_wait3A_292 = arith.constant 0 : i32
          %dma_wait3A_293 = arith.constant 0 : i32
          %dma_wait3A_294 = tpu.memref_slice %arg7[%dma_wait3A_292, %dma_wait3A_293] : memref<12520x128xf32, #tpu.memory_space<vmem_shared>> -> memref<12520x128xf32, #tpu.memory_space<vmem_shared>>
          tpu.wait_indirect_dma semaphore(%run_scoped3A_284 : memref<!tpu.dma_semaphore, #tpu.memory_space<semaphore_mem>>) src(%arg11 : memref<128x128xf32, #tpu.memory_space<vmem>>) dst(%dma_wait3A_294 : memref<12520x128xf32, #tpu.memory_space<vmem_shared>>)
          tpu.yield
        }) : () -> ()
        %scan3A_230 = arith.constant 0 : i32
        %scan3A_231 = arith.constant 0 : i32
        %scan3A_232 = arith.constant 8 : i32
        %scan3A_233 = arith.addi %scan3A_231, %scan3A_232 : i32
        %scan3A_234 = arith.constant 1 : i32
        %scan3A_235 = scf.for %scan3A_284 = %scan3A_231 to %scan3A_233 step %scan3A_234 iter_args(%scan3A_285 = %scan3A_230) -> (i32)  : i32 {
          %mul3A_286 = arith.constant 16 : i32
          %mul3A_287 = arith.muli %scan3A_284, %mul3A_286 : i32
          %get3A = arith.constant 10 : i32
          %get3A_288 = arith.index_cast %get3A : i32 to index
          %get3A_289 = arith.index_cast %mul3A_287 : i32 to index
          %get3A_290 = tpu.vector_load %arg9[%get3A_288, %get3A_289] {strides = array<i32>} : memref<16x128xi32, #tpu.memory_space<vmem>>, vector<1x16xi32>,
          %get3A_291 = vector.shape_cast %get3A_290 : vector<1x16xi32> to vector<16xi32>
          %ge3A = vector.broadcast %mul3A_3 : i32 to vector<16xi32>
          %ge3A_292 = arith.cmpi sge, %get3A_291, %ge3A : vector<16xi32>
          %add3A_293 = arith.constant 12512 : i32
          %add3A_294 = arith.addi %mul3A_3, %add3A_293 : i32
          %lt3A_295 = vector.broadcast %add3A_294 : i32 to vector<16xi32>
          %lt3A_296 = arith.cmpi slt, %get3A_291, %lt3A_295 : vector<16xi32>
          %and3A_297 = arith.andi %ge3A_292, %lt3A_296 : vector<16xi1>
          %sub3A = vector.broadcast %mul3A_3 : i32 to vector<16xi32>
          %sub3A_298 = arith.subi %get3A_291, %sub3A : vector<16xi32>
          %jit3A = arith.constant 12512 : i32
          %broadcast_in_dim3A = vector.broadcast %jit3A : i32 to vector<16xi32>
          %select_n3A = arith.select %and3A_297, %sub3A_298, %broadcast_in_dim3A : vector<16xi1>, vector<16xi32>
          %mul3A_299 = arith.constant 16 : i32
          %mul3A_300 = arith.muli %scan3A_284, %mul3A_299 : i32
          %swap3A = arith.constant 10 : i32
          %swap3A_301 = arith.index_cast %swap3A : i32 to index
          %swap3A_302 = arith.index_cast %mul3A_300 : i32 to index
          %swap3A_303 = tpu.vector_load %arg10[%swap3A_301, %swap3A_302] {strides = array<i32>} : memref<16x128xi32, #tpu.memory_space<vmem>>, vector<1x16xi32>,
          %swap3A_304 = vector.shape_cast %swap3A_303 : vector<1x16xi32> to vector<16xi32>
          %swap3A_305 = vector.shape_cast %select_n3A : vector<16xi32> to vector<1x16xi32>
          tpu.vector_store %arg10[%swap3A_301, %swap3A_302], %swap3A_305 {strides = array<i32>} : memref<16x128xi32, #tpu.memory_space<vmem>>, vector<1x16xi32>,
          %scan3A_306 = arith.constant 0 : i32
          scf.yield %scan3A_306 : i32
        }
        %scan3A_236 = arith.constant 8 : i32
        %run_scoped3A_237 = arith.constant 10 : i32
        "tpu.region"() ({
          %run_scoped3A_284 = tpu.sem_alloc : memref<!tpu.dma_semaphore, #tpu.memory_space<semaphore_mem>>
          %dma_start3A = arith.constant 0 : i32
          %dma_start3A_285 = tpu.memref_slice %arg8[%run_scoped3A_237, %dma_start3A] : memref<16x128xi32, #tpu.memory_space<vmem>> -> memref<1x128xi32, #tpu.memory_space<vmem>>
          %dma_start3A_286 = tpu.memref_squeeze %dma_start3A_285 : memref<1x128xi32, #tpu.memory_space<vmem>> -> memref<128xi32, #tpu.memory_space<vmem>>
          %dma_start3A_287 = arith.constant 0 : i32
          %dma_start3A_288 = arith.constant 0 : i32
          %dma_start3A_289 = tpu.memref_slice %arg2[%dma_start3A_287, %dma_start3A_288] : memref<1350000x128xf32, #tpu.memory_space<hbm>> -> memref<1350000x128xf32, #tpu.memory_space<hbm>>
          tpu.enqueue_indirect_dma source(%dma_start3A_289 : memref<1350000x128xf32, #tpu.memory_space<hbm>>) target(%arg11 : memref<128x128xf32, #tpu.memory_space<vmem>>) offsets(%dma_start3A_286 : memref<128xi32, #tpu.memory_space<vmem>>) semaphore(%run_scoped3A_284 : memref<!tpu.dma_semaphore, #tpu.memory_space<semaphore_mem>>)
          %dma_wait3A = arith.constant 0 : i32
          %dma_wait3A_290 = tpu.memref_slice %arg8[%run_scoped3A_237, %dma_wait3A] : memref<16x128xi32, #tpu.memory_space<vmem>> -> memref<1x128xi32, #tpu.memory_space<vmem>>
          %dma_wait3A_291 = tpu.memref_squeeze %dma_wait3A_290 : memref<1x128xi32, #tpu.memory_space<vmem>> -> memref<128xi32, #tpu.memory_space<vmem>>
          %dma_wait3A_292 = arith.constant 0 : i32
          %dma_wait3A_293 = arith.constant 0 : i32
          %dma_wait3A_294 = tpu.memref_slice %arg2[%dma_wait3A_292, %dma_wait3A_293] : memref<1350000x128xf32, #tpu.memory_space<hbm>> -> memref<1350000x128xf32, #tpu.memory_space<hbm>>
          tpu.wait_indirect_dma semaphore(%run_scoped3A_284 : memref<!tpu.dma_semaphore, #tpu.memory_space<semaphore_mem>>) src(%dma_wait3A_294 : memref<1350000x128xf32, #tpu.memory_space<hbm>>) dst(%arg11 : memref<128x128xf32, #tpu.memory_space<vmem>>)
          tpu.yield
        }) : () -> ()
        %run_scoped3A_238 = arith.constant 10 : i32
        "tpu.region"() ({
          %run_scoped3A_284 = tpu.sem_alloc : memref<!tpu.dma_semaphore, #tpu.memory_space<semaphore_mem>>
          %dma_start3A = arith.constant 0 : i32
          %dma_start3A_285 = tpu.memref_slice %arg10[%run_scoped3A_238, %dma_start3A] : memref<16x128xi32, #tpu.memory_space<vmem>> -> memref<1x128xi32, #tpu.memory_space<vmem>>
          %dma_start3A_286 = tpu.memref_squeeze %dma_start3A_285 : memref<1x128xi32, #tpu.memory_space<vmem>> -> memref<128xi32, #tpu.memory_space<vmem>>
          %dma_start3A_287 = arith.constant 0 : i32
          %dma_start3A_288 = arith.constant 0 : i32
          %dma_start3A_289 = tpu.memref_slice %arg7[%dma_start3A_287, %dma_start3A_288] : memref<12520x128xf32, #tpu.memory_space<vmem_shared>> -> memref<12520x128xf32, #tpu.memory_space<vmem_shared>>
          tpu.enqueue_indirect_dma source(%arg11 : memref<128x128xf32, #tpu.memory_space<vmem>>) target(%dma_start3A_289 : memref<12520x128xf32, #tpu.memory_space<vmem_shared>>) offsets(%dma_start3A_286 : memref<128xi32, #tpu.memory_space<vmem>>) semaphore(%run_scoped3A_284 : memref<!tpu.dma_semaphore, #tpu.memory_space<semaphore_mem>>) {add = true}
          %dma_wait3A = arith.constant 0 : i32
          %dma_wait3A_290 = tpu.memref_slice %arg10[%run_scoped3A_238, %dma_wait3A] : memref<16x128xi32, #tpu.memory_space<vmem>> -> memref<1x128xi32, #tpu.memory_space<vmem>>
          %dma_wait3A_291 = tpu.memref_squeeze %dma_wait3A_290 : memref<1x128xi32, #tpu.memory_space<vmem>> -> memref<128xi32, #tpu.memory_space<vmem>>
          %dma_wait3A_292 = arith.constant 0 : i32
          %dma_wait3A_293 = arith.constant 0 : i32
          %dma_wait3A_294 = tpu.memref_slice %arg7[%dma_wait3A_292, %dma_wait3A_293] : memref<12520x128xf32, #tpu.memory_space<vmem_shared>> -> memref<12520x128xf32, #tpu.memory_space<vmem_shared>>
          tpu.wait_indirect_dma semaphore(%run_scoped3A_284 : memref<!tpu.dma_semaphore, #tpu.memory_space<semaphore_mem>>) src(%arg11 : memref<128x128xf32, #tpu.memory_space<vmem>>) dst(%dma_wait3A_294 : memref<12520x128xf32, #tpu.memory_space<vmem_shared>>)
          tpu.yield
        }) : () -> ()
        %scan3A_239 = arith.constant 0 : i32
        %scan3A_240 = arith.constant 0 : i32
        %scan3A_241 = arith.constant 8 : i32
        %scan3A_242 = arith.addi %scan3A_240, %scan3A_241 : i32
        %scan3A_243 = arith.constant 1 : i32
        %scan3A_244 = scf.for %scan3A_284 = %scan3A_240 to %scan3A_242 step %scan3A_243 iter_args(%scan3A_285 = %scan3A_239) -> (i32)  : i32 {
          %mul3A_286 = arith.constant 16 : i32
          %mul3A_287 = arith.muli %scan3A_284, %mul3A_286 : i32
          %get3A = arith.constant 11 : i32
          %get3A_288 = arith.index_cast %get3A : i32 to index
          %get3A_289 = arith.index_cast %mul3A_287 : i32 to index
          %get3A_290 = tpu.vector_load %arg9[%get3A_288, %get3A_289] {strides = array<i32>} : memref<16x128xi32, #tpu.memory_space<vmem>>, vector<1x16xi32>,
          %get3A_291 = vector.shape_cast %get3A_290 : vector<1x16xi32> to vector<16xi32>
          %ge3A = vector.broadcast %mul3A_3 : i32 to vector<16xi32>
          %ge3A_292 = arith.cmpi sge, %get3A_291, %ge3A : vector<16xi32>
          %add3A_293 = arith.constant 12512 : i32
          %add3A_294 = arith.addi %mul3A_3, %add3A_293 : i32
          %lt3A_295 = vector.broadcast %add3A_294 : i32 to vector<16xi32>
          %lt3A_296 = arith.cmpi slt, %get3A_291, %lt3A_295 : vector<16xi32>
          %and3A_297 = arith.andi %ge3A_292, %lt3A_296 : vector<16xi1>
          %sub3A = vector.broadcast %mul3A_3 : i32 to vector<16xi32>
          %sub3A_298 = arith.subi %get3A_291, %sub3A : vector<16xi32>
          %jit3A = arith.constant 12512 : i32
          %broadcast_in_dim3A = vector.broadcast %jit3A : i32 to vector<16xi32>
          %select_n3A = arith.select %and3A_297, %sub3A_298, %broadcast_in_dim3A : vector<16xi1>, vector<16xi32>
          %mul3A_299 = arith.constant 16 : i32
          %mul3A_300 = arith.muli %scan3A_284, %mul3A_299 : i32
          %swap3A = arith.constant 11 : i32
          %swap3A_301 = arith.index_cast %swap3A : i32 to index
          %swap3A_302 = arith.index_cast %mul3A_300 : i32 to index
          %swap3A_303 = tpu.vector_load %arg10[%swap3A_301, %swap3A_302] {strides = array<i32>} : memref<16x128xi32, #tpu.memory_space<vmem>>, vector<1x16xi32>,
          %swap3A_304 = vector.shape_cast %swap3A_303 : vector<1x16xi32> to vector<16xi32>
          %swap3A_305 = vector.shape_cast %select_n3A : vector<16xi32> to vector<1x16xi32>
          tpu.vector_store %arg10[%swap3A_301, %swap3A_302], %swap3A_305 {strides = array<i32>} : memref<16x128xi32, #tpu.memory_space<vmem>>, vector<1x16xi32>,
          %scan3A_306 = arith.constant 0 : i32
          scf.yield %scan3A_306 : i32
        }
        %scan3A_245 = arith.constant 8 : i32
        %run_scoped3A_246 = arith.constant 11 : i32
        "tpu.region"() ({
          %run_scoped3A_284 = tpu.sem_alloc : memref<!tpu.dma_semaphore, #tpu.memory_space<semaphore_mem>>
          %dma_start3A = arith.constant 0 : i32
          %dma_start3A_285 = tpu.memref_slice %arg8[%run_scoped3A_246, %dma_start3A] : memref<16x128xi32, #tpu.memory_space<vmem>> -> memref<1x128xi32, #tpu.memory_space<vmem>>
          %dma_start3A_286 = tpu.memref_squeeze %dma_start3A_285 : memref<1x128xi32, #tpu.memory_space<vmem>> -> memref<128xi32, #tpu.memory_space<vmem>>
          %dma_start3A_287 = arith.constant 0 : i32
          %dma_start3A_288 = arith.constant 0 : i32
          %dma_start3A_289 = tpu.memref_slice %arg2[%dma_start3A_287, %dma_start3A_288] : memref<1350000x128xf32, #tpu.memory_space<hbm>> -> memref<1350000x128xf32, #tpu.memory_space<hbm>>
          tpu.enqueue_indirect_dma source(%dma_start3A_289 : memref<1350000x128xf32, #tpu.memory_space<hbm>>) target(%arg11 : memref<128x128xf32, #tpu.memory_space<vmem>>) offsets(%dma_start3A_286 : memref<128xi32, #tpu.memory_space<vmem>>) semaphore(%run_scoped3A_284 : memref<!tpu.dma_semaphore, #tpu.memory_space<semaphore_mem>>)
          %dma_wait3A = arith.constant 0 : i32
          %dma_wait3A_290 = tpu.memref_slice %arg8[%run_scoped3A_246, %dma_wait3A] : memref<16x128xi32, #tpu.memory_space<vmem>> -> memref<1x128xi32, #tpu.memory_space<vmem>>
          %dma_wait3A_291 = tpu.memref_squeeze %dma_wait3A_290 : memref<1x128xi32, #tpu.memory_space<vmem>> -> memref<128xi32, #tpu.memory_space<vmem>>
          %dma_wait3A_292 = arith.constant 0 : i32
          %dma_wait3A_293 = arith.constant 0 : i32
          %dma_wait3A_294 = tpu.memref_slice %arg2[%dma_wait3A_292, %dma_wait3A_293] : memref<1350000x128xf32, #tpu.memory_space<hbm>> -> memref<1350000x128xf32, #tpu.memory_space<hbm>>
          tpu.wait_indirect_dma semaphore(%run_scoped3A_284 : memref<!tpu.dma_semaphore, #tpu.memory_space<semaphore_mem>>) src(%dma_wait3A_294 : memref<1350000x128xf32, #tpu.memory_space<hbm>>) dst(%arg11 : memref<128x128xf32, #tpu.memory_space<vmem>>)
          tpu.yield
        }) : () -> ()
        %run_scoped3A_247 = arith.constant 11 : i32
        "tpu.region"() ({
          %run_scoped3A_284 = tpu.sem_alloc : memref<!tpu.dma_semaphore, #tpu.memory_space<semaphore_mem>>
          %dma_start3A = arith.constant 0 : i32
          %dma_start3A_285 = tpu.memref_slice %arg10[%run_scoped3A_247, %dma_start3A] : memref<16x128xi32, #tpu.memory_space<vmem>> -> memref<1x128xi32, #tpu.memory_space<vmem>>
          %dma_start3A_286 = tpu.memref_squeeze %dma_start3A_285 : memref<1x128xi32, #tpu.memory_space<vmem>> -> memref<128xi32, #tpu.memory_space<vmem>>
          %dma_start3A_287 = arith.constant 0 : i32
          %dma_start3A_288 = arith.constant 0 : i32
          %dma_start3A_289 = tpu.memref_slice %arg7[%dma_start3A_287, %dma_start3A_288] : memref<12520x128xf32, #tpu.memory_space<vmem_shared>> -> memref<12520x128xf32, #tpu.memory_space<vmem_shared>>
          tpu.enqueue_indirect_dma source(%arg11 : memref<128x128xf32, #tpu.memory_space<vmem>>) target(%dma_start3A_289 : memref<12520x128xf32, #tpu.memory_space<vmem_shared>>) offsets(%dma_start3A_286 : memref<128xi32, #tpu.memory_space<vmem>>) semaphore(%run_scoped3A_284 : memref<!tpu.dma_semaphore, #tpu.memory_space<semaphore_mem>>) {add = true}
          %dma_wait3A = arith.constant 0 : i32
          %dma_wait3A_290 = tpu.memref_slice %arg10[%run_scoped3A_247, %dma_wait3A] : memref<16x128xi32, #tpu.memory_space<vmem>> -> memref<1x128xi32, #tpu.memory_space<vmem>>
          %dma_wait3A_291 = tpu.memref_squeeze %dma_wait3A_290 : memref<1x128xi32, #tpu.memory_space<vmem>> -> memref<128xi32, #tpu.memory_space<vmem>>
          %dma_wait3A_292 = arith.constant 0 : i32
          %dma_wait3A_293 = arith.constant 0 : i32
          %dma_wait3A_294 = tpu.memref_slice %arg7[%dma_wait3A_292, %dma_wait3A_293] : memref<12520x128xf32, #tpu.memory_space<vmem_shared>> -> memref<12520x128xf32, #tpu.memory_space<vmem_shared>>
          tpu.wait_indirect_dma semaphore(%run_scoped3A_284 : memref<!tpu.dma_semaphore, #tpu.memory_space<semaphore_mem>>) src(%arg11 : memref<128x128xf32, #tpu.memory_space<vmem>>) dst(%dma_wait3A_294 : memref<12520x128xf32, #tpu.memory_space<vmem_shared>>)
          tpu.yield
        }) : () -> ()
        %scan3A_248 = arith.constant 0 : i32
        %scan3A_249 = arith.constant 0 : i32
        %scan3A_250 = arith.constant 8 : i32
        %scan3A_251 = arith.addi %scan3A_249, %scan3A_250 : i32
        %scan3A_252 = arith.constant 1 : i32
        %scan3A_253 = scf.for %scan3A_284 = %scan3A_249 to %scan3A_251 step %scan3A_252 iter_args(%scan3A_285 = %scan3A_248) -> (i32)  : i32 {
          %mul3A_286 = arith.constant 16 : i32
          %mul3A_287 = arith.muli %scan3A_284, %mul3A_286 : i32
          %get3A = arith.constant 12 : i32
          %get3A_288 = arith.index_cast %get3A : i32 to index
          %get3A_289 = arith.index_cast %mul3A_287 : i32 to index
          %get3A_290 = tpu.vector_load %arg9[%get3A_288, %get3A_289] {strides = array<i32>} : memref<16x128xi32, #tpu.memory_space<vmem>>, vector<1x16xi32>,
          %get3A_291 = vector.shape_cast %get3A_290 : vector<1x16xi32> to vector<16xi32>
          %ge3A = vector.broadcast %mul3A_3 : i32 to vector<16xi32>
          %ge3A_292 = arith.cmpi sge, %get3A_291, %ge3A : vector<16xi32>
          %add3A_293 = arith.constant 12512 : i32
          %add3A_294 = arith.addi %mul3A_3, %add3A_293 : i32
          %lt3A_295 = vector.broadcast %add3A_294 : i32 to vector<16xi32>
          %lt3A_296 = arith.cmpi slt, %get3A_291, %lt3A_295 : vector<16xi32>
          %and3A_297 = arith.andi %ge3A_292, %lt3A_296 : vector<16xi1>
          %sub3A = vector.broadcast %mul3A_3 : i32 to vector<16xi32>
          %sub3A_298 = arith.subi %get3A_291, %sub3A : vector<16xi32>
          %jit3A = arith.constant 12512 : i32
          %broadcast_in_dim3A = vector.broadcast %jit3A : i32 to vector<16xi32>
          %select_n3A = arith.select %and3A_297, %sub3A_298, %broadcast_in_dim3A : vector<16xi1>, vector<16xi32>
          %mul3A_299 = arith.constant 16 : i32
          %mul3A_300 = arith.muli %scan3A_284, %mul3A_299 : i32
          %swap3A = arith.constant 12 : i32
          %swap3A_301 = arith.index_cast %swap3A : i32 to index
          %swap3A_302 = arith.index_cast %mul3A_300 : i32 to index
          %swap3A_303 = tpu.vector_load %arg10[%swap3A_301, %swap3A_302] {strides = array<i32>} : memref<16x128xi32, #tpu.memory_space<vmem>>, vector<1x16xi32>,
          %swap3A_304 = vector.shape_cast %swap3A_303 : vector<1x16xi32> to vector<16xi32>
          %swap3A_305 = vector.shape_cast %select_n3A : vector<16xi32> to vector<1x16xi32>
          tpu.vector_store %arg10[%swap3A_301, %swap3A_302], %swap3A_305 {strides = array<i32>} : memref<16x128xi32, #tpu.memory_space<vmem>>, vector<1x16xi32>,
          %scan3A_306 = arith.constant 0 : i32
          scf.yield %scan3A_306 : i32
        }
        %scan3A_254 = arith.constant 8 : i32
        %run_scoped3A_255 = arith.constant 12 : i32
        "tpu.region"() ({
          %run_scoped3A_284 = tpu.sem_alloc : memref<!tpu.dma_semaphore, #tpu.memory_space<semaphore_mem>>
          %dma_start3A = arith.constant 0 : i32
          %dma_start3A_285 = tpu.memref_slice %arg8[%run_scoped3A_255, %dma_start3A] : memref<16x128xi32, #tpu.memory_space<vmem>> -> memref<1x128xi32, #tpu.memory_space<vmem>>
          %dma_start3A_286 = tpu.memref_squeeze %dma_start3A_285 : memref<1x128xi32, #tpu.memory_space<vmem>> -> memref<128xi32, #tpu.memory_space<vmem>>
          %dma_start3A_287 = arith.constant 0 : i32
          %dma_start3A_288 = arith.constant 0 : i32
          %dma_start3A_289 = tpu.memref_slice %arg2[%dma_start3A_287, %dma_start3A_288] : memref<1350000x128xf32, #tpu.memory_space<hbm>> -> memref<1350000x128xf32, #tpu.memory_space<hbm>>
          tpu.enqueue_indirect_dma source(%dma_start3A_289 : memref<1350000x128xf32, #tpu.memory_space<hbm>>) target(%arg11 : memref<128x128xf32, #tpu.memory_space<vmem>>) offsets(%dma_start3A_286 : memref<128xi32, #tpu.memory_space<vmem>>) semaphore(%run_scoped3A_284 : memref<!tpu.dma_semaphore, #tpu.memory_space<semaphore_mem>>)
          %dma_wait3A = arith.constant 0 : i32
          %dma_wait3A_290 = tpu.memref_slice %arg8[%run_scoped3A_255, %dma_wait3A] : memref<16x128xi32, #tpu.memory_space<vmem>> -> memref<1x128xi32, #tpu.memory_space<vmem>>
          %dma_wait3A_291 = tpu.memref_squeeze %dma_wait3A_290 : memref<1x128xi32, #tpu.memory_space<vmem>> -> memref<128xi32, #tpu.memory_space<vmem>>
          %dma_wait3A_292 = arith.constant 0 : i32
          %dma_wait3A_293 = arith.constant 0 : i32
          %dma_wait3A_294 = tpu.memref_slice %arg2[%dma_wait3A_292, %dma_wait3A_293] : memref<1350000x128xf32, #tpu.memory_space<hbm>> -> memref<1350000x128xf32, #tpu.memory_space<hbm>>
          tpu.wait_indirect_dma semaphore(%run_scoped3A_284 : memref<!tpu.dma_semaphore, #tpu.memory_space<semaphore_mem>>) src(%dma_wait3A_294 : memref<1350000x128xf32, #tpu.memory_space<hbm>>) dst(%arg11 : memref<128x128xf32, #tpu.memory_space<vmem>>)
          tpu.yield
        }) : () -> ()
        %run_scoped3A_256 = arith.constant 12 : i32
        "tpu.region"() ({
          %run_scoped3A_284 = tpu.sem_alloc : memref<!tpu.dma_semaphore, #tpu.memory_space<semaphore_mem>>
          %dma_start3A = arith.constant 0 : i32
          %dma_start3A_285 = tpu.memref_slice %arg10[%run_scoped3A_256, %dma_start3A] : memref<16x128xi32, #tpu.memory_space<vmem>> -> memref<1x128xi32, #tpu.memory_space<vmem>>
          %dma_start3A_286 = tpu.memref_squeeze %dma_start3A_285 : memref<1x128xi32, #tpu.memory_space<vmem>> -> memref<128xi32, #tpu.memory_space<vmem>>
          %dma_start3A_287 = arith.constant 0 : i32
          %dma_start3A_288 = arith.constant 0 : i32
          %dma_start3A_289 = tpu.memref_slice %arg7[%dma_start3A_287, %dma_start3A_288] : memref<12520x128xf32, #tpu.memory_space<vmem_shared>> -> memref<12520x128xf32, #tpu.memory_space<vmem_shared>>
          tpu.enqueue_indirect_dma source(%arg11 : memref<128x128xf32, #tpu.memory_space<vmem>>) target(%dma_start3A_289 : memref<12520x128xf32, #tpu.memory_space<vmem_shared>>) offsets(%dma_start3A_286 : memref<128xi32, #tpu.memory_space<vmem>>) semaphore(%run_scoped3A_284 : memref<!tpu.dma_semaphore, #tpu.memory_space<semaphore_mem>>) {add = true}
          %dma_wait3A = arith.constant 0 : i32
          %dma_wait3A_290 = tpu.memref_slice %arg10[%run_scoped3A_256, %dma_wait3A] : memref<16x128xi32, #tpu.memory_space<vmem>> -> memref<1x128xi32, #tpu.memory_space<vmem>>
          %dma_wait3A_291 = tpu.memref_squeeze %dma_wait3A_290 : memref<1x128xi32, #tpu.memory_space<vmem>> -> memref<128xi32, #tpu.memory_space<vmem>>
          %dma_wait3A_292 = arith.constant 0 : i32
          %dma_wait3A_293 = arith.constant 0 : i32
          %dma_wait3A_294 = tpu.memref_slice %arg7[%dma_wait3A_292, %dma_wait3A_293] : memref<12520x128xf32, #tpu.memory_space<vmem_shared>> -> memref<12520x128xf32, #tpu.memory_space<vmem_shared>>
          tpu.wait_indirect_dma semaphore(%run_scoped3A_284 : memref<!tpu.dma_semaphore, #tpu.memory_space<semaphore_mem>>) src(%arg11 : memref<128x128xf32, #tpu.memory_space<vmem>>) dst(%dma_wait3A_294 : memref<12520x128xf32, #tpu.memory_space<vmem_shared>>)
          tpu.yield
        }) : () -> ()
        %scan3A_257 = arith.constant 0 : i32
        %scan3A_258 = arith.constant 0 : i32
        %scan3A_259 = arith.constant 8 : i32
        %scan3A_260 = arith.addi %scan3A_258, %scan3A_259 : i32
        %scan3A_261 = arith.constant 1 : i32
        %scan3A_262 = scf.for %scan3A_284 = %scan3A_258 to %scan3A_260 step %scan3A_261 iter_args(%scan3A_285 = %scan3A_257) -> (i32)  : i32 {
          %mul3A_286 = arith.constant 16 : i32
          %mul3A_287 = arith.muli %scan3A_284, %mul3A_286 : i32
          %get3A = arith.constant 13 : i32
          %get3A_288 = arith.index_cast %get3A : i32 to index
          %get3A_289 = arith.index_cast %mul3A_287 : i32 to index
          %get3A_290 = tpu.vector_load %arg9[%get3A_288, %get3A_289] {strides = array<i32>} : memref<16x128xi32, #tpu.memory_space<vmem>>, vector<1x16xi32>,
          %get3A_291 = vector.shape_cast %get3A_290 : vector<1x16xi32> to vector<16xi32>
          %ge3A = vector.broadcast %mul3A_3 : i32 to vector<16xi32>
          %ge3A_292 = arith.cmpi sge, %get3A_291, %ge3A : vector<16xi32>
          %add3A_293 = arith.constant 12512 : i32
          %add3A_294 = arith.addi %mul3A_3, %add3A_293 : i32
          %lt3A_295 = vector.broadcast %add3A_294 : i32 to vector<16xi32>
          %lt3A_296 = arith.cmpi slt, %get3A_291, %lt3A_295 : vector<16xi32>
          %and3A_297 = arith.andi %ge3A_292, %lt3A_296 : vector<16xi1>
          %sub3A = vector.broadcast %mul3A_3 : i32 to vector<16xi32>
          %sub3A_298 = arith.subi %get3A_291, %sub3A : vector<16xi32>
          %jit3A = arith.constant 12512 : i32
          %broadcast_in_dim3A = vector.broadcast %jit3A : i32 to vector<16xi32>
          %select_n3A = arith.select %and3A_297, %sub3A_298, %broadcast_in_dim3A : vector<16xi1>, vector<16xi32>
          %mul3A_299 = arith.constant 16 : i32
          %mul3A_300 = arith.muli %scan3A_284, %mul3A_299 : i32
          %swap3A = arith.constant 13 : i32
          %swap3A_301 = arith.index_cast %swap3A : i32 to index
          %swap3A_302 = arith.index_cast %mul3A_300 : i32 to index
          %swap3A_303 = tpu.vector_load %arg10[%swap3A_301, %swap3A_302] {strides = array<i32>} : memref<16x128xi32, #tpu.memory_space<vmem>>, vector<1x16xi32>,
          %swap3A_304 = vector.shape_cast %swap3A_303 : vector<1x16xi32> to vector<16xi32>
          %swap3A_305 = vector.shape_cast %select_n3A : vector<16xi32> to vector<1x16xi32>
          tpu.vector_store %arg10[%swap3A_301, %swap3A_302], %swap3A_305 {strides = array<i32>} : memref<16x128xi32, #tpu.memory_space<vmem>>, vector<1x16xi32>,
          %scan3A_306 = arith.constant 0 : i32
          scf.yield %scan3A_306 : i32
        }
        %scan3A_263 = arith.constant 8 : i32
        %run_scoped3A_264 = arith.constant 13 : i32
        "tpu.region"() ({
          %run_scoped3A_284 = tpu.sem_alloc : memref<!tpu.dma_semaphore, #tpu.memory_space<semaphore_mem>>
          %dma_start3A = arith.constant 0 : i32
          %dma_start3A_285 = tpu.memref_slice %arg8[%run_scoped3A_264, %dma_start3A] : memref<16x128xi32, #tpu.memory_space<vmem>> -> memref<1x128xi32, #tpu.memory_space<vmem>>
          %dma_start3A_286 = tpu.memref_squeeze %dma_start3A_285 : memref<1x128xi32, #tpu.memory_space<vmem>> -> memref<128xi32, #tpu.memory_space<vmem>>
          %dma_start3A_287 = arith.constant 0 : i32
          %dma_start3A_288 = arith.constant 0 : i32
          %dma_start3A_289 = tpu.memref_slice %arg2[%dma_start3A_287, %dma_start3A_288] : memref<1350000x128xf32, #tpu.memory_space<hbm>> -> memref<1350000x128xf32, #tpu.memory_space<hbm>>
          tpu.enqueue_indirect_dma source(%dma_start3A_289 : memref<1350000x128xf32, #tpu.memory_space<hbm>>) target(%arg11 : memref<128x128xf32, #tpu.memory_space<vmem>>) offsets(%dma_start3A_286 : memref<128xi32, #tpu.memory_space<vmem>>) semaphore(%run_scoped3A_284 : memref<!tpu.dma_semaphore, #tpu.memory_space<semaphore_mem>>)
          %dma_wait3A = arith.constant 0 : i32
          %dma_wait3A_290 = tpu.memref_slice %arg8[%run_scoped3A_264, %dma_wait3A] : memref<16x128xi32, #tpu.memory_space<vmem>> -> memref<1x128xi32, #tpu.memory_space<vmem>>
          %dma_wait3A_291 = tpu.memref_squeeze %dma_wait3A_290 : memref<1x128xi32, #tpu.memory_space<vmem>> -> memref<128xi32, #tpu.memory_space<vmem>>
          %dma_wait3A_292 = arith.constant 0 : i32
          %dma_wait3A_293 = arith.constant 0 : i32
          %dma_wait3A_294 = tpu.memref_slice %arg2[%dma_wait3A_292, %dma_wait3A_293] : memref<1350000x128xf32, #tpu.memory_space<hbm>> -> memref<1350000x128xf32, #tpu.memory_space<hbm>>
          tpu.wait_indirect_dma semaphore(%run_scoped3A_284 : memref<!tpu.dma_semaphore, #tpu.memory_space<semaphore_mem>>) src(%dma_wait3A_294 : memref<1350000x128xf32, #tpu.memory_space<hbm>>) dst(%arg11 : memref<128x128xf32, #tpu.memory_space<vmem>>)
          tpu.yield
        }) : () -> ()
        %run_scoped3A_265 = arith.constant 13 : i32
        "tpu.region"() ({
          %run_scoped3A_284 = tpu.sem_alloc : memref<!tpu.dma_semaphore, #tpu.memory_space<semaphore_mem>>
          %dma_start3A = arith.constant 0 : i32
          %dma_start3A_285 = tpu.memref_slice %arg10[%run_scoped3A_265, %dma_start3A] : memref<16x128xi32, #tpu.memory_space<vmem>> -> memref<1x128xi32, #tpu.memory_space<vmem>>
          %dma_start3A_286 = tpu.memref_squeeze %dma_start3A_285 : memref<1x128xi32, #tpu.memory_space<vmem>> -> memref<128xi32, #tpu.memory_space<vmem>>
          %dma_start3A_287 = arith.constant 0 : i32
          %dma_start3A_288 = arith.constant 0 : i32
          %dma_start3A_289 = tpu.memref_slice %arg7[%dma_start3A_287, %dma_start3A_288] : memref<12520x128xf32, #tpu.memory_space<vmem_shared>> -> memref<12520x128xf32, #tpu.memory_space<vmem_shared>>
          tpu.enqueue_indirect_dma source(%arg11 : memref<128x128xf32, #tpu.memory_space<vmem>>) target(%dma_start3A_289 : memref<12520x128xf32, #tpu.memory_space<vmem_shared>>) offsets(%dma_start3A_286 : memref<128xi32, #tpu.memory_space<vmem>>) semaphore(%run_scoped3A_284 : memref<!tpu.dma_semaphore, #tpu.memory_space<semaphore_mem>>) {add = true}
          %dma_wait3A = arith.constant 0 : i32
          %dma_wait3A_290 = tpu.memref_slice %arg10[%run_scoped3A_265, %dma_wait3A] : memref<16x128xi32, #tpu.memory_space<vmem>> -> memref<1x128xi32, #tpu.memory_space<vmem>>
          %dma_wait3A_291 = tpu.memref_squeeze %dma_wait3A_290 : memref<1x128xi32, #tpu.memory_space<vmem>> -> memref<128xi32, #tpu.memory_space<vmem>>
          %dma_wait3A_292 = arith.constant 0 : i32
          %dma_wait3A_293 = arith.constant 0 : i32
          %dma_wait3A_294 = tpu.memref_slice %arg7[%dma_wait3A_292, %dma_wait3A_293] : memref<12520x128xf32, #tpu.memory_space<vmem_shared>> -> memref<12520x128xf32, #tpu.memory_space<vmem_shared>>
          tpu.wait_indirect_dma semaphore(%run_scoped3A_284 : memref<!tpu.dma_semaphore, #tpu.memory_space<semaphore_mem>>) src(%arg11 : memref<128x128xf32, #tpu.memory_space<vmem>>) dst(%dma_wait3A_294 : memref<12520x128xf32, #tpu.memory_space<vmem_shared>>)
          tpu.yield
        }) : () -> ()
        %scan3A_266 = arith.constant 0 : i32
        %scan3A_267 = arith.constant 0 : i32
        %scan3A_268 = arith.constant 8 : i32
        %scan3A_269 = arith.addi %scan3A_267, %scan3A_268 : i32
        %scan3A_270 = arith.constant 1 : i32
        %scan3A_271 = scf.for %scan3A_284 = %scan3A_267 to %scan3A_269 step %scan3A_270 iter_args(%scan3A_285 = %scan3A_266) -> (i32)  : i32 {
          %mul3A_286 = arith.constant 16 : i32
          %mul3A_287 = arith.muli %scan3A_284, %mul3A_286 : i32
          %get3A = arith.constant 14 : i32
          %get3A_288 = arith.index_cast %get3A : i32 to index
          %get3A_289 = arith.index_cast %mul3A_287 : i32 to index
          %get3A_290 = tpu.vector_load %arg9[%get3A_288, %get3A_289] {strides = array<i32>} : memref<16x128xi32, #tpu.memory_space<vmem>>, vector<1x16xi32>,
          %get3A_291 = vector.shape_cast %get3A_290 : vector<1x16xi32> to vector<16xi32>
          %ge3A = vector.broadcast %mul3A_3 : i32 to vector<16xi32>
          %ge3A_292 = arith.cmpi sge, %get3A_291, %ge3A : vector<16xi32>
          %add3A_293 = arith.constant 12512 : i32
          %add3A_294 = arith.addi %mul3A_3, %add3A_293 : i32
          %lt3A_295 = vector.broadcast %add3A_294 : i32 to vector<16xi32>
          %lt3A_296 = arith.cmpi slt, %get3A_291, %lt3A_295 : vector<16xi32>
          %and3A_297 = arith.andi %ge3A_292, %lt3A_296 : vector<16xi1>
          %sub3A = vector.broadcast %mul3A_3 : i32 to vector<16xi32>
          %sub3A_298 = arith.subi %get3A_291, %sub3A : vector<16xi32>
          %jit3A = arith.constant 12512 : i32
          %broadcast_in_dim3A = vector.broadcast %jit3A : i32 to vector<16xi32>
          %select_n3A = arith.select %and3A_297, %sub3A_298, %broadcast_in_dim3A : vector<16xi1>, vector<16xi32>
          %mul3A_299 = arith.constant 16 : i32
          %mul3A_300 = arith.muli %scan3A_284, %mul3A_299 : i32
          %swap3A = arith.constant 14 : i32
          %swap3A_301 = arith.index_cast %swap3A : i32 to index
          %swap3A_302 = arith.index_cast %mul3A_300 : i32 to index
          %swap3A_303 = tpu.vector_load %arg10[%swap3A_301, %swap3A_302] {strides = array<i32>} : memref<16x128xi32, #tpu.memory_space<vmem>>, vector<1x16xi32>,
          %swap3A_304 = vector.shape_cast %swap3A_303 : vector<1x16xi32> to vector<16xi32>
          %swap3A_305 = vector.shape_cast %select_n3A : vector<16xi32> to vector<1x16xi32>
          tpu.vector_store %arg10[%swap3A_301, %swap3A_302], %swap3A_305 {strides = array<i32>} : memref<16x128xi32, #tpu.memory_space<vmem>>, vector<1x16xi32>,
          %scan3A_306 = arith.constant 0 : i32
          scf.yield %scan3A_306 : i32
        }
        %scan3A_272 = arith.constant 8 : i32
        %run_scoped3A_273 = arith.constant 14 : i32
        "tpu.region"() ({
          %run_scoped3A_284 = tpu.sem_alloc : memref<!tpu.dma_semaphore, #tpu.memory_space<semaphore_mem>>
          %dma_start3A = arith.constant 0 : i32
          %dma_start3A_285 = tpu.memref_slice %arg8[%run_scoped3A_273, %dma_start3A] : memref<16x128xi32, #tpu.memory_space<vmem>> -> memref<1x128xi32, #tpu.memory_space<vmem>>
          %dma_start3A_286 = tpu.memref_squeeze %dma_start3A_285 : memref<1x128xi32, #tpu.memory_space<vmem>> -> memref<128xi32, #tpu.memory_space<vmem>>
          %dma_start3A_287 = arith.constant 0 : i32
          %dma_start3A_288 = arith.constant 0 : i32
          %dma_start3A_289 = tpu.memref_slice %arg2[%dma_start3A_287, %dma_start3A_288] : memref<1350000x128xf32, #tpu.memory_space<hbm>> -> memref<1350000x128xf32, #tpu.memory_space<hbm>>
          tpu.enqueue_indirect_dma source(%dma_start3A_289 : memref<1350000x128xf32, #tpu.memory_space<hbm>>) target(%arg11 : memref<128x128xf32, #tpu.memory_space<vmem>>) offsets(%dma_start3A_286 : memref<128xi32, #tpu.memory_space<vmem>>) semaphore(%run_scoped3A_284 : memref<!tpu.dma_semaphore, #tpu.memory_space<semaphore_mem>>)
          %dma_wait3A = arith.constant 0 : i32
          %dma_wait3A_290 = tpu.memref_slice %arg8[%run_scoped3A_273, %dma_wait3A] : memref<16x128xi32, #tpu.memory_space<vmem>> -> memref<1x128xi32, #tpu.memory_space<vmem>>
          %dma_wait3A_291 = tpu.memref_squeeze %dma_wait3A_290 : memref<1x128xi32, #tpu.memory_space<vmem>> -> memref<128xi32, #tpu.memory_space<vmem>>
          %dma_wait3A_292 = arith.constant 0 : i32
          %dma_wait3A_293 = arith.constant 0 : i32
          %dma_wait3A_294 = tpu.memref_slice %arg2[%dma_wait3A_292, %dma_wait3A_293] : memref<1350000x128xf32, #tpu.memory_space<hbm>> -> memref<1350000x128xf32, #tpu.memory_space<hbm>>
          tpu.wait_indirect_dma semaphore(%run_scoped3A_284 : memref<!tpu.dma_semaphore, #tpu.memory_space<semaphore_mem>>) src(%dma_wait3A_294 : memref<1350000x128xf32, #tpu.memory_space<hbm>>) dst(%arg11 : memref<128x128xf32, #tpu.memory_space<vmem>>)
          tpu.yield
        }) : () -> ()
        %run_scoped3A_274 = arith.constant 14 : i32
        "tpu.region"() ({
          %run_scoped3A_284 = tpu.sem_alloc : memref<!tpu.dma_semaphore, #tpu.memory_space<semaphore_mem>>
          %dma_start3A = arith.constant 0 : i32
          %dma_start3A_285 = tpu.memref_slice %arg10[%run_scoped3A_274, %dma_start3A] : memref<16x128xi32, #tpu.memory_space<vmem>> -> memref<1x128xi32, #tpu.memory_space<vmem>>
          %dma_start3A_286 = tpu.memref_squeeze %dma_start3A_285 : memref<1x128xi32, #tpu.memory_space<vmem>> -> memref<128xi32, #tpu.memory_space<vmem>>
          %dma_start3A_287 = arith.constant 0 : i32
          %dma_start3A_288 = arith.constant 0 : i32
          %dma_start3A_289 = tpu.memref_slice %arg7[%dma_start3A_287, %dma_start3A_288] : memref<12520x128xf32, #tpu.memory_space<vmem_shared>> -> memref<12520x128xf32, #tpu.memory_space<vmem_shared>>
          tpu.enqueue_indirect_dma source(%arg11 : memref<128x128xf32, #tpu.memory_space<vmem>>) target(%dma_start3A_289 : memref<12520x128xf32, #tpu.memory_space<vmem_shared>>) offsets(%dma_start3A_286 : memref<128xi32, #tpu.memory_space<vmem>>) semaphore(%run_scoped3A_284 : memref<!tpu.dma_semaphore, #tpu.memory_space<semaphore_mem>>) {add = true}
          %dma_wait3A = arith.constant 0 : i32
          %dma_wait3A_290 = tpu.memref_slice %arg10[%run_scoped3A_274, %dma_wait3A] : memref<16x128xi32, #tpu.memory_space<vmem>> -> memref<1x128xi32, #tpu.memory_space<vmem>>
          %dma_wait3A_291 = tpu.memref_squeeze %dma_wait3A_290 : memref<1x128xi32, #tpu.memory_space<vmem>> -> memref<128xi32, #tpu.memory_space<vmem>>
          %dma_wait3A_292 = arith.constant 0 : i32
          %dma_wait3A_293 = arith.constant 0 : i32
          %dma_wait3A_294 = tpu.memref_slice %arg7[%dma_wait3A_292, %dma_wait3A_293] : memref<12520x128xf32, #tpu.memory_space<vmem_shared>> -> memref<12520x128xf32, #tpu.memory_space<vmem_shared>>
          tpu.wait_indirect_dma semaphore(%run_scoped3A_284 : memref<!tpu.dma_semaphore, #tpu.memory_space<semaphore_mem>>) src(%arg11 : memref<128x128xf32, #tpu.memory_space<vmem>>) dst(%dma_wait3A_294 : memref<12520x128xf32, #tpu.memory_space<vmem_shared>>)
          tpu.yield
        }) : () -> ()
        %scan3A_275 = arith.constant 0 : i32
        %scan3A_276 = arith.constant 0 : i32
        %scan3A_277 = arith.constant 8 : i32
        %scan3A_278 = arith.addi %scan3A_276, %scan3A_277 : i32
        %scan3A_279 = arith.constant 1 : i32
        %scan3A_280 = scf.for %scan3A_284 = %scan3A_276 to %scan3A_278 step %scan3A_279 iter_args(%scan3A_285 = %scan3A_275) -> (i32)  : i32 {
          %mul3A_286 = arith.constant 16 : i32
          %mul3A_287 = arith.muli %scan3A_284, %mul3A_286 : i32
          %get3A = arith.constant 15 : i32
          %get3A_288 = arith.index_cast %get3A : i32 to index
          %get3A_289 = arith.index_cast %mul3A_287 : i32 to index
          %get3A_290 = tpu.vector_load %arg9[%get3A_288, %get3A_289] {strides = array<i32>} : memref<16x128xi32, #tpu.memory_space<vmem>>, vector<1x16xi32>,
          %get3A_291 = vector.shape_cast %get3A_290 : vector<1x16xi32> to vector<16xi32>
          %ge3A = vector.broadcast %mul3A_3 : i32 to vector<16xi32>
          %ge3A_292 = arith.cmpi sge, %get3A_291, %ge3A : vector<16xi32>
          %add3A_293 = arith.constant 12512 : i32
          %add3A_294 = arith.addi %mul3A_3, %add3A_293 : i32
          %lt3A_295 = vector.broadcast %add3A_294 : i32 to vector<16xi32>
          %lt3A_296 = arith.cmpi slt, %get3A_291, %lt3A_295 : vector<16xi32>
          %and3A_297 = arith.andi %ge3A_292, %lt3A_296 : vector<16xi1>
          %sub3A = vector.broadcast %mul3A_3 : i32 to vector<16xi32>
          %sub3A_298 = arith.subi %get3A_291, %sub3A : vector<16xi32>
          %jit3A = arith.constant 12512 : i32
          %broadcast_in_dim3A = vector.broadcast %jit3A : i32 to vector<16xi32>
          %select_n3A = arith.select %and3A_297, %sub3A_298, %broadcast_in_dim3A : vector<16xi1>, vector<16xi32>
          %mul3A_299 = arith.constant 16 : i32
          %mul3A_300 = arith.muli %scan3A_284, %mul3A_299 : i32
          %swap3A = arith.constant 15 : i32
          %swap3A_301 = arith.index_cast %swap3A : i32 to index
          %swap3A_302 = arith.index_cast %mul3A_300 : i32 to index
          %swap3A_303 = tpu.vector_load %arg10[%swap3A_301, %swap3A_302] {strides = array<i32>} : memref<16x128xi32, #tpu.memory_space<vmem>>, vector<1x16xi32>,
          %swap3A_304 = vector.shape_cast %swap3A_303 : vector<1x16xi32> to vector<16xi32>
          %swap3A_305 = vector.shape_cast %select_n3A : vector<16xi32> to vector<1x16xi32>
          tpu.vector_store %arg10[%swap3A_301, %swap3A_302], %swap3A_305 {strides = array<i32>} : memref<16x128xi32, #tpu.memory_space<vmem>>, vector<1x16xi32>,
          %scan3A_306 = arith.constant 0 : i32
          scf.yield %scan3A_306 : i32
        }
        %scan3A_281 = arith.constant 8 : i32
        %run_scoped3A_282 = arith.constant 15 : i32
        "tpu.region"() ({
          %run_scoped3A_284 = tpu.sem_alloc : memref<!tpu.dma_semaphore, #tpu.memory_space<semaphore_mem>>
          %dma_start3A = arith.constant 0 : i32
          %dma_start3A_285 = tpu.memref_slice %arg8[%run_scoped3A_282, %dma_start3A] : memref<16x128xi32, #tpu.memory_space<vmem>> -> memref<1x128xi32, #tpu.memory_space<vmem>>
          %dma_start3A_286 = tpu.memref_squeeze %dma_start3A_285 : memref<1x128xi32, #tpu.memory_space<vmem>> -> memref<128xi32, #tpu.memory_space<vmem>>
          %dma_start3A_287 = arith.constant 0 : i32
          %dma_start3A_288 = arith.constant 0 : i32
          %dma_start3A_289 = tpu.memref_slice %arg2[%dma_start3A_287, %dma_start3A_288] : memref<1350000x128xf32, #tpu.memory_space<hbm>> -> memref<1350000x128xf32, #tpu.memory_space<hbm>>
          tpu.enqueue_indirect_dma source(%dma_start3A_289 : memref<1350000x128xf32, #tpu.memory_space<hbm>>) target(%arg11 : memref<128x128xf32, #tpu.memory_space<vmem>>) offsets(%dma_start3A_286 : memref<128xi32, #tpu.memory_space<vmem>>) semaphore(%run_scoped3A_284 : memref<!tpu.dma_semaphore, #tpu.memory_space<semaphore_mem>>)
          %dma_wait3A = arith.constant 0 : i32
          %dma_wait3A_290 = tpu.memref_slice %arg8[%run_scoped3A_282, %dma_wait3A] : memref<16x128xi32, #tpu.memory_space<vmem>> -> memref<1x128xi32, #tpu.memory_space<vmem>>
          %dma_wait3A_291 = tpu.memref_squeeze %dma_wait3A_290 : memref<1x128xi32, #tpu.memory_space<vmem>> -> memref<128xi32, #tpu.memory_space<vmem>>
          %dma_wait3A_292 = arith.constant 0 : i32
          %dma_wait3A_293 = arith.constant 0 : i32
          %dma_wait3A_294 = tpu.memref_slice %arg2[%dma_wait3A_292, %dma_wait3A_293] : memref<1350000x128xf32, #tpu.memory_space<hbm>> -> memref<1350000x128xf32, #tpu.memory_space<hbm>>
          tpu.wait_indirect_dma semaphore(%run_scoped3A_284 : memref<!tpu.dma_semaphore, #tpu.memory_space<semaphore_mem>>) src(%dma_wait3A_294 : memref<1350000x128xf32, #tpu.memory_space<hbm>>) dst(%arg11 : memref<128x128xf32, #tpu.memory_space<vmem>>)
          tpu.yield
        }) : () -> ()
        %run_scoped3A_283 = arith.constant 15 : i32
        "tpu.region"() ({
          %run_scoped3A_284 = tpu.sem_alloc : memref<!tpu.dma_semaphore, #tpu.memory_space<semaphore_mem>>
          %dma_start3A = arith.constant 0 : i32
          %dma_start3A_285 = tpu.memref_slice %arg10[%run_scoped3A_283, %dma_start3A] : memref<16x128xi32, #tpu.memory_space<vmem>> -> memref<1x128xi32, #tpu.memory_space<vmem>>
          %dma_start3A_286 = tpu.memref_squeeze %dma_start3A_285 : memref<1x128xi32, #tpu.memory_space<vmem>> -> memref<128xi32, #tpu.memory_space<vmem>>
          %dma_start3A_287 = arith.constant 0 : i32
          %dma_start3A_288 = arith.constant 0 : i32
          %dma_start3A_289 = tpu.memref_slice %arg7[%dma_start3A_287, %dma_start3A_288] : memref<12520x128xf32, #tpu.memory_space<vmem_shared>> -> memref<12520x128xf32, #tpu.memory_space<vmem_shared>>
          tpu.enqueue_indirect_dma source(%arg11 : memref<128x128xf32, #tpu.memory_space<vmem>>) target(%dma_start3A_289 : memref<12520x128xf32, #tpu.memory_space<vmem_shared>>) offsets(%dma_start3A_286 : memref<128xi32, #tpu.memory_space<vmem>>) semaphore(%run_scoped3A_284 : memref<!tpu.dma_semaphore, #tpu.memory_space<semaphore_mem>>) {add = true}
          %dma_wait3A = arith.constant 0 : i32
          %dma_wait3A_290 = tpu.memref_slice %arg10[%run_scoped3A_283, %dma_wait3A] : memref<16x128xi32, #tpu.memory_space<vmem>> -> memref<1x128xi32, #tpu.memory_space<vmem>>
          %dma_wait3A_291 = tpu.memref_squeeze %dma_wait3A_290 : memref<1x128xi32, #tpu.memory_space<vmem>> -> memref<128xi32, #tpu.memory_space<vmem>>
          %dma_wait3A_292 = arith.constant 0 : i32
          %dma_wait3A_293 = arith.constant 0 : i32
          %dma_wait3A_294 = tpu.memref_slice %arg7[%dma_wait3A_292, %dma_wait3A_293] : memref<12520x128xf32, #tpu.memory_space<vmem_shared>> -> memref<12520x128xf32, #tpu.memory_space<vmem_shared>>
          tpu.wait_indirect_dma semaphore(%run_scoped3A_284 : memref<!tpu.dma_semaphore, #tpu.memory_space<semaphore_mem>>) src(%arg11 : memref<128x128xf32, #tpu.memory_space<vmem>>) dst(%dma_wait3A_294 : memref<12520x128xf32, #tpu.memory_space<vmem_shared>>)
          tpu.yield
        }) : () -> ()
      } else {
      }
    }
    %scan3A_19 = arith.constant 17 : i32
    %barrier3A_20 = arith.constant 0 : index
    tpu.barrier barrier_id(%barrier3A_20)
    %add3A_21 = arith.constant 0 : i32
    %add3A_22 = arith.addi %arg1, %add3A_21 : i32
    %lt3A_23 = arith.constant 22 : i32
    %lt3A_24 = arith.cmpi slt, %add3A_22, %lt3A_23 : i32
    %eq3A = arith.constant 22 : i32
    %eq3A_25 = arith.cmpi eq, %add3A_22, %eq3A : i32
    %lt3A_26 = arith.constant 3 : i32
    %lt3A_27 = arith.cmpi slt, %add3A_1, %lt3A_26 : i32
    %and3A = arith.andi %eq3A_25, %lt3A_27 : i1
    %or3A = arith.ori %lt3A_24, %and3A : i1
    %convert_element_type3A_28 = arith.extui %or3A : i1 to i32
    %cond3A_29 = arith.constant 0 : i32
    %cond3A_30 = arith.cmpi ne, %convert_element_type3A_28, %cond3A_29 : i32
    scf.if %cond3A_30 {
      %mul3A_132 = arith.constant 544 : i32
      %mul3A_133 = arith.muli %add3A_22, %mul3A_132 : i32
      %mul3A_134 = arith.constant 12512 : i32
      %mul3A_135 = arith.muli %add3A_1, %mul3A_134 : i32
      %mul3A_136 = arith.constant 544 : i32
      %mul3A_137 = arith.muli %add3A_22, %mul3A_136 : i32
      %add3A_138 = arith.addi %mul3A_135, %mul3A_137 : i32
      "tpu.region"() ({
        %run_scoped3A = tpu.sem_alloc : memref<!tpu.dma_semaphore, #tpu.memory_space<semaphore_mem>>
        %dma_start3A = arith.constant 0 : i32
        %dma_start3A_139 = tpu.memref_slice %arg6[%add3A_138, %dma_start3A] : memref<50000x128xf32, #tpu.memory_space<hbm>> -> memref<544x128xf32, #tpu.memory_space<hbm>>
        %dma_start3A_140 = arith.constant 0 : i32
        %dma_start3A_141 = tpu.memref_slice %arg7[%mul3A_133, %dma_start3A_140] : memref<12520x128xf32, #tpu.memory_space<vmem_shared>> -> memref<544x128xf32, #tpu.memory_space<vmem_shared>>
        tpu.enqueue_dma source(%dma_start3A_141 : memref<544x128xf32, #tpu.memory_space<vmem_shared>>) target(%dma_start3A_139 : memref<544x128xf32, #tpu.memory_space<hbm>>) target_semaphore(%run_scoped3A : memref<!tpu.dma_semaphore, #tpu.memory_space<semaphore_mem>>)
        %dma_wait3A = arith.constant 0 : i32
        %dma_wait3A_142 = tpu.memref_slice %arg6[%add3A_138, %dma_wait3A] : memref<50000x128xf32, #tpu.memory_space<hbm>> -> memref<544x128xf32, #tpu.memory_space<hbm>>
        %dma_wait3A_143 = arith.constant 0 : i32
        %dma_wait3A_144 = tpu.memref_slice %arg7[%mul3A_133, %dma_wait3A_143] : memref<12520x128xf32, #tpu.memory_space<vmem_shared>> -> memref<544x128xf32, #tpu.memory_space<vmem_shared>>
        tpu.wait_dma2 semaphore(%run_scoped3A : memref<!tpu.dma_semaphore, #tpu.memory_space<semaphore_mem>>) src(%dma_wait3A_144 : memref<544x128xf32, #tpu.memory_space<vmem_shared>>) dst(%dma_wait3A_142 : memref<544x128xf32, #tpu.memory_space<hbm>>)
        tpu.yield
      }) : () -> ()
    } else {
    }
    %eq3A_31 = arith.constant 22 : i32
    %eq3A_32 = arith.cmpi eq, %add3A_22, %eq3A_31 : i32
    %eq3A_33 = arith.constant 3 : i32
    %eq3A_34 = arith.cmpi eq, %add3A_1, %eq3A_33 : i32
    %and3A_35 = arith.andi %eq3A_32, %eq3A_34 : i1
    %convert_element_type3A_36 = arith.extui %and3A_35 : i1 to i32
    %cond3A_37 = arith.constant 0 : i32
    %cond3A_38 = arith.cmpi ne, %convert_element_type3A_36, %cond3A_37 : i32
    scf.if %cond3A_38 {
      %mul3A_132 = arith.constant 544 : i32
      %mul3A_133 = arith.muli %add3A_22, %mul3A_132 : i32
      %mul3A_134 = arith.constant 12512 : i32
      %mul3A_135 = arith.muli %add3A_1, %mul3A_134 : i32
      %mul3A_136 = arith.constant 544 : i32
      %mul3A_137 = arith.muli %add3A_22, %mul3A_136 : i32
      %add3A_138 = arith.addi %mul3A_135, %mul3A_137 : i32
      "tpu.region"() ({
        %run_scoped3A = tpu.sem_alloc : memref<!tpu.dma_semaphore, #tpu.memory_space<semaphore_mem>>
        %dma_start3A = arith.constant 0 : i32
        %dma_start3A_139 = tpu.memref_slice %arg6[%add3A_138, %dma_start3A] : memref<50000x128xf32, #tpu.memory_space<hbm>> -> memref<496x128xf32, #tpu.memory_space<hbm>>
        %dma_start3A_140 = arith.constant 0 : i32
        %dma_start3A_141 = tpu.memref_slice %arg7[%mul3A_133, %dma_start3A_140] : memref<12520x128xf32, #tpu.memory_space<vmem_shared>> -> memref<496x128xf32, #tpu.memory_space<vmem_shared>>
        tpu.enqueue_dma source(%dma_start3A_141 : memref<496x128xf32, #tpu.memory_space<vmem_shared>>) target(%dma_start3A_139 : memref<496x128xf32, #tpu.memory_space<hbm>>) target_semaphore(%run_scoped3A : memref<!tpu.dma_semaphore, #tpu.memory_space<semaphore_mem>>)
        %dma_wait3A = arith.constant 0 : i32
        %dma_wait3A_142 = tpu.memref_slice %arg6[%add3A_138, %dma_wait3A] : memref<50000x128xf32, #tpu.memory_space<hbm>> -> memref<496x128xf32, #tpu.memory_space<hbm>>
        %dma_wait3A_143 = arith.constant 0 : i32
        %dma_wait3A_144 = tpu.memref_slice %arg7[%mul3A_133, %dma_wait3A_143] : memref<12520x128xf32, #tpu.memory_space<vmem_shared>> -> memref<496x128xf32, #tpu.memory_space<vmem_shared>>
        tpu.wait_dma2 semaphore(%run_scoped3A : memref<!tpu.dma_semaphore, #tpu.memory_space<semaphore_mem>>) src(%dma_wait3A_144 : memref<496x128xf32, #tpu.memory_space<vmem_shared>>) dst(%dma_wait3A_142 : memref<496x128xf32, #tpu.memory_space<hbm>>)
        tpu.yield
      }) : () -> ()
    } else {
    }
    %add3A_39 = arith.constant 16 : i32
    %add3A_40 = arith.addi %arg1, %add3A_39 : i32
    %lt3A_41 = arith.constant 22 : i32
    %lt3A_42 = arith.cmpi slt, %add3A_40, %lt3A_41 : i32
    %eq3A_43 = arith.constant 22 : i32
    %eq3A_44 = arith.cmpi eq, %add3A_40, %eq3A_43 : i32
    %lt3A_45 = arith.constant 3 : i32
    %lt3A_46 = arith.cmpi slt, %add3A_1, %lt3A_45 : i32
    %and3A_47 = arith.andi %eq3A_44, %lt3A_46 : i1
    %or3A_48 = arith.ori %lt3A_42, %and3A_47 : i1
    %convert_element_type3A_49 = arith.extui %or3A_48 : i1 to i32
    %cond3A_50 = arith.constant 0 : i32
    %cond3A_51 = arith.cmpi ne, %convert_element_type3A_49, %cond3A_50 : i32
    scf.if %cond3A_51 {
      %mul3A_132 = arith.constant 544 : i32
      %mul3A_133 = arith.muli %add3A_40, %mul3A_132 : i32
      %mul3A_134 = arith.constant 12512 : i32
      %mul3A_135 = arith.muli %add3A_1, %mul3A_134 : i32
      %mul3A_136 = arith.constant 544 : i32
      %mul3A_137 = arith.muli %add3A_40, %mul3A_136 : i32
      %add3A_138 = arith.addi %mul3A_135, %mul3A_137 : i32
      "tpu.region"() ({
        %run_scoped3A = tpu.sem_alloc : memref<!tpu.dma_semaphore, #tpu.memory_space<semaphore_mem>>
        %dma_start3A = arith.constant 0 : i32
        %dma_start3A_139 = tpu.memref_slice %arg6[%add3A_138, %dma_start3A] : memref<50000x128xf32, #tpu.memory_space<hbm>> -> memref<544x128xf32, #tpu.memory_space<hbm>>
        %dma_start3A_140 = arith.constant 0 : i32
        %dma_start3A_141 = tpu.memref_slice %arg7[%mul3A_133, %dma_start3A_140] : memref<12520x128xf32, #tpu.memory_space<vmem_shared>> -> memref<544x128xf32, #tpu.memory_space<vmem_shared>>
        tpu.enqueue_dma source(%dma_start3A_141 : memref<544x128xf32, #tpu.memory_space<vmem_shared>>) target(%dma_start3A_139 : memref<544x128xf32, #tpu.memory_space<hbm>>) target_semaphore(%run_scoped3A : memref<!tpu.dma_semaphore, #tpu.memory_space<semaphore_mem>>)
        %dma_wait3A = arith.constant 0 : i32
        %dma_wait3A_142 = tpu.memref_slice %arg6[%add3A_138, %dma_wait3A] : memref<50000x128xf32, #tpu.memory_space<hbm>> -> memref<544x128xf32, #tpu.memory_space<hbm>>
        %dma_wait3A_143 = arith.constant 0 : i32
        %dma_wait3A_144 = tpu.memref_slice %arg7[%mul3A_133, %dma_wait3A_143] : memref<12520x128xf32, #tpu.memory_space<vmem_shared>> -> memref<544x128xf32, #tpu.memory_space<vmem_shared>>
        tpu.wait_dma2 semaphore(%run_scoped3A : memref<!tpu.dma_semaphore, #tpu.memory_space<semaphore_mem>>) src(%dma_wait3A_144 : memref<544x128xf32, #tpu.memory_space<vmem_shared>>) dst(%dma_wait3A_142 : memref<544x128xf32, #tpu.memory_space<hbm>>)
        tpu.yield
      }) : () -> ()
    } else {
    }
    %eq3A_52 = arith.constant 22 : i32
    %eq3A_53 = arith.cmpi eq, %add3A_40, %eq3A_52 : i32
    %eq3A_54 = arith.constant 3 : i32
    %eq3A_55 = arith.cmpi eq, %add3A_1, %eq3A_54 : i32
    %and3A_56 = arith.andi %eq3A_53, %eq3A_55 : i1
    %convert_element_type3A_57 = arith.extui %and3A_56 : i1 to i32
    %cond3A_58 = arith.constant 0 : i32
    %cond3A_59 = arith.cmpi ne, %convert_element_type3A_57, %cond3A_58 : i32
    scf.if %cond3A_59 {
      %mul3A_132 = arith.constant 544 : i32
      %mul3A_133 = arith.muli %add3A_40, %mul3A_132 : i32
      %mul3A_134 = arith.constant 12512 : i32
      %mul3A_135 = arith.muli %add3A_1, %mul3A_134 : i32
      %mul3A_136 = arith.constant 544 : i32
      %mul3A_137 = arith.muli %add3A_40, %mul3A_136 : i32
      %add3A_138 = arith.addi %mul3A_135, %mul3A_137 : i32
      "tpu.region"() ({
        %run_scoped3A = tpu.sem_alloc : memref<!tpu.dma_semaphore, #tpu.memory_space<semaphore_mem>>
        %dma_start3A = arith.constant 0 : i32
        %dma_start3A_139 = tpu.memref_slice %arg6[%add3A_138, %dma_start3A] : memref<50000x128xf32, #tpu.memory_space<hbm>> -> memref<496x128xf32, #tpu.memory_space<hbm>>
        %dma_start3A_140 = arith.constant 0 : i32
        %dma_start3A_141 = tpu.memref_slice %arg7[%mul3A_133, %dma_start3A_140] : memref<12520x128xf32, #tpu.memory_space<vmem_shared>> -> memref<496x128xf32, #tpu.memory_space<vmem_shared>>
        tpu.enqueue_dma source(%dma_start3A_141 : memref<496x128xf32, #tpu.memory_space<vmem_shared>>) target(%dma_start3A_139 : memref<496x128xf32, #tpu.memory_space<hbm>>) target_semaphore(%run_scoped3A : memref<!tpu.dma_semaphore, #tpu.memory_space<semaphore_mem>>)
        %dma_wait3A = arith.constant 0 : i32
        %dma_wait3A_142 = tpu.memref_slice %arg6[%add3A_138, %dma_wait3A] : memref<50000x128xf32, #tpu.memory_space<hbm>> -> memref<496x128xf32, #tpu.memory_space<hbm>>
        %dma_wait3A_143 = arith.constant 0 : i32
        %dma_wait3A_144 = tpu.memref_slice %arg7[%mul3A_133, %dma_wait3A_143] : memref<12520x128xf32, #tpu.memory_space<vmem_shared>> -> memref<496x128xf32, #tpu.memory_space<vmem_shared>>
        tpu.wait_dma2 semaphore(%run_scoped3A : memref<!tpu.dma_semaphore, #tpu.memory_space<semaphore_mem>>) src(%dma_wait3A_144 : memref<496x128xf32, #tpu.memory_space<vmem_shared>>) dst(%dma_wait3A_142 : memref<496x128xf32, #tpu.memory_space<hbm>>)
        tpu.yield
      }) : () -> ()
    } else {
    }
    %barrier3A_60 = arith.constant 0 : index
    tpu.barrier barrier_id(%barrier3A_60)
    %mul3A_61 = arith.constant 2 : i32
    %mul3A_62 = arith.muli %arg0, %mul3A_61 : i32
    %add3A_63 = arith.constant 1 : i32
    %add3A_64 = arith.addi %mul3A_62, %add3A_63 : i32
    %mul3A_65 = arith.constant 12512 : i32
    %mul3A_66 = arith.muli %add3A_64, %mul3A_65 : i32
    %add3A_67 = arith.constant 0 : i32
    %add3A_68 = arith.addi %arg1, %add3A_67 : i32
    %lt3A_69 = arith.constant 23 : i32
    %lt3A_70 = arith.cmpi slt, %add3A_68, %lt3A_69 : i32
    %convert_element_type3A_71 = arith.extui %lt3A_70 : i1 to i32
    %cond3A_72 = arith.constant 0 : i32
    %cond3A_73 = arith.cmpi ne, %convert_element_type3A_71, %cond3A_72 : i32
    scf.if %cond3A_73 {
      %mul3A_132 = arith.constant 544 : i32
      %mul3A_133 = arith.muli %add3A_68, %mul3A_132 : i32
      %mul3A_134 = arith.constant 544 : i32
      %mul3A_135 = arith.muli %add3A_68, %mul3A_134 : i32
      "tpu.region"() ({
        %run_scoped3A = tpu.sem_alloc : memref<!tpu.dma_semaphore, #tpu.memory_space<semaphore_mem>>
        %dma_start3A = arith.constant 0 : i32
        %dma_start3A_136 = tpu.memref_slice %arg7[%mul3A_135, %dma_start3A] : memref<12520x128xf32, #tpu.memory_space<vmem_shared>> -> memref<544x128xf32, #tpu.memory_space<vmem_shared>>
        %dma_start3A_137 = arith.constant 0 : i32
        %dma_start3A_138 = tpu.memref_slice %arg5[%mul3A_133, %dma_start3A_137] : memref<12512x128xf32, #tpu.memory_space<hbm>> -> memref<544x128xf32, #tpu.memory_space<hbm>>
        tpu.enqueue_dma source(%dma_start3A_138 : memref<544x128xf32, #tpu.memory_space<hbm>>) target(%dma_start3A_136 : memref<544x128xf32, #tpu.memory_space<vmem_shared>>) target_semaphore(%run_scoped3A : memref<!tpu.dma_semaphore, #tpu.memory_space<semaphore_mem>>)
        %dma_wait3A = arith.constant 0 : i32
        %dma_wait3A_139 = tpu.memref_slice %arg7[%mul3A_135, %dma_wait3A] : memref<12520x128xf32, #tpu.memory_space<vmem_shared>> -> memref<544x128xf32, #tpu.memory_space<vmem_shared>>
        %dma_wait3A_140 = arith.constant 0 : i32
        %dma_wait3A_141 = tpu.memref_slice %arg5[%mul3A_133, %dma_wait3A_140] : memref<12512x128xf32, #tpu.memory_space<hbm>> -> memref<544x128xf32, #tpu.memory_space<hbm>>
        tpu.wait_dma2 semaphore(%run_scoped3A : memref<!tpu.dma_semaphore, #tpu.memory_space<semaphore_mem>>) src(%dma_wait3A_141 : memref<544x128xf32, #tpu.memory_space<hbm>>) dst(%dma_wait3A_139 : memref<544x128xf32, #tpu.memory_space<vmem_shared>>)
        tpu.yield
      }) : () -> ()
    } else {
    }
    %add3A_74 = arith.constant 16 : i32
    %add3A_75 = arith.addi %arg1, %add3A_74 : i32
    %lt3A_76 = arith.constant 23 : i32
    %lt3A_77 = arith.cmpi slt, %add3A_75, %lt3A_76 : i32
    %convert_element_type3A_78 = arith.extui %lt3A_77 : i1 to i32
    %cond3A_79 = arith.constant 0 : i32
    %cond3A_80 = arith.cmpi ne, %convert_element_type3A_78, %cond3A_79 : i32
    scf.if %cond3A_80 {
      %mul3A_132 = arith.constant 544 : i32
      %mul3A_133 = arith.muli %add3A_75, %mul3A_132 : i32
      %mul3A_134 = arith.constant 544 : i32
      %mul3A_135 = arith.muli %add3A_75, %mul3A_134 : i32
      "tpu.region"() ({
        %run_scoped3A = tpu.sem_alloc : memref<!tpu.dma_semaphore, #tpu.memory_space<semaphore_mem>>
        %dma_start3A = arith.constant 0 : i32
        %dma_start3A_136 = tpu.memref_slice %arg7[%mul3A_135, %dma_start3A] : memref<12520x128xf32, #tpu.memory_space<vmem_shared>> -> memref<544x128xf32, #tpu.memory_space<vmem_shared>>
        %dma_start3A_137 = arith.constant 0 : i32
        %dma_start3A_138 = tpu.memref_slice %arg5[%mul3A_133, %dma_start3A_137] : memref<12512x128xf32, #tpu.memory_space<hbm>> -> memref<544x128xf32, #tpu.memory_space<hbm>>
        tpu.enqueue_dma source(%dma_start3A_138 : memref<544x128xf32, #tpu.memory_space<hbm>>) target(%dma_start3A_136 : memref<544x128xf32, #tpu.memory_space<vmem_shared>>) target_semaphore(%run_scoped3A : memref<!tpu.dma_semaphore, #tpu.memory_space<semaphore_mem>>)
        %dma_wait3A = arith.constant 0 : i32
        %dma_wait3A_139 = tpu.memref_slice %arg7[%mul3A_135, %dma_wait3A] : memref<12520x128xf32, #tpu.memory_space<vmem_shared>> -> memref<544x128xf32, #tpu.memory_space<vmem_shared>>
        %dma_wait3A_140 = arith.constant 0 : i32
        %dma_wait3A_141 = tpu.memref_slice %arg5[%mul3A_133, %dma_wait3A_140] : memref<12512x128xf32, #tpu.memory_space<hbm>> -> memref<544x128xf32, #tpu.memory_space<hbm>>
        tpu.wait_dma2 semaphore(%run_scoped3A : memref<!tpu.dma_semaphore, #tpu.memory_space<semaphore_mem>>) src(%dma_wait3A_141 : memref<544x128xf32, #tpu.memory_space<hbm>>) dst(%dma_wait3A_139 : memref<544x128xf32, #tpu.memory_space<vmem_shared>>)
        tpu.yield
      }) : () -> ()
    } else {
    }
    %barrier3A_81 = arith.constant 0 : index
    tpu.barrier barrier_id(%barrier3A_81)
    %scan3A_82 = arith.constant 0 : i32
    %scan3A_83 = arith.constant 0 : i32
    %scan3A_84 = arith.constant 17 : i32
    %scan3A_85 = arith.addi %scan3A_83, %scan3A_84 : i32
    %scan3A_86 = arith.constant 1 : i32
    scf.for %scan3A_132 = %scan3A_83 to %scan3A_85 step %scan3A_86  : i32 {
      %mul3A_133 = arith.constant 16 : i32
      %mul3A_134 = arith.muli %scan3A_132, %mul3A_133 : i32
      %add3A_135 = arith.addi %arg1, %mul3A_134 : i32
      %lt3A_136 = arith.constant 264 : i32
      %lt3A_137 = arith.cmpi slt, %add3A_135, %lt3A_136 : i32
      %convert_element_type3A_138 = arith.extui %lt3A_137 : i1 to i32
      %cond3A_139 = arith.constant 0 : i32
      %cond3A_140 = arith.cmpi ne, %convert_element_type3A_138, %cond3A_139 : i32
      scf.if %cond3A_140 {
        "tpu.region"() ({
          %run_scoped3A_284 = tpu.sem_alloc : memref<!tpu.dma_semaphore, #tpu.memory_space<semaphore_mem>>
          %dma_start3A = arith.constant 0 : i32
          %dma_start3A_285 = arith.constant 0 : i32
          %dma_start3A_286 = tpu.memref_slice %arg3[%add3A_135, %dma_start3A, %dma_start3A_285] : memref<264x16x128xi32, #tpu.memory_space<hbm>> -> memref<1x16x128xi32, #tpu.memory_space<hbm>>
          %dma_start3A_287 = tpu.memref_squeeze %dma_start3A_286 : memref<1x16x128xi32, #tpu.memory_space<hbm>> -> memref<16x128xi32, #tpu.memory_space<hbm>>
          %dma_start3A_288 = arith.constant 0 : i32
          %dma_start3A_289 = arith.constant 0 : i32
          %dma_start3A_290 = tpu.memref_slice %arg3[%add3A_135, %dma_start3A_288, %dma_start3A_289] : memref<264x16x128xi32, #tpu.memory_space<hbm>> -> memref<1x16x128xi32, #tpu.memory_space<hbm>>
          %dma_start3A_291 = tpu.memref_squeeze %dma_start3A_290 : memref<1x16x128xi32, #tpu.memory_space<hbm>> -> memref<16x128xi32, #tpu.memory_space<hbm>>
          tpu.enqueue_dma source(%dma_start3A_291 : memref<16x128xi32, #tpu.memory_space<hbm>>) target(%arg8 : memref<16x128xi32, #tpu.memory_space<vmem>>) target_semaphore(%run_scoped3A_284 : memref<!tpu.dma_semaphore, #tpu.memory_space<semaphore_mem>>)
          %dma_wait3A = arith.constant 0 : i32
          %dma_wait3A_292 = arith.constant 0 : i32
          %dma_wait3A_293 = tpu.memref_slice %arg3[%add3A_135, %dma_wait3A, %dma_wait3A_292] : memref<264x16x128xi32, #tpu.memory_space<hbm>> -> memref<1x16x128xi32, #tpu.memory_space<hbm>>
          %dma_wait3A_294 = tpu.memref_squeeze %dma_wait3A_293 : memref<1x16x128xi32, #tpu.memory_space<hbm>> -> memref<16x128xi32, #tpu.memory_space<hbm>>
          %dma_wait3A_295 = arith.constant 0 : i32
          %dma_wait3A_296 = arith.constant 0 : i32
          %dma_wait3A_297 = tpu.memref_slice %arg3[%add3A_135, %dma_wait3A_295, %dma_wait3A_296] : memref<264x16x128xi32, #tpu.memory_space<hbm>> -> memref<1x16x128xi32, #tpu.memory_space<hbm>>
          %dma_wait3A_298 = tpu.memref_squeeze %dma_wait3A_297 : memref<1x16x128xi32, #tpu.memory_space<hbm>> -> memref<16x128xi32, #tpu.memory_space<hbm>>
          tpu.wait_dma2 semaphore(%run_scoped3A_284 : memref<!tpu.dma_semaphore, #tpu.memory_space<semaphore_mem>>) src(%dma_wait3A_298 : memref<16x128xi32, #tpu.memory_space<hbm>>) dst(%arg8 : memref<16x128xi32, #tpu.memory_space<vmem>>)
          tpu.yield
        }) : () -> ()
        "tpu.region"() ({
          %run_scoped3A_284 = tpu.sem_alloc : memref<!tpu.dma_semaphore, #tpu.memory_space<semaphore_mem>>
          %dma_start3A = arith.constant 0 : i32
          %dma_start3A_285 = arith.constant 0 : i32
          %dma_start3A_286 = tpu.memref_slice %arg4[%add3A_135, %dma_start3A, %dma_start3A_285] : memref<264x16x128xi32, #tpu.memory_space<hbm>> -> memref<1x16x128xi32, #tpu.memory_space<hbm>>
          %dma_start3A_287 = tpu.memref_squeeze %dma_start3A_286 : memref<1x16x128xi32, #tpu.memory_space<hbm>> -> memref<16x128xi32, #tpu.memory_space<hbm>>
          %dma_start3A_288 = arith.constant 0 : i32
          %dma_start3A_289 = arith.constant 0 : i32
          %dma_start3A_290 = tpu.memref_slice %arg4[%add3A_135, %dma_start3A_288, %dma_start3A_289] : memref<264x16x128xi32, #tpu.memory_space<hbm>> -> memref<1x16x128xi32, #tpu.memory_space<hbm>>
          %dma_start3A_291 = tpu.memref_squeeze %dma_start3A_290 : memref<1x16x128xi32, #tpu.memory_space<hbm>> -> memref<16x128xi32, #tpu.memory_space<hbm>>
          tpu.enqueue_dma source(%dma_start3A_291 : memref<16x128xi32, #tpu.memory_space<hbm>>) target(%arg9 : memref<16x128xi32, #tpu.memory_space<vmem>>) target_semaphore(%run_scoped3A_284 : memref<!tpu.dma_semaphore, #tpu.memory_space<semaphore_mem>>)
          %dma_wait3A = arith.constant 0 : i32
          %dma_wait3A_292 = arith.constant 0 : i32
          %dma_wait3A_293 = tpu.memref_slice %arg4[%add3A_135, %dma_wait3A, %dma_wait3A_292] : memref<264x16x128xi32, #tpu.memory_space<hbm>> -> memref<1x16x128xi32, #tpu.memory_space<hbm>>
          %dma_wait3A_294 = tpu.memref_squeeze %dma_wait3A_293 : memref<1x16x128xi32, #tpu.memory_space<hbm>> -> memref<16x128xi32, #tpu.memory_space<hbm>>
          %dma_wait3A_295 = arith.constant 0 : i32
          %dma_wait3A_296 = arith.constant 0 : i32
          %dma_wait3A_297 = tpu.memref_slice %arg4[%add3A_135, %dma_wait3A_295, %dma_wait3A_296] : memref<264x16x128xi32, #tpu.memory_space<hbm>> -> memref<1x16x128xi32, #tpu.memory_space<hbm>>
          %dma_wait3A_298 = tpu.memref_squeeze %dma_wait3A_297 : memref<1x16x128xi32, #tpu.memory_space<hbm>> -> memref<16x128xi32, #tpu.memory_space<hbm>>
          tpu.wait_dma2 semaphore(%run_scoped3A_284 : memref<!tpu.dma_semaphore, #tpu.memory_space<semaphore_mem>>) src(%dma_wait3A_298 : memref<16x128xi32, #tpu.memory_space<hbm>>) dst(%arg9 : memref<16x128xi32, #tpu.memory_space<vmem>>)
          tpu.yield
        }) : () -> ()
        %scan3A_141 = arith.constant 0 : i32
        %scan3A_142 = arith.constant 0 : i32
        %scan3A_143 = arith.constant 8 : i32
        %scan3A_144 = arith.addi %scan3A_142, %scan3A_143 : i32
        %scan3A_145 = arith.constant 1 : i32
        %scan3A_146 = scf.for %scan3A_284 = %scan3A_142 to %scan3A_144 step %scan3A_145 iter_args(%scan3A_285 = %scan3A_141) -> (i32)  : i32 {
          %mul3A_286 = arith.constant 16 : i32
          %mul3A_287 = arith.muli %scan3A_284, %mul3A_286 : i32
          %get3A = arith.constant 0 : i32
          %get3A_288 = arith.index_cast %get3A : i32 to index
          %get3A_289 = arith.index_cast %mul3A_287 : i32 to index
          %get3A_290 = tpu.vector_load %arg9[%get3A_288, %get3A_289] {strides = array<i32>} : memref<16x128xi32, #tpu.memory_space<vmem>>, vector<1x16xi32>,
          %get3A_291 = vector.shape_cast %get3A_290 : vector<1x16xi32> to vector<16xi32>
          %ge3A = vector.broadcast %mul3A_66 : i32 to vector<16xi32>
          %ge3A_292 = arith.cmpi sge, %get3A_291, %ge3A : vector<16xi32>
          %add3A_293 = arith.constant 12512 : i32
          %add3A_294 = arith.addi %mul3A_66, %add3A_293 : i32
          %lt3A_295 = vector.broadcast %add3A_294 : i32 to vector<16xi32>
          %lt3A_296 = arith.cmpi slt, %get3A_291, %lt3A_295 : vector<16xi32>
          %and3A_297 = arith.andi %ge3A_292, %lt3A_296 : vector<16xi1>
          %sub3A = vector.broadcast %mul3A_66 : i32 to vector<16xi32>
          %sub3A_298 = arith.subi %get3A_291, %sub3A : vector<16xi32>
          %jit3A = arith.constant 12512 : i32
          %broadcast_in_dim3A = vector.broadcast %jit3A : i32 to vector<16xi32>
          %select_n3A = arith.select %and3A_297, %sub3A_298, %broadcast_in_dim3A : vector<16xi1>, vector<16xi32>
          %mul3A_299 = arith.constant 16 : i32
          %mul3A_300 = arith.muli %scan3A_284, %mul3A_299 : i32
          %swap3A = arith.constant 0 : i32
          %swap3A_301 = arith.index_cast %swap3A : i32 to index
          %swap3A_302 = arith.index_cast %mul3A_300 : i32 to index
          %swap3A_303 = tpu.vector_load %arg10[%swap3A_301, %swap3A_302] {strides = array<i32>} : memref<16x128xi32, #tpu.memory_space<vmem>>, vector<1x16xi32>,
          %swap3A_304 = vector.shape_cast %swap3A_303 : vector<1x16xi32> to vector<16xi32>
          %swap3A_305 = vector.shape_cast %select_n3A : vector<16xi32> to vector<1x16xi32>
          tpu.vector_store %arg10[%swap3A_301, %swap3A_302], %swap3A_305 {strides = array<i32>} : memref<16x128xi32, #tpu.memory_space<vmem>>, vector<1x16xi32>,
          %scan3A_306 = arith.constant 0 : i32
          scf.yield %scan3A_306 : i32
        }
        %scan3A_147 = arith.constant 8 : i32
        %run_scoped3A = arith.constant 0 : i32
        "tpu.region"() ({
          %run_scoped3A_284 = tpu.sem_alloc : memref<!tpu.dma_semaphore, #tpu.memory_space<semaphore_mem>>
          %dma_start3A = arith.constant 0 : i32
          %dma_start3A_285 = tpu.memref_slice %arg8[%run_scoped3A, %dma_start3A] : memref<16x128xi32, #tpu.memory_space<vmem>> -> memref<1x128xi32, #tpu.memory_space<vmem>>
          %dma_start3A_286 = tpu.memref_squeeze %dma_start3A_285 : memref<1x128xi32, #tpu.memory_space<vmem>> -> memref<128xi32, #tpu.memory_space<vmem>>
          %dma_start3A_287 = arith.constant 0 : i32
          %dma_start3A_288 = arith.constant 0 : i32
          %dma_start3A_289 = tpu.memref_slice %arg2[%dma_start3A_287, %dma_start3A_288] : memref<1350000x128xf32, #tpu.memory_space<hbm>> -> memref<1350000x128xf32, #tpu.memory_space<hbm>>
          tpu.enqueue_indirect_dma source(%dma_start3A_289 : memref<1350000x128xf32, #tpu.memory_space<hbm>>) target(%arg11 : memref<128x128xf32, #tpu.memory_space<vmem>>) offsets(%dma_start3A_286 : memref<128xi32, #tpu.memory_space<vmem>>) semaphore(%run_scoped3A_284 : memref<!tpu.dma_semaphore, #tpu.memory_space<semaphore_mem>>)
          %dma_wait3A = arith.constant 0 : i32
          %dma_wait3A_290 = tpu.memref_slice %arg8[%run_scoped3A, %dma_wait3A] : memref<16x128xi32, #tpu.memory_space<vmem>> -> memref<1x128xi32, #tpu.memory_space<vmem>>
          %dma_wait3A_291 = tpu.memref_squeeze %dma_wait3A_290 : memref<1x128xi32, #tpu.memory_space<vmem>> -> memref<128xi32, #tpu.memory_space<vmem>>
          %dma_wait3A_292 = arith.constant 0 : i32
          %dma_wait3A_293 = arith.constant 0 : i32
          %dma_wait3A_294 = tpu.memref_slice %arg2[%dma_wait3A_292, %dma_wait3A_293] : memref<1350000x128xf32, #tpu.memory_space<hbm>> -> memref<1350000x128xf32, #tpu.memory_space<hbm>>
          tpu.wait_indirect_dma semaphore(%run_scoped3A_284 : memref<!tpu.dma_semaphore, #tpu.memory_space<semaphore_mem>>) src(%dma_wait3A_294 : memref<1350000x128xf32, #tpu.memory_space<hbm>>) dst(%arg11 : memref<128x128xf32, #tpu.memory_space<vmem>>)
          tpu.yield
        }) : () -> ()
        %run_scoped3A_148 = arith.constant 0 : i32
        "tpu.region"() ({
          %run_scoped3A_284 = tpu.sem_alloc : memref<!tpu.dma_semaphore, #tpu.memory_space<semaphore_mem>>
          %dma_start3A = arith.constant 0 : i32
          %dma_start3A_285 = tpu.memref_slice %arg10[%run_scoped3A_148, %dma_start3A] : memref<16x128xi32, #tpu.memory_space<vmem>> -> memref<1x128xi32, #tpu.memory_space<vmem>>
          %dma_start3A_286 = tpu.memref_squeeze %dma_start3A_285 : memref<1x128xi32, #tpu.memory_space<vmem>> -> memref<128xi32, #tpu.memory_space<vmem>>
          %dma_start3A_287 = arith.constant 0 : i32
          %dma_start3A_288 = arith.constant 0 : i32
          %dma_start3A_289 = tpu.memref_slice %arg7[%dma_start3A_287, %dma_start3A_288] : memref<12520x128xf32, #tpu.memory_space<vmem_shared>> -> memref<12520x128xf32, #tpu.memory_space<vmem_shared>>
          tpu.enqueue_indirect_dma source(%arg11 : memref<128x128xf32, #tpu.memory_space<vmem>>) target(%dma_start3A_289 : memref<12520x128xf32, #tpu.memory_space<vmem_shared>>) offsets(%dma_start3A_286 : memref<128xi32, #tpu.memory_space<vmem>>) semaphore(%run_scoped3A_284 : memref<!tpu.dma_semaphore, #tpu.memory_space<semaphore_mem>>) {add = true}
          %dma_wait3A = arith.constant 0 : i32
          %dma_wait3A_290 = tpu.memref_slice %arg10[%run_scoped3A_148, %dma_wait3A] : memref<16x128xi32, #tpu.memory_space<vmem>> -> memref<1x128xi32, #tpu.memory_space<vmem>>
          %dma_wait3A_291 = tpu.memref_squeeze %dma_wait3A_290 : memref<1x128xi32, #tpu.memory_space<vmem>> -> memref<128xi32, #tpu.memory_space<vmem>>
          %dma_wait3A_292 = arith.constant 0 : i32
          %dma_wait3A_293 = arith.constant 0 : i32
          %dma_wait3A_294 = tpu.memref_slice %arg7[%dma_wait3A_292, %dma_wait3A_293] : memref<12520x128xf32, #tpu.memory_space<vmem_shared>> -> memref<12520x128xf32, #tpu.memory_space<vmem_shared>>
          tpu.wait_indirect_dma semaphore(%run_scoped3A_284 : memref<!tpu.dma_semaphore, #tpu.memory_space<semaphore_mem>>) src(%arg11 : memref<128x128xf32, #tpu.memory_space<vmem>>) dst(%dma_wait3A_294 : memref<12520x128xf32, #tpu.memory_space<vmem_shared>>)
          tpu.yield
        }) : () -> ()
        %scan3A_149 = arith.constant 0 : i32
        %scan3A_150 = arith.constant 0 : i32
        %scan3A_151 = arith.constant 8 : i32
        %scan3A_152 = arith.addi %scan3A_150, %scan3A_151 : i32
        %scan3A_153 = arith.constant 1 : i32
        %scan3A_154 = scf.for %scan3A_284 = %scan3A_150 to %scan3A_152 step %scan3A_153 iter_args(%scan3A_285 = %scan3A_149) -> (i32)  : i32 {
          %mul3A_286 = arith.constant 16 : i32
          %mul3A_287 = arith.muli %scan3A_284, %mul3A_286 : i32
          %get3A = arith.constant 1 : i32
          %get3A_288 = arith.index_cast %get3A : i32 to index
          %get3A_289 = arith.index_cast %mul3A_287 : i32 to index
          %get3A_290 = tpu.vector_load %arg9[%get3A_288, %get3A_289] {strides = array<i32>} : memref<16x128xi32, #tpu.memory_space<vmem>>, vector<1x16xi32>,
          %get3A_291 = vector.shape_cast %get3A_290 : vector<1x16xi32> to vector<16xi32>
          %ge3A = vector.broadcast %mul3A_66 : i32 to vector<16xi32>
          %ge3A_292 = arith.cmpi sge, %get3A_291, %ge3A : vector<16xi32>
          %add3A_293 = arith.constant 12512 : i32
          %add3A_294 = arith.addi %mul3A_66, %add3A_293 : i32
          %lt3A_295 = vector.broadcast %add3A_294 : i32 to vector<16xi32>
          %lt3A_296 = arith.cmpi slt, %get3A_291, %lt3A_295 : vector<16xi32>
          %and3A_297 = arith.andi %ge3A_292, %lt3A_296 : vector<16xi1>
          %sub3A = vector.broadcast %mul3A_66 : i32 to vector<16xi32>
          %sub3A_298 = arith.subi %get3A_291, %sub3A : vector<16xi32>
          %jit3A = arith.constant 12512 : i32
          %broadcast_in_dim3A = vector.broadcast %jit3A : i32 to vector<16xi32>
          %select_n3A = arith.select %and3A_297, %sub3A_298, %broadcast_in_dim3A : vector<16xi1>, vector<16xi32>
          %mul3A_299 = arith.constant 16 : i32
          %mul3A_300 = arith.muli %scan3A_284, %mul3A_299 : i32
          %swap3A = arith.constant 1 : i32
          %swap3A_301 = arith.index_cast %swap3A : i32 to index
          %swap3A_302 = arith.index_cast %mul3A_300 : i32 to index
          %swap3A_303 = tpu.vector_load %arg10[%swap3A_301, %swap3A_302] {strides = array<i32>} : memref<16x128xi32, #tpu.memory_space<vmem>>, vector<1x16xi32>,
          %swap3A_304 = vector.shape_cast %swap3A_303 : vector<1x16xi32> to vector<16xi32>
          %swap3A_305 = vector.shape_cast %select_n3A : vector<16xi32> to vector<1x16xi32>
          tpu.vector_store %arg10[%swap3A_301, %swap3A_302], %swap3A_305 {strides = array<i32>} : memref<16x128xi32, #tpu.memory_space<vmem>>, vector<1x16xi32>,
          %scan3A_306 = arith.constant 0 : i32
          scf.yield %scan3A_306 : i32
        }
        %scan3A_155 = arith.constant 8 : i32
        %run_scoped3A_156 = arith.constant 1 : i32
        "tpu.region"() ({
          %run_scoped3A_284 = tpu.sem_alloc : memref<!tpu.dma_semaphore, #tpu.memory_space<semaphore_mem>>
          %dma_start3A = arith.constant 0 : i32
          %dma_start3A_285 = tpu.memref_slice %arg8[%run_scoped3A_156, %dma_start3A] : memref<16x128xi32, #tpu.memory_space<vmem>> -> memref<1x128xi32, #tpu.memory_space<vmem>>
          %dma_start3A_286 = tpu.memref_squeeze %dma_start3A_285 : memref<1x128xi32, #tpu.memory_space<vmem>> -> memref<128xi32, #tpu.memory_space<vmem>>
          %dma_start3A_287 = arith.constant 0 : i32
          %dma_start3A_288 = arith.constant 0 : i32
          %dma_start3A_289 = tpu.memref_slice %arg2[%dma_start3A_287, %dma_start3A_288] : memref<1350000x128xf32, #tpu.memory_space<hbm>> -> memref<1350000x128xf32, #tpu.memory_space<hbm>>
          tpu.enqueue_indirect_dma source(%dma_start3A_289 : memref<1350000x128xf32, #tpu.memory_space<hbm>>) target(%arg11 : memref<128x128xf32, #tpu.memory_space<vmem>>) offsets(%dma_start3A_286 : memref<128xi32, #tpu.memory_space<vmem>>) semaphore(%run_scoped3A_284 : memref<!tpu.dma_semaphore, #tpu.memory_space<semaphore_mem>>)
          %dma_wait3A = arith.constant 0 : i32
          %dma_wait3A_290 = tpu.memref_slice %arg8[%run_scoped3A_156, %dma_wait3A] : memref<16x128xi32, #tpu.memory_space<vmem>> -> memref<1x128xi32, #tpu.memory_space<vmem>>
          %dma_wait3A_291 = tpu.memref_squeeze %dma_wait3A_290 : memref<1x128xi32, #tpu.memory_space<vmem>> -> memref<128xi32, #tpu.memory_space<vmem>>
          %dma_wait3A_292 = arith.constant 0 : i32
          %dma_wait3A_293 = arith.constant 0 : i32
          %dma_wait3A_294 = tpu.memref_slice %arg2[%dma_wait3A_292, %dma_wait3A_293] : memref<1350000x128xf32, #tpu.memory_space<hbm>> -> memref<1350000x128xf32, #tpu.memory_space<hbm>>
          tpu.wait_indirect_dma semaphore(%run_scoped3A_284 : memref<!tpu.dma_semaphore, #tpu.memory_space<semaphore_mem>>) src(%dma_wait3A_294 : memref<1350000x128xf32, #tpu.memory_space<hbm>>) dst(%arg11 : memref<128x128xf32, #tpu.memory_space<vmem>>)
          tpu.yield
        }) : () -> ()
        %run_scoped3A_157 = arith.constant 1 : i32
        "tpu.region"() ({
          %run_scoped3A_284 = tpu.sem_alloc : memref<!tpu.dma_semaphore, #tpu.memory_space<semaphore_mem>>
          %dma_start3A = arith.constant 0 : i32
          %dma_start3A_285 = tpu.memref_slice %arg10[%run_scoped3A_157, %dma_start3A] : memref<16x128xi32, #tpu.memory_space<vmem>> -> memref<1x128xi32, #tpu.memory_space<vmem>>
          %dma_start3A_286 = tpu.memref_squeeze %dma_start3A_285 : memref<1x128xi32, #tpu.memory_space<vmem>> -> memref<128xi32, #tpu.memory_space<vmem>>
          %dma_start3A_287 = arith.constant 0 : i32
          %dma_start3A_288 = arith.constant 0 : i32
          %dma_start3A_289 = tpu.memref_slice %arg7[%dma_start3A_287, %dma_start3A_288] : memref<12520x128xf32, #tpu.memory_space<vmem_shared>> -> memref<12520x128xf32, #tpu.memory_space<vmem_shared>>
          tpu.enqueue_indirect_dma source(%arg11 : memref<128x128xf32, #tpu.memory_space<vmem>>) target(%dma_start3A_289 : memref<12520x128xf32, #tpu.memory_space<vmem_shared>>) offsets(%dma_start3A_286 : memref<128xi32, #tpu.memory_space<vmem>>) semaphore(%run_scoped3A_284 : memref<!tpu.dma_semaphore, #tpu.memory_space<semaphore_mem>>) {add = true}
          %dma_wait3A = arith.constant 0 : i32
          %dma_wait3A_290 = tpu.memref_slice %arg10[%run_scoped3A_157, %dma_wait3A] : memref<16x128xi32, #tpu.memory_space<vmem>> -> memref<1x128xi32, #tpu.memory_space<vmem>>
          %dma_wait3A_291 = tpu.memref_squeeze %dma_wait3A_290 : memref<1x128xi32, #tpu.memory_space<vmem>> -> memref<128xi32, #tpu.memory_space<vmem>>
          %dma_wait3A_292 = arith.constant 0 : i32
          %dma_wait3A_293 = arith.constant 0 : i32
          %dma_wait3A_294 = tpu.memref_slice %arg7[%dma_wait3A_292, %dma_wait3A_293] : memref<12520x128xf32, #tpu.memory_space<vmem_shared>> -> memref<12520x128xf32, #tpu.memory_space<vmem_shared>>
          tpu.wait_indirect_dma semaphore(%run_scoped3A_284 : memref<!tpu.dma_semaphore, #tpu.memory_space<semaphore_mem>>) src(%arg11 : memref<128x128xf32, #tpu.memory_space<vmem>>) dst(%dma_wait3A_294 : memref<12520x128xf32, #tpu.memory_space<vmem_shared>>)
          tpu.yield
        }) : () -> ()
        %scan3A_158 = arith.constant 0 : i32
        %scan3A_159 = arith.constant 0 : i32
        %scan3A_160 = arith.constant 8 : i32
        %scan3A_161 = arith.addi %scan3A_159, %scan3A_160 : i32
        %scan3A_162 = arith.constant 1 : i32
        %scan3A_163 = scf.for %scan3A_284 = %scan3A_159 to %scan3A_161 step %scan3A_162 iter_args(%scan3A_285 = %scan3A_158) -> (i32)  : i32 {
          %mul3A_286 = arith.constant 16 : i32
          %mul3A_287 = arith.muli %scan3A_284, %mul3A_286 : i32
          %get3A = arith.constant 2 : i32
          %get3A_288 = arith.index_cast %get3A : i32 to index
          %get3A_289 = arith.index_cast %mul3A_287 : i32 to index
          %get3A_290 = tpu.vector_load %arg9[%get3A_288, %get3A_289] {strides = array<i32>} : memref<16x128xi32, #tpu.memory_space<vmem>>, vector<1x16xi32>,
          %get3A_291 = vector.shape_cast %get3A_290 : vector<1x16xi32> to vector<16xi32>
          %ge3A = vector.broadcast %mul3A_66 : i32 to vector<16xi32>
          %ge3A_292 = arith.cmpi sge, %get3A_291, %ge3A : vector<16xi32>
          %add3A_293 = arith.constant 12512 : i32
          %add3A_294 = arith.addi %mul3A_66, %add3A_293 : i32
          %lt3A_295 = vector.broadcast %add3A_294 : i32 to vector<16xi32>
          %lt3A_296 = arith.cmpi slt, %get3A_291, %lt3A_295 : vector<16xi32>
          %and3A_297 = arith.andi %ge3A_292, %lt3A_296 : vector<16xi1>
          %sub3A = vector.broadcast %mul3A_66 : i32 to vector<16xi32>
          %sub3A_298 = arith.subi %get3A_291, %sub3A : vector<16xi32>
          %jit3A = arith.constant 12512 : i32
          %broadcast_in_dim3A = vector.broadcast %jit3A : i32 to vector<16xi32>
          %select_n3A = arith.select %and3A_297, %sub3A_298, %broadcast_in_dim3A : vector<16xi1>, vector<16xi32>
          %mul3A_299 = arith.constant 16 : i32
          %mul3A_300 = arith.muli %scan3A_284, %mul3A_299 : i32
          %swap3A = arith.constant 2 : i32
          %swap3A_301 = arith.index_cast %swap3A : i32 to index
          %swap3A_302 = arith.index_cast %mul3A_300 : i32 to index
          %swap3A_303 = tpu.vector_load %arg10[%swap3A_301, %swap3A_302] {strides = array<i32>} : memref<16x128xi32, #tpu.memory_space<vmem>>, vector<1x16xi32>,
          %swap3A_304 = vector.shape_cast %swap3A_303 : vector<1x16xi32> to vector<16xi32>
          %swap3A_305 = vector.shape_cast %select_n3A : vector<16xi32> to vector<1x16xi32>
          tpu.vector_store %arg10[%swap3A_301, %swap3A_302], %swap3A_305 {strides = array<i32>} : memref<16x128xi32, #tpu.memory_space<vmem>>, vector<1x16xi32>,
          %scan3A_306 = arith.constant 0 : i32
          scf.yield %scan3A_306 : i32
        }
        %scan3A_164 = arith.constant 8 : i32
        %run_scoped3A_165 = arith.constant 2 : i32
        "tpu.region"() ({
          %run_scoped3A_284 = tpu.sem_alloc : memref<!tpu.dma_semaphore, #tpu.memory_space<semaphore_mem>>
          %dma_start3A = arith.constant 0 : i32
          %dma_start3A_285 = tpu.memref_slice %arg8[%run_scoped3A_165, %dma_start3A] : memref<16x128xi32, #tpu.memory_space<vmem>> -> memref<1x128xi32, #tpu.memory_space<vmem>>
          %dma_start3A_286 = tpu.memref_squeeze %dma_start3A_285 : memref<1x128xi32, #tpu.memory_space<vmem>> -> memref<128xi32, #tpu.memory_space<vmem>>
          %dma_start3A_287 = arith.constant 0 : i32
          %dma_start3A_288 = arith.constant 0 : i32
          %dma_start3A_289 = tpu.memref_slice %arg2[%dma_start3A_287, %dma_start3A_288] : memref<1350000x128xf32, #tpu.memory_space<hbm>> -> memref<1350000x128xf32, #tpu.memory_space<hbm>>
          tpu.enqueue_indirect_dma source(%dma_start3A_289 : memref<1350000x128xf32, #tpu.memory_space<hbm>>) target(%arg11 : memref<128x128xf32, #tpu.memory_space<vmem>>) offsets(%dma_start3A_286 : memref<128xi32, #tpu.memory_space<vmem>>) semaphore(%run_scoped3A_284 : memref<!tpu.dma_semaphore, #tpu.memory_space<semaphore_mem>>)
          %dma_wait3A = arith.constant 0 : i32
          %dma_wait3A_290 = tpu.memref_slice %arg8[%run_scoped3A_165, %dma_wait3A] : memref<16x128xi32, #tpu.memory_space<vmem>> -> memref<1x128xi32, #tpu.memory_space<vmem>>
          %dma_wait3A_291 = tpu.memref_squeeze %dma_wait3A_290 : memref<1x128xi32, #tpu.memory_space<vmem>> -> memref<128xi32, #tpu.memory_space<vmem>>
          %dma_wait3A_292 = arith.constant 0 : i32
          %dma_wait3A_293 = arith.constant 0 : i32
          %dma_wait3A_294 = tpu.memref_slice %arg2[%dma_wait3A_292, %dma_wait3A_293] : memref<1350000x128xf32, #tpu.memory_space<hbm>> -> memref<1350000x128xf32, #tpu.memory_space<hbm>>
          tpu.wait_indirect_dma semaphore(%run_scoped3A_284 : memref<!tpu.dma_semaphore, #tpu.memory_space<semaphore_mem>>) src(%dma_wait3A_294 : memref<1350000x128xf32, #tpu.memory_space<hbm>>) dst(%arg11 : memref<128x128xf32, #tpu.memory_space<vmem>>)
          tpu.yield
        }) : () -> ()
        %run_scoped3A_166 = arith.constant 2 : i32
        "tpu.region"() ({
          %run_scoped3A_284 = tpu.sem_alloc : memref<!tpu.dma_semaphore, #tpu.memory_space<semaphore_mem>>
          %dma_start3A = arith.constant 0 : i32
          %dma_start3A_285 = tpu.memref_slice %arg10[%run_scoped3A_166, %dma_start3A] : memref<16x128xi32, #tpu.memory_space<vmem>> -> memref<1x128xi32, #tpu.memory_space<vmem>>
          %dma_start3A_286 = tpu.memref_squeeze %dma_start3A_285 : memref<1x128xi32, #tpu.memory_space<vmem>> -> memref<128xi32, #tpu.memory_space<vmem>>
          %dma_start3A_287 = arith.constant 0 : i32
          %dma_start3A_288 = arith.constant 0 : i32
          %dma_start3A_289 = tpu.memref_slice %arg7[%dma_start3A_287, %dma_start3A_288] : memref<12520x128xf32, #tpu.memory_space<vmem_shared>> -> memref<12520x128xf32, #tpu.memory_space<vmem_shared>>
          tpu.enqueue_indirect_dma source(%arg11 : memref<128x128xf32, #tpu.memory_space<vmem>>) target(%dma_start3A_289 : memref<12520x128xf32, #tpu.memory_space<vmem_shared>>) offsets(%dma_start3A_286 : memref<128xi32, #tpu.memory_space<vmem>>) semaphore(%run_scoped3A_284 : memref<!tpu.dma_semaphore, #tpu.memory_space<semaphore_mem>>) {add = true}
          %dma_wait3A = arith.constant 0 : i32
          %dma_wait3A_290 = tpu.memref_slice %arg10[%run_scoped3A_166, %dma_wait3A] : memref<16x128xi32, #tpu.memory_space<vmem>> -> memref<1x128xi32, #tpu.memory_space<vmem>>
          %dma_wait3A_291 = tpu.memref_squeeze %dma_wait3A_290 : memref<1x128xi32, #tpu.memory_space<vmem>> -> memref<128xi32, #tpu.memory_space<vmem>>
          %dma_wait3A_292 = arith.constant 0 : i32
          %dma_wait3A_293 = arith.constant 0 : i32
          %dma_wait3A_294 = tpu.memref_slice %arg7[%dma_wait3A_292, %dma_wait3A_293] : memref<12520x128xf32, #tpu.memory_space<vmem_shared>> -> memref<12520x128xf32, #tpu.memory_space<vmem_shared>>
          tpu.wait_indirect_dma semaphore(%run_scoped3A_284 : memref<!tpu.dma_semaphore, #tpu.memory_space<semaphore_mem>>) src(%arg11 : memref<128x128xf32, #tpu.memory_space<vmem>>) dst(%dma_wait3A_294 : memref<12520x128xf32, #tpu.memory_space<vmem_shared>>)
          tpu.yield
        }) : () -> ()
        %scan3A_167 = arith.constant 0 : i32
        %scan3A_168 = arith.constant 0 : i32
        %scan3A_169 = arith.constant 8 : i32
        %scan3A_170 = arith.addi %scan3A_168, %scan3A_169 : i32
        %scan3A_171 = arith.constant 1 : i32
        %scan3A_172 = scf.for %scan3A_284 = %scan3A_168 to %scan3A_170 step %scan3A_171 iter_args(%scan3A_285 = %scan3A_167) -> (i32)  : i32 {
          %mul3A_286 = arith.constant 16 : i32
          %mul3A_287 = arith.muli %scan3A_284, %mul3A_286 : i32
          %get3A = arith.constant 3 : i32
          %get3A_288 = arith.index_cast %get3A : i32 to index
          %get3A_289 = arith.index_cast %mul3A_287 : i32 to index
          %get3A_290 = tpu.vector_load %arg9[%get3A_288, %get3A_289] {strides = array<i32>} : memref<16x128xi32, #tpu.memory_space<vmem>>, vector<1x16xi32>,
          %get3A_291 = vector.shape_cast %get3A_290 : vector<1x16xi32> to vector<16xi32>
          %ge3A = vector.broadcast %mul3A_66 : i32 to vector<16xi32>
          %ge3A_292 = arith.cmpi sge, %get3A_291, %ge3A : vector<16xi32>
          %add3A_293 = arith.constant 12512 : i32
          %add3A_294 = arith.addi %mul3A_66, %add3A_293 : i32
          %lt3A_295 = vector.broadcast %add3A_294 : i32 to vector<16xi32>
          %lt3A_296 = arith.cmpi slt, %get3A_291, %lt3A_295 : vector<16xi32>
          %and3A_297 = arith.andi %ge3A_292, %lt3A_296 : vector<16xi1>
          %sub3A = vector.broadcast %mul3A_66 : i32 to vector<16xi32>
          %sub3A_298 = arith.subi %get3A_291, %sub3A : vector<16xi32>
          %jit3A = arith.constant 12512 : i32
          %broadcast_in_dim3A = vector.broadcast %jit3A : i32 to vector<16xi32>
          %select_n3A = arith.select %and3A_297, %sub3A_298, %broadcast_in_dim3A : vector<16xi1>, vector<16xi32>
          %mul3A_299 = arith.constant 16 : i32
          %mul3A_300 = arith.muli %scan3A_284, %mul3A_299 : i32
          %swap3A = arith.constant 3 : i32
          %swap3A_301 = arith.index_cast %swap3A : i32 to index
          %swap3A_302 = arith.index_cast %mul3A_300 : i32 to index
          %swap3A_303 = tpu.vector_load %arg10[%swap3A_301, %swap3A_302] {strides = array<i32>} : memref<16x128xi32, #tpu.memory_space<vmem>>, vector<1x16xi32>,
          %swap3A_304 = vector.shape_cast %swap3A_303 : vector<1x16xi32> to vector<16xi32>
          %swap3A_305 = vector.shape_cast %select_n3A : vector<16xi32> to vector<1x16xi32>
          tpu.vector_store %arg10[%swap3A_301, %swap3A_302], %swap3A_305 {strides = array<i32>} : memref<16x128xi32, #tpu.memory_space<vmem>>, vector<1x16xi32>,
          %scan3A_306 = arith.constant 0 : i32
          scf.yield %scan3A_306 : i32
        }
        %scan3A_173 = arith.constant 8 : i32
        %run_scoped3A_174 = arith.constant 3 : i32
        "tpu.region"() ({
          %run_scoped3A_284 = tpu.sem_alloc : memref<!tpu.dma_semaphore, #tpu.memory_space<semaphore_mem>>
          %dma_start3A = arith.constant 0 : i32
          %dma_start3A_285 = tpu.memref_slice %arg8[%run_scoped3A_174, %dma_start3A] : memref<16x128xi32, #tpu.memory_space<vmem>> -> memref<1x128xi32, #tpu.memory_space<vmem>>
          %dma_start3A_286 = tpu.memref_squeeze %dma_start3A_285 : memref<1x128xi32, #tpu.memory_space<vmem>> -> memref<128xi32, #tpu.memory_space<vmem>>
          %dma_start3A_287 = arith.constant 0 : i32
          %dma_start3A_288 = arith.constant 0 : i32
          %dma_start3A_289 = tpu.memref_slice %arg2[%dma_start3A_287, %dma_start3A_288] : memref<1350000x128xf32, #tpu.memory_space<hbm>> -> memref<1350000x128xf32, #tpu.memory_space<hbm>>
          tpu.enqueue_indirect_dma source(%dma_start3A_289 : memref<1350000x128xf32, #tpu.memory_space<hbm>>) target(%arg11 : memref<128x128xf32, #tpu.memory_space<vmem>>) offsets(%dma_start3A_286 : memref<128xi32, #tpu.memory_space<vmem>>) semaphore(%run_scoped3A_284 : memref<!tpu.dma_semaphore, #tpu.memory_space<semaphore_mem>>)
          %dma_wait3A = arith.constant 0 : i32
          %dma_wait3A_290 = tpu.memref_slice %arg8[%run_scoped3A_174, %dma_wait3A] : memref<16x128xi32, #tpu.memory_space<vmem>> -> memref<1x128xi32, #tpu.memory_space<vmem>>
          %dma_wait3A_291 = tpu.memref_squeeze %dma_wait3A_290 : memref<1x128xi32, #tpu.memory_space<vmem>> -> memref<128xi32, #tpu.memory_space<vmem>>
          %dma_wait3A_292 = arith.constant 0 : i32
          %dma_wait3A_293 = arith.constant 0 : i32
          %dma_wait3A_294 = tpu.memref_slice %arg2[%dma_wait3A_292, %dma_wait3A_293] : memref<1350000x128xf32, #tpu.memory_space<hbm>> -> memref<1350000x128xf32, #tpu.memory_space<hbm>>
          tpu.wait_indirect_dma semaphore(%run_scoped3A_284 : memref<!tpu.dma_semaphore, #tpu.memory_space<semaphore_mem>>) src(%dma_wait3A_294 : memref<1350000x128xf32, #tpu.memory_space<hbm>>) dst(%arg11 : memref<128x128xf32, #tpu.memory_space<vmem>>)
          tpu.yield
        }) : () -> ()
        %run_scoped3A_175 = arith.constant 3 : i32
        "tpu.region"() ({
          %run_scoped3A_284 = tpu.sem_alloc : memref<!tpu.dma_semaphore, #tpu.memory_space<semaphore_mem>>
          %dma_start3A = arith.constant 0 : i32
          %dma_start3A_285 = tpu.memref_slice %arg10[%run_scoped3A_175, %dma_start3A] : memref<16x128xi32, #tpu.memory_space<vmem>> -> memref<1x128xi32, #tpu.memory_space<vmem>>
          %dma_start3A_286 = tpu.memref_squeeze %dma_start3A_285 : memref<1x128xi32, #tpu.memory_space<vmem>> -> memref<128xi32, #tpu.memory_space<vmem>>
          %dma_start3A_287 = arith.constant 0 : i32
          %dma_start3A_288 = arith.constant 0 : i32
          %dma_start3A_289 = tpu.memref_slice %arg7[%dma_start3A_287, %dma_start3A_288] : memref<12520x128xf32, #tpu.memory_space<vmem_shared>> -> memref<12520x128xf32, #tpu.memory_space<vmem_shared>>
          tpu.enqueue_indirect_dma source(%arg11 : memref<128x128xf32, #tpu.memory_space<vmem>>) target(%dma_start3A_289 : memref<12520x128xf32, #tpu.memory_space<vmem_shared>>) offsets(%dma_start3A_286 : memref<128xi32, #tpu.memory_space<vmem>>) semaphore(%run_scoped3A_284 : memref<!tpu.dma_semaphore, #tpu.memory_space<semaphore_mem>>) {add = true}
          %dma_wait3A = arith.constant 0 : i32
          %dma_wait3A_290 = tpu.memref_slice %arg10[%run_scoped3A_175, %dma_wait3A] : memref<16x128xi32, #tpu.memory_space<vmem>> -> memref<1x128xi32, #tpu.memory_space<vmem>>
          %dma_wait3A_291 = tpu.memref_squeeze %dma_wait3A_290 : memref<1x128xi32, #tpu.memory_space<vmem>> -> memref<128xi32, #tpu.memory_space<vmem>>
          %dma_wait3A_292 = arith.constant 0 : i32
          %dma_wait3A_293 = arith.constant 0 : i32
          %dma_wait3A_294 = tpu.memref_slice %arg7[%dma_wait3A_292, %dma_wait3A_293] : memref<12520x128xf32, #tpu.memory_space<vmem_shared>> -> memref<12520x128xf32, #tpu.memory_space<vmem_shared>>
          tpu.wait_indirect_dma semaphore(%run_scoped3A_284 : memref<!tpu.dma_semaphore, #tpu.memory_space<semaphore_mem>>) src(%arg11 : memref<128x128xf32, #tpu.memory_space<vmem>>) dst(%dma_wait3A_294 : memref<12520x128xf32, #tpu.memory_space<vmem_shared>>)
          tpu.yield
        }) : () -> ()
        %scan3A_176 = arith.constant 0 : i32
        %scan3A_177 = arith.constant 0 : i32
        %scan3A_178 = arith.constant 8 : i32
        %scan3A_179 = arith.addi %scan3A_177, %scan3A_178 : i32
        %scan3A_180 = arith.constant 1 : i32
        %scan3A_181 = scf.for %scan3A_284 = %scan3A_177 to %scan3A_179 step %scan3A_180 iter_args(%scan3A_285 = %scan3A_176) -> (i32)  : i32 {
          %mul3A_286 = arith.constant 16 : i32
          %mul3A_287 = arith.muli %scan3A_284, %mul3A_286 : i32
          %get3A = arith.constant 4 : i32
          %get3A_288 = arith.index_cast %get3A : i32 to index
          %get3A_289 = arith.index_cast %mul3A_287 : i32 to index
          %get3A_290 = tpu.vector_load %arg9[%get3A_288, %get3A_289] {strides = array<i32>} : memref<16x128xi32, #tpu.memory_space<vmem>>, vector<1x16xi32>,
          %get3A_291 = vector.shape_cast %get3A_290 : vector<1x16xi32> to vector<16xi32>
          %ge3A = vector.broadcast %mul3A_66 : i32 to vector<16xi32>
          %ge3A_292 = arith.cmpi sge, %get3A_291, %ge3A : vector<16xi32>
          %add3A_293 = arith.constant 12512 : i32
          %add3A_294 = arith.addi %mul3A_66, %add3A_293 : i32
          %lt3A_295 = vector.broadcast %add3A_294 : i32 to vector<16xi32>
          %lt3A_296 = arith.cmpi slt, %get3A_291, %lt3A_295 : vector<16xi32>
          %and3A_297 = arith.andi %ge3A_292, %lt3A_296 : vector<16xi1>
          %sub3A = vector.broadcast %mul3A_66 : i32 to vector<16xi32>
          %sub3A_298 = arith.subi %get3A_291, %sub3A : vector<16xi32>
          %jit3A = arith.constant 12512 : i32
          %broadcast_in_dim3A = vector.broadcast %jit3A : i32 to vector<16xi32>
          %select_n3A = arith.select %and3A_297, %sub3A_298, %broadcast_in_dim3A : vector<16xi1>, vector<16xi32>
          %mul3A_299 = arith.constant 16 : i32
          %mul3A_300 = arith.muli %scan3A_284, %mul3A_299 : i32
          %swap3A = arith.constant 4 : i32
          %swap3A_301 = arith.index_cast %swap3A : i32 to index
          %swap3A_302 = arith.index_cast %mul3A_300 : i32 to index
          %swap3A_303 = tpu.vector_load %arg10[%swap3A_301, %swap3A_302] {strides = array<i32>} : memref<16x128xi32, #tpu.memory_space<vmem>>, vector<1x16xi32>,
          %swap3A_304 = vector.shape_cast %swap3A_303 : vector<1x16xi32> to vector<16xi32>
          %swap3A_305 = vector.shape_cast %select_n3A : vector<16xi32> to vector<1x16xi32>
          tpu.vector_store %arg10[%swap3A_301, %swap3A_302], %swap3A_305 {strides = array<i32>} : memref<16x128xi32, #tpu.memory_space<vmem>>, vector<1x16xi32>,
          %scan3A_306 = arith.constant 0 : i32
          scf.yield %scan3A_306 : i32
        }
        %scan3A_182 = arith.constant 8 : i32
        %run_scoped3A_183 = arith.constant 4 : i32
        "tpu.region"() ({
          %run_scoped3A_284 = tpu.sem_alloc : memref<!tpu.dma_semaphore, #tpu.memory_space<semaphore_mem>>
          %dma_start3A = arith.constant 0 : i32
          %dma_start3A_285 = tpu.memref_slice %arg8[%run_scoped3A_183, %dma_start3A] : memref<16x128xi32, #tpu.memory_space<vmem>> -> memref<1x128xi32, #tpu.memory_space<vmem>>
          %dma_start3A_286 = tpu.memref_squeeze %dma_start3A_285 : memref<1x128xi32, #tpu.memory_space<vmem>> -> memref<128xi32, #tpu.memory_space<vmem>>
          %dma_start3A_287 = arith.constant 0 : i32
          %dma_start3A_288 = arith.constant 0 : i32
          %dma_start3A_289 = tpu.memref_slice %arg2[%dma_start3A_287, %dma_start3A_288] : memref<1350000x128xf32, #tpu.memory_space<hbm>> -> memref<1350000x128xf32, #tpu.memory_space<hbm>>
          tpu.enqueue_indirect_dma source(%dma_start3A_289 : memref<1350000x128xf32, #tpu.memory_space<hbm>>) target(%arg11 : memref<128x128xf32, #tpu.memory_space<vmem>>) offsets(%dma_start3A_286 : memref<128xi32, #tpu.memory_space<vmem>>) semaphore(%run_scoped3A_284 : memref<!tpu.dma_semaphore, #tpu.memory_space<semaphore_mem>>)
          %dma_wait3A = arith.constant 0 : i32
          %dma_wait3A_290 = tpu.memref_slice %arg8[%run_scoped3A_183, %dma_wait3A] : memref<16x128xi32, #tpu.memory_space<vmem>> -> memref<1x128xi32, #tpu.memory_space<vmem>>
          %dma_wait3A_291 = tpu.memref_squeeze %dma_wait3A_290 : memref<1x128xi32, #tpu.memory_space<vmem>> -> memref<128xi32, #tpu.memory_space<vmem>>
          %dma_wait3A_292 = arith.constant 0 : i32
          %dma_wait3A_293 = arith.constant 0 : i32
          %dma_wait3A_294 = tpu.memref_slice %arg2[%dma_wait3A_292, %dma_wait3A_293] : memref<1350000x128xf32, #tpu.memory_space<hbm>> -> memref<1350000x128xf32, #tpu.memory_space<hbm>>
          tpu.wait_indirect_dma semaphore(%run_scoped3A_284 : memref<!tpu.dma_semaphore, #tpu.memory_space<semaphore_mem>>) src(%dma_wait3A_294 : memref<1350000x128xf32, #tpu.memory_space<hbm>>) dst(%arg11 : memref<128x128xf32, #tpu.memory_space<vmem>>)
          tpu.yield
        }) : () -> ()
        %run_scoped3A_184 = arith.constant 4 : i32
        "tpu.region"() ({
          %run_scoped3A_284 = tpu.sem_alloc : memref<!tpu.dma_semaphore, #tpu.memory_space<semaphore_mem>>
          %dma_start3A = arith.constant 0 : i32
          %dma_start3A_285 = tpu.memref_slice %arg10[%run_scoped3A_184, %dma_start3A] : memref<16x128xi32, #tpu.memory_space<vmem>> -> memref<1x128xi32, #tpu.memory_space<vmem>>
          %dma_start3A_286 = tpu.memref_squeeze %dma_start3A_285 : memref<1x128xi32, #tpu.memory_space<vmem>> -> memref<128xi32, #tpu.memory_space<vmem>>
          %dma_start3A_287 = arith.constant 0 : i32
          %dma_start3A_288 = arith.constant 0 : i32
          %dma_start3A_289 = tpu.memref_slice %arg7[%dma_start3A_287, %dma_start3A_288] : memref<12520x128xf32, #tpu.memory_space<vmem_shared>> -> memref<12520x128xf32, #tpu.memory_space<vmem_shared>>
          tpu.enqueue_indirect_dma source(%arg11 : memref<128x128xf32, #tpu.memory_space<vmem>>) target(%dma_start3A_289 : memref<12520x128xf32, #tpu.memory_space<vmem_shared>>) offsets(%dma_start3A_286 : memref<128xi32, #tpu.memory_space<vmem>>) semaphore(%run_scoped3A_284 : memref<!tpu.dma_semaphore, #tpu.memory_space<semaphore_mem>>) {add = true}
          %dma_wait3A = arith.constant 0 : i32
          %dma_wait3A_290 = tpu.memref_slice %arg10[%run_scoped3A_184, %dma_wait3A] : memref<16x128xi32, #tpu.memory_space<vmem>> -> memref<1x128xi32, #tpu.memory_space<vmem>>
          %dma_wait3A_291 = tpu.memref_squeeze %dma_wait3A_290 : memref<1x128xi32, #tpu.memory_space<vmem>> -> memref<128xi32, #tpu.memory_space<vmem>>
          %dma_wait3A_292 = arith.constant 0 : i32
          %dma_wait3A_293 = arith.constant 0 : i32
          %dma_wait3A_294 = tpu.memref_slice %arg7[%dma_wait3A_292, %dma_wait3A_293] : memref<12520x128xf32, #tpu.memory_space<vmem_shared>> -> memref<12520x128xf32, #tpu.memory_space<vmem_shared>>
          tpu.wait_indirect_dma semaphore(%run_scoped3A_284 : memref<!tpu.dma_semaphore, #tpu.memory_space<semaphore_mem>>) src(%arg11 : memref<128x128xf32, #tpu.memory_space<vmem>>) dst(%dma_wait3A_294 : memref<12520x128xf32, #tpu.memory_space<vmem_shared>>)
          tpu.yield
        }) : () -> ()
        %scan3A_185 = arith.constant 0 : i32
        %scan3A_186 = arith.constant 0 : i32
        %scan3A_187 = arith.constant 8 : i32
        %scan3A_188 = arith.addi %scan3A_186, %scan3A_187 : i32
        %scan3A_189 = arith.constant 1 : i32
        %scan3A_190 = scf.for %scan3A_284 = %scan3A_186 to %scan3A_188 step %scan3A_189 iter_args(%scan3A_285 = %scan3A_185) -> (i32)  : i32 {
          %mul3A_286 = arith.constant 16 : i32
          %mul3A_287 = arith.muli %scan3A_284, %mul3A_286 : i32
          %get3A = arith.constant 5 : i32
          %get3A_288 = arith.index_cast %get3A : i32 to index
          %get3A_289 = arith.index_cast %mul3A_287 : i32 to index
          %get3A_290 = tpu.vector_load %arg9[%get3A_288, %get3A_289] {strides = array<i32>} : memref<16x128xi32, #tpu.memory_space<vmem>>, vector<1x16xi32>,
          %get3A_291 = vector.shape_cast %get3A_290 : vector<1x16xi32> to vector<16xi32>
          %ge3A = vector.broadcast %mul3A_66 : i32 to vector<16xi32>
          %ge3A_292 = arith.cmpi sge, %get3A_291, %ge3A : vector<16xi32>
          %add3A_293 = arith.constant 12512 : i32
          %add3A_294 = arith.addi %mul3A_66, %add3A_293 : i32
          %lt3A_295 = vector.broadcast %add3A_294 : i32 to vector<16xi32>
          %lt3A_296 = arith.cmpi slt, %get3A_291, %lt3A_295 : vector<16xi32>
          %and3A_297 = arith.andi %ge3A_292, %lt3A_296 : vector<16xi1>
          %sub3A = vector.broadcast %mul3A_66 : i32 to vector<16xi32>
          %sub3A_298 = arith.subi %get3A_291, %sub3A : vector<16xi32>
          %jit3A = arith.constant 12512 : i32
          %broadcast_in_dim3A = vector.broadcast %jit3A : i32 to vector<16xi32>
          %select_n3A = arith.select %and3A_297, %sub3A_298, %broadcast_in_dim3A : vector<16xi1>, vector<16xi32>
          %mul3A_299 = arith.constant 16 : i32
          %mul3A_300 = arith.muli %scan3A_284, %mul3A_299 : i32
          %swap3A = arith.constant 5 : i32
          %swap3A_301 = arith.index_cast %swap3A : i32 to index
          %swap3A_302 = arith.index_cast %mul3A_300 : i32 to index
          %swap3A_303 = tpu.vector_load %arg10[%swap3A_301, %swap3A_302] {strides = array<i32>} : memref<16x128xi32, #tpu.memory_space<vmem>>, vector<1x16xi32>,
          %swap3A_304 = vector.shape_cast %swap3A_303 : vector<1x16xi32> to vector<16xi32>
          %swap3A_305 = vector.shape_cast %select_n3A : vector<16xi32> to vector<1x16xi32>
          tpu.vector_store %arg10[%swap3A_301, %swap3A_302], %swap3A_305 {strides = array<i32>} : memref<16x128xi32, #tpu.memory_space<vmem>>, vector<1x16xi32>,
          %scan3A_306 = arith.constant 0 : i32
          scf.yield %scan3A_306 : i32
        }
        %scan3A_191 = arith.constant 8 : i32
        %run_scoped3A_192 = arith.constant 5 : i32
        "tpu.region"() ({
          %run_scoped3A_284 = tpu.sem_alloc : memref<!tpu.dma_semaphore, #tpu.memory_space<semaphore_mem>>
          %dma_start3A = arith.constant 0 : i32
          %dma_start3A_285 = tpu.memref_slice %arg8[%run_scoped3A_192, %dma_start3A] : memref<16x128xi32, #tpu.memory_space<vmem>> -> memref<1x128xi32, #tpu.memory_space<vmem>>
          %dma_start3A_286 = tpu.memref_squeeze %dma_start3A_285 : memref<1x128xi32, #tpu.memory_space<vmem>> -> memref<128xi32, #tpu.memory_space<vmem>>
          %dma_start3A_287 = arith.constant 0 : i32
          %dma_start3A_288 = arith.constant 0 : i32
          %dma_start3A_289 = tpu.memref_slice %arg2[%dma_start3A_287, %dma_start3A_288] : memref<1350000x128xf32, #tpu.memory_space<hbm>> -> memref<1350000x128xf32, #tpu.memory_space<hbm>>
          tpu.enqueue_indirect_dma source(%dma_start3A_289 : memref<1350000x128xf32, #tpu.memory_space<hbm>>) target(%arg11 : memref<128x128xf32, #tpu.memory_space<vmem>>) offsets(%dma_start3A_286 : memref<128xi32, #tpu.memory_space<vmem>>) semaphore(%run_scoped3A_284 : memref<!tpu.dma_semaphore, #tpu.memory_space<semaphore_mem>>)
          %dma_wait3A = arith.constant 0 : i32
          %dma_wait3A_290 = tpu.memref_slice %arg8[%run_scoped3A_192, %dma_wait3A] : memref<16x128xi32, #tpu.memory_space<vmem>> -> memref<1x128xi32, #tpu.memory_space<vmem>>
          %dma_wait3A_291 = tpu.memref_squeeze %dma_wait3A_290 : memref<1x128xi32, #tpu.memory_space<vmem>> -> memref<128xi32, #tpu.memory_space<vmem>>
          %dma_wait3A_292 = arith.constant 0 : i32
          %dma_wait3A_293 = arith.constant 0 : i32
          %dma_wait3A_294 = tpu.memref_slice %arg2[%dma_wait3A_292, %dma_wait3A_293] : memref<1350000x128xf32, #tpu.memory_space<hbm>> -> memref<1350000x128xf32, #tpu.memory_space<hbm>>
          tpu.wait_indirect_dma semaphore(%run_scoped3A_284 : memref<!tpu.dma_semaphore, #tpu.memory_space<semaphore_mem>>) src(%dma_wait3A_294 : memref<1350000x128xf32, #tpu.memory_space<hbm>>) dst(%arg11 : memref<128x128xf32, #tpu.memory_space<vmem>>)
          tpu.yield
        }) : () -> ()
        %run_scoped3A_193 = arith.constant 5 : i32
        "tpu.region"() ({
          %run_scoped3A_284 = tpu.sem_alloc : memref<!tpu.dma_semaphore, #tpu.memory_space<semaphore_mem>>
          %dma_start3A = arith.constant 0 : i32
          %dma_start3A_285 = tpu.memref_slice %arg10[%run_scoped3A_193, %dma_start3A] : memref<16x128xi32, #tpu.memory_space<vmem>> -> memref<1x128xi32, #tpu.memory_space<vmem>>
          %dma_start3A_286 = tpu.memref_squeeze %dma_start3A_285 : memref<1x128xi32, #tpu.memory_space<vmem>> -> memref<128xi32, #tpu.memory_space<vmem>>
          %dma_start3A_287 = arith.constant 0 : i32
          %dma_start3A_288 = arith.constant 0 : i32
          %dma_start3A_289 = tpu.memref_slice %arg7[%dma_start3A_287, %dma_start3A_288] : memref<12520x128xf32, #tpu.memory_space<vmem_shared>> -> memref<12520x128xf32, #tpu.memory_space<vmem_shared>>
          tpu.enqueue_indirect_dma source(%arg11 : memref<128x128xf32, #tpu.memory_space<vmem>>) target(%dma_start3A_289 : memref<12520x128xf32, #tpu.memory_space<vmem_shared>>) offsets(%dma_start3A_286 : memref<128xi32, #tpu.memory_space<vmem>>) semaphore(%run_scoped3A_284 : memref<!tpu.dma_semaphore, #tpu.memory_space<semaphore_mem>>) {add = true}
          %dma_wait3A = arith.constant 0 : i32
          %dma_wait3A_290 = tpu.memref_slice %arg10[%run_scoped3A_193, %dma_wait3A] : memref<16x128xi32, #tpu.memory_space<vmem>> -> memref<1x128xi32, #tpu.memory_space<vmem>>
          %dma_wait3A_291 = tpu.memref_squeeze %dma_wait3A_290 : memref<1x128xi32, #tpu.memory_space<vmem>> -> memref<128xi32, #tpu.memory_space<vmem>>
          %dma_wait3A_292 = arith.constant 0 : i32
          %dma_wait3A_293 = arith.constant 0 : i32
          %dma_wait3A_294 = tpu.memref_slice %arg7[%dma_wait3A_292, %dma_wait3A_293] : memref<12520x128xf32, #tpu.memory_space<vmem_shared>> -> memref<12520x128xf32, #tpu.memory_space<vmem_shared>>
          tpu.wait_indirect_dma semaphore(%run_scoped3A_284 : memref<!tpu.dma_semaphore, #tpu.memory_space<semaphore_mem>>) src(%arg11 : memref<128x128xf32, #tpu.memory_space<vmem>>) dst(%dma_wait3A_294 : memref<12520x128xf32, #tpu.memory_space<vmem_shared>>)
          tpu.yield
        }) : () -> ()
        %scan3A_194 = arith.constant 0 : i32
        %scan3A_195 = arith.constant 0 : i32
        %scan3A_196 = arith.constant 8 : i32
        %scan3A_197 = arith.addi %scan3A_195, %scan3A_196 : i32
        %scan3A_198 = arith.constant 1 : i32
        %scan3A_199 = scf.for %scan3A_284 = %scan3A_195 to %scan3A_197 step %scan3A_198 iter_args(%scan3A_285 = %scan3A_194) -> (i32)  : i32 {
          %mul3A_286 = arith.constant 16 : i32
          %mul3A_287 = arith.muli %scan3A_284, %mul3A_286 : i32
          %get3A = arith.constant 6 : i32
          %get3A_288 = arith.index_cast %get3A : i32 to index
          %get3A_289 = arith.index_cast %mul3A_287 : i32 to index
          %get3A_290 = tpu.vector_load %arg9[%get3A_288, %get3A_289] {strides = array<i32>} : memref<16x128xi32, #tpu.memory_space<vmem>>, vector<1x16xi32>,
          %get3A_291 = vector.shape_cast %get3A_290 : vector<1x16xi32> to vector<16xi32>
          %ge3A = vector.broadcast %mul3A_66 : i32 to vector<16xi32>
          %ge3A_292 = arith.cmpi sge, %get3A_291, %ge3A : vector<16xi32>
          %add3A_293 = arith.constant 12512 : i32
          %add3A_294 = arith.addi %mul3A_66, %add3A_293 : i32
          %lt3A_295 = vector.broadcast %add3A_294 : i32 to vector<16xi32>
          %lt3A_296 = arith.cmpi slt, %get3A_291, %lt3A_295 : vector<16xi32>
          %and3A_297 = arith.andi %ge3A_292, %lt3A_296 : vector<16xi1>
          %sub3A = vector.broadcast %mul3A_66 : i32 to vector<16xi32>
          %sub3A_298 = arith.subi %get3A_291, %sub3A : vector<16xi32>
          %jit3A = arith.constant 12512 : i32
          %broadcast_in_dim3A = vector.broadcast %jit3A : i32 to vector<16xi32>
          %select_n3A = arith.select %and3A_297, %sub3A_298, %broadcast_in_dim3A : vector<16xi1>, vector<16xi32>
          %mul3A_299 = arith.constant 16 : i32
          %mul3A_300 = arith.muli %scan3A_284, %mul3A_299 : i32
          %swap3A = arith.constant 6 : i32
          %swap3A_301 = arith.index_cast %swap3A : i32 to index
          %swap3A_302 = arith.index_cast %mul3A_300 : i32 to index
          %swap3A_303 = tpu.vector_load %arg10[%swap3A_301, %swap3A_302] {strides = array<i32>} : memref<16x128xi32, #tpu.memory_space<vmem>>, vector<1x16xi32>,
          %swap3A_304 = vector.shape_cast %swap3A_303 : vector<1x16xi32> to vector<16xi32>
          %swap3A_305 = vector.shape_cast %select_n3A : vector<16xi32> to vector<1x16xi32>
          tpu.vector_store %arg10[%swap3A_301, %swap3A_302], %swap3A_305 {strides = array<i32>} : memref<16x128xi32, #tpu.memory_space<vmem>>, vector<1x16xi32>,
          %scan3A_306 = arith.constant 0 : i32
          scf.yield %scan3A_306 : i32
        }
        %scan3A_200 = arith.constant 8 : i32
        %run_scoped3A_201 = arith.constant 6 : i32
        "tpu.region"() ({
          %run_scoped3A_284 = tpu.sem_alloc : memref<!tpu.dma_semaphore, #tpu.memory_space<semaphore_mem>>
          %dma_start3A = arith.constant 0 : i32
          %dma_start3A_285 = tpu.memref_slice %arg8[%run_scoped3A_201, %dma_start3A] : memref<16x128xi32, #tpu.memory_space<vmem>> -> memref<1x128xi32, #tpu.memory_space<vmem>>
          %dma_start3A_286 = tpu.memref_squeeze %dma_start3A_285 : memref<1x128xi32, #tpu.memory_space<vmem>> -> memref<128xi32, #tpu.memory_space<vmem>>
          %dma_start3A_287 = arith.constant 0 : i32
          %dma_start3A_288 = arith.constant 0 : i32
          %dma_start3A_289 = tpu.memref_slice %arg2[%dma_start3A_287, %dma_start3A_288] : memref<1350000x128xf32, #tpu.memory_space<hbm>> -> memref<1350000x128xf32, #tpu.memory_space<hbm>>
          tpu.enqueue_indirect_dma source(%dma_start3A_289 : memref<1350000x128xf32, #tpu.memory_space<hbm>>) target(%arg11 : memref<128x128xf32, #tpu.memory_space<vmem>>) offsets(%dma_start3A_286 : memref<128xi32, #tpu.memory_space<vmem>>) semaphore(%run_scoped3A_284 : memref<!tpu.dma_semaphore, #tpu.memory_space<semaphore_mem>>)
          %dma_wait3A = arith.constant 0 : i32
          %dma_wait3A_290 = tpu.memref_slice %arg8[%run_scoped3A_201, %dma_wait3A] : memref<16x128xi32, #tpu.memory_space<vmem>> -> memref<1x128xi32, #tpu.memory_space<vmem>>
          %dma_wait3A_291 = tpu.memref_squeeze %dma_wait3A_290 : memref<1x128xi32, #tpu.memory_space<vmem>> -> memref<128xi32, #tpu.memory_space<vmem>>
          %dma_wait3A_292 = arith.constant 0 : i32
          %dma_wait3A_293 = arith.constant 0 : i32
          %dma_wait3A_294 = tpu.memref_slice %arg2[%dma_wait3A_292, %dma_wait3A_293] : memref<1350000x128xf32, #tpu.memory_space<hbm>> -> memref<1350000x128xf32, #tpu.memory_space<hbm>>
          tpu.wait_indirect_dma semaphore(%run_scoped3A_284 : memref<!tpu.dma_semaphore, #tpu.memory_space<semaphore_mem>>) src(%dma_wait3A_294 : memref<1350000x128xf32, #tpu.memory_space<hbm>>) dst(%arg11 : memref<128x128xf32, #tpu.memory_space<vmem>>)
          tpu.yield
        }) : () -> ()
        %run_scoped3A_202 = arith.constant 6 : i32
        "tpu.region"() ({
          %run_scoped3A_284 = tpu.sem_alloc : memref<!tpu.dma_semaphore, #tpu.memory_space<semaphore_mem>>
          %dma_start3A = arith.constant 0 : i32
          %dma_start3A_285 = tpu.memref_slice %arg10[%run_scoped3A_202, %dma_start3A] : memref<16x128xi32, #tpu.memory_space<vmem>> -> memref<1x128xi32, #tpu.memory_space<vmem>>
          %dma_start3A_286 = tpu.memref_squeeze %dma_start3A_285 : memref<1x128xi32, #tpu.memory_space<vmem>> -> memref<128xi32, #tpu.memory_space<vmem>>
          %dma_start3A_287 = arith.constant 0 : i32
          %dma_start3A_288 = arith.constant 0 : i32
          %dma_start3A_289 = tpu.memref_slice %arg7[%dma_start3A_287, %dma_start3A_288] : memref<12520x128xf32, #tpu.memory_space<vmem_shared>> -> memref<12520x128xf32, #tpu.memory_space<vmem_shared>>
          tpu.enqueue_indirect_dma source(%arg11 : memref<128x128xf32, #tpu.memory_space<vmem>>) target(%dma_start3A_289 : memref<12520x128xf32, #tpu.memory_space<vmem_shared>>) offsets(%dma_start3A_286 : memref<128xi32, #tpu.memory_space<vmem>>) semaphore(%run_scoped3A_284 : memref<!tpu.dma_semaphore, #tpu.memory_space<semaphore_mem>>) {add = true}
          %dma_wait3A = arith.constant 0 : i32
          %dma_wait3A_290 = tpu.memref_slice %arg10[%run_scoped3A_202, %dma_wait3A] : memref<16x128xi32, #tpu.memory_space<vmem>> -> memref<1x128xi32, #tpu.memory_space<vmem>>
          %dma_wait3A_291 = tpu.memref_squeeze %dma_wait3A_290 : memref<1x128xi32, #tpu.memory_space<vmem>> -> memref<128xi32, #tpu.memory_space<vmem>>
          %dma_wait3A_292 = arith.constant 0 : i32
          %dma_wait3A_293 = arith.constant 0 : i32
          %dma_wait3A_294 = tpu.memref_slice %arg7[%dma_wait3A_292, %dma_wait3A_293] : memref<12520x128xf32, #tpu.memory_space<vmem_shared>> -> memref<12520x128xf32, #tpu.memory_space<vmem_shared>>
          tpu.wait_indirect_dma semaphore(%run_scoped3A_284 : memref<!tpu.dma_semaphore, #tpu.memory_space<semaphore_mem>>) src(%arg11 : memref<128x128xf32, #tpu.memory_space<vmem>>) dst(%dma_wait3A_294 : memref<12520x128xf32, #tpu.memory_space<vmem_shared>>)
          tpu.yield
        }) : () -> ()
        %scan3A_203 = arith.constant 0 : i32
        %scan3A_204 = arith.constant 0 : i32
        %scan3A_205 = arith.constant 8 : i32
        %scan3A_206 = arith.addi %scan3A_204, %scan3A_205 : i32
        %scan3A_207 = arith.constant 1 : i32
        %scan3A_208 = scf.for %scan3A_284 = %scan3A_204 to %scan3A_206 step %scan3A_207 iter_args(%scan3A_285 = %scan3A_203) -> (i32)  : i32 {
          %mul3A_286 = arith.constant 16 : i32
          %mul3A_287 = arith.muli %scan3A_284, %mul3A_286 : i32
          %get3A = arith.constant 7 : i32
          %get3A_288 = arith.index_cast %get3A : i32 to index
          %get3A_289 = arith.index_cast %mul3A_287 : i32 to index
          %get3A_290 = tpu.vector_load %arg9[%get3A_288, %get3A_289] {strides = array<i32>} : memref<16x128xi32, #tpu.memory_space<vmem>>, vector<1x16xi32>,
          %get3A_291 = vector.shape_cast %get3A_290 : vector<1x16xi32> to vector<16xi32>
          %ge3A = vector.broadcast %mul3A_66 : i32 to vector<16xi32>
          %ge3A_292 = arith.cmpi sge, %get3A_291, %ge3A : vector<16xi32>
          %add3A_293 = arith.constant 12512 : i32
          %add3A_294 = arith.addi %mul3A_66, %add3A_293 : i32
          %lt3A_295 = vector.broadcast %add3A_294 : i32 to vector<16xi32>
          %lt3A_296 = arith.cmpi slt, %get3A_291, %lt3A_295 : vector<16xi32>
          %and3A_297 = arith.andi %ge3A_292, %lt3A_296 : vector<16xi1>
          %sub3A = vector.broadcast %mul3A_66 : i32 to vector<16xi32>
          %sub3A_298 = arith.subi %get3A_291, %sub3A : vector<16xi32>
          %jit3A = arith.constant 12512 : i32
          %broadcast_in_dim3A = vector.broadcast %jit3A : i32 to vector<16xi32>
          %select_n3A = arith.select %and3A_297, %sub3A_298, %broadcast_in_dim3A : vector<16xi1>, vector<16xi32>
          %mul3A_299 = arith.constant 16 : i32
          %mul3A_300 = arith.muli %scan3A_284, %mul3A_299 : i32
          %swap3A = arith.constant 7 : i32
          %swap3A_301 = arith.index_cast %swap3A : i32 to index
          %swap3A_302 = arith.index_cast %mul3A_300 : i32 to index
          %swap3A_303 = tpu.vector_load %arg10[%swap3A_301, %swap3A_302] {strides = array<i32>} : memref<16x128xi32, #tpu.memory_space<vmem>>, vector<1x16xi32>,
          %swap3A_304 = vector.shape_cast %swap3A_303 : vector<1x16xi32> to vector<16xi32>
          %swap3A_305 = vector.shape_cast %select_n3A : vector<16xi32> to vector<1x16xi32>
          tpu.vector_store %arg10[%swap3A_301, %swap3A_302], %swap3A_305 {strides = array<i32>} : memref<16x128xi32, #tpu.memory_space<vmem>>, vector<1x16xi32>,
          %scan3A_306 = arith.constant 0 : i32
          scf.yield %scan3A_306 : i32
        }
        %scan3A_209 = arith.constant 8 : i32
        %run_scoped3A_210 = arith.constant 7 : i32
        "tpu.region"() ({
          %run_scoped3A_284 = tpu.sem_alloc : memref<!tpu.dma_semaphore, #tpu.memory_space<semaphore_mem>>
          %dma_start3A = arith.constant 0 : i32
          %dma_start3A_285 = tpu.memref_slice %arg8[%run_scoped3A_210, %dma_start3A] : memref<16x128xi32, #tpu.memory_space<vmem>> -> memref<1x128xi32, #tpu.memory_space<vmem>>
          %dma_start3A_286 = tpu.memref_squeeze %dma_start3A_285 : memref<1x128xi32, #tpu.memory_space<vmem>> -> memref<128xi32, #tpu.memory_space<vmem>>
          %dma_start3A_287 = arith.constant 0 : i32
          %dma_start3A_288 = arith.constant 0 : i32
          %dma_start3A_289 = tpu.memref_slice %arg2[%dma_start3A_287, %dma_start3A_288] : memref<1350000x128xf32, #tpu.memory_space<hbm>> -> memref<1350000x128xf32, #tpu.memory_space<hbm>>
          tpu.enqueue_indirect_dma source(%dma_start3A_289 : memref<1350000x128xf32, #tpu.memory_space<hbm>>) target(%arg11 : memref<128x128xf32, #tpu.memory_space<vmem>>) offsets(%dma_start3A_286 : memref<128xi32, #tpu.memory_space<vmem>>) semaphore(%run_scoped3A_284 : memref<!tpu.dma_semaphore, #tpu.memory_space<semaphore_mem>>)
          %dma_wait3A = arith.constant 0 : i32
          %dma_wait3A_290 = tpu.memref_slice %arg8[%run_scoped3A_210, %dma_wait3A] : memref<16x128xi32, #tpu.memory_space<vmem>> -> memref<1x128xi32, #tpu.memory_space<vmem>>
          %dma_wait3A_291 = tpu.memref_squeeze %dma_wait3A_290 : memref<1x128xi32, #tpu.memory_space<vmem>> -> memref<128xi32, #tpu.memory_space<vmem>>
          %dma_wait3A_292 = arith.constant 0 : i32
          %dma_wait3A_293 = arith.constant 0 : i32
          %dma_wait3A_294 = tpu.memref_slice %arg2[%dma_wait3A_292, %dma_wait3A_293] : memref<1350000x128xf32, #tpu.memory_space<hbm>> -> memref<1350000x128xf32, #tpu.memory_space<hbm>>
          tpu.wait_indirect_dma semaphore(%run_scoped3A_284 : memref<!tpu.dma_semaphore, #tpu.memory_space<semaphore_mem>>) src(%dma_wait3A_294 : memref<1350000x128xf32, #tpu.memory_space<hbm>>) dst(%arg11 : memref<128x128xf32, #tpu.memory_space<vmem>>)
          tpu.yield
        }) : () -> ()
        %run_scoped3A_211 = arith.constant 7 : i32
        "tpu.region"() ({
          %run_scoped3A_284 = tpu.sem_alloc : memref<!tpu.dma_semaphore, #tpu.memory_space<semaphore_mem>>
          %dma_start3A = arith.constant 0 : i32
          %dma_start3A_285 = tpu.memref_slice %arg10[%run_scoped3A_211, %dma_start3A] : memref<16x128xi32, #tpu.memory_space<vmem>> -> memref<1x128xi32, #tpu.memory_space<vmem>>
          %dma_start3A_286 = tpu.memref_squeeze %dma_start3A_285 : memref<1x128xi32, #tpu.memory_space<vmem>> -> memref<128xi32, #tpu.memory_space<vmem>>
          %dma_start3A_287 = arith.constant 0 : i32
          %dma_start3A_288 = arith.constant 0 : i32
          %dma_start3A_289 = tpu.memref_slice %arg7[%dma_start3A_287, %dma_start3A_288] : memref<12520x128xf32, #tpu.memory_space<vmem_shared>> -> memref<12520x128xf32, #tpu.memory_space<vmem_shared>>
          tpu.enqueue_indirect_dma source(%arg11 : memref<128x128xf32, #tpu.memory_space<vmem>>) target(%dma_start3A_289 : memref<12520x128xf32, #tpu.memory_space<vmem_shared>>) offsets(%dma_start3A_286 : memref<128xi32, #tpu.memory_space<vmem>>) semaphore(%run_scoped3A_284 : memref<!tpu.dma_semaphore, #tpu.memory_space<semaphore_mem>>) {add = true}
          %dma_wait3A = arith.constant 0 : i32
          %dma_wait3A_290 = tpu.memref_slice %arg10[%run_scoped3A_211, %dma_wait3A] : memref<16x128xi32, #tpu.memory_space<vmem>> -> memref<1x128xi32, #tpu.memory_space<vmem>>
          %dma_wait3A_291 = tpu.memref_squeeze %dma_wait3A_290 : memref<1x128xi32, #tpu.memory_space<vmem>> -> memref<128xi32, #tpu.memory_space<vmem>>
          %dma_wait3A_292 = arith.constant 0 : i32
          %dma_wait3A_293 = arith.constant 0 : i32
          %dma_wait3A_294 = tpu.memref_slice %arg7[%dma_wait3A_292, %dma_wait3A_293] : memref<12520x128xf32, #tpu.memory_space<vmem_shared>> -> memref<12520x128xf32, #tpu.memory_space<vmem_shared>>
          tpu.wait_indirect_dma semaphore(%run_scoped3A_284 : memref<!tpu.dma_semaphore, #tpu.memory_space<semaphore_mem>>) src(%arg11 : memref<128x128xf32, #tpu.memory_space<vmem>>) dst(%dma_wait3A_294 : memref<12520x128xf32, #tpu.memory_space<vmem_shared>>)
          tpu.yield
        }) : () -> ()
        %scan3A_212 = arith.constant 0 : i32
        %scan3A_213 = arith.constant 0 : i32
        %scan3A_214 = arith.constant 8 : i32
        %scan3A_215 = arith.addi %scan3A_213, %scan3A_214 : i32
        %scan3A_216 = arith.constant 1 : i32
        %scan3A_217 = scf.for %scan3A_284 = %scan3A_213 to %scan3A_215 step %scan3A_216 iter_args(%scan3A_285 = %scan3A_212) -> (i32)  : i32 {
          %mul3A_286 = arith.constant 16 : i32
          %mul3A_287 = arith.muli %scan3A_284, %mul3A_286 : i32
          %get3A = arith.constant 8 : i32
          %get3A_288 = arith.index_cast %get3A : i32 to index
          %get3A_289 = arith.index_cast %mul3A_287 : i32 to index
          %get3A_290 = tpu.vector_load %arg9[%get3A_288, %get3A_289] {strides = array<i32>} : memref<16x128xi32, #tpu.memory_space<vmem>>, vector<1x16xi32>,
          %get3A_291 = vector.shape_cast %get3A_290 : vector<1x16xi32> to vector<16xi32>
          %ge3A = vector.broadcast %mul3A_66 : i32 to vector<16xi32>
          %ge3A_292 = arith.cmpi sge, %get3A_291, %ge3A : vector<16xi32>
          %add3A_293 = arith.constant 12512 : i32
          %add3A_294 = arith.addi %mul3A_66, %add3A_293 : i32
          %lt3A_295 = vector.broadcast %add3A_294 : i32 to vector<16xi32>
          %lt3A_296 = arith.cmpi slt, %get3A_291, %lt3A_295 : vector<16xi32>
          %and3A_297 = arith.andi %ge3A_292, %lt3A_296 : vector<16xi1>
          %sub3A = vector.broadcast %mul3A_66 : i32 to vector<16xi32>
          %sub3A_298 = arith.subi %get3A_291, %sub3A : vector<16xi32>
          %jit3A = arith.constant 12512 : i32
          %broadcast_in_dim3A = vector.broadcast %jit3A : i32 to vector<16xi32>
          %select_n3A = arith.select %and3A_297, %sub3A_298, %broadcast_in_dim3A : vector<16xi1>, vector<16xi32>
          %mul3A_299 = arith.constant 16 : i32
          %mul3A_300 = arith.muli %scan3A_284, %mul3A_299 : i32
          %swap3A = arith.constant 8 : i32
          %swap3A_301 = arith.index_cast %swap3A : i32 to index
          %swap3A_302 = arith.index_cast %mul3A_300 : i32 to index
          %swap3A_303 = tpu.vector_load %arg10[%swap3A_301, %swap3A_302] {strides = array<i32>} : memref<16x128xi32, #tpu.memory_space<vmem>>, vector<1x16xi32>,
          %swap3A_304 = vector.shape_cast %swap3A_303 : vector<1x16xi32> to vector<16xi32>
          %swap3A_305 = vector.shape_cast %select_n3A : vector<16xi32> to vector<1x16xi32>
          tpu.vector_store %arg10[%swap3A_301, %swap3A_302], %swap3A_305 {strides = array<i32>} : memref<16x128xi32, #tpu.memory_space<vmem>>, vector<1x16xi32>,
          %scan3A_306 = arith.constant 0 : i32
          scf.yield %scan3A_306 : i32
        }
        %scan3A_218 = arith.constant 8 : i32
        %run_scoped3A_219 = arith.constant 8 : i32
        "tpu.region"() ({
          %run_scoped3A_284 = tpu.sem_alloc : memref<!tpu.dma_semaphore, #tpu.memory_space<semaphore_mem>>
          %dma_start3A = arith.constant 0 : i32
          %dma_start3A_285 = tpu.memref_slice %arg8[%run_scoped3A_219, %dma_start3A] : memref<16x128xi32, #tpu.memory_space<vmem>> -> memref<1x128xi32, #tpu.memory_space<vmem>>
          %dma_start3A_286 = tpu.memref_squeeze %dma_start3A_285 : memref<1x128xi32, #tpu.memory_space<vmem>> -> memref<128xi32, #tpu.memory_space<vmem>>
          %dma_start3A_287 = arith.constant 0 : i32
          %dma_start3A_288 = arith.constant 0 : i32
          %dma_start3A_289 = tpu.memref_slice %arg2[%dma_start3A_287, %dma_start3A_288] : memref<1350000x128xf32, #tpu.memory_space<hbm>> -> memref<1350000x128xf32, #tpu.memory_space<hbm>>
          tpu.enqueue_indirect_dma source(%dma_start3A_289 : memref<1350000x128xf32, #tpu.memory_space<hbm>>) target(%arg11 : memref<128x128xf32, #tpu.memory_space<vmem>>) offsets(%dma_start3A_286 : memref<128xi32, #tpu.memory_space<vmem>>) semaphore(%run_scoped3A_284 : memref<!tpu.dma_semaphore, #tpu.memory_space<semaphore_mem>>)
          %dma_wait3A = arith.constant 0 : i32
          %dma_wait3A_290 = tpu.memref_slice %arg8[%run_scoped3A_219, %dma_wait3A] : memref<16x128xi32, #tpu.memory_space<vmem>> -> memref<1x128xi32, #tpu.memory_space<vmem>>
          %dma_wait3A_291 = tpu.memref_squeeze %dma_wait3A_290 : memref<1x128xi32, #tpu.memory_space<vmem>> -> memref<128xi32, #tpu.memory_space<vmem>>
          %dma_wait3A_292 = arith.constant 0 : i32
          %dma_wait3A_293 = arith.constant 0 : i32
          %dma_wait3A_294 = tpu.memref_slice %arg2[%dma_wait3A_292, %dma_wait3A_293] : memref<1350000x128xf32, #tpu.memory_space<hbm>> -> memref<1350000x128xf32, #tpu.memory_space<hbm>>
          tpu.wait_indirect_dma semaphore(%run_scoped3A_284 : memref<!tpu.dma_semaphore, #tpu.memory_space<semaphore_mem>>) src(%dma_wait3A_294 : memref<1350000x128xf32, #tpu.memory_space<hbm>>) dst(%arg11 : memref<128x128xf32, #tpu.memory_space<vmem>>)
          tpu.yield
        }) : () -> ()
        %run_scoped3A_220 = arith.constant 8 : i32
        "tpu.region"() ({
          %run_scoped3A_284 = tpu.sem_alloc : memref<!tpu.dma_semaphore, #tpu.memory_space<semaphore_mem>>
          %dma_start3A = arith.constant 0 : i32
          %dma_start3A_285 = tpu.memref_slice %arg10[%run_scoped3A_220, %dma_start3A] : memref<16x128xi32, #tpu.memory_space<vmem>> -> memref<1x128xi32, #tpu.memory_space<vmem>>
          %dma_start3A_286 = tpu.memref_squeeze %dma_start3A_285 : memref<1x128xi32, #tpu.memory_space<vmem>> -> memref<128xi32, #tpu.memory_space<vmem>>
          %dma_start3A_287 = arith.constant 0 : i32
          %dma_start3A_288 = arith.constant 0 : i32
          %dma_start3A_289 = tpu.memref_slice %arg7[%dma_start3A_287, %dma_start3A_288] : memref<12520x128xf32, #tpu.memory_space<vmem_shared>> -> memref<12520x128xf32, #tpu.memory_space<vmem_shared>>
          tpu.enqueue_indirect_dma source(%arg11 : memref<128x128xf32, #tpu.memory_space<vmem>>) target(%dma_start3A_289 : memref<12520x128xf32, #tpu.memory_space<vmem_shared>>) offsets(%dma_start3A_286 : memref<128xi32, #tpu.memory_space<vmem>>) semaphore(%run_scoped3A_284 : memref<!tpu.dma_semaphore, #tpu.memory_space<semaphore_mem>>) {add = true}
          %dma_wait3A = arith.constant 0 : i32
          %dma_wait3A_290 = tpu.memref_slice %arg10[%run_scoped3A_220, %dma_wait3A] : memref<16x128xi32, #tpu.memory_space<vmem>> -> memref<1x128xi32, #tpu.memory_space<vmem>>
          %dma_wait3A_291 = tpu.memref_squeeze %dma_wait3A_290 : memref<1x128xi32, #tpu.memory_space<vmem>> -> memref<128xi32, #tpu.memory_space<vmem>>
          %dma_wait3A_292 = arith.constant 0 : i32
          %dma_wait3A_293 = arith.constant 0 : i32
          %dma_wait3A_294 = tpu.memref_slice %arg7[%dma_wait3A_292, %dma_wait3A_293] : memref<12520x128xf32, #tpu.memory_space<vmem_shared>> -> memref<12520x128xf32, #tpu.memory_space<vmem_shared>>
          tpu.wait_indirect_dma semaphore(%run_scoped3A_284 : memref<!tpu.dma_semaphore, #tpu.memory_space<semaphore_mem>>) src(%arg11 : memref<128x128xf32, #tpu.memory_space<vmem>>) dst(%dma_wait3A_294 : memref<12520x128xf32, #tpu.memory_space<vmem_shared>>)
          tpu.yield
        }) : () -> ()
        %scan3A_221 = arith.constant 0 : i32
        %scan3A_222 = arith.constant 0 : i32
        %scan3A_223 = arith.constant 8 : i32
        %scan3A_224 = arith.addi %scan3A_222, %scan3A_223 : i32
        %scan3A_225 = arith.constant 1 : i32
        %scan3A_226 = scf.for %scan3A_284 = %scan3A_222 to %scan3A_224 step %scan3A_225 iter_args(%scan3A_285 = %scan3A_221) -> (i32)  : i32 {
          %mul3A_286 = arith.constant 16 : i32
          %mul3A_287 = arith.muli %scan3A_284, %mul3A_286 : i32
          %get3A = arith.constant 9 : i32
          %get3A_288 = arith.index_cast %get3A : i32 to index
          %get3A_289 = arith.index_cast %mul3A_287 : i32 to index
          %get3A_290 = tpu.vector_load %arg9[%get3A_288, %get3A_289] {strides = array<i32>} : memref<16x128xi32, #tpu.memory_space<vmem>>, vector<1x16xi32>,
          %get3A_291 = vector.shape_cast %get3A_290 : vector<1x16xi32> to vector<16xi32>
          %ge3A = vector.broadcast %mul3A_66 : i32 to vector<16xi32>
          %ge3A_292 = arith.cmpi sge, %get3A_291, %ge3A : vector<16xi32>
          %add3A_293 = arith.constant 12512 : i32
          %add3A_294 = arith.addi %mul3A_66, %add3A_293 : i32
          %lt3A_295 = vector.broadcast %add3A_294 : i32 to vector<16xi32>
          %lt3A_296 = arith.cmpi slt, %get3A_291, %lt3A_295 : vector<16xi32>
          %and3A_297 = arith.andi %ge3A_292, %lt3A_296 : vector<16xi1>
          %sub3A = vector.broadcast %mul3A_66 : i32 to vector<16xi32>
          %sub3A_298 = arith.subi %get3A_291, %sub3A : vector<16xi32>
          %jit3A = arith.constant 12512 : i32
          %broadcast_in_dim3A = vector.broadcast %jit3A : i32 to vector<16xi32>
          %select_n3A = arith.select %and3A_297, %sub3A_298, %broadcast_in_dim3A : vector<16xi1>, vector<16xi32>
          %mul3A_299 = arith.constant 16 : i32
          %mul3A_300 = arith.muli %scan3A_284, %mul3A_299 : i32
          %swap3A = arith.constant 9 : i32
          %swap3A_301 = arith.index_cast %swap3A : i32 to index
          %swap3A_302 = arith.index_cast %mul3A_300 : i32 to index
          %swap3A_303 = tpu.vector_load %arg10[%swap3A_301, %swap3A_302] {strides = array<i32>} : memref<16x128xi32, #tpu.memory_space<vmem>>, vector<1x16xi32>,
          %swap3A_304 = vector.shape_cast %swap3A_303 : vector<1x16xi32> to vector<16xi32>
          %swap3A_305 = vector.shape_cast %select_n3A : vector<16xi32> to vector<1x16xi32>
          tpu.vector_store %arg10[%swap3A_301, %swap3A_302], %swap3A_305 {strides = array<i32>} : memref<16x128xi32, #tpu.memory_space<vmem>>, vector<1x16xi32>,
          %scan3A_306 = arith.constant 0 : i32
          scf.yield %scan3A_306 : i32
        }
        %scan3A_227 = arith.constant 8 : i32
        %run_scoped3A_228 = arith.constant 9 : i32
        "tpu.region"() ({
          %run_scoped3A_284 = tpu.sem_alloc : memref<!tpu.dma_semaphore, #tpu.memory_space<semaphore_mem>>
          %dma_start3A = arith.constant 0 : i32
          %dma_start3A_285 = tpu.memref_slice %arg8[%run_scoped3A_228, %dma_start3A] : memref<16x128xi32, #tpu.memory_space<vmem>> -> memref<1x128xi32, #tpu.memory_space<vmem>>
          %dma_start3A_286 = tpu.memref_squeeze %dma_start3A_285 : memref<1x128xi32, #tpu.memory_space<vmem>> -> memref<128xi32, #tpu.memory_space<vmem>>
          %dma_start3A_287 = arith.constant 0 : i32
          %dma_start3A_288 = arith.constant 0 : i32
          %dma_start3A_289 = tpu.memref_slice %arg2[%dma_start3A_287, %dma_start3A_288] : memref<1350000x128xf32, #tpu.memory_space<hbm>> -> memref<1350000x128xf32, #tpu.memory_space<hbm>>
          tpu.enqueue_indirect_dma source(%dma_start3A_289 : memref<1350000x128xf32, #tpu.memory_space<hbm>>) target(%arg11 : memref<128x128xf32, #tpu.memory_space<vmem>>) offsets(%dma_start3A_286 : memref<128xi32, #tpu.memory_space<vmem>>) semaphore(%run_scoped3A_284 : memref<!tpu.dma_semaphore, #tpu.memory_space<semaphore_mem>>)
          %dma_wait3A = arith.constant 0 : i32
          %dma_wait3A_290 = tpu.memref_slice %arg8[%run_scoped3A_228, %dma_wait3A] : memref<16x128xi32, #tpu.memory_space<vmem>> -> memref<1x128xi32, #tpu.memory_space<vmem>>
          %dma_wait3A_291 = tpu.memref_squeeze %dma_wait3A_290 : memref<1x128xi32, #tpu.memory_space<vmem>> -> memref<128xi32, #tpu.memory_space<vmem>>
          %dma_wait3A_292 = arith.constant 0 : i32
          %dma_wait3A_293 = arith.constant 0 : i32
          %dma_wait3A_294 = tpu.memref_slice %arg2[%dma_wait3A_292, %dma_wait3A_293] : memref<1350000x128xf32, #tpu.memory_space<hbm>> -> memref<1350000x128xf32, #tpu.memory_space<hbm>>
          tpu.wait_indirect_dma semaphore(%run_scoped3A_284 : memref<!tpu.dma_semaphore, #tpu.memory_space<semaphore_mem>>) src(%dma_wait3A_294 : memref<1350000x128xf32, #tpu.memory_space<hbm>>) dst(%arg11 : memref<128x128xf32, #tpu.memory_space<vmem>>)
          tpu.yield
        }) : () -> ()
        %run_scoped3A_229 = arith.constant 9 : i32
        "tpu.region"() ({
          %run_scoped3A_284 = tpu.sem_alloc : memref<!tpu.dma_semaphore, #tpu.memory_space<semaphore_mem>>
          %dma_start3A = arith.constant 0 : i32
          %dma_start3A_285 = tpu.memref_slice %arg10[%run_scoped3A_229, %dma_start3A] : memref<16x128xi32, #tpu.memory_space<vmem>> -> memref<1x128xi32, #tpu.memory_space<vmem>>
          %dma_start3A_286 = tpu.memref_squeeze %dma_start3A_285 : memref<1x128xi32, #tpu.memory_space<vmem>> -> memref<128xi32, #tpu.memory_space<vmem>>
          %dma_start3A_287 = arith.constant 0 : i32
          %dma_start3A_288 = arith.constant 0 : i32
          %dma_start3A_289 = tpu.memref_slice %arg7[%dma_start3A_287, %dma_start3A_288] : memref<12520x128xf32, #tpu.memory_space<vmem_shared>> -> memref<12520x128xf32, #tpu.memory_space<vmem_shared>>
          tpu.enqueue_indirect_dma source(%arg11 : memref<128x128xf32, #tpu.memory_space<vmem>>) target(%dma_start3A_289 : memref<12520x128xf32, #tpu.memory_space<vmem_shared>>) offsets(%dma_start3A_286 : memref<128xi32, #tpu.memory_space<vmem>>) semaphore(%run_scoped3A_284 : memref<!tpu.dma_semaphore, #tpu.memory_space<semaphore_mem>>) {add = true}
          %dma_wait3A = arith.constant 0 : i32
          %dma_wait3A_290 = tpu.memref_slice %arg10[%run_scoped3A_229, %dma_wait3A] : memref<16x128xi32, #tpu.memory_space<vmem>> -> memref<1x128xi32, #tpu.memory_space<vmem>>
          %dma_wait3A_291 = tpu.memref_squeeze %dma_wait3A_290 : memref<1x128xi32, #tpu.memory_space<vmem>> -> memref<128xi32, #tpu.memory_space<vmem>>
          %dma_wait3A_292 = arith.constant 0 : i32
          %dma_wait3A_293 = arith.constant 0 : i32
          %dma_wait3A_294 = tpu.memref_slice %arg7[%dma_wait3A_292, %dma_wait3A_293] : memref<12520x128xf32, #tpu.memory_space<vmem_shared>> -> memref<12520x128xf32, #tpu.memory_space<vmem_shared>>
          tpu.wait_indirect_dma semaphore(%run_scoped3A_284 : memref<!tpu.dma_semaphore, #tpu.memory_space<semaphore_mem>>) src(%arg11 : memref<128x128xf32, #tpu.memory_space<vmem>>) dst(%dma_wait3A_294 : memref<12520x128xf32, #tpu.memory_space<vmem_shared>>)
          tpu.yield
        }) : () -> ()
        %scan3A_230 = arith.constant 0 : i32
        %scan3A_231 = arith.constant 0 : i32
        %scan3A_232 = arith.constant 8 : i32
        %scan3A_233 = arith.addi %scan3A_231, %scan3A_232 : i32
        %scan3A_234 = arith.constant 1 : i32
        %scan3A_235 = scf.for %scan3A_284 = %scan3A_231 to %scan3A_233 step %scan3A_234 iter_args(%scan3A_285 = %scan3A_230) -> (i32)  : i32 {
          %mul3A_286 = arith.constant 16 : i32
          %mul3A_287 = arith.muli %scan3A_284, %mul3A_286 : i32
          %get3A = arith.constant 10 : i32
          %get3A_288 = arith.index_cast %get3A : i32 to index
          %get3A_289 = arith.index_cast %mul3A_287 : i32 to index
          %get3A_290 = tpu.vector_load %arg9[%get3A_288, %get3A_289] {strides = array<i32>} : memref<16x128xi32, #tpu.memory_space<vmem>>, vector<1x16xi32>,
          %get3A_291 = vector.shape_cast %get3A_290 : vector<1x16xi32> to vector<16xi32>
          %ge3A = vector.broadcast %mul3A_66 : i32 to vector<16xi32>
          %ge3A_292 = arith.cmpi sge, %get3A_291, %ge3A : vector<16xi32>
          %add3A_293 = arith.constant 12512 : i32
          %add3A_294 = arith.addi %mul3A_66, %add3A_293 : i32
          %lt3A_295 = vector.broadcast %add3A_294 : i32 to vector<16xi32>
          %lt3A_296 = arith.cmpi slt, %get3A_291, %lt3A_295 : vector<16xi32>
          %and3A_297 = arith.andi %ge3A_292, %lt3A_296 : vector<16xi1>
          %sub3A = vector.broadcast %mul3A_66 : i32 to vector<16xi32>
          %sub3A_298 = arith.subi %get3A_291, %sub3A : vector<16xi32>
          %jit3A = arith.constant 12512 : i32
          %broadcast_in_dim3A = vector.broadcast %jit3A : i32 to vector<16xi32>
          %select_n3A = arith.select %and3A_297, %sub3A_298, %broadcast_in_dim3A : vector<16xi1>, vector<16xi32>
          %mul3A_299 = arith.constant 16 : i32
          %mul3A_300 = arith.muli %scan3A_284, %mul3A_299 : i32
          %swap3A = arith.constant 10 : i32
          %swap3A_301 = arith.index_cast %swap3A : i32 to index
          %swap3A_302 = arith.index_cast %mul3A_300 : i32 to index
          %swap3A_303 = tpu.vector_load %arg10[%swap3A_301, %swap3A_302] {strides = array<i32>} : memref<16x128xi32, #tpu.memory_space<vmem>>, vector<1x16xi32>,
          %swap3A_304 = vector.shape_cast %swap3A_303 : vector<1x16xi32> to vector<16xi32>
          %swap3A_305 = vector.shape_cast %select_n3A : vector<16xi32> to vector<1x16xi32>
          tpu.vector_store %arg10[%swap3A_301, %swap3A_302], %swap3A_305 {strides = array<i32>} : memref<16x128xi32, #tpu.memory_space<vmem>>, vector<1x16xi32>,
          %scan3A_306 = arith.constant 0 : i32
          scf.yield %scan3A_306 : i32
        }
        %scan3A_236 = arith.constant 8 : i32
        %run_scoped3A_237 = arith.constant 10 : i32
        "tpu.region"() ({
          %run_scoped3A_284 = tpu.sem_alloc : memref<!tpu.dma_semaphore, #tpu.memory_space<semaphore_mem>>
          %dma_start3A = arith.constant 0 : i32
          %dma_start3A_285 = tpu.memref_slice %arg8[%run_scoped3A_237, %dma_start3A] : memref<16x128xi32, #tpu.memory_space<vmem>> -> memref<1x128xi32, #tpu.memory_space<vmem>>
          %dma_start3A_286 = tpu.memref_squeeze %dma_start3A_285 : memref<1x128xi32, #tpu.memory_space<vmem>> -> memref<128xi32, #tpu.memory_space<vmem>>
          %dma_start3A_287 = arith.constant 0 : i32
          %dma_start3A_288 = arith.constant 0 : i32
          %dma_start3A_289 = tpu.memref_slice %arg2[%dma_start3A_287, %dma_start3A_288] : memref<1350000x128xf32, #tpu.memory_space<hbm>> -> memref<1350000x128xf32, #tpu.memory_space<hbm>>
          tpu.enqueue_indirect_dma source(%dma_start3A_289 : memref<1350000x128xf32, #tpu.memory_space<hbm>>) target(%arg11 : memref<128x128xf32, #tpu.memory_space<vmem>>) offsets(%dma_start3A_286 : memref<128xi32, #tpu.memory_space<vmem>>) semaphore(%run_scoped3A_284 : memref<!tpu.dma_semaphore, #tpu.memory_space<semaphore_mem>>)
          %dma_wait3A = arith.constant 0 : i32
          %dma_wait3A_290 = tpu.memref_slice %arg8[%run_scoped3A_237, %dma_wait3A] : memref<16x128xi32, #tpu.memory_space<vmem>> -> memref<1x128xi32, #tpu.memory_space<vmem>>
          %dma_wait3A_291 = tpu.memref_squeeze %dma_wait3A_290 : memref<1x128xi32, #tpu.memory_space<vmem>> -> memref<128xi32, #tpu.memory_space<vmem>>
          %dma_wait3A_292 = arith.constant 0 : i32
          %dma_wait3A_293 = arith.constant 0 : i32
          %dma_wait3A_294 = tpu.memref_slice %arg2[%dma_wait3A_292, %dma_wait3A_293] : memref<1350000x128xf32, #tpu.memory_space<hbm>> -> memref<1350000x128xf32, #tpu.memory_space<hbm>>
          tpu.wait_indirect_dma semaphore(%run_scoped3A_284 : memref<!tpu.dma_semaphore, #tpu.memory_space<semaphore_mem>>) src(%dma_wait3A_294 : memref<1350000x128xf32, #tpu.memory_space<hbm>>) dst(%arg11 : memref<128x128xf32, #tpu.memory_space<vmem>>)
          tpu.yield
        }) : () -> ()
        %run_scoped3A_238 = arith.constant 10 : i32
        "tpu.region"() ({
          %run_scoped3A_284 = tpu.sem_alloc : memref<!tpu.dma_semaphore, #tpu.memory_space<semaphore_mem>>
          %dma_start3A = arith.constant 0 : i32
          %dma_start3A_285 = tpu.memref_slice %arg10[%run_scoped3A_238, %dma_start3A] : memref<16x128xi32, #tpu.memory_space<vmem>> -> memref<1x128xi32, #tpu.memory_space<vmem>>
          %dma_start3A_286 = tpu.memref_squeeze %dma_start3A_285 : memref<1x128xi32, #tpu.memory_space<vmem>> -> memref<128xi32, #tpu.memory_space<vmem>>
          %dma_start3A_287 = arith.constant 0 : i32
          %dma_start3A_288 = arith.constant 0 : i32
          %dma_start3A_289 = tpu.memref_slice %arg7[%dma_start3A_287, %dma_start3A_288] : memref<12520x128xf32, #tpu.memory_space<vmem_shared>> -> memref<12520x128xf32, #tpu.memory_space<vmem_shared>>
          tpu.enqueue_indirect_dma source(%arg11 : memref<128x128xf32, #tpu.memory_space<vmem>>) target(%dma_start3A_289 : memref<12520x128xf32, #tpu.memory_space<vmem_shared>>) offsets(%dma_start3A_286 : memref<128xi32, #tpu.memory_space<vmem>>) semaphore(%run_scoped3A_284 : memref<!tpu.dma_semaphore, #tpu.memory_space<semaphore_mem>>) {add = true}
          %dma_wait3A = arith.constant 0 : i32
          %dma_wait3A_290 = tpu.memref_slice %arg10[%run_scoped3A_238, %dma_wait3A] : memref<16x128xi32, #tpu.memory_space<vmem>> -> memref<1x128xi32, #tpu.memory_space<vmem>>
          %dma_wait3A_291 = tpu.memref_squeeze %dma_wait3A_290 : memref<1x128xi32, #tpu.memory_space<vmem>> -> memref<128xi32, #tpu.memory_space<vmem>>
          %dma_wait3A_292 = arith.constant 0 : i32
          %dma_wait3A_293 = arith.constant 0 : i32
          %dma_wait3A_294 = tpu.memref_slice %arg7[%dma_wait3A_292, %dma_wait3A_293] : memref<12520x128xf32, #tpu.memory_space<vmem_shared>> -> memref<12520x128xf32, #tpu.memory_space<vmem_shared>>
          tpu.wait_indirect_dma semaphore(%run_scoped3A_284 : memref<!tpu.dma_semaphore, #tpu.memory_space<semaphore_mem>>) src(%arg11 : memref<128x128xf32, #tpu.memory_space<vmem>>) dst(%dma_wait3A_294 : memref<12520x128xf32, #tpu.memory_space<vmem_shared>>)
          tpu.yield
        }) : () -> ()
        %scan3A_239 = arith.constant 0 : i32
        %scan3A_240 = arith.constant 0 : i32
        %scan3A_241 = arith.constant 8 : i32
        %scan3A_242 = arith.addi %scan3A_240, %scan3A_241 : i32
        %scan3A_243 = arith.constant 1 : i32
        %scan3A_244 = scf.for %scan3A_284 = %scan3A_240 to %scan3A_242 step %scan3A_243 iter_args(%scan3A_285 = %scan3A_239) -> (i32)  : i32 {
          %mul3A_286 = arith.constant 16 : i32
          %mul3A_287 = arith.muli %scan3A_284, %mul3A_286 : i32
          %get3A = arith.constant 11 : i32
          %get3A_288 = arith.index_cast %get3A : i32 to index
          %get3A_289 = arith.index_cast %mul3A_287 : i32 to index
          %get3A_290 = tpu.vector_load %arg9[%get3A_288, %get3A_289] {strides = array<i32>} : memref<16x128xi32, #tpu.memory_space<vmem>>, vector<1x16xi32>,
          %get3A_291 = vector.shape_cast %get3A_290 : vector<1x16xi32> to vector<16xi32>
          %ge3A = vector.broadcast %mul3A_66 : i32 to vector<16xi32>
          %ge3A_292 = arith.cmpi sge, %get3A_291, %ge3A : vector<16xi32>
          %add3A_293 = arith.constant 12512 : i32
          %add3A_294 = arith.addi %mul3A_66, %add3A_293 : i32
          %lt3A_295 = vector.broadcast %add3A_294 : i32 to vector<16xi32>
          %lt3A_296 = arith.cmpi slt, %get3A_291, %lt3A_295 : vector<16xi32>
          %and3A_297 = arith.andi %ge3A_292, %lt3A_296 : vector<16xi1>
          %sub3A = vector.broadcast %mul3A_66 : i32 to vector<16xi32>
          %sub3A_298 = arith.subi %get3A_291, %sub3A : vector<16xi32>
          %jit3A = arith.constant 12512 : i32
          %broadcast_in_dim3A = vector.broadcast %jit3A : i32 to vector<16xi32>
          %select_n3A = arith.select %and3A_297, %sub3A_298, %broadcast_in_dim3A : vector<16xi1>, vector<16xi32>
          %mul3A_299 = arith.constant 16 : i32
          %mul3A_300 = arith.muli %scan3A_284, %mul3A_299 : i32
          %swap3A = arith.constant 11 : i32
          %swap3A_301 = arith.index_cast %swap3A : i32 to index
          %swap3A_302 = arith.index_cast %mul3A_300 : i32 to index
          %swap3A_303 = tpu.vector_load %arg10[%swap3A_301, %swap3A_302] {strides = array<i32>} : memref<16x128xi32, #tpu.memory_space<vmem>>, vector<1x16xi32>,
          %swap3A_304 = vector.shape_cast %swap3A_303 : vector<1x16xi32> to vector<16xi32>
          %swap3A_305 = vector.shape_cast %select_n3A : vector<16xi32> to vector<1x16xi32>
          tpu.vector_store %arg10[%swap3A_301, %swap3A_302], %swap3A_305 {strides = array<i32>} : memref<16x128xi32, #tpu.memory_space<vmem>>, vector<1x16xi32>,
          %scan3A_306 = arith.constant 0 : i32
          scf.yield %scan3A_306 : i32
        }
        %scan3A_245 = arith.constant 8 : i32
        %run_scoped3A_246 = arith.constant 11 : i32
        "tpu.region"() ({
          %run_scoped3A_284 = tpu.sem_alloc : memref<!tpu.dma_semaphore, #tpu.memory_space<semaphore_mem>>
          %dma_start3A = arith.constant 0 : i32
          %dma_start3A_285 = tpu.memref_slice %arg8[%run_scoped3A_246, %dma_start3A] : memref<16x128xi32, #tpu.memory_space<vmem>> -> memref<1x128xi32, #tpu.memory_space<vmem>>
          %dma_start3A_286 = tpu.memref_squeeze %dma_start3A_285 : memref<1x128xi32, #tpu.memory_space<vmem>> -> memref<128xi32, #tpu.memory_space<vmem>>
          %dma_start3A_287 = arith.constant 0 : i32
          %dma_start3A_288 = arith.constant 0 : i32
          %dma_start3A_289 = tpu.memref_slice %arg2[%dma_start3A_287, %dma_start3A_288] : memref<1350000x128xf32, #tpu.memory_space<hbm>> -> memref<1350000x128xf32, #tpu.memory_space<hbm>>
          tpu.enqueue_indirect_dma source(%dma_start3A_289 : memref<1350000x128xf32, #tpu.memory_space<hbm>>) target(%arg11 : memref<128x128xf32, #tpu.memory_space<vmem>>) offsets(%dma_start3A_286 : memref<128xi32, #tpu.memory_space<vmem>>) semaphore(%run_scoped3A_284 : memref<!tpu.dma_semaphore, #tpu.memory_space<semaphore_mem>>)
          %dma_wait3A = arith.constant 0 : i32
          %dma_wait3A_290 = tpu.memref_slice %arg8[%run_scoped3A_246, %dma_wait3A] : memref<16x128xi32, #tpu.memory_space<vmem>> -> memref<1x128xi32, #tpu.memory_space<vmem>>
          %dma_wait3A_291 = tpu.memref_squeeze %dma_wait3A_290 : memref<1x128xi32, #tpu.memory_space<vmem>> -> memref<128xi32, #tpu.memory_space<vmem>>
          %dma_wait3A_292 = arith.constant 0 : i32
          %dma_wait3A_293 = arith.constant 0 : i32
          %dma_wait3A_294 = tpu.memref_slice %arg2[%dma_wait3A_292, %dma_wait3A_293] : memref<1350000x128xf32, #tpu.memory_space<hbm>> -> memref<1350000x128xf32, #tpu.memory_space<hbm>>
          tpu.wait_indirect_dma semaphore(%run_scoped3A_284 : memref<!tpu.dma_semaphore, #tpu.memory_space<semaphore_mem>>) src(%dma_wait3A_294 : memref<1350000x128xf32, #tpu.memory_space<hbm>>) dst(%arg11 : memref<128x128xf32, #tpu.memory_space<vmem>>)
          tpu.yield
        }) : () -> ()
        %run_scoped3A_247 = arith.constant 11 : i32
        "tpu.region"() ({
          %run_scoped3A_284 = tpu.sem_alloc : memref<!tpu.dma_semaphore, #tpu.memory_space<semaphore_mem>>
          %dma_start3A = arith.constant 0 : i32
          %dma_start3A_285 = tpu.memref_slice %arg10[%run_scoped3A_247, %dma_start3A] : memref<16x128xi32, #tpu.memory_space<vmem>> -> memref<1x128xi32, #tpu.memory_space<vmem>>
          %dma_start3A_286 = tpu.memref_squeeze %dma_start3A_285 : memref<1x128xi32, #tpu.memory_space<vmem>> -> memref<128xi32, #tpu.memory_space<vmem>>
          %dma_start3A_287 = arith.constant 0 : i32
          %dma_start3A_288 = arith.constant 0 : i32
          %dma_start3A_289 = tpu.memref_slice %arg7[%dma_start3A_287, %dma_start3A_288] : memref<12520x128xf32, #tpu.memory_space<vmem_shared>> -> memref<12520x128xf32, #tpu.memory_space<vmem_shared>>
          tpu.enqueue_indirect_dma source(%arg11 : memref<128x128xf32, #tpu.memory_space<vmem>>) target(%dma_start3A_289 : memref<12520x128xf32, #tpu.memory_space<vmem_shared>>) offsets(%dma_start3A_286 : memref<128xi32, #tpu.memory_space<vmem>>) semaphore(%run_scoped3A_284 : memref<!tpu.dma_semaphore, #tpu.memory_space<semaphore_mem>>) {add = true}
          %dma_wait3A = arith.constant 0 : i32
          %dma_wait3A_290 = tpu.memref_slice %arg10[%run_scoped3A_247, %dma_wait3A] : memref<16x128xi32, #tpu.memory_space<vmem>> -> memref<1x128xi32, #tpu.memory_space<vmem>>
          %dma_wait3A_291 = tpu.memref_squeeze %dma_wait3A_290 : memref<1x128xi32, #tpu.memory_space<vmem>> -> memref<128xi32, #tpu.memory_space<vmem>>
          %dma_wait3A_292 = arith.constant 0 : i32
          %dma_wait3A_293 = arith.constant 0 : i32
          %dma_wait3A_294 = tpu.memref_slice %arg7[%dma_wait3A_292, %dma_wait3A_293] : memref<12520x128xf32, #tpu.memory_space<vmem_shared>> -> memref<12520x128xf32, #tpu.memory_space<vmem_shared>>
          tpu.wait_indirect_dma semaphore(%run_scoped3A_284 : memref<!tpu.dma_semaphore, #tpu.memory_space<semaphore_mem>>) src(%arg11 : memref<128x128xf32, #tpu.memory_space<vmem>>) dst(%dma_wait3A_294 : memref<12520x128xf32, #tpu.memory_space<vmem_shared>>)
          tpu.yield
        }) : () -> ()
        %scan3A_248 = arith.constant 0 : i32
        %scan3A_249 = arith.constant 0 : i32
        %scan3A_250 = arith.constant 8 : i32
        %scan3A_251 = arith.addi %scan3A_249, %scan3A_250 : i32
        %scan3A_252 = arith.constant 1 : i32
        %scan3A_253 = scf.for %scan3A_284 = %scan3A_249 to %scan3A_251 step %scan3A_252 iter_args(%scan3A_285 = %scan3A_248) -> (i32)  : i32 {
          %mul3A_286 = arith.constant 16 : i32
          %mul3A_287 = arith.muli %scan3A_284, %mul3A_286 : i32
          %get3A = arith.constant 12 : i32
          %get3A_288 = arith.index_cast %get3A : i32 to index
          %get3A_289 = arith.index_cast %mul3A_287 : i32 to index
          %get3A_290 = tpu.vector_load %arg9[%get3A_288, %get3A_289] {strides = array<i32>} : memref<16x128xi32, #tpu.memory_space<vmem>>, vector<1x16xi32>,
          %get3A_291 = vector.shape_cast %get3A_290 : vector<1x16xi32> to vector<16xi32>
          %ge3A = vector.broadcast %mul3A_66 : i32 to vector<16xi32>
          %ge3A_292 = arith.cmpi sge, %get3A_291, %ge3A : vector<16xi32>
          %add3A_293 = arith.constant 12512 : i32
          %add3A_294 = arith.addi %mul3A_66, %add3A_293 : i32
          %lt3A_295 = vector.broadcast %add3A_294 : i32 to vector<16xi32>
          %lt3A_296 = arith.cmpi slt, %get3A_291, %lt3A_295 : vector<16xi32>
          %and3A_297 = arith.andi %ge3A_292, %lt3A_296 : vector<16xi1>
          %sub3A = vector.broadcast %mul3A_66 : i32 to vector<16xi32>
          %sub3A_298 = arith.subi %get3A_291, %sub3A : vector<16xi32>
          %jit3A = arith.constant 12512 : i32
          %broadcast_in_dim3A = vector.broadcast %jit3A : i32 to vector<16xi32>
          %select_n3A = arith.select %and3A_297, %sub3A_298, %broadcast_in_dim3A : vector<16xi1>, vector<16xi32>
          %mul3A_299 = arith.constant 16 : i32
          %mul3A_300 = arith.muli %scan3A_284, %mul3A_299 : i32
          %swap3A = arith.constant 12 : i32
          %swap3A_301 = arith.index_cast %swap3A : i32 to index
          %swap3A_302 = arith.index_cast %mul3A_300 : i32 to index
          %swap3A_303 = tpu.vector_load %arg10[%swap3A_301, %swap3A_302] {strides = array<i32>} : memref<16x128xi32, #tpu.memory_space<vmem>>, vector<1x16xi32>,
          %swap3A_304 = vector.shape_cast %swap3A_303 : vector<1x16xi32> to vector<16xi32>
          %swap3A_305 = vector.shape_cast %select_n3A : vector<16xi32> to vector<1x16xi32>
          tpu.vector_store %arg10[%swap3A_301, %swap3A_302], %swap3A_305 {strides = array<i32>} : memref<16x128xi32, #tpu.memory_space<vmem>>, vector<1x16xi32>,
          %scan3A_306 = arith.constant 0 : i32
          scf.yield %scan3A_306 : i32
        }
        %scan3A_254 = arith.constant 8 : i32
        %run_scoped3A_255 = arith.constant 12 : i32
        "tpu.region"() ({
          %run_scoped3A_284 = tpu.sem_alloc : memref<!tpu.dma_semaphore, #tpu.memory_space<semaphore_mem>>
          %dma_start3A = arith.constant 0 : i32
          %dma_start3A_285 = tpu.memref_slice %arg8[%run_scoped3A_255, %dma_start3A] : memref<16x128xi32, #tpu.memory_space<vmem>> -> memref<1x128xi32, #tpu.memory_space<vmem>>
          %dma_start3A_286 = tpu.memref_squeeze %dma_start3A_285 : memref<1x128xi32, #tpu.memory_space<vmem>> -> memref<128xi32, #tpu.memory_space<vmem>>
          %dma_start3A_287 = arith.constant 0 : i32
          %dma_start3A_288 = arith.constant 0 : i32
          %dma_start3A_289 = tpu.memref_slice %arg2[%dma_start3A_287, %dma_start3A_288] : memref<1350000x128xf32, #tpu.memory_space<hbm>> -> memref<1350000x128xf32, #tpu.memory_space<hbm>>
          tpu.enqueue_indirect_dma source(%dma_start3A_289 : memref<1350000x128xf32, #tpu.memory_space<hbm>>) target(%arg11 : memref<128x128xf32, #tpu.memory_space<vmem>>) offsets(%dma_start3A_286 : memref<128xi32, #tpu.memory_space<vmem>>) semaphore(%run_scoped3A_284 : memref<!tpu.dma_semaphore, #tpu.memory_space<semaphore_mem>>)
          %dma_wait3A = arith.constant 0 : i32
          %dma_wait3A_290 = tpu.memref_slice %arg8[%run_scoped3A_255, %dma_wait3A] : memref<16x128xi32, #tpu.memory_space<vmem>> -> memref<1x128xi32, #tpu.memory_space<vmem>>
          %dma_wait3A_291 = tpu.memref_squeeze %dma_wait3A_290 : memref<1x128xi32, #tpu.memory_space<vmem>> -> memref<128xi32, #tpu.memory_space<vmem>>
          %dma_wait3A_292 = arith.constant 0 : i32
          %dma_wait3A_293 = arith.constant 0 : i32
          %dma_wait3A_294 = tpu.memref_slice %arg2[%dma_wait3A_292, %dma_wait3A_293] : memref<1350000x128xf32, #tpu.memory_space<hbm>> -> memref<1350000x128xf32, #tpu.memory_space<hbm>>
          tpu.wait_indirect_dma semaphore(%run_scoped3A_284 : memref<!tpu.dma_semaphore, #tpu.memory_space<semaphore_mem>>) src(%dma_wait3A_294 : memref<1350000x128xf32, #tpu.memory_space<hbm>>) dst(%arg11 : memref<128x128xf32, #tpu.memory_space<vmem>>)
          tpu.yield
        }) : () -> ()
        %run_scoped3A_256 = arith.constant 12 : i32
        "tpu.region"() ({
          %run_scoped3A_284 = tpu.sem_alloc : memref<!tpu.dma_semaphore, #tpu.memory_space<semaphore_mem>>
          %dma_start3A = arith.constant 0 : i32
          %dma_start3A_285 = tpu.memref_slice %arg10[%run_scoped3A_256, %dma_start3A] : memref<16x128xi32, #tpu.memory_space<vmem>> -> memref<1x128xi32, #tpu.memory_space<vmem>>
          %dma_start3A_286 = tpu.memref_squeeze %dma_start3A_285 : memref<1x128xi32, #tpu.memory_space<vmem>> -> memref<128xi32, #tpu.memory_space<vmem>>
          %dma_start3A_287 = arith.constant 0 : i32
          %dma_start3A_288 = arith.constant 0 : i32
          %dma_start3A_289 = tpu.memref_slice %arg7[%dma_start3A_287, %dma_start3A_288] : memref<12520x128xf32, #tpu.memory_space<vmem_shared>> -> memref<12520x128xf32, #tpu.memory_space<vmem_shared>>
          tpu.enqueue_indirect_dma source(%arg11 : memref<128x128xf32, #tpu.memory_space<vmem>>) target(%dma_start3A_289 : memref<12520x128xf32, #tpu.memory_space<vmem_shared>>) offsets(%dma_start3A_286 : memref<128xi32, #tpu.memory_space<vmem>>) semaphore(%run_scoped3A_284 : memref<!tpu.dma_semaphore, #tpu.memory_space<semaphore_mem>>) {add = true}
          %dma_wait3A = arith.constant 0 : i32
          %dma_wait3A_290 = tpu.memref_slice %arg10[%run_scoped3A_256, %dma_wait3A] : memref<16x128xi32, #tpu.memory_space<vmem>> -> memref<1x128xi32, #tpu.memory_space<vmem>>
          %dma_wait3A_291 = tpu.memref_squeeze %dma_wait3A_290 : memref<1x128xi32, #tpu.memory_space<vmem>> -> memref<128xi32, #tpu.memory_space<vmem>>
          %dma_wait3A_292 = arith.constant 0 : i32
          %dma_wait3A_293 = arith.constant 0 : i32
          %dma_wait3A_294 = tpu.memref_slice %arg7[%dma_wait3A_292, %dma_wait3A_293] : memref<12520x128xf32, #tpu.memory_space<vmem_shared>> -> memref<12520x128xf32, #tpu.memory_space<vmem_shared>>
          tpu.wait_indirect_dma semaphore(%run_scoped3A_284 : memref<!tpu.dma_semaphore, #tpu.memory_space<semaphore_mem>>) src(%arg11 : memref<128x128xf32, #tpu.memory_space<vmem>>) dst(%dma_wait3A_294 : memref<12520x128xf32, #tpu.memory_space<vmem_shared>>)
          tpu.yield
        }) : () -> ()
        %scan3A_257 = arith.constant 0 : i32
        %scan3A_258 = arith.constant 0 : i32
        %scan3A_259 = arith.constant 8 : i32
        %scan3A_260 = arith.addi %scan3A_258, %scan3A_259 : i32
        %scan3A_261 = arith.constant 1 : i32
        %scan3A_262 = scf.for %scan3A_284 = %scan3A_258 to %scan3A_260 step %scan3A_261 iter_args(%scan3A_285 = %scan3A_257) -> (i32)  : i32 {
          %mul3A_286 = arith.constant 16 : i32
          %mul3A_287 = arith.muli %scan3A_284, %mul3A_286 : i32
          %get3A = arith.constant 13 : i32
          %get3A_288 = arith.index_cast %get3A : i32 to index
          %get3A_289 = arith.index_cast %mul3A_287 : i32 to index
          %get3A_290 = tpu.vector_load %arg9[%get3A_288, %get3A_289] {strides = array<i32>} : memref<16x128xi32, #tpu.memory_space<vmem>>, vector<1x16xi32>,
          %get3A_291 = vector.shape_cast %get3A_290 : vector<1x16xi32> to vector<16xi32>
          %ge3A = vector.broadcast %mul3A_66 : i32 to vector<16xi32>
          %ge3A_292 = arith.cmpi sge, %get3A_291, %ge3A : vector<16xi32>
          %add3A_293 = arith.constant 12512 : i32
          %add3A_294 = arith.addi %mul3A_66, %add3A_293 : i32
          %lt3A_295 = vector.broadcast %add3A_294 : i32 to vector<16xi32>
          %lt3A_296 = arith.cmpi slt, %get3A_291, %lt3A_295 : vector<16xi32>
          %and3A_297 = arith.andi %ge3A_292, %lt3A_296 : vector<16xi1>
          %sub3A = vector.broadcast %mul3A_66 : i32 to vector<16xi32>
          %sub3A_298 = arith.subi %get3A_291, %sub3A : vector<16xi32>
          %jit3A = arith.constant 12512 : i32
          %broadcast_in_dim3A = vector.broadcast %jit3A : i32 to vector<16xi32>
          %select_n3A = arith.select %and3A_297, %sub3A_298, %broadcast_in_dim3A : vector<16xi1>, vector<16xi32>
          %mul3A_299 = arith.constant 16 : i32
          %mul3A_300 = arith.muli %scan3A_284, %mul3A_299 : i32
          %swap3A = arith.constant 13 : i32
          %swap3A_301 = arith.index_cast %swap3A : i32 to index
          %swap3A_302 = arith.index_cast %mul3A_300 : i32 to index
          %swap3A_303 = tpu.vector_load %arg10[%swap3A_301, %swap3A_302] {strides = array<i32>} : memref<16x128xi32, #tpu.memory_space<vmem>>, vector<1x16xi32>,
          %swap3A_304 = vector.shape_cast %swap3A_303 : vector<1x16xi32> to vector<16xi32>
          %swap3A_305 = vector.shape_cast %select_n3A : vector<16xi32> to vector<1x16xi32>
          tpu.vector_store %arg10[%swap3A_301, %swap3A_302], %swap3A_305 {strides = array<i32>} : memref<16x128xi32, #tpu.memory_space<vmem>>, vector<1x16xi32>,
          %scan3A_306 = arith.constant 0 : i32
          scf.yield %scan3A_306 : i32
        }
        %scan3A_263 = arith.constant 8 : i32
        %run_scoped3A_264 = arith.constant 13 : i32
        "tpu.region"() ({
          %run_scoped3A_284 = tpu.sem_alloc : memref<!tpu.dma_semaphore, #tpu.memory_space<semaphore_mem>>
          %dma_start3A = arith.constant 0 : i32
          %dma_start3A_285 = tpu.memref_slice %arg8[%run_scoped3A_264, %dma_start3A] : memref<16x128xi32, #tpu.memory_space<vmem>> -> memref<1x128xi32, #tpu.memory_space<vmem>>
          %dma_start3A_286 = tpu.memref_squeeze %dma_start3A_285 : memref<1x128xi32, #tpu.memory_space<vmem>> -> memref<128xi32, #tpu.memory_space<vmem>>
          %dma_start3A_287 = arith.constant 0 : i32
          %dma_start3A_288 = arith.constant 0 : i32
          %dma_start3A_289 = tpu.memref_slice %arg2[%dma_start3A_287, %dma_start3A_288] : memref<1350000x128xf32, #tpu.memory_space<hbm>> -> memref<1350000x128xf32, #tpu.memory_space<hbm>>
          tpu.enqueue_indirect_dma source(%dma_start3A_289 : memref<1350000x128xf32, #tpu.memory_space<hbm>>) target(%arg11 : memref<128x128xf32, #tpu.memory_space<vmem>>) offsets(%dma_start3A_286 : memref<128xi32, #tpu.memory_space<vmem>>) semaphore(%run_scoped3A_284 : memref<!tpu.dma_semaphore, #tpu.memory_space<semaphore_mem>>)
          %dma_wait3A = arith.constant 0 : i32
          %dma_wait3A_290 = tpu.memref_slice %arg8[%run_scoped3A_264, %dma_wait3A] : memref<16x128xi32, #tpu.memory_space<vmem>> -> memref<1x128xi32, #tpu.memory_space<vmem>>
          %dma_wait3A_291 = tpu.memref_squeeze %dma_wait3A_290 : memref<1x128xi32, #tpu.memory_space<vmem>> -> memref<128xi32, #tpu.memory_space<vmem>>
          %dma_wait3A_292 = arith.constant 0 : i32
          %dma_wait3A_293 = arith.constant 0 : i32
          %dma_wait3A_294 = tpu.memref_slice %arg2[%dma_wait3A_292, %dma_wait3A_293] : memref<1350000x128xf32, #tpu.memory_space<hbm>> -> memref<1350000x128xf32, #tpu.memory_space<hbm>>
          tpu.wait_indirect_dma semaphore(%run_scoped3A_284 : memref<!tpu.dma_semaphore, #tpu.memory_space<semaphore_mem>>) src(%dma_wait3A_294 : memref<1350000x128xf32, #tpu.memory_space<hbm>>) dst(%arg11 : memref<128x128xf32, #tpu.memory_space<vmem>>)
          tpu.yield
        }) : () -> ()
        %run_scoped3A_265 = arith.constant 13 : i32
        "tpu.region"() ({
          %run_scoped3A_284 = tpu.sem_alloc : memref<!tpu.dma_semaphore, #tpu.memory_space<semaphore_mem>>
          %dma_start3A = arith.constant 0 : i32
          %dma_start3A_285 = tpu.memref_slice %arg10[%run_scoped3A_265, %dma_start3A] : memref<16x128xi32, #tpu.memory_space<vmem>> -> memref<1x128xi32, #tpu.memory_space<vmem>>
          %dma_start3A_286 = tpu.memref_squeeze %dma_start3A_285 : memref<1x128xi32, #tpu.memory_space<vmem>> -> memref<128xi32, #tpu.memory_space<vmem>>
          %dma_start3A_287 = arith.constant 0 : i32
          %dma_start3A_288 = arith.constant 0 : i32
          %dma_start3A_289 = tpu.memref_slice %arg7[%dma_start3A_287, %dma_start3A_288] : memref<12520x128xf32, #tpu.memory_space<vmem_shared>> -> memref<12520x128xf32, #tpu.memory_space<vmem_shared>>
          tpu.enqueue_indirect_dma source(%arg11 : memref<128x128xf32, #tpu.memory_space<vmem>>) target(%dma_start3A_289 : memref<12520x128xf32, #tpu.memory_space<vmem_shared>>) offsets(%dma_start3A_286 : memref<128xi32, #tpu.memory_space<vmem>>) semaphore(%run_scoped3A_284 : memref<!tpu.dma_semaphore, #tpu.memory_space<semaphore_mem>>) {add = true}
          %dma_wait3A = arith.constant 0 : i32
          %dma_wait3A_290 = tpu.memref_slice %arg10[%run_scoped3A_265, %dma_wait3A] : memref<16x128xi32, #tpu.memory_space<vmem>> -> memref<1x128xi32, #tpu.memory_space<vmem>>
          %dma_wait3A_291 = tpu.memref_squeeze %dma_wait3A_290 : memref<1x128xi32, #tpu.memory_space<vmem>> -> memref<128xi32, #tpu.memory_space<vmem>>
          %dma_wait3A_292 = arith.constant 0 : i32
          %dma_wait3A_293 = arith.constant 0 : i32
          %dma_wait3A_294 = tpu.memref_slice %arg7[%dma_wait3A_292, %dma_wait3A_293] : memref<12520x128xf32, #tpu.memory_space<vmem_shared>> -> memref<12520x128xf32, #tpu.memory_space<vmem_shared>>
          tpu.wait_indirect_dma semaphore(%run_scoped3A_284 : memref<!tpu.dma_semaphore, #tpu.memory_space<semaphore_mem>>) src(%arg11 : memref<128x128xf32, #tpu.memory_space<vmem>>) dst(%dma_wait3A_294 : memref<12520x128xf32, #tpu.memory_space<vmem_shared>>)
          tpu.yield
        }) : () -> ()
        %scan3A_266 = arith.constant 0 : i32
        %scan3A_267 = arith.constant 0 : i32
        %scan3A_268 = arith.constant 8 : i32
        %scan3A_269 = arith.addi %scan3A_267, %scan3A_268 : i32
        %scan3A_270 = arith.constant 1 : i32
        %scan3A_271 = scf.for %scan3A_284 = %scan3A_267 to %scan3A_269 step %scan3A_270 iter_args(%scan3A_285 = %scan3A_266) -> (i32)  : i32 {
          %mul3A_286 = arith.constant 16 : i32
          %mul3A_287 = arith.muli %scan3A_284, %mul3A_286 : i32
          %get3A = arith.constant 14 : i32
          %get3A_288 = arith.index_cast %get3A : i32 to index
          %get3A_289 = arith.index_cast %mul3A_287 : i32 to index
          %get3A_290 = tpu.vector_load %arg9[%get3A_288, %get3A_289] {strides = array<i32>} : memref<16x128xi32, #tpu.memory_space<vmem>>, vector<1x16xi32>,
          %get3A_291 = vector.shape_cast %get3A_290 : vector<1x16xi32> to vector<16xi32>
          %ge3A = vector.broadcast %mul3A_66 : i32 to vector<16xi32>
          %ge3A_292 = arith.cmpi sge, %get3A_291, %ge3A : vector<16xi32>
          %add3A_293 = arith.constant 12512 : i32
          %add3A_294 = arith.addi %mul3A_66, %add3A_293 : i32
          %lt3A_295 = vector.broadcast %add3A_294 : i32 to vector<16xi32>
          %lt3A_296 = arith.cmpi slt, %get3A_291, %lt3A_295 : vector<16xi32>
          %and3A_297 = arith.andi %ge3A_292, %lt3A_296 : vector<16xi1>
          %sub3A = vector.broadcast %mul3A_66 : i32 to vector<16xi32>
          %sub3A_298 = arith.subi %get3A_291, %sub3A : vector<16xi32>
          %jit3A = arith.constant 12512 : i32
          %broadcast_in_dim3A = vector.broadcast %jit3A : i32 to vector<16xi32>
          %select_n3A = arith.select %and3A_297, %sub3A_298, %broadcast_in_dim3A : vector<16xi1>, vector<16xi32>
          %mul3A_299 = arith.constant 16 : i32
          %mul3A_300 = arith.muli %scan3A_284, %mul3A_299 : i32
          %swap3A = arith.constant 14 : i32
          %swap3A_301 = arith.index_cast %swap3A : i32 to index
          %swap3A_302 = arith.index_cast %mul3A_300 : i32 to index
          %swap3A_303 = tpu.vector_load %arg10[%swap3A_301, %swap3A_302] {strides = array<i32>} : memref<16x128xi32, #tpu.memory_space<vmem>>, vector<1x16xi32>,
          %swap3A_304 = vector.shape_cast %swap3A_303 : vector<1x16xi32> to vector<16xi32>
          %swap3A_305 = vector.shape_cast %select_n3A : vector<16xi32> to vector<1x16xi32>
          tpu.vector_store %arg10[%swap3A_301, %swap3A_302], %swap3A_305 {strides = array<i32>} : memref<16x128xi32, #tpu.memory_space<vmem>>, vector<1x16xi32>,
          %scan3A_306 = arith.constant 0 : i32
          scf.yield %scan3A_306 : i32
        }
        %scan3A_272 = arith.constant 8 : i32
        %run_scoped3A_273 = arith.constant 14 : i32
        "tpu.region"() ({
          %run_scoped3A_284 = tpu.sem_alloc : memref<!tpu.dma_semaphore, #tpu.memory_space<semaphore_mem>>
          %dma_start3A = arith.constant 0 : i32
          %dma_start3A_285 = tpu.memref_slice %arg8[%run_scoped3A_273, %dma_start3A] : memref<16x128xi32, #tpu.memory_space<vmem>> -> memref<1x128xi32, #tpu.memory_space<vmem>>
          %dma_start3A_286 = tpu.memref_squeeze %dma_start3A_285 : memref<1x128xi32, #tpu.memory_space<vmem>> -> memref<128xi32, #tpu.memory_space<vmem>>
          %dma_start3A_287 = arith.constant 0 : i32
          %dma_start3A_288 = arith.constant 0 : i32
          %dma_start3A_289 = tpu.memref_slice %arg2[%dma_start3A_287, %dma_start3A_288] : memref<1350000x128xf32, #tpu.memory_space<hbm>> -> memref<1350000x128xf32, #tpu.memory_space<hbm>>
          tpu.enqueue_indirect_dma source(%dma_start3A_289 : memref<1350000x128xf32, #tpu.memory_space<hbm>>) target(%arg11 : memref<128x128xf32, #tpu.memory_space<vmem>>) offsets(%dma_start3A_286 : memref<128xi32, #tpu.memory_space<vmem>>) semaphore(%run_scoped3A_284 : memref<!tpu.dma_semaphore, #tpu.memory_space<semaphore_mem>>)
          %dma_wait3A = arith.constant 0 : i32
          %dma_wait3A_290 = tpu.memref_slice %arg8[%run_scoped3A_273, %dma_wait3A] : memref<16x128xi32, #tpu.memory_space<vmem>> -> memref<1x128xi32, #tpu.memory_space<vmem>>
          %dma_wait3A_291 = tpu.memref_squeeze %dma_wait3A_290 : memref<1x128xi32, #tpu.memory_space<vmem>> -> memref<128xi32, #tpu.memory_space<vmem>>
          %dma_wait3A_292 = arith.constant 0 : i32
          %dma_wait3A_293 = arith.constant 0 : i32
          %dma_wait3A_294 = tpu.memref_slice %arg2[%dma_wait3A_292, %dma_wait3A_293] : memref<1350000x128xf32, #tpu.memory_space<hbm>> -> memref<1350000x128xf32, #tpu.memory_space<hbm>>
          tpu.wait_indirect_dma semaphore(%run_scoped3A_284 : memref<!tpu.dma_semaphore, #tpu.memory_space<semaphore_mem>>) src(%dma_wait3A_294 : memref<1350000x128xf32, #tpu.memory_space<hbm>>) dst(%arg11 : memref<128x128xf32, #tpu.memory_space<vmem>>)
          tpu.yield
        }) : () -> ()
        %run_scoped3A_274 = arith.constant 14 : i32
        "tpu.region"() ({
          %run_scoped3A_284 = tpu.sem_alloc : memref<!tpu.dma_semaphore, #tpu.memory_space<semaphore_mem>>
          %dma_start3A = arith.constant 0 : i32
          %dma_start3A_285 = tpu.memref_slice %arg10[%run_scoped3A_274, %dma_start3A] : memref<16x128xi32, #tpu.memory_space<vmem>> -> memref<1x128xi32, #tpu.memory_space<vmem>>
          %dma_start3A_286 = tpu.memref_squeeze %dma_start3A_285 : memref<1x128xi32, #tpu.memory_space<vmem>> -> memref<128xi32, #tpu.memory_space<vmem>>
          %dma_start3A_287 = arith.constant 0 : i32
          %dma_start3A_288 = arith.constant 0 : i32
          %dma_start3A_289 = tpu.memref_slice %arg7[%dma_start3A_287, %dma_start3A_288] : memref<12520x128xf32, #tpu.memory_space<vmem_shared>> -> memref<12520x128xf32, #tpu.memory_space<vmem_shared>>
          tpu.enqueue_indirect_dma source(%arg11 : memref<128x128xf32, #tpu.memory_space<vmem>>) target(%dma_start3A_289 : memref<12520x128xf32, #tpu.memory_space<vmem_shared>>) offsets(%dma_start3A_286 : memref<128xi32, #tpu.memory_space<vmem>>) semaphore(%run_scoped3A_284 : memref<!tpu.dma_semaphore, #tpu.memory_space<semaphore_mem>>) {add = true}
          %dma_wait3A = arith.constant 0 : i32
          %dma_wait3A_290 = tpu.memref_slice %arg10[%run_scoped3A_274, %dma_wait3A] : memref<16x128xi32, #tpu.memory_space<vmem>> -> memref<1x128xi32, #tpu.memory_space<vmem>>
          %dma_wait3A_291 = tpu.memref_squeeze %dma_wait3A_290 : memref<1x128xi32, #tpu.memory_space<vmem>> -> memref<128xi32, #tpu.memory_space<vmem>>
          %dma_wait3A_292 = arith.constant 0 : i32
          %dma_wait3A_293 = arith.constant 0 : i32
          %dma_wait3A_294 = tpu.memref_slice %arg7[%dma_wait3A_292, %dma_wait3A_293] : memref<12520x128xf32, #tpu.memory_space<vmem_shared>> -> memref<12520x128xf32, #tpu.memory_space<vmem_shared>>
          tpu.wait_indirect_dma semaphore(%run_scoped3A_284 : memref<!tpu.dma_semaphore, #tpu.memory_space<semaphore_mem>>) src(%arg11 : memref<128x128xf32, #tpu.memory_space<vmem>>) dst(%dma_wait3A_294 : memref<12520x128xf32, #tpu.memory_space<vmem_shared>>)
          tpu.yield
        }) : () -> ()
        %scan3A_275 = arith.constant 0 : i32
        %scan3A_276 = arith.constant 0 : i32
        %scan3A_277 = arith.constant 8 : i32
        %scan3A_278 = arith.addi %scan3A_276, %scan3A_277 : i32
        %scan3A_279 = arith.constant 1 : i32
        %scan3A_280 = scf.for %scan3A_284 = %scan3A_276 to %scan3A_278 step %scan3A_279 iter_args(%scan3A_285 = %scan3A_275) -> (i32)  : i32 {
          %mul3A_286 = arith.constant 16 : i32
          %mul3A_287 = arith.muli %scan3A_284, %mul3A_286 : i32
          %get3A = arith.constant 15 : i32
          %get3A_288 = arith.index_cast %get3A : i32 to index
          %get3A_289 = arith.index_cast %mul3A_287 : i32 to index
          %get3A_290 = tpu.vector_load %arg9[%get3A_288, %get3A_289] {strides = array<i32>} : memref<16x128xi32, #tpu.memory_space<vmem>>, vector<1x16xi32>,
          %get3A_291 = vector.shape_cast %get3A_290 : vector<1x16xi32> to vector<16xi32>
          %ge3A = vector.broadcast %mul3A_66 : i32 to vector<16xi32>
          %ge3A_292 = arith.cmpi sge, %get3A_291, %ge3A : vector<16xi32>
          %add3A_293 = arith.constant 12512 : i32
          %add3A_294 = arith.addi %mul3A_66, %add3A_293 : i32
          %lt3A_295 = vector.broadcast %add3A_294 : i32 to vector<16xi32>
          %lt3A_296 = arith.cmpi slt, %get3A_291, %lt3A_295 : vector<16xi32>
          %and3A_297 = arith.andi %ge3A_292, %lt3A_296 : vector<16xi1>
          %sub3A = vector.broadcast %mul3A_66 : i32 to vector<16xi32>
          %sub3A_298 = arith.subi %get3A_291, %sub3A : vector<16xi32>
          %jit3A = arith.constant 12512 : i32
          %broadcast_in_dim3A = vector.broadcast %jit3A : i32 to vector<16xi32>
          %select_n3A = arith.select %and3A_297, %sub3A_298, %broadcast_in_dim3A : vector<16xi1>, vector<16xi32>
          %mul3A_299 = arith.constant 16 : i32
          %mul3A_300 = arith.muli %scan3A_284, %mul3A_299 : i32
          %swap3A = arith.constant 15 : i32
          %swap3A_301 = arith.index_cast %swap3A : i32 to index
          %swap3A_302 = arith.index_cast %mul3A_300 : i32 to index
          %swap3A_303 = tpu.vector_load %arg10[%swap3A_301, %swap3A_302] {strides = array<i32>} : memref<16x128xi32, #tpu.memory_space<vmem>>, vector<1x16xi32>,
          %swap3A_304 = vector.shape_cast %swap3A_303 : vector<1x16xi32> to vector<16xi32>
          %swap3A_305 = vector.shape_cast %select_n3A : vector<16xi32> to vector<1x16xi32>
          tpu.vector_store %arg10[%swap3A_301, %swap3A_302], %swap3A_305 {strides = array<i32>} : memref<16x128xi32, #tpu.memory_space<vmem>>, vector<1x16xi32>,
          %scan3A_306 = arith.constant 0 : i32
          scf.yield %scan3A_306 : i32
        }
        %scan3A_281 = arith.constant 8 : i32
        %run_scoped3A_282 = arith.constant 15 : i32
        "tpu.region"() ({
          %run_scoped3A_284 = tpu.sem_alloc : memref<!tpu.dma_semaphore, #tpu.memory_space<semaphore_mem>>
          %dma_start3A = arith.constant 0 : i32
          %dma_start3A_285 = tpu.memref_slice %arg8[%run_scoped3A_282, %dma_start3A] : memref<16x128xi32, #tpu.memory_space<vmem>> -> memref<1x128xi32, #tpu.memory_space<vmem>>
          %dma_start3A_286 = tpu.memref_squeeze %dma_start3A_285 : memref<1x128xi32, #tpu.memory_space<vmem>> -> memref<128xi32, #tpu.memory_space<vmem>>
          %dma_start3A_287 = arith.constant 0 : i32
          %dma_start3A_288 = arith.constant 0 : i32
          %dma_start3A_289 = tpu.memref_slice %arg2[%dma_start3A_287, %dma_start3A_288] : memref<1350000x128xf32, #tpu.memory_space<hbm>> -> memref<1350000x128xf32, #tpu.memory_space<hbm>>
          tpu.enqueue_indirect_dma source(%dma_start3A_289 : memref<1350000x128xf32, #tpu.memory_space<hbm>>) target(%arg11 : memref<128x128xf32, #tpu.memory_space<vmem>>) offsets(%dma_start3A_286 : memref<128xi32, #tpu.memory_space<vmem>>) semaphore(%run_scoped3A_284 : memref<!tpu.dma_semaphore, #tpu.memory_space<semaphore_mem>>)
          %dma_wait3A = arith.constant 0 : i32
          %dma_wait3A_290 = tpu.memref_slice %arg8[%run_scoped3A_282, %dma_wait3A] : memref<16x128xi32, #tpu.memory_space<vmem>> -> memref<1x128xi32, #tpu.memory_space<vmem>>
          %dma_wait3A_291 = tpu.memref_squeeze %dma_wait3A_290 : memref<1x128xi32, #tpu.memory_space<vmem>> -> memref<128xi32, #tpu.memory_space<vmem>>
          %dma_wait3A_292 = arith.constant 0 : i32
          %dma_wait3A_293 = arith.constant 0 : i32
          %dma_wait3A_294 = tpu.memref_slice %arg2[%dma_wait3A_292, %dma_wait3A_293] : memref<1350000x128xf32, #tpu.memory_space<hbm>> -> memref<1350000x128xf32, #tpu.memory_space<hbm>>
          tpu.wait_indirect_dma semaphore(%run_scoped3A_284 : memref<!tpu.dma_semaphore, #tpu.memory_space<semaphore_mem>>) src(%dma_wait3A_294 : memref<1350000x128xf32, #tpu.memory_space<hbm>>) dst(%arg11 : memref<128x128xf32, #tpu.memory_space<vmem>>)
          tpu.yield
        }) : () -> ()
        %run_scoped3A_283 = arith.constant 15 : i32
        "tpu.region"() ({
          %run_scoped3A_284 = tpu.sem_alloc : memref<!tpu.dma_semaphore, #tpu.memory_space<semaphore_mem>>
          %dma_start3A = arith.constant 0 : i32
          %dma_start3A_285 = tpu.memref_slice %arg10[%run_scoped3A_283, %dma_start3A] : memref<16x128xi32, #tpu.memory_space<vmem>> -> memref<1x128xi32, #tpu.memory_space<vmem>>
          %dma_start3A_286 = tpu.memref_squeeze %dma_start3A_285 : memref<1x128xi32, #tpu.memory_space<vmem>> -> memref<128xi32, #tpu.memory_space<vmem>>
          %dma_start3A_287 = arith.constant 0 : i32
          %dma_start3A_288 = arith.constant 0 : i32
          %dma_start3A_289 = tpu.memref_slice %arg7[%dma_start3A_287, %dma_start3A_288] : memref<12520x128xf32, #tpu.memory_space<vmem_shared>> -> memref<12520x128xf32, #tpu.memory_space<vmem_shared>>
          tpu.enqueue_indirect_dma source(%arg11 : memref<128x128xf32, #tpu.memory_space<vmem>>) target(%dma_start3A_289 : memref<12520x128xf32, #tpu.memory_space<vmem_shared>>) offsets(%dma_start3A_286 : memref<128xi32, #tpu.memory_space<vmem>>) semaphore(%run_scoped3A_284 : memref<!tpu.dma_semaphore, #tpu.memory_space<semaphore_mem>>) {add = true}
          %dma_wait3A = arith.constant 0 : i32
          %dma_wait3A_290 = tpu.memref_slice %arg10[%run_scoped3A_283, %dma_wait3A] : memref<16x128xi32, #tpu.memory_space<vmem>> -> memref<1x128xi32, #tpu.memory_space<vmem>>
          %dma_wait3A_291 = tpu.memref_squeeze %dma_wait3A_290 : memref<1x128xi32, #tpu.memory_space<vmem>> -> memref<128xi32, #tpu.memory_space<vmem>>
          %dma_wait3A_292 = arith.constant 0 : i32
          %dma_wait3A_293 = arith.constant 0 : i32
          %dma_wait3A_294 = tpu.memref_slice %arg7[%dma_wait3A_292, %dma_wait3A_293] : memref<12520x128xf32, #tpu.memory_space<vmem_shared>> -> memref<12520x128xf32, #tpu.memory_space<vmem_shared>>
          tpu.wait_indirect_dma semaphore(%run_scoped3A_284 : memref<!tpu.dma_semaphore, #tpu.memory_space<semaphore_mem>>) src(%arg11 : memref<128x128xf32, #tpu.memory_space<vmem>>) dst(%dma_wait3A_294 : memref<12520x128xf32, #tpu.memory_space<vmem_shared>>)
          tpu.yield
        }) : () -> ()
      } else {
      }
    }
    %scan3A_87 = arith.constant 17 : i32
    %barrier3A_88 = arith.constant 0 : index
    tpu.barrier barrier_id(%barrier3A_88)
    %add3A_89 = arith.constant 0 : i32
    %add3A_90 = arith.addi %arg1, %add3A_89 : i32
    %lt3A_91 = arith.constant 22 : i32
    %lt3A_92 = arith.cmpi slt, %add3A_90, %lt3A_91 : i32
    %eq3A_93 = arith.constant 22 : i32
    %eq3A_94 = arith.cmpi eq, %add3A_90, %eq3A_93 : i32
    %lt3A_95 = arith.constant 3 : i32
    %lt3A_96 = arith.cmpi slt, %add3A_64, %lt3A_95 : i32
    %and3A_97 = arith.andi %eq3A_94, %lt3A_96 : i1
    %or3A_98 = arith.ori %lt3A_92, %and3A_97 : i1
    %convert_element_type3A_99 = arith.extui %or3A_98 : i1 to i32
    %cond3A_100 = arith.constant 0 : i32
    %cond3A_101 = arith.cmpi ne, %convert_element_type3A_99, %cond3A_100 : i32
    scf.if %cond3A_101 {
      %mul3A_132 = arith.constant 544 : i32
      %mul3A_133 = arith.muli %add3A_90, %mul3A_132 : i32
      %mul3A_134 = arith.constant 12512 : i32
      %mul3A_135 = arith.muli %add3A_64, %mul3A_134 : i32
      %mul3A_136 = arith.constant 544 : i32
      %mul3A_137 = arith.muli %add3A_90, %mul3A_136 : i32
      %add3A_138 = arith.addi %mul3A_135, %mul3A_137 : i32
      "tpu.region"() ({
        %run_scoped3A = tpu.sem_alloc : memref<!tpu.dma_semaphore, #tpu.memory_space<semaphore_mem>>
        %dma_start3A = arith.constant 0 : i32
        %dma_start3A_139 = tpu.memref_slice %arg6[%add3A_138, %dma_start3A] : memref<50000x128xf32, #tpu.memory_space<hbm>> -> memref<544x128xf32, #tpu.memory_space<hbm>>
        %dma_start3A_140 = arith.constant 0 : i32
        %dma_start3A_141 = tpu.memref_slice %arg7[%mul3A_133, %dma_start3A_140] : memref<12520x128xf32, #tpu.memory_space<vmem_shared>> -> memref<544x128xf32, #tpu.memory_space<vmem_shared>>
        tpu.enqueue_dma source(%dma_start3A_141 : memref<544x128xf32, #tpu.memory_space<vmem_shared>>) target(%dma_start3A_139 : memref<544x128xf32, #tpu.memory_space<hbm>>) target_semaphore(%run_scoped3A : memref<!tpu.dma_semaphore, #tpu.memory_space<semaphore_mem>>)
        %dma_wait3A = arith.constant 0 : i32
        %dma_wait3A_142 = tpu.memref_slice %arg6[%add3A_138, %dma_wait3A] : memref<50000x128xf32, #tpu.memory_space<hbm>> -> memref<544x128xf32, #tpu.memory_space<hbm>>
        %dma_wait3A_143 = arith.constant 0 : i32
        %dma_wait3A_144 = tpu.memref_slice %arg7[%mul3A_133, %dma_wait3A_143] : memref<12520x128xf32, #tpu.memory_space<vmem_shared>> -> memref<544x128xf32, #tpu.memory_space<vmem_shared>>
        tpu.wait_dma2 semaphore(%run_scoped3A : memref<!tpu.dma_semaphore, #tpu.memory_space<semaphore_mem>>) src(%dma_wait3A_144 : memref<544x128xf32, #tpu.memory_space<vmem_shared>>) dst(%dma_wait3A_142 : memref<544x128xf32, #tpu.memory_space<hbm>>)
        tpu.yield
      }) : () -> ()
    } else {
    }
    %eq3A_102 = arith.constant 22 : i32
    %eq3A_103 = arith.cmpi eq, %add3A_90, %eq3A_102 : i32
    %eq3A_104 = arith.constant 3 : i32
    %eq3A_105 = arith.cmpi eq, %add3A_64, %eq3A_104 : i32
    %and3A_106 = arith.andi %eq3A_103, %eq3A_105 : i1
    %convert_element_type3A_107 = arith.extui %and3A_106 : i1 to i32
    %cond3A_108 = arith.constant 0 : i32
    %cond3A_109 = arith.cmpi ne, %convert_element_type3A_107, %cond3A_108 : i32
    scf.if %cond3A_109 {
      %mul3A_132 = arith.constant 544 : i32
      %mul3A_133 = arith.muli %add3A_90, %mul3A_132 : i32
      %mul3A_134 = arith.constant 12512 : i32
      %mul3A_135 = arith.muli %add3A_64, %mul3A_134 : i32
      %mul3A_136 = arith.constant 544 : i32
      %mul3A_137 = arith.muli %add3A_90, %mul3A_136 : i32
      %add3A_138 = arith.addi %mul3A_135, %mul3A_137 : i32
      "tpu.region"() ({
        %run_scoped3A = tpu.sem_alloc : memref<!tpu.dma_semaphore, #tpu.memory_space<semaphore_mem>>
        %dma_start3A = arith.constant 0 : i32
        %dma_start3A_139 = tpu.memref_slice %arg6[%add3A_138, %dma_start3A] : memref<50000x128xf32, #tpu.memory_space<hbm>> -> memref<496x128xf32, #tpu.memory_space<hbm>>
        %dma_start3A_140 = arith.constant 0 : i32
        %dma_start3A_141 = tpu.memref_slice %arg7[%mul3A_133, %dma_start3A_140] : memref<12520x128xf32, #tpu.memory_space<vmem_shared>> -> memref<496x128xf32, #tpu.memory_space<vmem_shared>>
        tpu.enqueue_dma source(%dma_start3A_141 : memref<496x128xf32, #tpu.memory_space<vmem_shared>>) target(%dma_start3A_139 : memref<496x128xf32, #tpu.memory_space<hbm>>) target_semaphore(%run_scoped3A : memref<!tpu.dma_semaphore, #tpu.memory_space<semaphore_mem>>)
        %dma_wait3A = arith.constant 0 : i32
        %dma_wait3A_142 = tpu.memref_slice %arg6[%add3A_138, %dma_wait3A] : memref<50000x128xf32, #tpu.memory_space<hbm>> -> memref<496x128xf32, #tpu.memory_space<hbm>>
        %dma_wait3A_143 = arith.constant 0 : i32
        %dma_wait3A_144 = tpu.memref_slice %arg7[%mul3A_133, %dma_wait3A_143] : memref<12520x128xf32, #tpu.memory_space<vmem_shared>> -> memref<496x128xf32, #tpu.memory_space<vmem_shared>>
        tpu.wait_dma2 semaphore(%run_scoped3A : memref<!tpu.dma_semaphore, #tpu.memory_space<semaphore_mem>>) src(%dma_wait3A_144 : memref<496x128xf32, #tpu.memory_space<vmem_shared>>) dst(%dma_wait3A_142 : memref<496x128xf32, #tpu.memory_space<hbm>>)
        tpu.yield
      }) : () -> ()
    } else {
    }
    %add3A_110 = arith.constant 16 : i32
    %add3A_111 = arith.addi %arg1, %add3A_110 : i32
    %lt3A_112 = arith.constant 22 : i32
    %lt3A_113 = arith.cmpi slt, %add3A_111, %lt3A_112 : i32
    %eq3A_114 = arith.constant 22 : i32
    %eq3A_115 = arith.cmpi eq, %add3A_111, %eq3A_114 : i32
    %lt3A_116 = arith.constant 3 : i32
    %lt3A_117 = arith.cmpi slt, %add3A_64, %lt3A_116 : i32
    %and3A_118 = arith.andi %eq3A_115, %lt3A_117 : i1
    %or3A_119 = arith.ori %lt3A_113, %and3A_118 : i1
    %convert_element_type3A_120 = arith.extui %or3A_119 : i1 to i32
    %cond3A_121 = arith.constant 0 : i32
    %cond3A_122 = arith.cmpi ne, %convert_element_type3A_120, %cond3A_121 : i32
    scf.if %cond3A_122 {
      %mul3A_132 = arith.constant 544 : i32
      %mul3A_133 = arith.muli %add3A_111, %mul3A_132 : i32
      %mul3A_134 = arith.constant 12512 : i32
      %mul3A_135 = arith.muli %add3A_64, %mul3A_134 : i32
      %mul3A_136 = arith.constant 544 : i32
      %mul3A_137 = arith.muli %add3A_111, %mul3A_136 : i32
      %add3A_138 = arith.addi %mul3A_135, %mul3A_137 : i32
      "tpu.region"() ({
        %run_scoped3A = tpu.sem_alloc : memref<!tpu.dma_semaphore, #tpu.memory_space<semaphore_mem>>
        %dma_start3A = arith.constant 0 : i32
        %dma_start3A_139 = tpu.memref_slice %arg6[%add3A_138, %dma_start3A] : memref<50000x128xf32, #tpu.memory_space<hbm>> -> memref<544x128xf32, #tpu.memory_space<hbm>>
        %dma_start3A_140 = arith.constant 0 : i32
        %dma_start3A_141 = tpu.memref_slice %arg7[%mul3A_133, %dma_start3A_140] : memref<12520x128xf32, #tpu.memory_space<vmem_shared>> -> memref<544x128xf32, #tpu.memory_space<vmem_shared>>
        tpu.enqueue_dma source(%dma_start3A_141 : memref<544x128xf32, #tpu.memory_space<vmem_shared>>) target(%dma_start3A_139 : memref<544x128xf32, #tpu.memory_space<hbm>>) target_semaphore(%run_scoped3A : memref<!tpu.dma_semaphore, #tpu.memory_space<semaphore_mem>>)
        %dma_wait3A = arith.constant 0 : i32
        %dma_wait3A_142 = tpu.memref_slice %arg6[%add3A_138, %dma_wait3A] : memref<50000x128xf32, #tpu.memory_space<hbm>> -> memref<544x128xf32, #tpu.memory_space<hbm>>
        %dma_wait3A_143 = arith.constant 0 : i32
        %dma_wait3A_144 = tpu.memref_slice %arg7[%mul3A_133, %dma_wait3A_143] : memref<12520x128xf32, #tpu.memory_space<vmem_shared>> -> memref<544x128xf32, #tpu.memory_space<vmem_shared>>
        tpu.wait_dma2 semaphore(%run_scoped3A : memref<!tpu.dma_semaphore, #tpu.memory_space<semaphore_mem>>) src(%dma_wait3A_144 : memref<544x128xf32, #tpu.memory_space<vmem_shared>>) dst(%dma_wait3A_142 : memref<544x128xf32, #tpu.memory_space<hbm>>)
        tpu.yield
      }) : () -> ()
    } else {
    }
    %eq3A_123 = arith.constant 22 : i32
    %eq3A_124 = arith.cmpi eq, %add3A_111, %eq3A_123 : i32
    %eq3A_125 = arith.constant 3 : i32
    %eq3A_126 = arith.cmpi eq, %add3A_64, %eq3A_125 : i32
    %and3A_127 = arith.andi %eq3A_124, %eq3A_126 : i1
    %convert_element_type3A_128 = arith.extui %and3A_127 : i1 to i32
    %cond3A_129 = arith.constant 0 : i32
    %cond3A_130 = arith.cmpi ne, %convert_element_type3A_128, %cond3A_129 : i32
    scf.if %cond3A_130 {
      %mul3A_132 = arith.constant 544 : i32
      %mul3A_133 = arith.muli %add3A_111, %mul3A_132 : i32
      %mul3A_134 = arith.constant 12512 : i32
      %mul3A_135 = arith.muli %add3A_64, %mul3A_134 : i32
      %mul3A_136 = arith.constant 544 : i32
      %mul3A_137 = arith.muli %add3A_111, %mul3A_136 : i32
      %add3A_138 = arith.addi %mul3A_135, %mul3A_137 : i32
      "tpu.region"() ({
        %run_scoped3A = tpu.sem_alloc : memref<!tpu.dma_semaphore, #tpu.memory_space<semaphore_mem>>
        %dma_start3A = arith.constant 0 : i32
        %dma_start3A_139 = tpu.memref_slice %arg6[%add3A_138, %dma_start3A] : memref<50000x128xf32, #tpu.memory_space<hbm>> -> memref<496x128xf32, #tpu.memory_space<hbm>>
        %dma_start3A_140 = arith.constant 0 : i32
        %dma_start3A_141 = tpu.memref_slice %arg7[%mul3A_133, %dma_start3A_140] : memref<12520x128xf32, #tpu.memory_space<vmem_shared>> -> memref<496x128xf32, #tpu.memory_space<vmem_shared>>
        tpu.enqueue_dma source(%dma_start3A_141 : memref<496x128xf32, #tpu.memory_space<vmem_shared>>) target(%dma_start3A_139 : memref<496x128xf32, #tpu.memory_space<hbm>>) target_semaphore(%run_scoped3A : memref<!tpu.dma_semaphore, #tpu.memory_space<semaphore_mem>>)
        %dma_wait3A = arith.constant 0 : i32
        %dma_wait3A_142 = tpu.memref_slice %arg6[%add3A_138, %dma_wait3A] : memref<50000x128xf32, #tpu.memory_space<hbm>> -> memref<496x128xf32, #tpu.memory_space<hbm>>
        %dma_wait3A_143 = arith.constant 0 : i32
        %dma_wait3A_144 = tpu.memref_slice %arg7[%mul3A_133, %dma_wait3A_143] : memref<12520x128xf32, #tpu.memory_space<vmem_shared>> -> memref<496x128xf32, #tpu.memory_space<vmem_shared>>
        tpu.wait_dma2 semaphore(%run_scoped3A : memref<!tpu.dma_semaphore, #tpu.memory_space<semaphore_mem>>) src(%dma_wait3A_144 : memref<496x128xf32, #tpu.memory_space<vmem_shared>>) dst(%dma_wait3A_142 : memref<496x128xf32, #tpu.memory_space<hbm>>)
        tpu.yield
      }) : () -> ()
    } else {
    }
    %barrier3A_131 = arith.constant 0 : index
    tpu.barrier barrier_id(%barrier3A_131)
    return
  }
}

module attributes {stable_mosaic.version = 14 : i64} {
  func.func @_tc_body(%arg0: i32, %arg1: i32, %arg2: memref<5000x128xf32, #tpu.memory_space<vmem>>, %arg3: memref<1x128x128xf32, #tpu.memory_space<vmem>>, %arg4: memref<5000x128xf32, #tpu.memory_space<vmem>>) attributes {dimension_semantics = [#tpu.dimension_semantics<arbitrary>, #tpu.dimension_semantics<arbitrary>], iteration_bounds = array<i64: 10, 27>, scalar_prefetch = 0 : i64, scratch_operands = 0 : i64, tpu.core_type = #tpu.core_type<tc>, window_params = [{transform_indices = @transform_0, window_bounds = array<i64: 5000, 128>}, {transform_indices = @transform_1, window_bounds = array<i64: 1, 128, 128>}, {transform_indices = @transform_2, window_bounds = array<i64: 5000, 128>}]} {
    %get3A = arith.constant 0 : index
    %get3A_0 = arith.constant 0 : index
    %get3A_1 = vector.load %arg2[%get3A, %get3A_0] : memref<5000x128xf32, #tpu.memory_space<vmem>>, vector<5000x128xf32>
    %get3A_2 = arith.constant 0 : index
    %get3A_3 = arith.constant 0 : index
    %get3A_4 = arith.constant 0 : index
    %get3A_5 = vector.load %arg3[%get3A_2, %get3A_3, %get3A_4] : memref<1x128x128xf32, #tpu.memory_space<vmem>>, vector<1x128x128xf32>
    %get3A_6 = vector.shape_cast %get3A_5 : vector<1x128x128xf32> to vector<128x128xf32>
    %dot_general3A = arith.constant dense<0.000000e+00> : vector<5000x128xf32>
    %dot_general3A_7 = tpu.matmul %get3A_1, %get3A_6, %dot_general3A {dimension_numbers = #tpu.dot_dimension_numbers<[1], [0], [0], [1], [0, 0, 1, 1], [], []>, transpose_lhs_hint = false} : vector<5000x128xf32>, vector<128x128xf32>, vector<5000x128xf32> -> vector<5000x128xf32>
    %swap3A = arith.constant 0 : index
    %swap3A_8 = arith.constant 0 : index
    %swap3A_9 = vector.load %arg4[%swap3A, %swap3A_8] : memref<5000x128xf32, #tpu.memory_space<vmem>>, vector<5000x128xf32>
    tpu.vector_store %arg4[%swap3A, %swap3A_8], %dot_general3A_7 {strides = array<i32>} : memref<5000x128xf32, #tpu.memory_space<vmem>>, vector<5000x128xf32>,
    return
  }
  func.func @transform_0(%arg0: i32, %arg1: i32) -> (i32, i32) {
    %c0_i32 = arith.constant 0 : i32
    %c0_i32_0 = arith.constant 0 : i32
    return %arg0, %c0_i32 : i32, i32
  }
  func.func @transform_1(%arg0: i32, %arg1: i32) -> (i32, i32, i32) {
    %c0_i32 = arith.constant 0 : i32
    %c0_i32_0 = arith.constant 0 : i32
    %c0_i32_1 = arith.constant 0 : i32
    return %arg1, %c0_i32, %c0_i32_0 : i32, i32, i32
  }
  func.func @transform_2(%arg0: i32, %arg1: i32) -> (i32, i32) {
    %mul3A = arith.constant 10 : i32
    %mul3A_0 = arith.muli %arg1, %mul3A : i32
    %add3A = arith.addi %mul3A_0, %arg0 : i32
    %c0_i32 = arith.constant 0 : i32
    %c0_i32_1 = arith.constant 0 : i32
    return %add3A, %c0_i32 : i32, i32
  }
}

</mosaic_0001>

<sc_bundles>
// kernel: kernel.5.cloned.1.call-start
scs
__scs_entry_jumppad:
0x0: {  	(pc) =	sbr.rel $0x88, $3  }
0x1: {  	(tag) =	ssettag $0x0;
	lr =	simm.s32 $0x1  }
0x2: {  	[smem:$0x3F9D] =	sst lr;
	_ =	strace $0xD0000000  }
0x3: {  	_ = 	snop  }
0x4: {  	_ = 	snop  }
0x5: {  	_ = 	snop  }
0x6: {  	_ = 	snop  }
0x7: {  	_ = 	snop  }
__scs_overlays_trampoline_lowered:
0x8: {  	[smem:$0x3FAC] =	sst s0  }
0x9: {  	[smem:$0x3FAD] =	sst s1  }
0xa: {  	[smem:$0x3FAE] =	sst s2  }
0xb: {  	[smem:$0x3FAF] =	sst s3  }
0xc: {  	[smem:$0x3FB0] =	sst s4  }
0xd: {  	[smem:$0x3FB1] =	sst s5  }
0xe: {  	[smem:$0x3FB2] =	sst s6  }
0xf: {  	[smem:$0x3FB3] =	sst s7  }
0x10: {  	[smem:$0x3FB4] =	sst s8  }
0x11: {  	[smem:$0x3FB5] =	sst s9;
	s0 =	simm.s32 @!p0 $0x0  }
0x12: {  	s1 =	sld [smem:$0x3F9B];
	s0 =	simm.s32 @p0 $0x1  }
0x13: {  	[smem:$0x3FB6] =	sst s0;
	s0 =	simm.s32 @!p1 $0x0  }
0x14: {  	s2 =	sld [smem:$0x3F9A];
	s0 =	simm.s32 @p1 $0x1  }
0x15: {  	[smem:$0x3FB7] =	sst s0;
	s0 =	simm.s32 @!p2 $0x0  }
0x16: {  	s3 =	sld [smem:$0x3FDB];
	s0 =	simm.s32 @p2 $0x1  }
0x17: {  	s4 =	simm.s32 $0x1BF5;
	[smem:$0x3FB9] =	sst s0  }
0x18: {  	s0 =	sld [smem:$0x3F9C];
	_ =	swait.ge [sflag:s4], $0x0  }
0x19: {  	s7 =	sld [smem:$0x3F9D]  }
0x1a: {  	s8 =	sadd.s32 $0xFFFFE003, lr  }
0x1b: {  	s9 =	sadd.s32 $0xFFFFFEF7, lr;
	s5 =	simm.s32 $0xFFFFFFFF;
	p2 =	slt.u32 s8, $0xFFFFF086  }
0x1c: {  	p1 =	slt.u32 s9, $0xF7A;
	s5 =	simm.s32 @!p2 $0x0  }
0x1d: {  	s5 =	simm.s32 @p1 $0x1;
	p0 =	seq.s32 s7, s2  }
0x1e: {  	s7 =	smul.u32 @!p0 $0xF7A, s2;
	p2 =	seq.s32 @!p0 s5, $0x0  }
0x1f: {  	s9 =	smul.u32 $0xF7A, s1;
	s8 =	simm.s32 @!p0 $0x1BF5;
	p2 =	por !p2, p0  }
0x20: {  	[sflag:s8] =	ssyncset.s32 @!p0 $0xFFFFF086;
	s6 =	sadd.s32 @!p0 s3, s7;
	s7 =	simm.s32 @!p0 $0x108  }
0x21: {  	s3 =	sadd.s32 s3, s9;
	s6 =	sadd.s32 @!p0 $0x88, s6;
	s7 =	simm.s32 @p2 $0x1082  }
0x22: {  	[simem:s7], [sflag:s8] =	dma.local @!p0 [hbm:s6], $0xF7A  }
0x23: {  	s9 =	sor.u32 $0xD0000000, s2;
	s6 =	simm.s32 $0x108;
	_ =	swait.ge @!p0 [sflag:s8], $0x0  }
0x24: {  	s3 =	sadd.s32 $0x88, s3;
	s6 =	simm.s32 @!p1 $0x1082;
	[sflag:s4] =	ssyncset.s32 $0xFFFFF086  }
0x25: {  	[simem:s6], [sflag:s4] =	dma.local [hbm:s3], $0xF7A  }
0x26: {  	[smem:$0x3F9D] =	sst s1;
	(tag) =	ssettag s2;
	_ =	strace s9  }
0x27: {  	s1 =	sld [smem:$0x3FAD]  }
0x28: {  	s2 =	sld [smem:$0x3FAE]  }
0x29: {  	s4 =	sld [smem:$0x3FB0]  }
0x2a: {  	p0 =	seq.s32 s5, $0x0;
	s5 =	sld [smem:$0x3FB1]  }
0x2b: {  	s6 =	sld [smem:$0x3FB2]  }
0x2c: {  	s7 =	sld [smem:$0x3FB3]  }
0x2d: {  	s3 =	simm.s32 $0x108;
	s8 =	sld [smem:$0x3FB4]  }
0x2e: {  	s3 =	simm.s32 @!p0 $0x1082;
	s9 =	sld [smem:$0x3FB5]  }
0x2f: {  	lr =	sadd.s32 s0, s3;
	s0 =	sld [smem:$0x3FAC]  }
0x30: {  	s3 =	sld [smem:$0x3FAF]  }
0x31: {  	[smem:$0x3FB8] =	sst s10  }
0x32: {  	s10 =	sld [smem:$0x3FB6];
	_ =	sdelay $0x3  }
0x33: {  	p0 =	seq.s32 s10, $0x1;
	s10 =	sld [smem:$0x3FB8];
	_ =	sdelay $0x3  }
0x34: {  	[smem:$0x3FB8] =	sst s10  }
0x35: {  	s10 =	sld [smem:$0x3FB7];
	_ =	sdelay $0x3  }
0x36: {  	p1 =	seq.s32 s10, $0x1;
	s10 =	sld [smem:$0x3FB8];
	_ =	sdelay $0x3  }
0x37: {  	[smem:$0x3FB8] =	sst s10  }
0x38: {  	s10 =	sld [smem:$0x3FB9]  }
0x39: {  	_ = 	snop;
	(pc) =	sbr.ind lr, $3  }
0x3a: {  	_ = 	snop  }
0x3b: {  	_ = 	snop  }
0x3c: {  	p2 =	seq.s32 s10, $0x1;
	s10 =	sld [smem:$0x3FB8]  }
0x3d: {  	_ =	shalt  }
0x3e: {  	_ =	shalt  }
0x3f: {  	_ =	shalt  }
0x40: {  	_ =	shalt  }
0x41: {  	_ =	shalt  }
0x42: {  	_ =	shalt  }
0x43: {  	_ =	shalt  }
0x44: {  	_ =	shalt  }
0x45: {  	_ =	shalt  }
0x46: {  	_ =	shalt  }
0x47: {  	_ =	shalt  }
0x48: {  	_ =	shalt  }
0x49: {  	_ =	shalt  }
0x4a: {  	_ =	shalt  }
0x4b: {  	_ =	shalt  }
0x4c: {  	_ =	shalt  }
0x4d: {  	_ =	shalt  }
0x4e: {  	_ =	shalt  }
0x4f: {  	_ =	shalt  }
0x50: {  	_ =	shalt  }
0x51: {  	_ =	shalt  }
0x52: {  	_ =	shalt  }
0x53: {  	_ =	shalt  }
0x54: {  	_ =	shalt  }
0x55: {  	_ =	shalt  }
0x56: {  	_ =	shalt  }
0x57: {  	_ =	shalt  }
0x58: {  	_ =	shalt  }
0x59: {  	_ =	shalt  }
0x5a: {  	_ =	shalt  }
0x5b: {  	_ =	shalt  }
0x5c: {  	_ =	shalt  }
0x5d: {  	_ =	shalt  }
0x5e: {  	_ =	shalt  }
0x5f: {  	_ =	shalt  }
0x60: {  	_ =	shalt  }
0x61: {  	_ =	shalt  }
0x62: {  	_ =	shalt  }
0x63: {  	_ =	shalt  }
0x64: {  	_ =	shalt  }
0x65: {  	_ =	shalt  }
0x66: {  	_ =	shalt  }
0x67: {  	_ =	shalt  }
0x68: {  	_ =	shalt  }
0x69: {  	_ =	shalt  }
0x6a: {  	_ =	shalt  }
0x6b: {  	_ =	shalt  }
0x6c: {  	_ =	shalt  }
0x6d: {  	_ =	shalt  }
0x6e: {  	_ =	shalt  }
0x6f: {  	_ =	shalt  }
0x70: {  	_ =	shalt  }
0x71: {  	_ =	shalt  }
0x72: {  	_ =	shalt  }
0x73: {  	_ =	shalt  }
0x74: {  	_ =	shalt  }
0x75: {  	_ =	shalt  }
0x76: {  	_ =	shalt  }
0x77: {  	_ =	shalt  }
0x78: {  	_ =	shalt  }
0x79: {  	_ =	shalt  }
0x7a: {  	_ =	shalt  }
0x7b: {  	_ =	shalt  }
0x7c: {  	_ =	shalt  }
0x7d: {  	_ =	shalt  }
0x7e: {  	_ =	shalt  }
0x7f: {  	_ =	shalt  }
0x80: {  	_ =	shalt  }
0x81: {  	_ =	shalt  }
0x82: {  	_ =	shalt  }
0x83: {  	_ =	shalt  }
0x84: {  	_ =	shalt  }
0x85: {  	_ =	shalt  }
0x86: {  	_ =	shalt  }
0x87: {  	_ =	shalt  }
.Lfunc_end0:
.L_simem_size_0:
called_computation_lowered:
.L_overlay_start_0:
0x88: {  	s2 =	sld [smem:$0x3FD9]  }
0x89: {  	s3 =	sld [smem:$0x3FFE];
	_ =	sdelay $0x1  }
0x8a: {  	s1 =	srdreg.scid  }
0x8b: {  	s0 =	sand.u32 $0x1, s1  }
0x8c: {  	s17 =	sshll.u32 s0, $0xA;
	s2 =	sadd.s32 s3, s2  }
0x8d: {  	s2 =	sadd.s32 s2, s17  }
0x8e: {  	[smem:$0x3FC4] =	sst s2  }
0x8f: {  	_ = 	snop  }
0x90: {  	s2 =	sld [smem:$0x3FD0];
	(tm) =	ssettm $0x1  }
0x91: {  	s18 =	sld [smem:$0x3FFB];
	_ =	sdelay $0x3  }
0x92: {  	_ =	strace s18  }
0x93: {  	s3 =	sld [smem:$0x3FFC];
	_ =	sdelay $0x3  }
0x94: {  	_ =	strace s3  }
0x95: {  	s3 =	sld [smem:$0x3FFD];
	_ =	sdelay $0x3  }
0x96: {  	_ =	strace s3  }
0x97: {  	_ =	strace $0x8FFFFFFF  }
0x98: {  	s19 =	sld [smem:$0x3FDB];
	_ =	sdelay $0x1  }
0x99: {  	s4 =	simm.s32 $_scs_section_size  }
0x9a: {  	s5 =	simm.s32 $_size__tile_overlayer_lowered;
	s6 =	simm.s32 $_tile_overlayer_lowered  }
0x9b: {  	s22 =	simm.s32 $0x1BFF;
	s21 =	sshll.u32 s6, $0x1;
	s3 =	sadd.s32 s4, s19  }
0x9c: {  	s7 =	simm.s32 $0x0;
	s20 =	sshll.u32 s5, $0x1;
	s5 =	sadd.s32 s21, s3  }
0x9d: {  	[timem:s7], [sflag:s22] =	dma.local [hbm:s5], s20  }
0x9e: {  	_ =	swait.ge [sflag:s22], s20  }
0x9f: {  	s4 =	ssub.s32 $0x0, s20;
	[sflag:s22] =	ssyncset.done $0x0  }
0xa0: {  	[sflag:s22] =	ssyncadd.s32 s4;
	_ =	sdelay $0x1  }
0xa1: {  	s23 =	simm.s32 $0x1B8B  }
0xa2: {  	_ =	swait.ge [sflag:s23], $0x1  }
0xa3: {  	[sflag:s23] =	ssyncset.done $0x0  }
0xa4: {  	s25 =	simm.s32 $0x1B8E;
	s24 =	sld [smem:$0x3FFE];
	[sflag:s23] =	ssyncadd.s32 $0xFFFFFFFF  }
0xa5: {  	s26 =	simm.s32 $execute0_lowered;
	[smem:$0x3FD2] =	sst s25  }
0xa6: {  	s5 =	sshll.u32 s26, $0x1;
	_ =	strace $0x80000046;
	[dreg:$0x1] =	wrdreg $0xFFFFFFFF  }
0xa7: {  	s28 =	simm.s32 $_size_execute0_lowered;
	s3 =	sadd.s32 s3, s5;
	[dreg:$0x0] =	wrdreg $0x0  }
0xa8: {  	s5 =	sshll.u32 s28, $0x1;
	[dreg:$0x2] =	wrdreg s3  }
0xa9: {  	[dreg:$0x3] =	wrdreg s5  }
0xaa: {  	[dreg:$0x4] =	wrdreg $0xC0  }
0xab: {  	_ =	task [dreg:s7], $0x5FFFF  }
0xac: {  	[dreg:$0x1] =	wrdreg $0xFFFFFFFF  }
0xad: {  	[dreg:$0x0] =	wrdreg $0x60  }
0xae: {  	[dreg:$0x2] =	wrdreg s24  }
0xaf: {  	[dreg:$0x3] =	wrdreg s2  }
0xb0: {  	[dreg:$0x4] =	wrdreg $0x0  }
0xb1: {  	[dreg:$0x5] =	wrdreg $0x9  }
0xb2: {  	_ =	task.clear_ibuf [dreg:s7], $0x6FFFF;
	_ =	strace $0x90000046  }
0xb3: {  	s29 =	simm.s32 $0x9;
	_ =	strace $0x80000048  }
0xb4: {  	_ =	swait.ge [sflag:s29], $0x1  }
0xb5: {  	[sflag:s29] =	ssyncadd.s32 $0xFFFFFFFF  }
0xb6: {  	_ =	strace $0x90000048  }
0xb7: {  	_ =	sfence  }
0xb8: {  	s30 =	sld [smem:$0x0];
	_ =	sdelay $0x2  }
0xb9: {  	s31 =	sshll.u32 s1, $0xD;
	s1 =	sshrl.u32 s1, $0x2  }
0xba: {  	s3 =	sand.u32 $0x4000, s31;
	s1 =	sadd.s32 s1, s30  }
0xbb: {  	s0 =	sor.u32 s3, s0;
	s1 =	sshll.u32 s1, $0x11  }
0xbc: {  	s0 =	sor.u32 s1, s0  }
0xbd: {  	s0 =	sadd.s32 $0x8F2B, s0  }
0xbe: {  	[sflag:s0] =	ssyncadd.remote.s32 $0x1  }
0xbf: {  	_ =	sfence.sel $0xFFFF  }
0xc0: {  	[dreg:$0x0] =	wrdreg $0xFFFFFFFF;
	(pc) =	sbr.abs _section_cstart, $3  }
0xc1: {  	[dreg:$0x1] =	wrdreg $0xFFFFFFFF  }
0xc2: {  	_ =	task.clear_ibuf [dreg:s7], $0x2FFFF;
	_ =	strace $0x9FFFFFFF  }
0xc3: {  	(tm) =	ssettm $0x7FFFFFFF  }
tec
execute0_lowered:
.L_overlay_start_1:
0x0: {  	(tag) =	ssettag $0x1  }
0x1: {  	s0 =	rddreg [dreg:$0x0]  }
0x2: {  	s1 =	rddreg [dreg:$0x1]  }
0x3: {  	s2 =	rddreg [dreg:$0x2]  }
0x4: {  	s3 =	simm.s32 $0x0;
	s14 =	stileid.u32;
	s4 =	srdreg.scid  }
0x5: {  	s18 =	simm.s32 $0x1;
	s19 =	simm.s32 $0x18740;
	s28 =	simm.s32 $0x18D40  }
0x6: {  	s29 =	simm.s32 $0x19D40;
	s30 =	simm.s32 $0x18DC0;
	s31 =	simm.s32 $0x19DC0  }
0x7: {  	[smem:$0x7FF] =	sst s3;
	s5 =	sshll.u32 s14, $0x8;
	s8 =	smul.u32 $0x44000, s14  }
0x8: {  	s6 =	sand.u32 $0x1, s4;
	s4 =	sadd.s32 $0x21800, s0;
	s11 =	smul.u32 $0x2200, s14  }
0x9: {  	s12 =	sor.u32 $0x10, s14;
	s21 =	sshll.u32 s14, $0x6;
	s13 =	smul.u32 $0x220, s14  }
0xa: {  	p0 =	slt.u32 s14, $0x6;
	p1 =	seq.s32 s14, $0x6;
	s10 =	smul.u32 $0x61C0, s6  }
0xb: {  	_ =	strace $0x80000047;
	s5 =	sadd.s32 s5, s0;
	s20 =	smul.u32 $0x44000, s12  }
0xc: {  	s0 =	sadd.s32 $0x14BB000, s0;
	s7 =	ssub.s32 $0x2, s6;
	s22 =	smul.u32 $0x2200, s12  }
0xd: {  	s12 =	smul.u32 $0x220, s12;
	p2 =	seq.s32 s6, $0x0;
	p3 =	seq.s32 s6, $0x1  }
0xe: {  	s6 =	simm.s32 $0x19BC0;
	s9 =	sshrl.u32 s7, $0x1;
	s8 =	sshrl.u32 s8, $0x2  }
0xf: {  	s11 =	sadd.s32 s0, s11;
	p2 =	por !p1, !p2;
	p1 =	por !p1, !p3  }
0x10: {  	s16 =	sadd.s32 $0x800, s5;
	s17 =	sadd.s32 $0x11000, s5;
	s5 =	simm.s32 $0x18BC0  }
0x11: {  	s7 =	ssub.s32 s7, s9;
	s8 =	sadd.s32 s8, s2;
	[dreg:$0x5] =	wrdreg s11  }
0x12: {  	s9 =	sshrl.u32 s20, $0x2;
	s23 =	sadd.s32 s13, s10;
	s0 =	sadd.s32 s0, s22  }
0x13: {  	s11 =	sadd.s32 $0x30E0, s10;
	s25 =	sadd.s32 s10, s12;
	p2 =	por !p2, !p2  }
0x14: {  	p1 =	por !p1, !p1;
	s20 =	simm.s32 $0x2;
	s22 =	simm.s32 $0x18F40  }
0x15: {  	[dreg:$0x4] =	wrdreg s8;
	s8 =	sor.u32 $0x1C01, s21;
	s15 =	sadd.s32 s9, s2  }
0x16: {  	[dreg:$0x7] =	wrdreg s0;
	s24 =	sshll.u32 s23, $0x4;
	s26 =	sadd.s32 s13, s11  }
0x17: {  	s13 =	sadd.s32 $0x61C0, s10;
	s9 =	sadd.s32 s12, s11;
	p0 =	por p0, p2  }
0x18: {  	s12 =	smax.u32 s7, $0x1;
	p2 =	sgt.u32 s14, $0x6;
	s23 =	simm.s32 $0x80  }
0x19: {  	v0 =	vmov s10;
	s7 =	simm.s32 $0x18C40;
	s21 =	simm.s32 $0x19C40;
	s10 =	simm.s32 $0x18EC0  }
0x1a: {  	v1 =	vmov s11;
	s11 =	simm.s32 $0x19EC0;
	s14 =	simm.s32 $0x0;
	[dreg:$0x6] =	wrdreg s8  }
0x1b: {  	s0 =	sadd.s32 s1, s24;
	s8 =	sshll.u32 s26, $0x4;
	[dreg:$0xd] =	wrdreg s12  }
0x1c: {  	s24 =	simm.s32 $0x19F40;
	[dreg:$0x8] =	wrdreg s0;
	s0 =	sshll.u32 s25, $0x4  }
0x1d: {  	s26 =	simm.s32 $0x19CC0;
	[dreg:$0xf] =	wrdreg s14;
	s0 =	sadd.s32 s1, s0  }
0x1e: {  	s25 =	simm.s32 $0x18CC0;
	[dreg:$0x9] =	wrdreg s0;
	s0 =	sadd.s32 s1, s8  }
.Ltmp0:
0x1f: {  	[dreg:$0xa] =	wrdreg s0;
	s0 =	sshll.u32 s9, $0x4;
	(pc) =	sbr.rel .LBB2_1-.Ltmp0, $4  }
0x20: {  	v2 =	vmov s13;
	s13 =	rddreg [dreg:$0x6];
	s8 =	simm.s32 $0x18B40;
	s0 =	sadd.s32 s1, s0  }
0x21: {  	s1 =	sadd.s32 $0xC1600, s1;
	[dreg:$0xb] =	wrdreg s0;
	s0 =	sadd.s32 $0x176000, s2  }
0x22: {  	s9 =	simm.s32 $0x19B40;
	[dreg:$0xc] =	wrdreg s1;
	s0 =	sshrl.u32 @p1 s0, $0x3  }
0x23: {  	s1 =	simm.s32 $0x19E40;
	[dreg:$0xe] =	wrdreg s0;
	s0 =	simm.s32 $0x18E40  }
.LBB2_9:
0x24: {  	[bflag:$0x0] =	sbarrier.arrive $0xFFFF  }
0x25: {  	s13 =	rddreg [dreg:$0x6]  }
0x26: {  	s12 =	rddreg [dreg:$0xa]  }
0x27: {  	s14 =	rddreg [dreg:$0x10]  }
0x28: {  	[hbm:s12], [sflag:s13] =	dma.local [spmem:s14], $0x2200  }
0x29: {  	_ =	swait.ge [sflag:s18], $0x2200  }
0x2a: {  	[sflag:s18] =	ssyncset.done $0x0  }
0x2b: {  	s12 =	sshrl.u32 @p0 s15, $0x3;
	s14 =	rddreg [dreg:$0xb];
	[sflag:s18] =	ssyncadd.s32 $0xFFFFDE00  }
0x2c: {  	[hbm:s14], [sflag:s13] =	dma.local @p0 [spmem:s12], $0x2200  }
0x2d: {  	s12 =	simm.s32 @p0 $0x1  }
0x2e: {  	_ =	swait.ge @p0 [sflag:s12], $0x2200  }
0x2f: {  	[sflag:s12] =	ssyncset.done @p0 $0x0;
	s14 =	rddreg [dreg:$0xe]  }
0x30: {  	[sflag:s12] =	ssyncadd.s32 @p0 $0xFFFFDE00;
	s12 =	rddreg [dreg:$0xc]  }
0x31: {  	[hbm:s12], [sflag:s13] =	dma.local @p1 [spmem:s14], $0x1F00  }
0x32: {  	s12 =	simm.s32 @p1 $0x1  }
0x33: {  	_ =	swait.ge @p1 [sflag:s12], $0x1F00  }
0x34: {  	[sflag:s12] =	ssyncset.done @p1 $0x0;
	s14 =	rddreg [dreg:$0xf]  }
0x35: {  	s14 =	sadd.s32 $0x1, s14;
	[sflag:s12] =	ssyncadd.s32 @p1 $0xFFFFE100;
	s12 =	rddreg [dreg:$0xd]  }
0x36: {  	p3 =	sne.s32 s14, s12  }
.Ltmp1:
0x37: {  	_ = 	snop;
	(pc) =	sbr.rel @!p3 .LBB2_10-.Ltmp1, $3  }
0x38: {  	_ = 	snop  }
0x39: {  	[dreg:$0xf] =	wrdreg s14  }
0x3a: {  	[bflag:$0x0] =	sbarrier.arrive $0xFFFF;
	_ =	sdelay $0x1  }
.LBB2_1:
0x3b: {  	s12 =	rddreg [dreg:$0x4]  }
0x3c: {  	s14 =	sshrl.u32 s12, $0x3;
	s12 =	rddreg [dreg:$0x5]  }
0x3d: {  	[dreg:$0x10] =	wrdreg s14  }
0x3e: {  	[spmem:s14], [sflag:s13] =	dma.local [hbm:s12], $0x2200  }
0x3f: {  	s14 =	sshrl.u32 @!p2 s15, $0x3;
	_ =	swait.ge [sflag:s18], $0x2200  }
0x40: {  	[dreg:$0x11] =	wrdreg s14;
	[sflag:s18] =	ssyncset.done $0x0  }
0x41: {  	s12 =	rddreg [dreg:$0x7];
	[sflag:s18] =	ssyncadd.s32 $0xFFFFDE00  }
0x42: {  	[spmem:s14], [sflag:s13] =	dma.local @!p2 [hbm:s12], $0x2200  }
0x43: {  	s12 =	simm.s32 @!p2 $0x1  }
.Ltmp2:
0x44: {  	_ =	swait.ge @!p2 [sflag:s12], $0x2200;
	(pc) =	sbr.rel .LBB2_2-.Ltmp2, $4  }
0x45: {  	[sflag:s12] =	ssyncset.done @!p2 $0x0  }
0x46: {  	[sflag:s12] =	ssyncadd.s32 @!p2 $0xFFFFDE00  }
0x47: {  	[bflag:$0x0] =	sbarrier.arrive $0xFFFF  }
0x48: {  	s13 =	simm.s32 $0x0;
	s12 =	stileid.u32  }
.LBB2_4:
0x49: {  	s13 =	sadd.s32 $0x1000, s13  }
0x4a: {  	p3 =	sne.s32 s13, $0x11000  }
.Ltmp3:
0x4b: {  	_ = 	snop;
	(pc) =	sbr.rel @!p3 .LBB2_5-.Ltmp3, $2  }
0x4c: {  	_ =	sdelay $0x2  }
0x4d: {  	s12 =	sadd.s32 $0x10, s12  }
.LBB2_2:
0x4e: {  	p3 =	sgt.u32 s12, $0x107  }
.Ltmp4:
0x4f: {  	_ = 	snop;
	(pc) =	sbr.rel @p3 .LBB2_4-.Ltmp4, $1  }
0x50: {  	_ =	sdelay $0x3  }
0x51: {  	s14 =	sadd.s32 s13, s17  }
0x52: {  	[tilespmem:s19], [sflag:$0x2] =	stream.linear.gather [hbm4b:s14+s3], $0x800, $0x38;
	[tilespmem:$0x1DF40] =	vst v63  }
0x53: {  	_ =	swait.ge [sflag:s20], $0x800  }
0x54: {  	[sflag:s20] =	ssyncset.done $0x0  }
0x55: {  	s14 =	sadd.s32 s13, s16;
	[sflag:s20] =	ssyncadd.s32 $0xFFFFF800  }
0x56: {  	[tilespmem:s22], [sflag:$0x2] =	stream.linear.gather [hbm4b:s14+s3], $0x800, $0x38;
	[tilespmem:$0x1DF40] =	vst v63  }
0x57: {  	_ =	swait.ge [sflag:s20], $0x800  }
0x58: {  	[sflag:s20] =	ssyncset.done $0x0  }
0x59: {  	[sflag:s20] =	ssyncadd.s32 $0xFFFFF800  }
0x5a: {  	v3 =	vld [tilespmem:$0x18F40]  }
0x5b: {  	v4 =	vld [tilespmem:$0x18F50]  }
0x5c: {  	v5 =	vld [tilespmem:$0x18F60]  }
0x5d: {  	v6 =	vld [tilespmem:$0x18F70]  }
0x5e: {  	v7 =	vld [tilespmem:$0x18F80]  }
0x5f: {  	v8 =	vld [tilespmem:$0x18F90]  }
0x60: {  	vm0 =	vge.s32 v3, v0;
	vm1 =	vlt.s32 v3, v1;
	v3 =	vsub.s32 v3, v0  }
0x61: {  	v9 =	vld [tilespmem:$0x18FA0];
	vm12 =	vge.s32 v4, v0;
	vm2 =	vlt.s32 v4, v1;
	v4 =	vsub.s32 v4, v0  }
0x62: {  	vm14 =	vge.s32 v5, v0;
	vm15 =	vlt.s32 v5, v1;
	vm4 =	vge.s32 v6, v0  }
0x63: {  	vm5 =	vlt.s32 v6, v1;
	v5 =	vsub.s32 v5, v0;
	v6 =	vsub.s32 v6, v0  }
0x64: {  	vm6 =	vge.s32 v7, v0;
	vm7 =	vlt.s32 v7, v1;
	vm8 =	vge.s32 v8, v0  }
0x65: {  	v10 =	vld [tilespmem:$0x18FB0];
	vm3 =	vlt.s32 v8, v1;
	v31 =	vsub.s32 v8, v0;
	vm0 =	vmand vm0, vm1  }
0x66: {  	vm10 =	vge.s32 v9, v0;
	vm13 =	vmand vm12, vm2;
	v3 =	vnsel vm0, $0x30E0, v3  }
0x67: {  	vm11 =	vlt.s32 v9, v1;
	vm1 =	vmand vm4, vm5;
	v4 =	vnsel vm13, $0x30E0, v4;
	[tilespmem:$0x19740] =	vst v3  }
0x68: {  	vm9 =	vmand vm8, vm3;
	vm0 =	vmand vm14, vm15;
	v6 =	vnsel vm1, $0x30E0, v6;
	[tilespmem:$0x19750] =	vst v4  }
0x69: {  	v5 =	vnsel vm0, $0x30E0, v5;
	vm0 =	vmand vm6, vm7;
	v3 =	vsub.s32 v7, v0;
	[tilespmem:$0x19770] =	vst v6  }
0x6a: {  	vm12 =	vmand vm10, vm11;
	vm13 =	vge.s32 v10, v0;
	[tilespmem:$0x19760] =	vst v5;
	v3 =	vnsel vm0, $0x30E0, v3  }
0x6b: {  	vm14 =	vlt.s32 v10, v1;
	v4 =	vnsel vm9, $0x30E0, v31;
	[tilespmem:$0x19780] =	vst v3;
	v3 =	vsub.s32 v9, v0  }
0x6c: {  	v32 =	vsub.s32 v10, v0;
	vm15 =	vmand vm13, vm14;
	[tilespmem:$0x19790] =	vst v4;
	v3 =	vnsel vm12, $0x30E0, v3  }
0x6d: {  	[tilespmem:$0x197A0] =	vst v3;
	v3 =	vnsel vm15, $0x30E0, v32  }
0x6e: {  	[tilespmem:$0x197B0] =	vst v3  }
0x6f: {  	[tilespmem:s24], [sflag:$0x2] =	stream.indirect.gather [hbm4b:s4+s23], $0x80, s19, s23, $0xb8;
	[tilespmem:$0x1DF40] =	vst v63  }
0x70: {  	_ =	swait.ge [sflag:s20], $0x4000  }
0x71: {  	[sflag:s20] =	ssyncset.done $0x0  }
0x72: {  	s14 =	simm.s32 $0x19740;
	[sflag:s20] =	ssyncadd.s32 $0xFFFFC000  }
0x73: {  	[spmem:s2] =	stream.indirect.scatter.add.f32 [tilespmem:s24], [sflag:$0x2], $0x80, s14, s23, $0xb8;
	[tilespmem:$0x1DF40] =	vst v63  }
0x74: {  	_ =	swait.ge [sflag:s20], $0x4000  }
0x75: {  	[sflag:s20] =	ssyncset.done $0x0  }
0x76: {  	[sflag:s20] =	ssyncadd.s32 $0xFFFFC000  }
0x77: {  	v3 =	vld [tilespmem:$0x18FC0]  }
0x78: {  	v33 =	vld [tilespmem:$0x18FD0]  }
0x79: {  	v34 =	vld [tilespmem:$0x18FE0]  }
0x7a: {  	v35 =	vld [tilespmem:$0x18FF0]  }
0x7b: {  	v36 =	vld [tilespmem:$0x19000]  }
0x7c: {  	v37 =	vld [tilespmem:$0x19010]  }
0x7d: {  	vm4 =	vge.s32 v3, v0;
	vm5 =	vlt.s32 v3, v1;
	v3 =	vsub.s32 v3, v0  }
0x7e: {  	vm6 =	vge.s32 v33, v0;
	vm7 =	vlt.s32 v33, v1;
	v4 =	vsub.s32 v33, v0  }
0x7f: {  	v39 =	vld [tilespmem:$0x19030];
	vm9 =	vge.s32 v34, v0;
	vm10 =	vlt.s32 v34, v1;
	vm11 =	vge.s32 v35, v0  }
0x80: {  	vm12 =	vlt.s32 v35, v1;
	v5 =	vsub.s32 v34, v0;
	v6 =	vsub.s32 v35, v0  }
0x81: {  	vm13 =	vge.s32 v36, v0;
	vm14 =	vlt.s32 v36, v1;
	vm15 =	vge.s32 v37, v0  }
0x82: {  	v38 =	vld [tilespmem:$0x19020];
	v40 =	vsub.s32 v37, v0;
	vm0 =	vmand vm4, vm5;
	vm8 =	vmand vm6, vm7  }
0x83: {  	vm1 =	vmand vm11, vm12;
	vm6 =	vlt.s32 v37, v1;
	v3 =	vnsel vm0, $0x30E0, v3  }
0x84: {  	vm11 =	vge.s32 v39, v0;
	vm12 =	vlt.s32 v39, v1;
	v4 =	vnsel vm8, $0x30E0, v4;
	[tilespmem:$0x197C0] =	vst v3  }
0x85: {  	vm0 =	vmand vm9, vm10;
	v6 =	vnsel vm1, $0x30E0, v6;
	vm7 =	vmand vm15, vm6;
	[tilespmem:$0x197D0] =	vst v4  }
0x86: {  	v5 =	vnsel vm0, $0x30E0, v5;
	vm0 =	vmand vm13, vm14;
	v3 =	vsub.s32 v36, v0;
	[tilespmem:$0x197F0] =	vst v6  }
0x87: {  	vm8 =	vge.s32 v38, v0;
	vm9 =	vlt.s32 v38, v1;
	[tilespmem:$0x197E0] =	vst v5;
	v3 =	vnsel vm0, $0x30E0, v3  }
0x88: {  	v4 =	vnsel vm7, $0x30E0, v40;
	vm10 =	vmand vm8, vm9;
	[tilespmem:$0x19800] =	vst v3;
	v3 =	vsub.s32 v38, v0  }
0x89: {  	v41 =	vsub.s32 v39, v0;
	vm13 =	vmand vm11, vm12;
	[tilespmem:$0x19810] =	vst v4;
	v3 =	vnsel vm10, $0x30E0, v3  }
0x8a: {  	[tilespmem:$0x19820] =	vst v3;
	v3 =	vnsel vm13, $0x30E0, v41  }
0x8b: {  	s14 =	simm.s32 $0x187C0;
	[tilespmem:$0x19830] =	vst v3  }
0x8c: {  	[tilespmem:s24], [sflag:$0x2] =	stream.indirect.gather [hbm4b:s4+s23], $0x80, s14, s23, $0xb8;
	[tilespmem:$0x1DF40] =	vst v63  }
0x8d: {  	_ =	swait.ge [sflag:s20], $0x4000  }
0x8e: {  	[sflag:s20] =	ssyncset.done $0x0  }
0x8f: {  	s14 =	simm.s32 $0x197C0;
	[sflag:s20] =	ssyncadd.s32 $0xFFFFC000  }
0x90: {  	[spmem:s2] =	stream.indirect.scatter.add.f32 [tilespmem:s24], [sflag:$0x2], $0x80, s14, s23, $0xb8;
	[tilespmem:$0x1DF40] =	vst v63  }
0x91: {  	_ =	swait.ge [sflag:s20], $0x4000  }
0x92: {  	[sflag:s20] =	ssyncset.done $0x0  }
0x93: {  	[sflag:s20] =	ssyncadd.s32 $0xFFFFC000  }
0x94: {  	v3 =	vld [tilespmem:$0x19040]  }
0x95: {  	v42 =	vld [tilespmem:$0x19050]  }
0x96: {  	v43 =	vld [tilespmem:$0x19060]  }
0x97: {  	v44 =	vld [tilespmem:$0x19070]  }
0x98: {  	v45 =	vld [tilespmem:$0x19080]  }
0x99: {  	v46 =	vld [tilespmem:$0x19090]  }
0x9a: {  	vm14 =	vge.s32 v3, v0;
	vm15 =	vlt.s32 v3, v1;
	v3 =	vsub.s32 v3, v0  }
0x9b: {  	vm4 =	vge.s32 v42, v0;
	vm5 =	vlt.s32 v42, v1;
	v4 =	vsub.s32 v42, v0  }
0x9c: {  	v48 =	vld [tilespmem:$0x190B0];
	vm7 =	vge.s32 v43, v0;
	vm8 =	vlt.s32 v43, v1;
	vm9 =	vge.s32 v44, v0  }
0x9d: {  	vm10 =	vlt.s32 v44, v1;
	v5 =	vsub.s32 v43, v0;
	v6 =	vsub.s32 v44, v0  }
0x9e: {  	vm11 =	vge.s32 v45, v0;
	vm12 =	vlt.s32 v45, v1;
	vm13 =	vge.s32 v46, v0  }
0x9f: {  	v47 =	vld [tilespmem:$0x190A0];
	v49 =	vsub.s32 v46, v0;
	vm0 =	vmand vm14, vm15;
	vm6 =	vmand vm4, vm5  }
0xa0: {  	vm1 =	vmand vm9, vm10;
	vm14 =	vlt.s32 v46, v1;
	v3 =	vnsel vm0, $0x30E0, v3  }
0xa1: {  	vm9 =	vge.s32 v48, v0;
	vm10 =	vlt.s32 v48, v1;
	v4 =	vnsel vm6, $0x30E0, v4;
	[tilespmem:$0x19840] =	vst v3  }
0xa2: {  	vm0 =	vmand vm7, vm8;
	v6 =	vnsel vm1, $0x30E0, v6;
	vm15 =	vmand vm13, vm14;
	[tilespmem:$0x19850] =	vst v4  }
0xa3: {  	v5 =	vnsel vm0, $0x30E0, v5;
	vm0 =	vmand vm11, vm12;
	v3 =	vsub.s32 v45, v0;
	[tilespmem:$0x19870] =	vst v6  }
0xa4: {  	vm6 =	vge.s32 v47, v0;
	vm7 =	vlt.s32 v47, v1;
	[tilespmem:$0x19860] =	vst v5;
	v3 =	vnsel vm0, $0x30E0, v3  }
0xa5: {  	v4 =	vnsel vm15, $0x30E0, v49;
	vm8 =	vmand vm6, vm7;
	[tilespmem:$0x19880] =	vst v3;
	v3 =	vsub.s32 v47, v0  }
0xa6: {  	v50 =	vsub.s32 v48, v0;
	vm11 =	vmand vm9, vm10;
	[tilespmem:$0x19890] =	vst v4;
	v3 =	vnsel vm8, $0x30E0, v3  }
0xa7: {  	[tilespmem:$0x198A0] =	vst v3;
	v3 =	vnsel vm11, $0x30E0, v50  }
0xa8: {  	s14 =	simm.s32 $0x18840;
	[tilespmem:$0x198B0] =	vst v3  }
0xa9: {  	[tilespmem:s24], [sflag:$0x2] =	stream.indirect.gather [hbm4b:s4+s23], $0x80, s14, s23, $0xb8;
	[tilespmem:$0x1DF40] =	vst v63  }
0xaa: {  	_ =	swait.ge [sflag:s20], $0x4000  }
0xab: {  	[sflag:s20] =	ssyncset.done $0x0  }
0xac: {  	s14 =	simm.s32 $0x19840;
	[sflag:s20] =	ssyncadd.s32 $0xFFFFC000  }
0xad: {  	[spmem:s2] =	stream.indirect.scatter.add.f32 [tilespmem:s24], [sflag:$0x2], $0x80, s14, s23, $0xb8;
	[tilespmem:$0x1DF40] =	vst v63  }
0xae: {  	_ =	swait.ge [sflag:s20], $0x4000  }
0xaf: {  	[sflag:s20] =	ssyncset.done $0x0  }
0xb0: {  	[sflag:s20] =	ssyncadd.s32 $0xFFFFC000  }
0xb1: {  	v3 =	vld [tilespmem:$0x190C0]  }
0xb2: {  	v51 =	vld [tilespmem:$0x190D0]  }
0xb3: {  	v52 =	vld [tilespmem:$0x190E0]  }
0xb4: {  	v53 =	vld [tilespmem:$0x190F0]  }
0xb5: {  	v54 =	vld [tilespmem:$0x19100]  }
0xb6: {  	v55 =	vld [tilespmem:$0x19110]  }
0xb7: {  	vm12 =	vge.s32 v3, v0;
	vm13 =	vlt.s32 v3, v1;
	v3 =	vsub.s32 v3, v0  }
0xb8: {  	vm14 =	vge.s32 v51, v0;
	vm15 =	vlt.s32 v51, v1;
	v4 =	vsub.s32 v51, v0  }
0xb9: {  	v56 =	vld [tilespmem:$0x19120];
	vm5 =	vge.s32 v52, v0;
	vm6 =	vlt.s32 v52, v1;
	vm7 =	vge.s32 v53, v0  }
0xba: {  	v57 =	vld [tilespmem:$0x19130];
	vm8 =	vlt.s32 v53, v1;
	v5 =	vsub.s32 v52, v0;
	v6 =	vsub.s32 v53, v0  }
0xbb: {  	vm9 =	vge.s32 v54, v0;
	vm10 =	vlt.s32 v54, v1;
	vm11 =	vge.s32 v55, v0  }
0xbc: {  	v58 =	vsub.s32 v55, v0;
	vm0 =	vmand vm12, vm13;
	vm4 =	vmand vm14, vm15  }
0xbd: {  	vm1 =	vmand vm7, vm8;
	vm12 =	vlt.s32 v55, v1;
	v3 =	vnsel vm0, $0x30E0, v3  }
0xbe: {  	vm14 =	vge.s32 v56, v0;
	vm15 =	vlt.s32 v56, v1;
	v4 =	vnsel vm4, $0x30E0, v4;
	[tilespmem:$0x198C0] =	vst v3  }
0xbf: {  	vm7 =	vge.s32 v57, v0;
	vm0 =	vmand vm5, vm6;
	v6 =	vnsel vm1, $0x30E0, v6;
	[tilespmem:$0x198D0] =	vst v4  }
0xc0: {  	v5 =	vnsel vm0, $0x30E0, v5;
	vm0 =	vmand vm9, vm10;
	v3 =	vsub.s32 v54, v0;
	[tilespmem:$0x198F0] =	vst v6  }
0xc1: {  	vm8 =	vlt.s32 v57, v1;
	vm13 =	vmand vm11, vm12;
	[tilespmem:$0x198E0] =	vst v5;
	v3 =	vnsel vm0, $0x30E0, v3  }
0xc2: {  	vm6 =	vmand vm14, vm15;
	v4 =	vnsel vm13, $0x30E0, v58;
	[tilespmem:$0x19900] =	vst v3;
	v3 =	vsub.s32 v56, v0  }
0xc3: {  	v59 =	vsub.s32 v57, v0;
	vm9 =	vmand vm7, vm8;
	[tilespmem:$0x19910] =	vst v4;
	v3 =	vnsel vm6, $0x30E0, v3  }
0xc4: {  	[tilespmem:$0x19920] =	vst v3;
	v3 =	vnsel vm9, $0x30E0, v59  }
0xc5: {  	s14 =	simm.s32 $0x188C0;
	[tilespmem:$0x19930] =	vst v3  }
0xc6: {  	[tilespmem:s24], [sflag:$0x2] =	stream.indirect.gather [hbm4b:s4+s23], $0x80, s14, s23, $0xb8;
	[tilespmem:$0x1DF40] =	vst v63  }
0xc7: {  	_ =	swait.ge [sflag:s20], $0x4000  }
0xc8: {  	[sflag:s20] =	ssyncset.done $0x0  }
0xc9: {  	s14 =	simm.s32 $0x198C0;
	[sflag:s20] =	ssyncadd.s32 $0xFFFFC000  }
0xca: {  	[spmem:s2] =	stream.indirect.scatter.add.f32 [tilespmem:s24], [sflag:$0x2], $0x80, s14, s23, $0xb8;
	[tilespmem:$0x1DF40] =	vst v63  }
0xcb: {  	_ =	swait.ge [sflag:s20], $0x4000  }
0xcc: {  	[sflag:s20] =	ssyncset.done $0x0  }
0xcd: {  	[sflag:s20] =	ssyncadd.s32 $0xFFFFC000  }
0xce: {  	v3 =	vld [tilespmem:$0x19140]  }
0xcf: {  	v60 =	vld [tilespmem:$0x19150]  }
0xd0: {  	v61 =	vld [tilespmem:$0x19160]  }
0xd1: {  	v62 =	vld [tilespmem:$0x19170]  }
0xd2: {  	v63 =	vld [tilespmem:$0x19180]  }
0xd3: {  	v12 =	vld [tilespmem:$0x19190]  }
0xd4: {  	vm10 =	vge.s32 v3, v0;
	vm11 =	vlt.s32 v3, v1;
	v3 =	vsub.s32 v3, v0  }
0xd5: {  	vm12 =	vge.s32 v60, v0;
	vm13 =	vlt.s32 v60, v1;
	v4 =	vsub.s32 v60, v0  }
0xd6: {  	v13 =	vld [tilespmem:$0x191A0];
	vm15 =	vge.s32 v61, v0;
	vm4 =	vlt.s32 v61, v1;
	vm5 =	vge.s32 v62, v0  }
0xd7: {  	vm6 =	vlt.s32 v62, v1;
	v5 =	vsub.s32 v61, v0;
	v6 =	vsub.s32 v62, v0  }
0xd8: {  	vm7 =	vge.s32 v63, v0;
	vm8 =	vlt.s32 v63, v1;
	vm9 =	vge.s32 v12, v0  }
0xd9: {  	v14 =	vld [tilespmem:$0x191B0];
	v15 =	vsub.s32 v12, v0;
	vm0 =	vmand vm10, vm11;
	vm14 =	vmand vm12, vm13  }
0xda: {  	vm1 =	vmand vm5, vm6;
	vm10 =	vlt.s32 v12, v1;
	v3 =	vnsel vm0, $0x30E0, v3  }
0xdb: {  	vm12 =	vge.s32 v13, v0;
	vm13 =	vlt.s32 v13, v1;
	v4 =	vnsel vm14, $0x30E0, v4;
	[tilespmem:$0x19940] =	vst v3  }
0xdc: {  	vm0 =	vmand vm15, vm4;
	v6 =	vnsel vm1, $0x30E0, v6;
	vm11 =	vmand vm9, vm10;
	[tilespmem:$0x19950] =	vst v4  }
0xdd: {  	v5 =	vnsel vm0, $0x30E0, v5;
	vm0 =	vmand vm7, vm8;
	v3 =	vsub.s32 v63, v0;
	[tilespmem:$0x19970] =	vst v6  }
0xde: {  	vm14 =	vmand vm12, vm13;
	vm15 =	vge.s32 v14, v0;
	[tilespmem:$0x19960] =	vst v5;
	v3 =	vnsel vm0, $0x30E0, v3  }
0xdf: {  	vm4 =	vlt.s32 v14, v1;
	v4 =	vnsel vm11, $0x30E0, v15;
	[tilespmem:$0x19980] =	vst v3;
	v3 =	vsub.s32 v13, v0  }
0xe0: {  	v16 =	vsub.s32 v14, v0;
	vm5 =	vmand vm15, vm4;
	[tilespmem:$0x19990] =	vst v4;
	v3 =	vnsel vm14, $0x30E0, v3  }
0xe1: {  	[tilespmem:$0x199A0] =	vst v3;
	v3 =	vnsel vm5, $0x30E0, v16  }
0xe2: {  	s14 =	simm.s32 $0x18940;
	[tilespmem:$0x199B0] =	vst v3  }
0xe3: {  	[tilespmem:s24], [sflag:$0x2] =	stream.indirect.gather [hbm4b:s4+s23], $0x80, s14, s23, $0xb8;
	[tilespmem:$0x1DF40] =	vst v63  }
0xe4: {  	_ =	swait.ge [sflag:s20], $0x4000  }
0xe5: {  	[sflag:s20] =	ssyncset.done $0x0  }
0xe6: {  	s14 =	simm.s32 $0x19940;
	[sflag:s20] =	ssyncadd.s32 $0xFFFFC000  }
0xe7: {  	[spmem:s2] =	stream.indirect.scatter.add.f32 [tilespmem:s24], [sflag:$0x2], $0x80, s14, s23, $0xb8;
	[tilespmem:$0x1DF40] =	vst v63  }
0xe8: {  	_ =	swait.ge [sflag:s20], $0x4000  }
0xe9: {  	[sflag:s20] =	ssyncset.done $0x0  }
0xea: {  	[sflag:s20] =	ssyncadd.s32 $0xFFFFC000  }
0xeb: {  	v3 =	vld [tilespmem:$0x191C0]  }
0xec: {  	v17 =	vld [tilespmem:$0x191D0]  }
0xed: {  	v18 =	vld [tilespmem:$0x191E0]  }
0xee: {  	v19 =	vld [tilespmem:$0x191F0]  }
0xef: {  	v20 =	vld [tilespmem:$0x19200]  }
0xf0: {  	v21 =	vld [tilespmem:$0x19210]  }
0xf1: {  	vm6 =	vge.s32 v3, v0;
	vm7 =	vlt.s32 v3, v1;
	v3 =	vsub.s32 v3, v0  }
0xf2: {  	vm8 =	vge.s32 v17, v0;
	vm9 =	vlt.s32 v17, v1;
	v4 =	vsub.s32 v17, v0  }
0xf3: {  	v23 =	vld [tilespmem:$0x19230];
	vm11 =	vge.s32 v18, v0;
	vm12 =	vlt.s32 v18, v1;
	vm13 =	vge.s32 v19, v0  }
0xf4: {  	vm14 =	vlt.s32 v19, v1;
	v5 =	vsub.s32 v18, v0;
	v6 =	vsub.s32 v19, v0  }
0xf5: {  	vm15 =	vge.s32 v20, v0;
	v24 =	vsub.s32 v21, v0;
	vm0 =	vmand vm6, vm7  }
0xf6: {  	v22 =	vld [tilespmem:$0x19220];
	vm10 =	vmand vm8, vm9;
	vm1 =	vmand vm13, vm14;
	vm6 =	vlt.s32 v20, v1  }
0xf7: {  	vm7 =	vge.s32 v21, v0;
	vm8 =	vlt.s32 v21, v1;
	v3 =	vnsel vm0, $0x30E0, v3  }
0xf8: {  	vm13 =	vge.s32 v23, v0;
	vm14 =	vlt.s32 v23, v1;
	v4 =	vnsel vm10, $0x30E0, v4;
	[tilespmem:$0x199C0] =	vst v3  }
0xf9: {  	vm0 =	vmand vm11, vm12;
	v6 =	vnsel vm1, $0x30E0, v6;
	vm9 =	vmand vm7, vm8;
	[tilespmem:$0x199D0] =	vst v4  }
0xfa: {  	v5 =	vnsel vm0, $0x30E0, v5;
	vm0 =	vmand vm15, vm6;
	v3 =	vsub.s32 v20, v0;
	[tilespmem:$0x199F0] =	vst v6  }
0xfb: {  	vm10 =	vge.s32 v22, v0;
	vm11 =	vlt.s32 v22, v1;
	[tilespmem:$0x199E0] =	vst v5;
	v3 =	vnsel vm0, $0x30E0, v3  }
0xfc: {  	v4 =	vnsel vm9, $0x30E0, v24;
	vm12 =	vmand vm10, vm11;
	[tilespmem:$0x19A00] =	vst v3;
	v3 =	vsub.s32 v22, v0  }
0xfd: {  	v25 =	vsub.s32 v23, v0;
	vm15 =	vmand vm13, vm14;
	[tilespmem:$0x19A10] =	vst v4;
	v3 =	vnsel vm12, $0x30E0, v3  }
0xfe: {  	[tilespmem:$0x19A20] =	vst v3;
	v3 =	vnsel vm15, $0x30E0, v25  }
0xff: {  	s14 =	simm.s32 $0x189C0;
	[tilespmem:$0x19A30] =	vst v3  }
0x100: {  	[tilespmem:s24], [sflag:$0x2] =	stream.indirect.gather [hbm4b:s4+s23], $0x80, s14, s23, $0xb8;
	[tilespmem:$0x1DF40] =	vst v63  }
0x101: {  	_ =	swait.ge [sflag:s20], $0x4000  }
0x102: {  	[sflag:s20] =	ssyncset.done $0x0  }
0x103: {  	s14 =	simm.s32 $0x199C0;
	[sflag:s20] =	ssyncadd.s32 $0xFFFFC000  }
0x104: {  	[spmem:s2] =	stream.indirect.scatter.add.f32 [tilespmem:s24], [sflag:$0x2], $0x80, s14, s23, $0xb8;
	[tilespmem:$0x1DF40] =	vst v63  }
0x105: {  	_ =	swait.ge [sflag:s20], $0x4000  }
0x106: {  	[sflag:s20] =	ssyncset.done $0x0  }
0x107: {  	[sflag:s20] =	ssyncadd.s32 $0xFFFFC000  }
0x108: {  	v3 =	vld [tilespmem:$0x19240]  }
0x109: {  	v26 =	vld [tilespmem:$0x19250]  }
0x10a: {  	v27 =	vld [tilespmem:$0x19260]  }
0x10b: {  	v28 =	vld [tilespmem:$0x19270]  }
0x10c: {  	v29 =	vld [tilespmem:$0x19280]  }
0x10d: {  	v30 =	vld [tilespmem:$0x19290]  }
0x10e: {  	vm4 =	vge.s32 v3, v0;
	vm5 =	vlt.s32 v3, v1;
	v3 =	vsub.s32 v3, v0  }
0x10f: {  	vm6 =	vge.s32 v26, v0;
	vm7 =	vlt.s32 v26, v1;
	v4 =	vsub.s32 v26, v0  }
0x110: {  	v32 =	vld [tilespmem:$0x192B0];
	vm9 =	vge.s32 v27, v0;
	vm10 =	vlt.s32 v27, v1;
	vm11 =	vge.s32 v28, v0  }
0x111: {  	vm12 =	vlt.s32 v28, v1;
	v5 =	vsub.s32 v27, v0;
	v6 =	vsub.s32 v28, v0  }
0x112: {  	vm13 =	vge.s32 v29, v0;
	vm14 =	vlt.s32 v29, v1;
	vm15 =	vge.s32 v30, v0  }
0x113: {  	v31 =	vld [tilespmem:$0x192A0];
	v33 =	vsub.s32 v30, v0;
	vm0 =	vmand vm4, vm5;
	vm8 =	vmand vm6, vm7  }
0x114: {  	vm1 =	vmand vm11, vm12;
	vm6 =	vlt.s32 v30, v1;
	v3 =	vnsel vm0, $0x30E0, v3  }
0x115: {  	vm11 =	vge.s32 v32, v0;
	vm12 =	vlt.s32 v32, v1;
	v4 =	vnsel vm8, $0x30E0, v4;
	[tilespmem:$0x19A40] =	vst v3  }
0x116: {  	vm0 =	vmand vm9, vm10;
	v6 =	vnsel vm1, $0x30E0, v6;
	vm7 =	vmand vm15, vm6;
	[tilespmem:$0x19A50] =	vst v4  }
0x117: {  	v5 =	vnsel vm0, $0x30E0, v5;
	vm0 =	vmand vm13, vm14;
	v3 =	vsub.s32 v29, v0;
	[tilespmem:$0x19A70] =	vst v6  }
0x118: {  	vm8 =	vge.s32 v31, v0;
	vm9 =	vlt.s32 v31, v1;
	[tilespmem:$0x19A60] =	vst v5;
	v3 =	vnsel vm0, $0x30E0, v3  }
0x119: {  	v4 =	vnsel vm7, $0x30E0, v33;
	vm10 =	vmand vm8, vm9;
	[tilespmem:$0x19A80] =	vst v3;
	v3 =	vsub.s32 v31, v0  }
0x11a: {  	v34 =	vsub.s32 v32, v0;
	vm13 =	vmand vm11, vm12;
	[tilespmem:$0x19A90] =	vst v4;
	v3 =	vnsel vm10, $0x30E0, v3  }
0x11b: {  	[tilespmem:$0x19AA0] =	vst v3;
	v3 =	vnsel vm13, $0x30E0, v34  }
0x11c: {  	s14 =	simm.s32 $0x18A40;
	[tilespmem:$0x19AB0] =	vst v3  }
0x11d: {  	[tilespmem:s24], [sflag:$0x2] =	stream.indirect.gather [hbm4b:s4+s23], $0x80, s14, s23, $0xb8;
	[tilespmem:$0x1DF40] =	vst v63  }
0x11e: {  	_ =	swait.ge [sflag:s20], $0x4000  }
0x11f: {  	[sflag:s20] =	ssyncset.done $0x0  }
0x120: {  	s14 =	simm.s32 $0x19A40;
	[sflag:s20] =	ssyncadd.s32 $0xFFFFC000  }
0x121: {  	[spmem:s2] =	stream.indirect.scatter.add.f32 [tilespmem:s24], [sflag:$0x2], $0x80, s14, s23, $0xb8;
	[tilespmem:$0x1DF40] =	vst v63  }
0x122: {  	_ =	swait.ge [sflag:s20], $0x4000  }
0x123: {  	[sflag:s20] =	ssyncset.done $0x0  }
0x124: {  	[sflag:s20] =	ssyncadd.s32 $0xFFFFC000  }
0x125: {  	v3 =	vld [tilespmem:$0x192C0]  }
0x126: {  	v35 =	vld [tilespmem:$0x192D0]  }
0x127: {  	v36 =	vld [tilespmem:$0x192E0]  }
0x128: {  	v37 =	vld [tilespmem:$0x192F0]  }
0x129: {  	v38 =	vld [tilespmem:$0x19300]  }
0x12a: {  	v39 =	vld [tilespmem:$0x19310]  }
0x12b: {  	vm14 =	vge.s32 v3, v0;
	vm15 =	vlt.s32 v3, v1;
	v3 =	vsub.s32 v3, v0  }
0x12c: {  	vm4 =	vge.s32 v35, v0;
	vm5 =	vlt.s32 v35, v1;
	v4 =	vsub.s32 v35, v0  }
0x12d: {  	v41 =	vld [tilespmem:$0x19330];
	vm7 =	vge.s32 v36, v0;
	vm8 =	vlt.s32 v36, v1;
	vm9 =	vge.s32 v37, v0  }
0x12e: {  	vm10 =	vlt.s32 v37, v1;
	v5 =	vsub.s32 v36, v0;
	v6 =	vsub.s32 v37, v0  }
0x12f: {  	vm11 =	vge.s32 v38, v0;
	vm12 =	vlt.s32 v38, v1;
	vm13 =	vge.s32 v39, v0  }
0x130: {  	v40 =	vld [tilespmem:$0x19320];
	v42 =	vsub.s32 v39, v0;
	vm0 =	vmand vm14, vm15;
	vm6 =	vmand vm4, vm5  }
0x131: {  	vm1 =	vmand vm9, vm10;
	vm14 =	vlt.s32 v39, v1;
	v3 =	vnsel vm0, $0x30E0, v3  }
0x132: {  	vm9 =	vge.s32 v41, v0;
	vm10 =	vlt.s32 v41, v1;
	v4 =	vnsel vm6, $0x30E0, v4;
	[tilespmem:$0x19AC0] =	vst v3  }
0x133: {  	vm0 =	vmand vm7, vm8;
	v6 =	vnsel vm1, $0x30E0, v6;
	vm15 =	vmand vm13, vm14;
	[tilespmem:$0x19AD0] =	vst v4  }
0x134: {  	v5 =	vnsel vm0, $0x30E0, v5;
	vm0 =	vmand vm11, vm12;
	v3 =	vsub.s32 v38, v0;
	[tilespmem:$0x19AF0] =	vst v6  }
0x135: {  	vm6 =	vge.s32 v40, v0;
	vm7 =	vlt.s32 v40, v1;
	[tilespmem:$0x19AE0] =	vst v5;
	v3 =	vnsel vm0, $0x30E0, v3  }
0x136: {  	v4 =	vnsel vm15, $0x30E0, v42;
	vm8 =	vmand vm6, vm7;
	[tilespmem:$0x19B00] =	vst v3;
	v3 =	vsub.s32 v40, v0  }
0x137: {  	v43 =	vsub.s32 v41, v0;
	vm11 =	vmand vm9, vm10;
	[tilespmem:$0x19B10] =	vst v4;
	v3 =	vnsel vm8, $0x30E0, v3  }
0x138: {  	[tilespmem:$0x19B20] =	vst v3;
	v3 =	vnsel vm11, $0x30E0, v43  }
0x139: {  	s14 =	simm.s32 $0x18AC0;
	[tilespmem:$0x19B30] =	vst v3  }
0x13a: {  	[tilespmem:s24], [sflag:$0x2] =	stream.indirect.gather [hbm4b:s4+s23], $0x80, s14, s23, $0xb8;
	[tilespmem:$0x1DF40] =	vst v63  }
0x13b: {  	_ =	swait.ge [sflag:s20], $0x4000  }
0x13c: {  	[sflag:s20] =	ssyncset.done $0x0  }
0x13d: {  	s14 =	simm.s32 $0x19AC0;
	[sflag:s20] =	ssyncadd.s32 $0xFFFFC000  }
0x13e: {  	[spmem:s2] =	stream.indirect.scatter.add.f32 [tilespmem:s24], [sflag:$0x2], $0x80, s14, s23, $0xb8;
	[tilespmem:$0x1DF40] =	vst v63  }
0x13f: {  	_ =	swait.ge [sflag:s20], $0x4000  }
0x140: {  	[sflag:s20] =	ssyncset.done $0x0  }
0x141: {  	[sflag:s20] =	ssyncadd.s32 $0xFFFFC000  }
0x142: {  	v3 =	vld [tilespmem:$0x19340]  }
0x143: {  	v44 =	vld [tilespmem:$0x19350]  }
0x144: {  	v45 =	vld [tilespmem:$0x19360]  }
0x145: {  	v46 =	vld [tilespmem:$0x19370]  }
0x146: {  	v47 =	vld [tilespmem:$0x19380]  }
0x147: {  	v48 =	vld [tilespmem:$0x19390]  }
0x148: {  	vm12 =	vge.s32 v3, v0;
	vm13 =	vlt.s32 v3, v1;
	v3 =	vsub.s32 v3, v0  }
0x149: {  	vm14 =	vge.s32 v44, v0;
	vm15 =	vlt.s32 v44, v1;
	v4 =	vsub.s32 v44, v0  }
0x14a: {  	v49 =	vld [tilespmem:$0x193A0];
	vm5 =	vge.s32 v45, v0;
	vm6 =	vlt.s32 v45, v1;
	vm7 =	vge.s32 v46, v0  }
0x14b: {  	v50 =	vld [tilespmem:$0x193B0];
	vm8 =	vlt.s32 v46, v1;
	v5 =	vsub.s32 v45, v0;
	v6 =	vsub.s32 v46, v0  }
0x14c: {  	vm9 =	vge.s32 v47, v0;
	vm10 =	vlt.s32 v47, v1;
	vm11 =	vge.s32 v48, v0  }
0x14d: {  	v51 =	vsub.s32 v48, v0;
	vm0 =	vmand vm12, vm13;
	vm4 =	vmand vm14, vm15  }
0x14e: {  	vm1 =	vmand vm7, vm8;
	vm12 =	vlt.s32 v48, v1;
	v3 =	vnsel vm0, $0x30E0, v3  }
0x14f: {  	vm14 =	vge.s32 v49, v0;
	vm15 =	vlt.s32 v49, v1;
	v4 =	vnsel vm4, $0x30E0, v4;
	[tilespmem:$0x19B40] =	vst v3  }
0x150: {  	vm7 =	vge.s32 v50, v0;
	vm0 =	vmand vm5, vm6;
	v6 =	vnsel vm1, $0x30E0, v6;
	[tilespmem:$0x19B50] =	vst v4  }
0x151: {  	v5 =	vnsel vm0, $0x30E0, v5;
	vm0 =	vmand vm9, vm10;
	v3 =	vsub.s32 v47, v0;
	[tilespmem:$0x19B70] =	vst v6  }
0x152: {  	vm8 =	vlt.s32 v50, v1;
	vm13 =	vmand vm11, vm12;
	[tilespmem:$0x19B60] =	vst v5;
	v3 =	vnsel vm0, $0x30E0, v3  }
0x153: {  	vm6 =	vmand vm14, vm15;
	v4 =	vnsel vm13, $0x30E0, v51;
	[tilespmem:$0x19B80] =	vst v3;
	v3 =	vsub.s32 v49, v0  }
0x154: {  	v52 =	vsub.s32 v50, v0;
	vm9 =	vmand vm7, vm8;
	[tilespmem:$0x19B90] =	vst v4;
	v3 =	vnsel vm6, $0x30E0, v3  }
0x155: {  	[tilespmem:$0x19BA0] =	vst v3;
	v3 =	vnsel vm9, $0x30E0, v52  }
0x156: {  	[tilespmem:$0x19BB0] =	vst v3  }
0x157: {  	[tilespmem:s24], [sflag:$0x2] =	stream.indirect.gather [hbm4b:s4+s23], $0x80, s8, s23, $0xb8;
	[tilespmem:$0x1DF40] =	vst v63  }
0x158: {  	_ =	swait.ge [sflag:s20], $0x4000  }
0x159: {  	[sflag:s20] =	ssyncset.done $0x0  }
0x15a: {  	[sflag:s20] =	ssyncadd.s32 $0xFFFFC000  }
0x15b: {  	[spmem:s2] =	stream.indirect.scatter.add.f32 [tilespmem:s24], [sflag:$0x2], $0x80, s9, s23, $0xb8;
	[tilespmem:$0x1DF40] =	vst v63  }
0x15c: {  	_ =	swait.ge [sflag:s20], $0x4000  }
0x15d: {  	[sflag:s20] =	ssyncset.done $0x0  }
0x15e: {  	[sflag:s20] =	ssyncadd.s32 $0xFFFFC000  }
0x15f: {  	v3 =	vld [tilespmem:$0x193C0]  }
0x160: {  	v53 =	vld [tilespmem:$0x193D0]  }
0x161: {  	v54 =	vld [tilespmem:$0x193E0]  }
0x162: {  	v55 =	vld [tilespmem:$0x193F0]  }
0x163: {  	v56 =	vld [tilespmem:$0x19400]  }
0x164: {  	v57 =	vld [tilespmem:$0x19410]  }
0x165: {  	vm10 =	vge.s32 v3, v0;
	vm11 =	vlt.s32 v3, v1;
	v3 =	vsub.s32 v3, v0  }
0x166: {  	vm12 =	vge.s32 v53, v0;
	vm13 =	vlt.s32 v53, v1;
	v4 =	vsub.s32 v53, v0  }
0x167: {  	v58 =	vld [tilespmem:$0x19420];
	vm15 =	vge.s32 v54, v0;
	vm4 =	vlt.s32 v54, v1;
	vm5 =	vge.s32 v55, v0  }
0x168: {  	vm6 =	vlt.s32 v55, v1;
	v5 =	vsub.s32 v54, v0;
	v6 =	vsub.s32 v55, v0  }
0x169: {  	vm7 =	vge.s32 v56, v0;
	vm8 =	vlt.s32 v56, v1;
	vm9 =	vge.s32 v57, v0  }
0x16a: {  	v59 =	vld [tilespmem:$0x19430];
	v60 =	vsub.s32 v57, v0;
	vm0 =	vmand vm10, vm11;
	vm14 =	vmand vm12, vm13  }
0x16b: {  	vm1 =	vmand vm5, vm6;
	vm10 =	vlt.s32 v57, v1;
	v3 =	vnsel vm0, $0x30E0, v3  }
0x16c: {  	vm12 =	vge.s32 v58, v0;
	vm13 =	vlt.s32 v58, v1;
	v4 =	vnsel vm14, $0x30E0, v4;
	[tilespmem:$0x19BC0] =	vst v3  }
0x16d: {  	vm0 =	vmand vm15, vm4;
	v6 =	vnsel vm1, $0x30E0, v6;
	vm11 =	vmand vm9, vm10;
	[tilespmem:$0x19BD0] =	vst v4  }
0x16e: {  	v5 =	vnsel vm0, $0x30E0, v5;
	vm0 =	vmand vm7, vm8;
	v3 =	vsub.s32 v56, v0;
	[tilespmem:$0x19BF0] =	vst v6  }
0x16f: {  	vm14 =	vmand vm12, vm13;
	vm15 =	vge.s32 v59, v0;
	[tilespmem:$0x19BE0] =	vst v5;
	v3 =	vnsel vm0, $0x30E0, v3  }
0x170: {  	vm4 =	vlt.s32 v59, v1;
	v4 =	vnsel vm11, $0x30E0, v60;
	[tilespmem:$0x19C00] =	vst v3;
	v3 =	vsub.s32 v58, v0  }
0x171: {  	v61 =	vsub.s32 v59, v0;
	vm5 =	vmand vm15, vm4;
	[tilespmem:$0x19C10] =	vst v4;
	v3 =	vnsel vm14, $0x30E0, v3  }
0x172: {  	[tilespmem:$0x19C20] =	vst v3;
	v3 =	vnsel vm5, $0x30E0, v61  }
0x173: {  	[tilespmem:$0x19C30] =	vst v3  }
0x174: {  	[tilespmem:s24], [sflag:$0x2] =	stream.indirect.gather [hbm4b:s4+s23], $0x80, s5, s23, $0xb8;
	[tilespmem:$0x1DF40] =	vst v63  }
0x175: {  	_ =	swait.ge [sflag:s20], $0x4000  }
0x176: {  	[sflag:s20] =	ssyncset.done $0x0  }
0x177: {  	[sflag:s20] =	ssyncadd.s32 $0xFFFFC000  }
0x178: {  	[spmem:s2] =	stream.indirect.scatter.add.f32 [tilespmem:s24], [sflag:$0x2], $0x80, s6, s23, $0xb8;
	[tilespmem:$0x1DF40] =	vst v63  }
0x179: {  	_ =	swait.ge [sflag:s20], $0x4000  }
0x17a: {  	[sflag:s20] =	ssyncset.done $0x0  }
0x17b: {  	[sflag:s20] =	ssyncadd.s32 $0xFFFFC000  }
0x17c: {  	v3 =	vld [tilespmem:$0x19440]  }
0x17d: {  	v62 =	vld [tilespmem:$0x19450]  }
0x17e: {  	v63 =	vld [tilespmem:$0x19460]  }
0x17f: {  	v12 =	vld [tilespmem:$0x19470]  }
0x180: {  	v13 =	vld [tilespmem:$0x19480]  }
0x181: {  	v14 =	vld [tilespmem:$0x19490]  }
0x182: {  	vm6 =	vge.s32 v3, v0;
	vm7 =	vlt.s32 v3, v1;
	v3 =	vsub.s32 v3, v0  }
0x183: {  	vm8 =	vge.s32 v62, v0;
	vm9 =	vlt.s32 v62, v1;
	v4 =	vsub.s32 v62, v0  }
0x184: {  	v16 =	vld [tilespmem:$0x194B0];
	vm11 =	vge.s32 v63, v0;
	vm12 =	vlt.s32 v63, v1;
	vm13 =	vge.s32 v12, v0  }
0x185: {  	vm14 =	vlt.s32 v12, v1;
	v5 =	vsub.s32 v63, v0;
	v6 =	vsub.s32 v12, v0  }
0x186: {  	vm15 =	vge.s32 v13, v0;
	v17 =	vsub.s32 v14, v0;
	vm0 =	vmand vm6, vm7  }
0x187: {  	v15 =	vld [tilespmem:$0x194A0];
	vm10 =	vmand vm8, vm9;
	vm1 =	vmand vm13, vm14;
	vm6 =	vlt.s32 v13, v1  }
0x188: {  	vm7 =	vge.s32 v14, v0;
	vm8 =	vlt.s32 v14, v1;
	v3 =	vnsel vm0, $0x30E0, v3  }
0x189: {  	vm13 =	vge.s32 v16, v0;
	vm14 =	vlt.s32 v16, v1;
	v4 =	vnsel vm10, $0x30E0, v4;
	[tilespmem:$0x19C40] =	vst v3  }
0x18a: {  	vm0 =	vmand vm11, vm12;
	v6 =	vnsel vm1, $0x30E0, v6;
	vm9 =	vmand vm7, vm8;
	[tilespmem:$0x19C50] =	vst v4  }
0x18b: {  	v5 =	vnsel vm0, $0x30E0, v5;
	vm0 =	vmand vm15, vm6;
	v3 =	vsub.s32 v13, v0;
	[tilespmem:$0x19C70] =	vst v6  }
0x18c: {  	vm10 =	vge.s32 v15, v0;
	vm11 =	vlt.s32 v15, v1;
	[tilespmem:$0x19C60] =	vst v5;
	v3 =	vnsel vm0, $0x30E0, v3  }
0x18d: {  	v4 =	vnsel vm9, $0x30E0, v17;
	vm12 =	vmand vm10, vm11;
	[tilespmem:$0x19C80] =	vst v3;
	v3 =	vsub.s32 v15, v0  }
0x18e: {  	v18 =	vsub.s32 v16, v0;
	vm15 =	vmand vm13, vm14;
	[tilespmem:$0x19C90] =	vst v4;
	v3 =	vnsel vm12, $0x30E0, v3  }
0x18f: {  	[tilespmem:$0x19CA0] =	vst v3;
	v3 =	vnsel vm15, $0x30E0, v18  }
0x190: {  	[tilespmem:$0x19CB0] =	vst v3  }
0x191: {  	[tilespmem:s24], [sflag:$0x2] =	stream.indirect.gather [hbm4b:s4+s23], $0x80, s7, s23, $0xb8;
	[tilespmem:$0x1DF40] =	vst v63  }
0x192: {  	_ =	swait.ge [sflag:s20], $0x4000  }
0x193: {  	[sflag:s20] =	ssyncset.done $0x0  }
0x194: {  	[sflag:s20] =	ssyncadd.s32 $0xFFFFC000  }
0x195: {  	[spmem:s2] =	stream.indirect.scatter.add.f32 [tilespmem:s24], [sflag:$0x2], $0x80, s21, s23, $0xb8;
	[tilespmem:$0x1DF40] =	vst v63  }
0x196: {  	_ =	swait.ge [sflag:s20], $0x4000  }
0x197: {  	[sflag:s20] =	ssyncset.done $0x0  }
0x198: {  	[sflag:s20] =	ssyncadd.s32 $0xFFFFC000  }
0x199: {  	v3 =	vld [tilespmem:$0x194C0]  }
0x19a: {  	v19 =	vld [tilespmem:$0x194D0]  }
0x19b: {  	v20 =	vld [tilespmem:$0x194E0]  }
0x19c: {  	v21 =	vld [tilespmem:$0x194F0]  }
0x19d: {  	v22 =	vld [tilespmem:$0x19500]  }
0x19e: {  	v23 =	vld [tilespmem:$0x19510]  }
0x19f: {  	vm4 =	vge.s32 v3, v0;
	vm5 =	vlt.s32 v3, v1;
	v3 =	vsub.s32 v3, v0  }
0x1a0: {  	vm6 =	vge.s32 v19, v0;
	vm7 =	vlt.s32 v19, v1;
	v4 =	vsub.s32 v19, v0  }
0x1a1: {  	v25 =	vld [tilespmem:$0x19530];
	vm9 =	vge.s32 v20, v0;
	vm10 =	vlt.s32 v20, v1;
	vm11 =	vge.s32 v21, v0  }
0x1a2: {  	vm12 =	vlt.s32 v21, v1;
	v5 =	vsub.s32 v20, v0;
	v6 =	vsub.s32 v21, v0  }
0x1a3: {  	vm13 =	vge.s32 v22, v0;
	vm14 =	vlt.s32 v22, v1;
	vm15 =	vge.s32 v23, v0  }
0x1a4: {  	v24 =	vld [tilespmem:$0x19520];
	v26 =	vsub.s32 v23, v0;
	vm0 =	vmand vm4, vm5;
	vm8 =	vmand vm6, vm7  }
0x1a5: {  	vm1 =	vmand vm11, vm12;
	vm6 =	vlt.s32 v23, v1;
	v3 =	vnsel vm0, $0x30E0, v3  }
0x1a6: {  	vm11 =	vge.s32 v25, v0;
	vm12 =	vlt.s32 v25, v1;
	v4 =	vnsel vm8, $0x30E0, v4;
	[tilespmem:$0x19CC0] =	vst v3  }
0x1a7: {  	vm0 =	vmand vm9, vm10;
	v6 =	vnsel vm1, $0x30E0, v6;
	vm7 =	vmand vm15, vm6;
	[tilespmem:$0x19CD0] =	vst v4  }
0x1a8: {  	v5 =	vnsel vm0, $0x30E0, v5;
	vm0 =	vmand vm13, vm14;
	v3 =	vsub.s32 v22, v0;
	[tilespmem:$0x19CF0] =	vst v6  }
0x1a9: {  	vm8 =	vge.s32 v24, v0;
	vm9 =	vlt.s32 v24, v1;
	[tilespmem:$0x19CE0] =	vst v5;
	v3 =	vnsel vm0, $0x30E0, v3  }
0x1aa: {  	v4 =	vnsel vm7, $0x30E0, v26;
	vm10 =	vmand vm8, vm9;
	[tilespmem:$0x19D00] =	vst v3;
	v3 =	vsub.s32 v24, v0  }
0x1ab: {  	v27 =	vsub.s32 v25, v0;
	vm13 =	vmand vm11, vm12;
	[tilespmem:$0x19D10] =	vst v4;
	v3 =	vnsel vm10, $0x30E0, v3  }
0x1ac: {  	[tilespmem:$0x19D20] =	vst v3;
	v3 =	vnsel vm13, $0x30E0, v27  }
0x1ad: {  	[tilespmem:$0x19D30] =	vst v3  }
0x1ae: {  	[tilespmem:s24], [sflag:$0x2] =	stream.indirect.gather [hbm4b:s4+s23], $0x80, s25, s23, $0xb8;
	[tilespmem:$0x1DF40] =	vst v63  }
0x1af: {  	_ =	swait.ge [sflag:s20], $0x4000  }
0x1b0: {  	[sflag:s20] =	ssyncset.done $0x0  }
0x1b1: {  	[sflag:s20] =	ssyncadd.s32 $0xFFFFC000  }
0x1b2: {  	[spmem:s2] =	stream.indirect.scatter.add.f32 [tilespmem:s24], [sflag:$0x2], $0x80, s26, s23, $0xb8;
	[tilespmem:$0x1DF40] =	vst v63  }
0x1b3: {  	_ =	swait.ge [sflag:s20], $0x4000  }
0x1b4: {  	[sflag:s20] =	ssyncset.done $0x0  }
0x1b5: {  	[sflag:s20] =	ssyncadd.s32 $0xFFFFC000  }
0x1b6: {  	v3 =	vld [tilespmem:$0x19540]  }
0x1b7: {  	v28 =	vld [tilespmem:$0x19550]  }
0x1b8: {  	v29 =	vld [tilespmem:$0x19560]  }
0x1b9: {  	v30 =	vld [tilespmem:$0x19570]  }
0x1ba: {  	v31 =	vld [tilespmem:$0x19580]  }
0x1bb: {  	v32 =	vld [tilespmem:$0x19590]  }
0x1bc: {  	vm14 =	vge.s32 v3, v0;
	vm15 =	vlt.s32 v3, v1;
	v3 =	vsub.s32 v3, v0  }
0x1bd: {  	vm4 =	vge.s32 v28, v0;
	vm5 =	vlt.s32 v28, v1;
	v4 =	vsub.s32 v28, v0  }
0x1be: {  	v34 =	vld [tilespmem:$0x195B0];
	vm7 =	vge.s32 v29, v0;
	vm8 =	vlt.s32 v29, v1;
	vm9 =	vge.s32 v30, v0  }
0x1bf: {  	vm10 =	vlt.s32 v30, v1;
	v5 =	vsub.s32 v29, v0;
	v6 =	vsub.s32 v30, v0  }
0x1c0: {  	vm11 =	vge.s32 v31, v0;
	vm12 =	vlt.s32 v31, v1;
	vm13 =	vge.s32 v32, v0  }
0x1c1: {  	v33 =	vld [tilespmem:$0x195A0];
	v35 =	vsub.s32 v32, v0;
	vm0 =	vmand vm14, vm15;
	vm6 =	vmand vm4, vm5  }
0x1c2: {  	vm1 =	vmand vm9, vm10;
	vm14 =	vlt.s32 v32, v1;
	v3 =	vnsel vm0, $0x30E0, v3  }
0x1c3: {  	vm9 =	vge.s32 v34, v0;
	vm10 =	vlt.s32 v34, v1;
	v4 =	vnsel vm6, $0x30E0, v4;
	[tilespmem:$0x19D40] =	vst v3  }
0x1c4: {  	vm0 =	vmand vm7, vm8;
	v6 =	vnsel vm1, $0x30E0, v6;
	vm15 =	vmand vm13, vm14;
	[tilespmem:$0x19D50] =	vst v4  }
0x1c5: {  	v5 =	vnsel vm0, $0x30E0, v5;
	vm0 =	vmand vm11, vm12;
	v3 =	vsub.s32 v31, v0;
	[tilespmem:$0x19D70] =	vst v6  }
0x1c6: {  	vm6 =	vge.s32 v33, v0;
	vm7 =	vlt.s32 v33, v1;
	[tilespmem:$0x19D60] =	vst v5;
	v3 =	vnsel vm0, $0x30E0, v3  }
0x1c7: {  	v4 =	vnsel vm15, $0x30E0, v35;
	vm8 =	vmand vm6, vm7;
	[tilespmem:$0x19D80] =	vst v3;
	v3 =	vsub.s32 v33, v0  }
0x1c8: {  	v36 =	vsub.s32 v34, v0;
	vm11 =	vmand vm9, vm10;
	[tilespmem:$0x19D90] =	vst v4;
	v3 =	vnsel vm8, $0x30E0, v3  }
0x1c9: {  	[tilespmem:$0x19DA0] =	vst v3;
	v3 =	vnsel vm11, $0x30E0, v36  }
0x1ca: {  	[tilespmem:$0x19DB0] =	vst v3  }
0x1cb: {  	[tilespmem:s24], [sflag:$0x2] =	stream.indirect.gather [hbm4b:s4+s23], $0x80, s28, s23, $0xb8;
	[tilespmem:$0x1DF40] =	vst v63  }
0x1cc: {  	_ =	swait.ge [sflag:s20], $0x4000  }
0x1cd: {  	[sflag:s20] =	ssyncset.done $0x0  }
0x1ce: {  	[sflag:s20] =	ssyncadd.s32 $0xFFFFC000  }
0x1cf: {  	[spmem:s2] =	stream.indirect.scatter.add.f32 [tilespmem:s24], [sflag:$0x2], $0x80, s29, s23, $0xb8;
	[tilespmem:$0x1DF40] =	vst v63  }
0x1d0: {  	_ =	swait.ge [sflag:s20], $0x4000  }
0x1d1: {  	[sflag:s20] =	ssyncset.done $0x0  }
0x1d2: {  	[sflag:s20] =	ssyncadd.s32 $0xFFFFC000  }
0x1d3: {  	v3 =	vld [tilespmem:$0x195C0]  }
0x1d4: {  	v37 =	vld [tilespmem:$0x195D0]  }
0x1d5: {  	v38 =	vld [tilespmem:$0x195E0]  }
0x1d6: {  	v39 =	vld [tilespmem:$0x195F0]  }
0x1d7: {  	v40 =	vld [tilespmem:$0x19600]  }
0x1d8: {  	v41 =	vld [tilespmem:$0x19610]  }
0x1d9: {  	vm12 =	vge.s32 v3, v0;
	vm13 =	vlt.s32 v3, v1;
	v3 =	vsub.s32 v3, v0  }
0x1da: {  	vm14 =	vge.s32 v37, v0;
	vm15 =	vlt.s32 v37, v1;
	v4 =	vsub.s32 v37, v0  }
0x1db: {  	v42 =	vld [tilespmem:$0x19620];
	vm5 =	vge.s32 v38, v0;
	vm6 =	vlt.s32 v38, v1;
	vm7 =	vge.s32 v39, v0  }
0x1dc: {  	v43 =	vld [tilespmem:$0x19630];
	vm8 =	vlt.s32 v39, v1;
	v5 =	vsub.s32 v38, v0;
	v6 =	vsub.s32 v39, v0  }
0x1dd: {  	vm9 =	vge.s32 v40, v0;
	vm10 =	vlt.s32 v40, v1;
	vm11 =	vge.s32 v41, v0  }
0x1de: {  	v44 =	vsub.s32 v41, v0;
	vm0 =	vmand vm12, vm13;
	vm4 =	vmand vm14, vm15  }
0x1df: {  	vm1 =	vmand vm7, vm8;
	vm12 =	vlt.s32 v41, v1;
	v3 =	vnsel vm0, $0x30E0, v3  }
0x1e0: {  	vm14 =	vge.s32 v42, v0;
	vm15 =	vlt.s32 v42, v1;
	v4 =	vnsel vm4, $0x30E0, v4;
	[tilespmem:$0x19DC0] =	vst v3  }
0x1e1: {  	vm7 =	vge.s32 v43, v0;
	vm0 =	vmand vm5, vm6;
	v6 =	vnsel vm1, $0x30E0, v6;
	[tilespmem:$0x19DD0] =	vst v4  }
0x1e2: {  	v5 =	vnsel vm0, $0x30E0, v5;
	vm0 =	vmand vm9, vm10;
	v3 =	vsub.s32 v40, v0;
	[tilespmem:$0x19DF0] =	vst v6  }
0x1e3: {  	vm8 =	vlt.s32 v43, v1;
	vm13 =	vmand vm11, vm12;
	[tilespmem:$0x19DE0] =	vst v5;
	v3 =	vnsel vm0, $0x30E0, v3  }
0x1e4: {  	vm6 =	vmand vm14, vm15;
	v4 =	vnsel vm13, $0x30E0, v44;
	[tilespmem:$0x19E00] =	vst v3;
	v3 =	vsub.s32 v42, v0  }
0x1e5: {  	v45 =	vsub.s32 v43, v0;
	vm9 =	vmand vm7, vm8;
	[tilespmem:$0x19E10] =	vst v4;
	v3 =	vnsel vm6, $0x30E0, v3  }
0x1e6: {  	[tilespmem:$0x19E20] =	vst v3;
	v3 =	vnsel vm9, $0x30E0, v45  }
0x1e7: {  	[tilespmem:$0x19E30] =	vst v3  }
0x1e8: {  	[tilespmem:s24], [sflag:$0x2] =	stream.indirect.gather [hbm4b:s4+s23], $0x80, s30, s23, $0xb8;
	[tilespmem:$0x1DF40] =	vst v63  }
0x1e9: {  	_ =	swait.ge [sflag:s20], $0x4000  }
0x1ea: {  	[sflag:s20] =	ssyncset.done $0x0  }
0x1eb: {  	[sflag:s20] =	ssyncadd.s32 $0xFFFFC000  }
0x1ec: {  	[spmem:s2] =	stream.indirect.scatter.add.f32 [tilespmem:s24], [sflag:$0x2], $0x80, s31, s23, $0xb8;
	[tilespmem:$0x1DF40] =	vst v63  }
0x1ed: {  	_ =	swait.ge [sflag:s20], $0x4000  }
0x1ee: {  	[sflag:s20] =	ssyncset.done $0x0  }
0x1ef: {  	[sflag:s20] =	ssyncadd.s32 $0xFFFFC000  }
0x1f0: {  	v3 =	vld [tilespmem:$0x19640]  }
0x1f1: {  	v46 =	vld [tilespmem:$0x19650]  }
0x1f2: {  	v47 =	vld [tilespmem:$0x19660]  }
0x1f3: {  	v48 =	vld [tilespmem:$0x19670]  }
0x1f4: {  	v49 =	vld [tilespmem:$0x19680]  }
0x1f5: {  	v50 =	vld [tilespmem:$0x19690]  }
0x1f6: {  	vm10 =	vge.s32 v3, v0;
	vm11 =	vlt.s32 v3, v1;
	v3 =	vsub.s32 v3, v0  }
0x1f7: {  	vm12 =	vge.s32 v46, v0;
	vm13 =	vlt.s32 v46, v1;
	v4 =	vsub.s32 v46, v0  }
0x1f8: {  	v51 =	vld [tilespmem:$0x196A0];
	vm15 =	vge.s32 v47, v0;
	vm4 =	vlt.s32 v47, v1;
	vm5 =	vge.s32 v48, v0  }
0x1f9: {  	vm6 =	vlt.s32 v48, v1;
	v5 =	vsub.s32 v47, v0;
	v6 =	vsub.s32 v48, v0  }
0x1fa: {  	vm7 =	vge.s32 v49, v0;
	vm8 =	vlt.s32 v49, v1;
	vm9 =	vge.s32 v50, v0  }
0x1fb: {  	v52 =	vld [tilespmem:$0x196B0];
	v53 =	vsub.s32 v50, v0;
	vm0 =	vmand vm10, vm11;
	vm14 =	vmand vm12, vm13  }
0x1fc: {  	vm1 =	vmand vm5, vm6;
	vm10 =	vlt.s32 v50, v1;
	v3 =	vnsel vm0, $0x30E0, v3  }
0x1fd: {  	vm12 =	vge.s32 v51, v0;
	vm13 =	vlt.s32 v51, v1;
	v4 =	vnsel vm14, $0x30E0, v4;
	[tilespmem:$0x19E40] =	vst v3  }
0x1fe: {  	vm0 =	vmand vm15, vm4;
	v6 =	vnsel vm1, $0x30E0, v6;
	vm11 =	vmand vm9, vm10;
	[tilespmem:$0x19E50] =	vst v4  }
0x1ff: {  	v5 =	vnsel vm0, $0x30E0, v5;
	vm0 =	vmand vm7, vm8;
	v3 =	vsub.s32 v49, v0;
	[tilespmem:$0x19E70] =	vst v6  }
0x200: {  	vm14 =	vmand vm12, vm13;
	vm15 =	vge.s32 v52, v0;
	[tilespmem:$0x19E60] =	vst v5;
	v3 =	vnsel vm0, $0x30E0, v3  }
0x201: {  	vm4 =	vlt.s32 v52, v1;
	v4 =	vnsel vm11, $0x30E0, v53;
	[tilespmem:$0x19E80] =	vst v3;
	v3 =	vsub.s32 v51, v0  }
0x202: {  	v54 =	vsub.s32 v52, v0;
	vm5 =	vmand vm15, vm4;
	[tilespmem:$0x19E90] =	vst v4;
	v3 =	vnsel vm14, $0x30E0, v3  }
0x203: {  	[tilespmem:$0x19EA0] =	vst v3;
	v3 =	vnsel vm5, $0x30E0, v54  }
0x204: {  	[tilespmem:$0x19EB0] =	vst v3  }
0x205: {  	[tilespmem:s24], [sflag:$0x2] =	stream.indirect.gather [hbm4b:s4+s23], $0x80, s0, s23, $0xb8;
	[tilespmem:$0x1DF40] =	vst v63  }
0x206: {  	_ =	swait.ge [sflag:s20], $0x4000  }
0x207: {  	[sflag:s20] =	ssyncset.done $0x0  }
0x208: {  	[sflag:s20] =	ssyncadd.s32 $0xFFFFC000  }
0x209: {  	[spmem:s2] =	stream.indirect.scatter.add.f32 [tilespmem:s24], [sflag:$0x2], $0x80, s1, s23, $0xb8;
	[tilespmem:$0x1DF40] =	vst v63  }
0x20a: {  	_ =	swait.ge [sflag:s20], $0x4000  }
0x20b: {  	[sflag:s20] =	ssyncset.done $0x0  }
0x20c: {  	[sflag:s20] =	ssyncadd.s32 $0xFFFFC000  }
0x20d: {  	v3 =	vld [tilespmem:$0x196C0]  }
0x20e: {  	v55 =	vld [tilespmem:$0x196D0]  }
0x20f: {  	v56 =	vld [tilespmem:$0x196E0]  }
0x210: {  	v57 =	vld [tilespmem:$0x196F0]  }
0x211: {  	v58 =	vld [tilespmem:$0x19700]  }
0x212: {  	v59 =	vld [tilespmem:$0x19710]  }
0x213: {  	vm6 =	vge.s32 v3, v0;
	vm7 =	vlt.s32 v3, v1;
	v3 =	vsub.s32 v3, v0  }
0x214: {  	vm8 =	vge.s32 v55, v0;
	vm9 =	vlt.s32 v55, v1;
	v4 =	vsub.s32 v55, v0  }
0x215: {  	v61 =	vld [tilespmem:$0x19730];
	vm11 =	vge.s32 v56, v0;
	vm12 =	vlt.s32 v56, v1;
	vm13 =	vge.s32 v57, v0  }
0x216: {  	vm14 =	vlt.s32 v57, v1;
	v5 =	vsub.s32 v56, v0;
	v6 =	vsub.s32 v57, v0  }
0x217: {  	vm15 =	vge.s32 v58, v0;
	v62 =	vsub.s32 v59, v0;
	vm0 =	vmand vm6, vm7  }
0x218: {  	v60 =	vld [tilespmem:$0x19720];
	vm10 =	vmand vm8, vm9;
	vm1 =	vmand vm13, vm14;
	vm6 =	vlt.s32 v58, v1  }
0x219: {  	vm7 =	vge.s32 v59, v0;
	vm8 =	vlt.s32 v59, v1;
	v3 =	vnsel vm0, $0x30E0, v3  }
0x21a: {  	vm13 =	vge.s32 v61, v0;
	vm14 =	vlt.s32 v61, v1;
	v4 =	vnsel vm10, $0x30E0, v4;
	[tilespmem:$0x19EC0] =	vst v3  }
0x21b: {  	vm0 =	vmand vm11, vm12;
	v6 =	vnsel vm1, $0x30E0, v6;
	vm9 =	vmand vm7, vm8;
	[tilespmem:$0x19ED0] =	vst v4  }
0x21c: {  	v5 =	vnsel vm0, $0x30E0, v5;
	vm0 =	vmand vm15, vm6;
	v3 =	vsub.s32 v58, v0;
	[tilespmem:$0x19EF0] =	vst v6  }
0x21d: {  	vm10 =	vge.s32 v60, v0;
	vm11 =	vlt.s32 v60, v1;
	[tilespmem:$0x19EE0] =	vst v5;
	v3 =	vnsel vm0, $0x30E0, v3  }
0x21e: {  	v4 =	vnsel vm9, $0x30E0, v62;
	vm12 =	vmand vm10, vm11;
	[tilespmem:$0x19F00] =	vst v3;
	v3 =	vsub.s32 v60, v0  }
0x21f: {  	v63 =	vsub.s32 v61, v0;
	vm15 =	vmand vm13, vm14;
	[tilespmem:$0x19F10] =	vst v4;
	v3 =	vnsel vm12, $0x30E0, v3  }
0x220: {  	[tilespmem:$0x19F20] =	vst v3;
	v3 =	vnsel vm15, $0x30E0, v63  }
0x221: {  	[tilespmem:$0x19F30] =	vst v3  }
0x222: {  	[tilespmem:s24], [sflag:$0x2] =	stream.indirect.gather [hbm4b:s4+s23], $0x80, s10, s23, $0xb8;
	[tilespmem:$0x1DF40] =	vst v63  }
0x223: {  	_ =	swait.ge [sflag:s20], $0x4000  }
0x224: {  	[sflag:s20] =	ssyncset.done $0x0  }
.Ltmp5:
0x225: {  	[sflag:s20] =	ssyncadd.s32 $0xFFFFC000;
	(pc) =	sbr.rel .LBB2_4-.Ltmp5, $4  }
0x226: {  	[spmem:s2] =	stream.indirect.scatter.add.f32 [tilespmem:s24], [sflag:$0x1], $0x80, s11, s23, $0xb8;
	[tilespmem:$0x1DF40] =	vst v63  }
0x227: {  	_ =	swait.ge [sflag:s18], $0x4000  }
0x228: {  	[sflag:s18] =	ssyncset.done $0x0  }
0x229: {  	[sflag:s18] =	ssyncadd.s32 $0xFFFFC000  }
.LBB2_5:
0x22a: {  	[bflag:$0x0] =	sbarrier.arrive $0xFFFF  }
0x22b: {  	s22 =	smov.u32 s15;
	s15 =	rddreg [dreg:$0x6]  }
0x22c: {  	s12 =	rddreg [dreg:$0x8]  }
0x22d: {  	s13 =	rddreg [dreg:$0x10]  }
0x22e: {  	[hbm:s12], [sflag:s15] =	dma.local [spmem:s13], $0x2200  }
0x22f: {  	_ =	swait.ge [sflag:s18], $0x2200  }
0x230: {  	[sflag:s18] =	ssyncset.done $0x0  }
0x231: {  	[sflag:s18] =	ssyncadd.s32 $0xFFFFDE00  }
0x232: {  	[bflag:$0x0] =	sbarrier.arrive @p2 $0xFFFF  }
0x233: {  	s13 =	rddreg [dreg:$0x4]  }
0x234: {  	s14 =	rddreg [dreg:$0x5];
	s12 =	sshrl.u32 @p2 s13, $0x3  }
0x235: {  	[spmem:s12], [sflag:s15] =	dma.local @p2 [hbm:s14], $0x2200  }
0x236: {  	s12 =	rddreg [dreg:$0x9]  }
0x237: {  	s8 =	rddreg [dreg:$0x11]  }
0x238: {  	[hbm:s12], [sflag:s15] =	dma.local @!p2 [spmem:s8], $0x2200  }
0x239: {  	s12 =	simm.s32 @!p2 $0x1  }
0x23a: {  	_ =	swait.ge @!p2 [sflag:s12], $0x2200  }
0x23b: {  	[sflag:s12] =	ssyncset.done @!p2 $0x0  }
0x23c: {  	[sflag:s12] =	ssyncadd.s32 @!p2 $0xFFFFDE00  }
0x23d: {  	s13 =	sshrl.u32 @!p2 s13, $0x3;
	[bflag:$0x0] =	sbarrier.arrive @!p2 $0xFFFF  }
0x23e: {  	[spmem:s13], [sflag:s15] =	dma.local @!p2 [hbm:s14], $0x2200  }
0x23f: {  	_ =	swait.ge @!p2 [sflag:s12], $0x2200  }
0x240: {  	[sflag:s12] =	ssyncset.done @!p2 $0x0  }
0x241: {  	[sflag:s12] =	ssyncadd.s32 @!p2 $0xFFFFDE00;
	s12 =	rddreg [dreg:$0x7]  }
0x242: {  	[spmem:s8], [sflag:s15] =	dma.local @!p2 [hbm:s12], $0x2200  }
.Ltmp6:
0x243: {  	_ =	swait.ge [sflag:s18], $0x2200;
	(pc) =	sbr.rel .LBB2_6-.Ltmp6, $4  }
0x244: {  	[sflag:s18] =	ssyncset.done $0x0  }
0x245: {  	[sflag:s18] =	ssyncadd.s32 $0xFFFFDE00  }
0x246: {  	s13 =	stileid.u32;
	s8 =	simm.s32 $0x18B40;
	[bflag:$0x0] =	sbarrier.arrive $0xFFFF  }
0x247: {  	s15 =	smov.u32 s22;
	s22 =	simm.s32 $0x18F40;
	s12 =	simm.s32 $0x0  }
.LBB2_8:
0x248: {  	s12 =	sadd.s32 $0x1000, s12  }
0x249: {  	p3 =	sne.s32 s12, $0x11000  }
.Ltmp7:
0x24a: {  	_ = 	snop;
	(pc) =	sbr.rel @!p3 .LBB2_9-.Ltmp7, $2  }
0x24b: {  	_ =	sdelay $0x2  }
0x24c: {  	s13 =	sadd.s32 $0x10, s13  }
.LBB2_6:
0x24d: {  	p3 =	sgt.u32 s13, $0x107  }
.Ltmp8:
0x24e: {  	_ = 	snop;
	(pc) =	sbr.rel @p3 .LBB2_8-.Ltmp8, $1  }
0x24f: {  	_ =	sdelay $0x3  }
0x250: {  	s14 =	sadd.s32 s12, s17  }
0x251: {  	[tilespmem:s19], [sflag:$0x2] =	stream.linear.gather [hbm4b:s14+s3], $0x800, $0x38;
	[tilespmem:$0x1DF40] =	vst v63  }
0x252: {  	_ =	swait.ge [sflag:s20], $0x800  }
0x253: {  	[sflag:s20] =	ssyncset.done $0x0  }
0x254: {  	s14 =	sadd.s32 s12, s16;
	[sflag:s20] =	ssyncadd.s32 $0xFFFFF800  }
0x255: {  	[tilespmem:s22], [sflag:$0x2] =	stream.linear.gather [hbm4b:s14+s3], $0x800, $0x38;
	[tilespmem:$0x1DF40] =	vst v63  }
0x256: {  	_ =	swait.ge [sflag:s20], $0x800  }
0x257: {  	[sflag:s20] =	ssyncset.done $0x0  }
0x258: {  	[sflag:s20] =	ssyncadd.s32 $0xFFFFF800  }
0x259: {  	v3 =	vld [tilespmem:$0x18F40]  }
0x25a: {  	v4 =	vld [tilespmem:$0x18F50]  }
0x25b: {  	v5 =	vld [tilespmem:$0x18F60]  }
0x25c: {  	v6 =	vld [tilespmem:$0x18F70]  }
0x25d: {  	v7 =	vld [tilespmem:$0x18F80]  }
0x25e: {  	v8 =	vld [tilespmem:$0x18F90]  }
0x25f: {  	vm0 =	vge.s32 v3, v1;
	vm1 =	vlt.s32 v3, v2;
	v3 =	vsub.s32 v3, v1  }
0x260: {  	v9 =	vld [tilespmem:$0x18FA0];
	vm12 =	vge.s32 v4, v1;
	vm2 =	vlt.s32 v4, v2;
	v4 =	vsub.s32 v4, v1  }
0x261: {  	vm14 =	vge.s32 v5, v1;
	vm15 =	vlt.s32 v5, v2;
	vm4 =	vge.s32 v6, v1  }
0x262: {  	vm5 =	vlt.s32 v6, v2;
	v5 =	vsub.s32 v5, v1;
	v6 =	vsub.s32 v6, v1  }
0x263: {  	vm6 =	vge.s32 v7, v1;
	vm7 =	vlt.s32 v7, v2;
	vm8 =	vge.s32 v8, v1  }
0x264: {  	v10 =	vld [tilespmem:$0x18FB0];
	vm3 =	vlt.s32 v8, v2;
	v31 =	vsub.s32 v8, v1;
	vm0 =	vmand vm0, vm1  }
0x265: {  	vm10 =	vge.s32 v9, v1;
	vm13 =	vmand vm12, vm2;
	v3 =	vnsel vm0, $0x30E0, v3  }
0x266: {  	vm11 =	vlt.s32 v9, v2;
	vm1 =	vmand vm4, vm5;
	v4 =	vnsel vm13, $0x30E0, v4;
	[tilespmem:$0x19740] =	vst v3  }
0x267: {  	vm9 =	vmand vm8, vm3;
	vm0 =	vmand vm14, vm15;
	v6 =	vnsel vm1, $0x30E0, v6;
	[tilespmem:$0x19750] =	vst v4  }
0x268: {  	v5 =	vnsel vm0, $0x30E0, v5;
	vm0 =	vmand vm6, vm7;
	v3 =	vsub.s32 v7, v1;
	[tilespmem:$0x19770] =	vst v6  }
0x269: {  	vm12 =	vmand vm10, vm11;
	vm13 =	vge.s32 v10, v1;
	[tilespmem:$0x19760] =	vst v5;
	v3 =	vnsel vm0, $0x30E0, v3  }
0x26a: {  	vm14 =	vlt.s32 v10, v2;
	v4 =	vnsel vm9, $0x30E0, v31;
	[tilespmem:$0x19780] =	vst v3;
	v3 =	vsub.s32 v9, v1  }
0x26b: {  	v32 =	vsub.s32 v10, v1;
	vm15 =	vmand vm13, vm14;
	[tilespmem:$0x19790] =	vst v4;
	v3 =	vnsel vm12, $0x30E0, v3  }
0x26c: {  	[tilespmem:$0x197A0] =	vst v3;
	v3 =	vnsel vm15, $0x30E0, v32  }
0x26d: {  	[tilespmem:$0x197B0] =	vst v3  }
0x26e: {  	[tilespmem:s24], [sflag:$0x2] =	stream.indirect.gather [hbm4b:s4+s23], $0x80, s19, s23, $0xb8;
	[tilespmem:$0x1DF40] =	vst v63  }
0x26f: {  	_ =	swait.ge [sflag:s20], $0x4000  }
0x270: {  	[sflag:s20] =	ssyncset.done $0x0  }
0x271: {  	s14 =	simm.s32 $0x19740;
	[sflag:s20] =	ssyncadd.s32 $0xFFFFC000  }
0x272: {  	[spmem:s2] =	stream.indirect.scatter.add.f32 [tilespmem:s24], [sflag:$0x2], $0x80, s14, s23, $0xb8;
	[tilespmem:$0x1DF40] =	vst v63  }
0x273: {  	_ =	swait.ge [sflag:s20], $0x4000  }
0x274: {  	[sflag:s20] =	ssyncset.done $0x0  }
0x275: {  	[sflag:s20] =	ssyncadd.s32 $0xFFFFC000  }
0x276: {  	v3 =	vld [tilespmem:$0x18FC0]  }
0x277: {  	v33 =	vld [tilespmem:$0x18FD0]  }
0x278: {  	v34 =	vld [tilespmem:$0x18FE0]  }
0x279: {  	v35 =	vld [tilespmem:$0x18FF0]  }
0x27a: {  	v36 =	vld [tilespmem:$0x19000]  }
0x27b: {  	v37 =	vld [tilespmem:$0x19010]  }
0x27c: {  	vm4 =	vge.s32 v3, v1;
	vm5 =	vlt.s32 v3, v2;
	v3 =	vsub.s32 v3, v1  }
0x27d: {  	vm6 =	vge.s32 v33, v1;
	vm7 =	vlt.s32 v33, v2;
	v4 =	vsub.s32 v33, v1  }
0x27e: {  	v39 =	vld [tilespmem:$0x19030];
	vm9 =	vge.s32 v34, v1;
	vm10 =	vlt.s32 v34, v2;
	vm11 =	vge.s32 v35, v1  }
0x27f: {  	vm12 =	vlt.s32 v35, v2;
	v5 =	vsub.s32 v34, v1;
	v6 =	vsub.s32 v35, v1  }
0x280: {  	vm13 =	vge.s32 v36, v1;
	vm14 =	vlt.s32 v36, v2;
	vm15 =	vge.s32 v37, v1  }
0x281: {  	v38 =	vld [tilespmem:$0x19020];
	v40 =	vsub.s32 v37, v1;
	vm0 =	vmand vm4, vm5;
	vm8 =	vmand vm6, vm7  }
0x282: {  	vm1 =	vmand vm11, vm12;
	vm6 =	vlt.s32 v37, v2;
	v3 =	vnsel vm0, $0x30E0, v3  }
0x283: {  	vm11 =	vge.s32 v39, v1;
	vm12 =	vlt.s32 v39, v2;
	v4 =	vnsel vm8, $0x30E0, v4;
	[tilespmem:$0x197C0] =	vst v3  }
0x284: {  	vm0 =	vmand vm9, vm10;
	v6 =	vnsel vm1, $0x30E0, v6;
	vm7 =	vmand vm15, vm6;
	[tilespmem:$0x197D0] =	vst v4  }
0x285: {  	v5 =	vnsel vm0, $0x30E0, v5;
	vm0 =	vmand vm13, vm14;
	v3 =	vsub.s32 v36, v1;
	[tilespmem:$0x197F0] =	vst v6  }
0x286: {  	vm8 =	vge.s32 v38, v1;
	vm9 =	vlt.s32 v38, v2;
	[tilespmem:$0x197E0] =	vst v5;
	v3 =	vnsel vm0, $0x30E0, v3  }
0x287: {  	v4 =	vnsel vm7, $0x30E0, v40;
	vm10 =	vmand vm8, vm9;
	[tilespmem:$0x19800] =	vst v3;
	v3 =	vsub.s32 v38, v1  }
0x288: {  	v41 =	vsub.s32 v39, v1;
	vm13 =	vmand vm11, vm12;
	[tilespmem:$0x19810] =	vst v4;
	v3 =	vnsel vm10, $0x30E0, v3  }
0x289: {  	[tilespmem:$0x19820] =	vst v3;
	v3 =	vnsel vm13, $0x30E0, v41  }
0x28a: {  	s14 =	simm.s32 $0x187C0;
	[tilespmem:$0x19830] =	vst v3  }
0x28b: {  	[tilespmem:s24], [sflag:$0x2] =	stream.indirect.gather [hbm4b:s4+s23], $0x80, s14, s23, $0xb8;
	[tilespmem:$0x1DF40] =	vst v63  }
0x28c: {  	_ =	swait.ge [sflag:s20], $0x4000  }
0x28d: {  	[sflag:s20] =	ssyncset.done $0x0  }
0x28e: {  	s14 =	simm.s32 $0x197C0;
	[sflag:s20] =	ssyncadd.s32 $0xFFFFC000  }
0x28f: {  	[spmem:s2] =	stream.indirect.scatter.add.f32 [tilespmem:s24], [sflag:$0x2], $0x80, s14, s23, $0xb8;
	[tilespmem:$0x1DF40] =	vst v63  }
0x290: {  	_ =	swait.ge [sflag:s20], $0x4000  }
0x291: {  	[sflag:s20] =	ssyncset.done $0x0  }
0x292: {  	[sflag:s20] =	ssyncadd.s32 $0xFFFFC000  }
0x293: {  	v3 =	vld [tilespmem:$0x19040]  }
0x294: {  	v42 =	vld [tilespmem:$0x19050]  }
0x295: {  	v43 =	vld [tilespmem:$0x19060]  }
0x296: {  	v44 =	vld [tilespmem:$0x19070]  }
0x297: {  	v45 =	vld [tilespmem:$0x19080]  }
0x298: {  	v46 =	vld [tilespmem:$0x19090]  }
0x299: {  	vm14 =	vge.s32 v3, v1;
	vm15 =	vlt.s32 v3, v2;
	v3 =	vsub.s32 v3, v1  }
0x29a: {  	vm4 =	vge.s32 v42, v1;
	vm5 =	vlt.s32 v42, v2;
	v4 =	vsub.s32 v42, v1  }
0x29b: {  	v48 =	vld [tilespmem:$0x190B0];
	vm7 =	vge.s32 v43, v1;
	vm8 =	vlt.s32 v43, v2;
	vm9 =	vge.s32 v44, v1  }
0x29c: {  	vm10 =	vlt.s32 v44, v2;
	v5 =	vsub.s32 v43, v1;
	v6 =	vsub.s32 v44, v1  }
0x29d: {  	vm11 =	vge.s32 v45, v1;
	vm12 =	vlt.s32 v45, v2;
	vm13 =	vge.s32 v46, v1  }
0x29e: {  	v47 =	vld [tilespmem:$0x190A0];
	v49 =	vsub.s32 v46, v1;
	vm0 =	vmand vm14, vm15;
	vm6 =	vmand vm4, vm5  }
0x29f: {  	vm1 =	vmand vm9, vm10;
	vm14 =	vlt.s32 v46, v2;
	v3 =	vnsel vm0, $0x30E0, v3  }
0x2a0: {  	vm9 =	vge.s32 v48, v1;
	vm10 =	vlt.s32 v48, v2;
	v4 =	vnsel vm6, $0x30E0, v4;
	[tilespmem:$0x19840] =	vst v3  }
0x2a1: {  	vm0 =	vmand vm7, vm8;
	v6 =	vnsel vm1, $0x30E0, v6;
	vm15 =	vmand vm13, vm14;
	[tilespmem:$0x19850] =	vst v4  }
0x2a2: {  	v5 =	vnsel vm0, $0x30E0, v5;
	vm0 =	vmand vm11, vm12;
	v3 =	vsub.s32 v45, v1;
	[tilespmem:$0x19870] =	vst v6  }
0x2a3: {  	vm6 =	vge.s32 v47, v1;
	vm7 =	vlt.s32 v47, v2;
	[tilespmem:$0x19860] =	vst v5;
	v3 =	vnsel vm0, $0x30E0, v3  }
0x2a4: {  	v4 =	vnsel vm15, $0x30E0, v49;
	vm8 =	vmand vm6, vm7;
	[tilespmem:$0x19880] =	vst v3;
	v3 =	vsub.s32 v47, v1  }
0x2a5: {  	v50 =	vsub.s32 v48, v1;
	vm11 =	vmand vm9, vm10;
	[tilespmem:$0x19890] =	vst v4;
	v3 =	vnsel vm8, $0x30E0, v3  }
0x2a6: {  	[tilespmem:$0x198A0] =	vst v3;
	v3 =	vnsel vm11, $0x30E0, v50  }
0x2a7: {  	s14 =	simm.s32 $0x18840;
	[tilespmem:$0x198B0] =	vst v3  }
0x2a8: {  	[tilespmem:s24], [sflag:$0x2] =	stream.indirect.gather [hbm4b:s4+s23], $0x80, s14, s23, $0xb8;
	[tilespmem:$0x1DF40] =	vst v63  }
0x2a9: {  	_ =	swait.ge [sflag:s20], $0x4000  }
0x2aa: {  	[sflag:s20] =	ssyncset.done $0x0  }
0x2ab: {  	s14 =	simm.s32 $0x19840;
	[sflag:s20] =	ssyncadd.s32 $0xFFFFC000  }
0x2ac: {  	[spmem:s2] =	stream.indirect.scatter.add.f32 [tilespmem:s24], [sflag:$0x2], $0x80, s14, s23, $0xb8;
	[tilespmem:$0x1DF40] =	vst v63  }
0x2ad: {  	_ =	swait.ge [sflag:s20], $0x4000  }
0x2ae: {  	[sflag:s20] =	ssyncset.done $0x0  }
0x2af: {  	[sflag:s20] =	ssyncadd.s32 $0xFFFFC000  }
0x2b0: {  	v3 =	vld [tilespmem:$0x190C0]  }
0x2b1: {  	v51 =	vld [tilespmem:$0x190D0]  }
0x2b2: {  	v52 =	vld [tilespmem:$0x190E0]  }
0x2b3: {  	v53 =	vld [tilespmem:$0x190F0]  }
0x2b4: {  	v54 =	vld [tilespmem:$0x19100]  }
0x2b5: {  	v55 =	vld [tilespmem:$0x19110]  }
0x2b6: {  	vm12 =	vge.s32 v3, v1;
	vm13 =	vlt.s32 v3, v2;
	v3 =	vsub.s32 v3, v1  }
0x2b7: {  	vm14 =	vge.s32 v51, v1;
	vm15 =	vlt.s32 v51, v2;
	v4 =	vsub.s32 v51, v1  }
0x2b8: {  	v56 =	vld [tilespmem:$0x19120];
	vm5 =	vge.s32 v52, v1;
	vm6 =	vlt.s32 v52, v2;
	vm7 =	vge.s32 v53, v1  }
0x2b9: {  	v57 =	vld [tilespmem:$0x19130];
	vm8 =	vlt.s32 v53, v2;
	v5 =	vsub.s32 v52, v1;
	v6 =	vsub.s32 v53, v1  }
0x2ba: {  	vm9 =	vge.s32 v54, v1;
	vm10 =	vlt.s32 v54, v2;
	vm11 =	vge.s32 v55, v1  }
0x2bb: {  	v58 =	vsub.s32 v55, v1;
	vm0 =	vmand vm12, vm13;
	vm4 =	vmand vm14, vm15  }
0x2bc: {  	vm1 =	vmand vm7, vm8;
	vm12 =	vlt.s32 v55, v2;
	v3 =	vnsel vm0, $0x30E0, v3  }
0x2bd: {  	vm14 =	vge.s32 v56, v1;
	vm15 =	vlt.s32 v56, v2;
	v4 =	vnsel vm4, $0x30E0, v4;
	[tilespmem:$0x198C0] =	vst v3  }
0x2be: {  	vm7 =	vge.s32 v57, v1;
	vm0 =	vmand vm5, vm6;
	v6 =	vnsel vm1, $0x30E0, v6;
	[tilespmem:$0x198D0] =	vst v4  }
0x2bf: {  	v5 =	vnsel vm0, $0x30E0, v5;
	vm0 =	vmand vm9, vm10;
	v3 =	vsub.s32 v54, v1;
	[tilespmem:$0x198F0] =	vst v6  }
0x2c0: {  	vm8 =	vlt.s32 v57, v2;
	vm13 =	vmand vm11, vm12;
	[tilespmem:$0x198E0] =	vst v5;
	v3 =	vnsel vm0, $0x30E0, v3  }
0x2c1: {  	vm6 =	vmand vm14, vm15;
	v4 =	vnsel vm13, $0x30E0, v58;
	[tilespmem:$0x19900] =	vst v3;
	v3 =	vsub.s32 v56, v1  }
0x2c2: {  	v59 =	vsub.s32 v57, v1;
	vm9 =	vmand vm7, vm8;
	[tilespmem:$0x19910] =	vst v4;
	v3 =	vnsel vm6, $0x30E0, v3  }
0x2c3: {  	[tilespmem:$0x19920] =	vst v3;
	v3 =	vnsel vm9, $0x30E0, v59  }
0x2c4: {  	s14 =	simm.s32 $0x188C0;
	[tilespmem:$0x19930] =	vst v3  }
0x2c5: {  	[tilespmem:s24], [sflag:$0x2] =	stream.indirect.gather [hbm4b:s4+s23], $0x80, s14, s23, $0xb8;
	[tilespmem:$0x1DF40] =	vst v63  }
0x2c6: {  	_ =	swait.ge [sflag:s20], $0x4000  }
0x2c7: {  	[sflag:s20] =	ssyncset.done $0x0  }
0x2c8: {  	s14 =	simm.s32 $0x198C0;
	[sflag:s20] =	ssyncadd.s32 $0xFFFFC000  }
0x2c9: {  	[spmem:s2] =	stream.indirect.scatter.add.f32 [tilespmem:s24], [sflag:$0x2], $0x80, s14, s23, $0xb8;
	[tilespmem:$0x1DF40] =	vst v63  }
0x2ca: {  	_ =	swait.ge [sflag:s20], $0x4000  }
0x2cb: {  	[sflag:s20] =	ssyncset.done $0x0  }
0x2cc: {  	[sflag:s20] =	ssyncadd.s32 $0xFFFFC000  }
0x2cd: {  	v3 =	vld [tilespmem:$0x19140]  }
0x2ce: {  	v60 =	vld [tilespmem:$0x19150]  }
0x2cf: {  	v61 =	vld [tilespmem:$0x19160]  }
0x2d0: {  	v62 =	vld [tilespmem:$0x19170]  }
0x2d1: {  	v63 =	vld [tilespmem:$0x19180]  }
0x2d2: {  	v12 =	vld [tilespmem:$0x19190]  }
0x2d3: {  	vm10 =	vge.s32 v3, v1;
	vm11 =	vlt.s32 v3, v2;
	v3 =	vsub.s32 v3, v1  }
0x2d4: {  	vm12 =	vge.s32 v60, v1;
	vm13 =	vlt.s32 v60, v2;
	v4 =	vsub.s32 v60, v1  }
0x2d5: {  	v13 =	vld [tilespmem:$0x191A0];
	vm15 =	vge.s32 v61, v1;
	vm4 =	vlt.s32 v61, v2;
	vm5 =	vge.s32 v62, v1  }
0x2d6: {  	vm6 =	vlt.s32 v62, v2;
	v5 =	vsub.s32 v61, v1;
	v6 =	vsub.s32 v62, v1  }
0x2d7: {  	vm7 =	vge.s32 v63, v1;
	vm8 =	vlt.s32 v63, v2;
	vm9 =	vge.s32 v12, v1  }
0x2d8: {  	v14 =	vld [tilespmem:$0x191B0];
	v15 =	vsub.s32 v12, v1;
	vm0 =	vmand vm10, vm11;
	vm14 =	vmand vm12, vm13  }
0x2d9: {  	vm1 =	vmand vm5, vm6;
	vm10 =	vlt.s32 v12, v2;
	v3 =	vnsel vm0, $0x30E0, v3  }
0x2da: {  	vm12 =	vge.s32 v13, v1;
	vm13 =	vlt.s32 v13, v2;
	v4 =	vnsel vm14, $0x30E0, v4;
	[tilespmem:$0x19940] =	vst v3  }
0x2db: {  	vm0 =	vmand vm15, vm4;
	v6 =	vnsel vm1, $0x30E0, v6;
	vm11 =	vmand vm9, vm10;
	[tilespmem:$0x19950] =	vst v4  }
0x2dc: {  	v5 =	vnsel vm0, $0x30E0, v5;
	vm0 =	vmand vm7, vm8;
	v3 =	vsub.s32 v63, v1;
	[tilespmem:$0x19970] =	vst v6  }
0x2dd: {  	vm14 =	vmand vm12, vm13;
	vm15 =	vge.s32 v14, v1;
	[tilespmem:$0x19960] =	vst v5;
	v3 =	vnsel vm0, $0x30E0, v3  }
0x2de: {  	vm4 =	vlt.s32 v14, v2;
	v4 =	vnsel vm11, $0x30E0, v15;
	[tilespmem:$0x19980] =	vst v3;
	v3 =	vsub.s32 v13, v1  }
0x2df: {  	v16 =	vsub.s32 v14, v1;
	vm5 =	vmand vm15, vm4;
	[tilespmem:$0x19990] =	vst v4;
	v3 =	vnsel vm14, $0x30E0, v3  }
0x2e0: {  	[tilespmem:$0x199A0] =	vst v3;
	v3 =	vnsel vm5, $0x30E0, v16  }
0x2e1: {  	s14 =	simm.s32 $0x18940;
	[tilespmem:$0x199B0] =	vst v3  }
0x2e2: {  	[tilespmem:s24], [sflag:$0x2] =	stream.indirect.gather [hbm4b:s4+s23], $0x80, s14, s23, $0xb8;
	[tilespmem:$0x1DF40] =	vst v63  }
0x2e3: {  	_ =	swait.ge [sflag:s20], $0x4000  }
0x2e4: {  	[sflag:s20] =	ssyncset.done $0x0  }
0x2e5: {  	s14 =	simm.s32 $0x19940;
	[sflag:s20] =	ssyncadd.s32 $0xFFFFC000  }
0x2e6: {  	[spmem:s2] =	stream.indirect.scatter.add.f32 [tilespmem:s24], [sflag:$0x2], $0x80, s14, s23, $0xb8;
	[tilespmem:$0x1DF40] =	vst v63  }
0x2e7: {  	_ =	swait.ge [sflag:s20], $0x4000  }
0x2e8: {  	[sflag:s20] =	ssyncset.done $0x0  }
0x2e9: {  	[sflag:s20] =	ssyncadd.s32 $0xFFFFC000  }
0x2ea: {  	v3 =	vld [tilespmem:$0x191C0]  }
0x2eb: {  	v17 =	vld [tilespmem:$0x191D0]  }
0x2ec: {  	v18 =	vld [tilespmem:$0x191E0]  }
0x2ed: {  	v19 =	vld [tilespmem:$0x191F0]  }
0x2ee: {  	v20 =	vld [tilespmem:$0x19200]  }
0x2ef: {  	v21 =	vld [tilespmem:$0x19210]  }
0x2f0: {  	vm6 =	vge.s32 v3, v1;
	vm7 =	vlt.s32 v3, v2;
	v3 =	vsub.s32 v3, v1  }
0x2f1: {  	vm8 =	vge.s32 v17, v1;
	vm9 =	vlt.s32 v17, v2;
	v4 =	vsub.s32 v17, v1  }
0x2f2: {  	v23 =	vld [tilespmem:$0x19230];
	vm11 =	vge.s32 v18, v1;
	vm12 =	vlt.s32 v18, v2;
	vm13 =	vge.s32 v19, v1  }
0x2f3: {  	vm14 =	vlt.s32 v19, v2;
	v5 =	vsub.s32 v18, v1;
	v6 =	vsub.s32 v19, v1  }
0x2f4: {  	vm15 =	vge.s32 v20, v1;
	v24 =	vsub.s32 v21, v1;
	vm0 =	vmand vm6, vm7  }
0x2f5: {  	v22 =	vld [tilespmem:$0x19220];
	vm10 =	vmand vm8, vm9;
	vm1 =	vmand vm13, vm14;
	vm6 =	vlt.s32 v20, v2  }
0x2f6: {  	vm7 =	vge.s32 v21, v1;
	vm8 =	vlt.s32 v21, v2;
	v3 =	vnsel vm0, $0x30E0, v3  }
0x2f7: {  	vm13 =	vge.s32 v23, v1;
	vm14 =	vlt.s32 v23, v2;
	v4 =	vnsel vm10, $0x30E0, v4;
	[tilespmem:$0x199C0] =	vst v3  }
0x2f8: {  	vm0 =	vmand vm11, vm12;
	v6 =	vnsel vm1, $0x30E0, v6;
	vm9 =	vmand vm7, vm8;
	[tilespmem:$0x199D0] =	vst v4  }
0x2f9: {  	v5 =	vnsel vm0, $0x30E0, v5;
	vm0 =	vmand vm15, vm6;
	v3 =	vsub.s32 v20, v1;
	[tilespmem:$0x199F0] =	vst v6  }
0x2fa: {  	vm10 =	vge.s32 v22, v1;
	vm11 =	vlt.s32 v22, v2;
	[tilespmem:$0x199E0] =	vst v5;
	v3 =	vnsel vm0, $0x30E0, v3  }
0x2fb: {  	v4 =	vnsel vm9, $0x30E0, v24;
	vm12 =	vmand vm10, vm11;
	[tilespmem:$0x19A00] =	vst v3;
	v3 =	vsub.s32 v22, v1  }
0x2fc: {  	v25 =	vsub.s32 v23, v1;
	vm15 =	vmand vm13, vm14;
	[tilespmem:$0x19A10] =	vst v4;
	v3 =	vnsel vm12, $0x30E0, v3  }
0x2fd: {  	[tilespmem:$0x19A20] =	vst v3;
	v3 =	vnsel vm15, $0x30E0, v25  }
0x2fe: {  	s14 =	simm.s32 $0x189C0;
	[tilespmem:$0x19A30] =	vst v3  }
0x2ff: {  	[tilespmem:s24], [sflag:$0x2] =	stream.indirect.gather [hbm4b:s4+s23], $0x80, s14, s23, $0xb8;
	[tilespmem:$0x1DF40] =	vst v63  }
0x300: {  	_ =	swait.ge [sflag:s20], $0x4000  }
0x301: {  	[sflag:s20] =	ssyncset.done $0x0  }
0x302: {  	s14 =	simm.s32 $0x199C0;
	[sflag:s20] =	ssyncadd.s32 $0xFFFFC000  }
0x303: {  	[spmem:s2] =	stream.indirect.scatter.add.f32 [tilespmem:s24], [sflag:$0x2], $0x80, s14, s23, $0xb8;
	[tilespmem:$0x1DF40] =	vst v63  }
0x304: {  	_ =	swait.ge [sflag:s20], $0x4000  }
0x305: {  	[sflag:s20] =	ssyncset.done $0x0  }
0x306: {  	[sflag:s20] =	ssyncadd.s32 $0xFFFFC000  }
0x307: {  	v3 =	vld [tilespmem:$0x19240]  }
0x308: {  	v26 =	vld [tilespmem:$0x19250]  }
0x309: {  	v27 =	vld [tilespmem:$0x19260]  }
0x30a: {  	v28 =	vld [tilespmem:$0x19270]  }
0x30b: {  	v29 =	vld [tilespmem:$0x19280]  }
0x30c: {  	v30 =	vld [tilespmem:$0x19290]  }
0x30d: {  	vm4 =	vge.s32 v3, v1;
	vm5 =	vlt.s32 v3, v2;
	v3 =	vsub.s32 v3, v1  }
0x30e: {  	vm6 =	vge.s32 v26, v1;
	vm7 =	vlt.s32 v26, v2;
	v4 =	vsub.s32 v26, v1  }
0x30f: {  	v32 =	vld [tilespmem:$0x192B0];
	vm9 =	vge.s32 v27, v1;
	vm10 =	vlt.s32 v27, v2;
	vm11 =	vge.s32 v28, v1  }
0x310: {  	vm12 =	vlt.s32 v28, v2;
	v5 =	vsub.s32 v27, v1;
	v6 =	vsub.s32 v28, v1  }
0x311: {  	vm13 =	vge.s32 v29, v1;
	vm14 =	vlt.s32 v29, v2;
	vm15 =	vge.s32 v30, v1  }
0x312: {  	v31 =	vld [tilespmem:$0x192A0];
	v33 =	vsub.s32 v30, v1;
	vm0 =	vmand vm4, vm5;
	vm8 =	vmand vm6, vm7  }
0x313: {  	vm1 =	vmand vm11, vm12;
	vm6 =	vlt.s32 v30, v2;
	v3 =	vnsel vm0, $0x30E0, v3  }
0x314: {  	vm11 =	vge.s32 v32, v1;
	vm12 =	vlt.s32 v32, v2;
	v4 =	vnsel vm8, $0x30E0, v4;
	[tilespmem:$0x19A40] =	vst v3  }
0x315: {  	vm0 =	vmand vm9, vm10;
	v6 =	vnsel vm1, $0x30E0, v6;
	vm7 =	vmand vm15, vm6;
	[tilespmem:$0x19A50] =	vst v4  }
0x316: {  	v5 =	vnsel vm0, $0x30E0, v5;
	vm0 =	vmand vm13, vm14;
	v3 =	vsub.s32 v29, v1;
	[tilespmem:$0x19A70] =	vst v6  }
0x317: {  	vm8 =	vge.s32 v31, v1;
	vm9 =	vlt.s32 v31, v2;
	[tilespmem:$0x19A60] =	vst v5;
	v3 =	vnsel vm0, $0x30E0, v3  }
0x318: {  	v4 =	vnsel vm7, $0x30E0, v33;
	vm10 =	vmand vm8, vm9;
	[tilespmem:$0x19A80] =	vst v3;
	v3 =	vsub.s32 v31, v1  }
0x319: {  	v34 =	vsub.s32 v32, v1;
	vm13 =	vmand vm11, vm12;
	[tilespmem:$0x19A90] =	vst v4;
	v3 =	vnsel vm10, $0x30E0, v3  }
0x31a: {  	[tilespmem:$0x19AA0] =	vst v3;
	v3 =	vnsel vm13, $0x30E0, v34  }
0x31b: {  	s14 =	simm.s32 $0x18A40;
	[tilespmem:$0x19AB0] =	vst v3  }
0x31c: {  	[tilespmem:s24], [sflag:$0x2] =	stream.indirect.gather [hbm4b:s4+s23], $0x80, s14, s23, $0xb8;
	[tilespmem:$0x1DF40] =	vst v63  }
0x31d: {  	_ =	swait.ge [sflag:s20], $0x4000  }
0x31e: {  	[sflag:s20] =	ssyncset.done $0x0  }
0x31f: {  	s14 =	simm.s32 $0x19A40;
	[sflag:s20] =	ssyncadd.s32 $0xFFFFC000  }
0x320: {  	[spmem:s2] =	stream.indirect.scatter.add.f32 [tilespmem:s24], [sflag:$0x2], $0x80, s14, s23, $0xb8;
	[tilespmem:$0x1DF40] =	vst v63  }
0x321: {  	_ =	swait.ge [sflag:s20], $0x4000  }
0x322: {  	[sflag:s20] =	ssyncset.done $0x0  }
0x323: {  	[sflag:s20] =	ssyncadd.s32 $0xFFFFC000  }
0x324: {  	v3 =	vld [tilespmem:$0x192C0]  }
0x325: {  	v35 =	vld [tilespmem:$0x192D0]  }
0x326: {  	v36 =	vld [tilespmem:$0x192E0]  }
0x327: {  	v37 =	vld [tilespmem:$0x192F0]  }
0x328: {  	v38 =	vld [tilespmem:$0x19300]  }
0x329: {  	v39 =	vld [tilespmem:$0x19310]  }
0x32a: {  	vm14 =	vge.s32 v3, v1;
	vm15 =	vlt.s32 v3, v2;
	v3 =	vsub.s32 v3, v1  }
0x32b: {  	vm4 =	vge.s32 v35, v1;
	vm5 =	vlt.s32 v35, v2;
	v4 =	vsub.s32 v35, v1  }
0x32c: {  	v41 =	vld [tilespmem:$0x19330];
	vm7 =	vge.s32 v36, v1;
	vm8 =	vlt.s32 v36, v2;
	vm9 =	vge.s32 v37, v1  }
0x32d: {  	vm10 =	vlt.s32 v37, v2;
	v5 =	vsub.s32 v36, v1;
	v6 =	vsub.s32 v37, v1  }
0x32e: {  	vm11 =	vge.s32 v38, v1;
	vm12 =	vlt.s32 v38, v2;
	vm13 =	vge.s32 v39, v1  }
0x32f: {  	v40 =	vld [tilespmem:$0x19320];
	v42 =	vsub.s32 v39, v1;
	vm0 =	vmand vm14, vm15;
	vm6 =	vmand vm4, vm5  }
0x330: {  	vm1 =	vmand vm9, vm10;
	vm14 =	vlt.s32 v39, v2;
	v3 =	vnsel vm0, $0x30E0, v3  }
0x331: {  	vm9 =	vge.s32 v41, v1;
	vm10 =	vlt.s32 v41, v2;
	v4 =	vnsel vm6, $0x30E0, v4;
	[tilespmem:$0x19AC0] =	vst v3  }
0x332: {  	vm0 =	vmand vm7, vm8;
	v6 =	vnsel vm1, $0x30E0, v6;
	vm15 =	vmand vm13, vm14;
	[tilespmem:$0x19AD0] =	vst v4  }
0x333: {  	v5 =	vnsel vm0, $0x30E0, v5;
	vm0 =	vmand vm11, vm12;
	v3 =	vsub.s32 v38, v1;
	[tilespmem:$0x19AF0] =	vst v6  }
0x334: {  	vm6 =	vge.s32 v40, v1;
	vm7 =	vlt.s32 v40, v2;
	[tilespmem:$0x19AE0] =	vst v5;
	v3 =	vnsel vm0, $0x30E0, v3  }
0x335: {  	v4 =	vnsel vm15, $0x30E0, v42;
	vm8 =	vmand vm6, vm7;
	[tilespmem:$0x19B00] =	vst v3;
	v3 =	vsub.s32 v40, v1  }
0x336: {  	v43 =	vsub.s32 v41, v1;
	vm11 =	vmand vm9, vm10;
	[tilespmem:$0x19B10] =	vst v4;
	v3 =	vnsel vm8, $0x30E0, v3  }
0x337: {  	[tilespmem:$0x19B20] =	vst v3;
	v3 =	vnsel vm11, $0x30E0, v43  }
0x338: {  	s14 =	simm.s32 $0x18AC0;
	[tilespmem:$0x19B30] =	vst v3  }
0x339: {  	[tilespmem:s24], [sflag:$0x2] =	stream.indirect.gather [hbm4b:s4+s23], $0x80, s14, s23, $0xb8;
	[tilespmem:$0x1DF40] =	vst v63  }
0x33a: {  	_ =	swait.ge [sflag:s20], $0x4000  }
0x33b: {  	[sflag:s20] =	ssyncset.done $0x0  }
0x33c: {  	s14 =	simm.s32 $0x19AC0;
	[sflag:s20] =	ssyncadd.s32 $0xFFFFC000  }
0x33d: {  	[spmem:s2] =	stream.indirect.scatter.add.f32 [tilespmem:s24], [sflag:$0x2], $0x80, s14, s23, $0xb8;
	[tilespmem:$0x1DF40] =	vst v63  }
0x33e: {  	_ =	swait.ge [sflag:s20], $0x4000  }
0x33f: {  	[sflag:s20] =	ssyncset.done $0x0  }
0x340: {  	[sflag:s20] =	ssyncadd.s32 $0xFFFFC000  }
0x341: {  	v3 =	vld [tilespmem:$0x19340]  }
0x342: {  	v44 =	vld [tilespmem:$0x19350]  }
0x343: {  	v45 =	vld [tilespmem:$0x19360]  }
0x344: {  	v46 =	vld [tilespmem:$0x19370]  }
0x345: {  	v47 =	vld [tilespmem:$0x19380]  }
0x346: {  	v48 =	vld [tilespmem:$0x19390]  }
0x347: {  	vm12 =	vge.s32 v3, v1;
	vm13 =	vlt.s32 v3, v2;
	v3 =	vsub.s32 v3, v1  }
0x348: {  	vm14 =	vge.s32 v44, v1;
	vm15 =	vlt.s32 v44, v2;
	v4 =	vsub.s32 v44, v1  }
0x349: {  	v49 =	vld [tilespmem:$0x193A0];
	vm5 =	vge.s32 v45, v1;
	vm6 =	vlt.s32 v45, v2;
	vm7 =	vge.s32 v46, v1  }
0x34a: {  	v50 =	vld [tilespmem:$0x193B0];
	vm8 =	vlt.s32 v46, v2;
	v5 =	vsub.s32 v45, v1;
	v6 =	vsub.s32 v46, v1  }
0x34b: {  	vm9 =	vge.s32 v47, v1;
	vm10 =	vlt.s32 v47, v2;
	vm11 =	vge.s32 v48, v1  }
0x34c: {  	v51 =	vsub.s32 v48, v1;
	vm0 =	vmand vm12, vm13;
	vm4 =	vmand vm14, vm15  }
0x34d: {  	vm1 =	vmand vm7, vm8;
	vm12 =	vlt.s32 v48, v2;
	v3 =	vnsel vm0, $0x30E0, v3  }
0x34e: {  	vm14 =	vge.s32 v49, v1;
	vm15 =	vlt.s32 v49, v2;
	v4 =	vnsel vm4, $0x30E0, v4;
	[tilespmem:$0x19B40] =	vst v3  }
0x34f: {  	vm7 =	vge.s32 v50, v1;
	vm0 =	vmand vm5, vm6;
	v6 =	vnsel vm1, $0x30E0, v6;
	[tilespmem:$0x19B50] =	vst v4  }
0x350: {  	v5 =	vnsel vm0, $0x30E0, v5;
	vm0 =	vmand vm9, vm10;
	v3 =	vsub.s32 v47, v1;
	[tilespmem:$0x19B70] =	vst v6  }
0x351: {  	vm8 =	vlt.s32 v50, v2;
	vm13 =	vmand vm11, vm12;
	[tilespmem:$0x19B60] =	vst v5;
	v3 =	vnsel vm0, $0x30E0, v3  }
0x352: {  	vm6 =	vmand vm14, vm15;
	v4 =	vnsel vm13, $0x30E0, v51;
	[tilespmem:$0x19B80] =	vst v3;
	v3 =	vsub.s32 v49, v1  }
0x353: {  	v52 =	vsub.s32 v50, v1;
	vm9 =	vmand vm7, vm8;
	[tilespmem:$0x19B90] =	vst v4;
	v3 =	vnsel vm6, $0x30E0, v3  }
0x354: {  	[tilespmem:$0x19BA0] =	vst v3;
	v3 =	vnsel vm9, $0x30E0, v52  }
0x355: {  	[tilespmem:$0x19BB0] =	vst v3  }
0x356: {  	[tilespmem:s24], [sflag:$0x2] =	stream.indirect.gather [hbm4b:s4+s23], $0x80, s8, s23, $0xb8;
	[tilespmem:$0x1DF40] =	vst v63  }
0x357: {  	_ =	swait.ge [sflag:s20], $0x4000  }
0x358: {  	[sflag:s20] =	ssyncset.done $0x0  }
0x359: {  	[sflag:s20] =	ssyncadd.s32 $0xFFFFC000  }
0x35a: {  	[spmem:s2] =	stream.indirect.scatter.add.f32 [tilespmem:s24], [sflag:$0x2], $0x80, s9, s23, $0xb8;
	[tilespmem:$0x1DF40] =	vst v63  }
0x35b: {  	_ =	swait.ge [sflag:s20], $0x4000  }
0x35c: {  	[sflag:s20] =	ssyncset.done $0x0  }
0x35d: {  	[sflag:s20] =	ssyncadd.s32 $0xFFFFC000  }
0x35e: {  	v3 =	vld [tilespmem:$0x193C0]  }
0x35f: {  	v53 =	vld [tilespmem:$0x193D0]  }
0x360: {  	v54 =	vld [tilespmem:$0x193E0]  }
0x361: {  	v55 =	vld [tilespmem:$0x193F0]  }
0x362: {  	v56 =	vld [tilespmem:$0x19400]  }
0x363: {  	v57 =	vld [tilespmem:$0x19410]  }
0x364: {  	vm10 =	vge.s32 v3, v1;
	vm11 =	vlt.s32 v3, v2;
	v3 =	vsub.s32 v3, v1  }
0x365: {  	vm12 =	vge.s32 v53, v1;
	vm13 =	vlt.s32 v53, v2;
	v4 =	vsub.s32 v53, v1  }
0x366: {  	v58 =	vld [tilespmem:$0x19420];
	vm15 =	vge.s32 v54, v1;
	vm4 =	vlt.s32 v54, v2;
	vm5 =	vge.s32 v55, v1  }
0x367: {  	vm6 =	vlt.s32 v55, v2;
	v5 =	vsub.s32 v54, v1;
	v6 =	vsub.s32 v55, v1  }
0x368: {  	vm7 =	vge.s32 v56, v1;
	vm8 =	vlt.s32 v56, v2;
	vm9 =	vge.s32 v57, v1  }
0x369: {  	v59 =	vld [tilespmem:$0x19430];
	v60 =	vsub.s32 v57, v1;
	vm0 =	vmand vm10, vm11;
	vm14 =	vmand vm12, vm13  }
0x36a: {  	vm1 =	vmand vm5, vm6;
	vm10 =	vlt.s32 v57, v2;
	v3 =	vnsel vm0, $0x30E0, v3  }
0x36b: {  	vm12 =	vge.s32 v58, v1;
	vm13 =	vlt.s32 v58, v2;
	v4 =	vnsel vm14, $0x30E0, v4;
	[tilespmem:$0x19BC0] =	vst v3  }
0x36c: {  	vm0 =	vmand vm15, vm4;
	v6 =	vnsel vm1, $0x30E0, v6;
	vm11 =	vmand vm9, vm10;
	[tilespmem:$0x19BD0] =	vst v4  }
0x36d: {  	v5 =	vnsel vm0, $0x30E0, v5;
	vm0 =	vmand vm7, vm8;
	v3 =	vsub.s32 v56, v1;
	[tilespmem:$0x19BF0] =	vst v6  }
0x36e: {  	vm14 =	vmand vm12, vm13;
	vm15 =	vge.s32 v59, v1;
	[tilespmem:$0x19BE0] =	vst v5;
	v3 =	vnsel vm0, $0x30E0, v3  }
0x36f: {  	vm4 =	vlt.s32 v59, v2;
	v4 =	vnsel vm11, $0x30E0, v60;
	[tilespmem:$0x19C00] =	vst v3;
	v3 =	vsub.s32 v58, v1  }
0x370: {  	v61 =	vsub.s32 v59, v1;
	vm5 =	vmand vm15, vm4;
	[tilespmem:$0x19C10] =	vst v4;
	v3 =	vnsel vm14, $0x30E0, v3  }
0x371: {  	[tilespmem:$0x19C20] =	vst v3;
	v3 =	vnsel vm5, $0x30E0, v61  }
0x372: {  	[tilespmem:$0x19C30] =	vst v3  }
0x373: {  	[tilespmem:s24], [sflag:$0x2] =	stream.indirect.gather [hbm4b:s4+s23], $0x80, s5, s23, $0xb8;
	[tilespmem:$0x1DF40] =	vst v63  }
0x374: {  	_ =	swait.ge [sflag:s20], $0x4000  }
0x375: {  	[sflag:s20] =	ssyncset.done $0x0  }
0x376: {  	[sflag:s20] =	ssyncadd.s32 $0xFFFFC000  }
0x377: {  	[spmem:s2] =	stream.indirect.scatter.add.f32 [tilespmem:s24], [sflag:$0x2], $0x80, s6, s23, $0xb8;
	[tilespmem:$0x1DF40] =	vst v63  }
0x378: {  	_ =	swait.ge [sflag:s20], $0x4000  }
0x379: {  	[sflag:s20] =	ssyncset.done $0x0  }
0x37a: {  	[sflag:s20] =	ssyncadd.s32 $0xFFFFC000  }
0x37b: {  	v3 =	vld [tilespmem:$0x19440]  }
0x37c: {  	v62 =	vld [tilespmem:$0x19450]  }
0x37d: {  	v63 =	vld [tilespmem:$0x19460]  }
0x37e: {  	v12 =	vld [tilespmem:$0x19470]  }
0x37f: {  	v13 =	vld [tilespmem:$0x19480]  }
0x380: {  	v14 =	vld [tilespmem:$0x19490]  }
0x381: {  	vm6 =	vge.s32 v3, v1;
	vm7 =	vlt.s32 v3, v2;
	v3 =	vsub.s32 v3, v1  }
0x382: {  	vm8 =	vge.s32 v62, v1;
	vm9 =	vlt.s32 v62, v2;
	v4 =	vsub.s32 v62, v1  }
0x383: {  	v16 =	vld [tilespmem:$0x194B0];
	vm11 =	vge.s32 v63, v1;
	vm12 =	vlt.s32 v63, v2;
	vm13 =	vge.s32 v12, v1  }
0x384: {  	vm14 =	vlt.s32 v12, v2;
	v5 =	vsub.s32 v63, v1;
	v6 =	vsub.s32 v12, v1  }
0x385: {  	vm15 =	vge.s32 v13, v1;
	v17 =	vsub.s32 v14, v1;
	vm0 =	vmand vm6, vm7  }
0x386: {  	v15 =	vld [tilespmem:$0x194A0];
	vm10 =	vmand vm8, vm9;
	vm1 =	vmand vm13, vm14;
	vm6 =	vlt.s32 v13, v2  }
0x387: {  	vm7 =	vge.s32 v14, v1;
	vm8 =	vlt.s32 v14, v2;
	v3 =	vnsel vm0, $0x30E0, v3  }
0x388: {  	vm13 =	vge.s32 v16, v1;
	vm14 =	vlt.s32 v16, v2;
	v4 =	vnsel vm10, $0x30E0, v4;
	[tilespmem:$0x19C40] =	vst v3  }
0x389: {  	vm0 =	vmand vm11, vm12;
	v6 =	vnsel vm1, $0x30E0, v6;
	vm9 =	vmand vm7, vm8;
	[tilespmem:$0x19C50] =	vst v4  }
0x38a: {  	v5 =	vnsel vm0, $0x30E0, v5;
	vm0 =	vmand vm15, vm6;
	v3 =	vsub.s32 v13, v1;
	[tilespmem:$0x19C70] =	vst v6  }
0x38b: {  	vm10 =	vge.s32 v15, v1;
	vm11 =	vlt.s32 v15, v2;
	[tilespmem:$0x19C60] =	vst v5;
	v3 =	vnsel vm0, $0x30E0, v3  }
0x38c: {  	v4 =	vnsel vm9, $0x30E0, v17;
	vm12 =	vmand vm10, vm11;
	[tilespmem:$0x19C80] =	vst v3;
	v3 =	vsub.s32 v15, v1  }
0x38d: {  	v18 =	vsub.s32 v16, v1;
	vm15 =	vmand vm13, vm14;
	[tilespmem:$0x19C90] =	vst v4;
	v3 =	vnsel vm12, $0x30E0, v3  }
0x38e: {  	[tilespmem:$0x19CA0] =	vst v3;
	v3 =	vnsel vm15, $0x30E0, v18  }
0x38f: {  	[tilespmem:$0x19CB0] =	vst v3  }
0x390: {  	[tilespmem:s24], [sflag:$0x2] =	stream.indirect.gather [hbm4b:s4+s23], $0x80, s7, s23, $0xb8;
	[tilespmem:$0x1DF40] =	vst v63  }
0x391: {  	_ =	swait.ge [sflag:s20], $0x4000  }
0x392: {  	[sflag:s20] =	ssyncset.done $0x0  }
0x393: {  	[sflag:s20] =	ssyncadd.s32 $0xFFFFC000  }
0x394: {  	[spmem:s2] =	stream.indirect.scatter.add.f32 [tilespmem:s24], [sflag:$0x2], $0x80, s21, s23, $0xb8;
	[tilespmem:$0x1DF40] =	vst v63  }
0x395: {  	_ =	swait.ge [sflag:s20], $0x4000  }
0x396: {  	[sflag:s20] =	ssyncset.done $0x0  }
0x397: {  	[sflag:s20] =	ssyncadd.s32 $0xFFFFC000  }
0x398: {  	v3 =	vld [tilespmem:$0x194C0]  }
0x399: {  	v19 =	vld [tilespmem:$0x194D0]  }
0x39a: {  	v20 =	vld [tilespmem:$0x194E0]  }
0x39b: {  	v21 =	vld [tilespmem:$0x194F0]  }
0x39c: {  	v22 =	vld [tilespmem:$0x19500]  }
0x39d: {  	v23 =	vld [tilespmem:$0x19510]  }
0x39e: {  	vm4 =	vge.s32 v3, v1;
	vm5 =	vlt.s32 v3, v2;
	v3 =	vsub.s32 v3, v1  }
0x39f: {  	vm6 =	vge.s32 v19, v1;
	vm7 =	vlt.s32 v19, v2;
	v4 =	vsub.s32 v19, v1  }
0x3a0: {  	v25 =	vld [tilespmem:$0x19530];
	vm9 =	vge.s32 v20, v1;
	vm10 =	vlt.s32 v20, v2;
	vm11 =	vge.s32 v21, v1  }
0x3a1: {  	vm12 =	vlt.s32 v21, v2;
	v5 =	vsub.s32 v20, v1;
	v6 =	vsub.s32 v21, v1  }
0x3a2: {  	vm13 =	vge.s32 v22, v1;
	vm14 =	vlt.s32 v22, v2;
	vm15 =	vge.s32 v23, v1  }
0x3a3: {  	v24 =	vld [tilespmem:$0x19520];
	v26 =	vsub.s32 v23, v1;
	vm0 =	vmand vm4, vm5;
	vm8 =	vmand vm6, vm7  }
0x3a4: {  	vm1 =	vmand vm11, vm12;
	vm6 =	vlt.s32 v23, v2;
	v3 =	vnsel vm0, $0x30E0, v3  }
0x3a5: {  	vm11 =	vge.s32 v25, v1;
	vm12 =	vlt.s32 v25, v2;
	v4 =	vnsel vm8, $0x30E0, v4;
	[tilespmem:$0x19CC0] =	vst v3  }
0x3a6: {  	vm0 =	vmand vm9, vm10;
	v6 =	vnsel vm1, $0x30E0, v6;
	vm7 =	vmand vm15, vm6;
	[tilespmem:$0x19CD0] =	vst v4  }
0x3a7: {  	v5 =	vnsel vm0, $0x30E0, v5;
	vm0 =	vmand vm13, vm14;
	v3 =	vsub.s32 v22, v1;
	[tilespmem:$0x19CF0] =	vst v6  }
0x3a8: {  	vm8 =	vge.s32 v24, v1;
	vm9 =	vlt.s32 v24, v2;
	[tilespmem:$0x19CE0] =	vst v5;
	v3 =	vnsel vm0, $0x30E0, v3  }
0x3a9: {  	v4 =	vnsel vm7, $0x30E0, v26;
	vm10 =	vmand vm8, vm9;
	[tilespmem:$0x19D00] =	vst v3;
	v3 =	vsub.s32 v24, v1  }
0x3aa: {  	v27 =	vsub.s32 v25, v1;
	vm13 =	vmand vm11, vm12;
	[tilespmem:$0x19D10] =	vst v4;
	v3 =	vnsel vm10, $0x30E0, v3  }
0x3ab: {  	[tilespmem:$0x19D20] =	vst v3;
	v3 =	vnsel vm13, $0x30E0, v27  }
0x3ac: {  	[tilespmem:$0x19D30] =	vst v3  }
0x3ad: {  	[tilespmem:s24], [sflag:$0x2] =	stream.indirect.gather [hbm4b:s4+s23], $0x80, s25, s23, $0xb8;
	[tilespmem:$0x1DF40] =	vst v63  }
0x3ae: {  	_ =	swait.ge [sflag:s20], $0x4000  }
0x3af: {  	[sflag:s20] =	ssyncset.done $0x0  }
0x3b0: {  	[sflag:s20] =	ssyncadd.s32 $0xFFFFC000  }
0x3b1: {  	[spmem:s2] =	stream.indirect.scatter.add.f32 [tilespmem:s24], [sflag:$0x2], $0x80, s26, s23, $0xb8;
	[tilespmem:$0x1DF40] =	vst v63  }
0x3b2: {  	_ =	swait.ge [sflag:s20], $0x4000  }
0x3b3: {  	[sflag:s20] =	ssyncset.done $0x0  }
0x3b4: {  	[sflag:s20] =	ssyncadd.s32 $0xFFFFC000  }
0x3b5: {  	v3 =	vld [tilespmem:$0x19540]  }
0x3b6: {  	v28 =	vld [tilespmem:$0x19550]  }
0x3b7: {  	v29 =	vld [tilespmem:$0x19560]  }
0x3b8: {  	v30 =	vld [tilespmem:$0x19570]  }
0x3b9: {  	v31 =	vld [tilespmem:$0x19580]  }
0x3ba: {  	v32 =	vld [tilespmem:$0x19590]  }
0x3bb: {  	vm14 =	vge.s32 v3, v1;
	vm15 =	vlt.s32 v3, v2;
	v3 =	vsub.s32 v3, v1  }
0x3bc: {  	vm4 =	vge.s32 v28, v1;
	vm5 =	vlt.s32 v28, v2;
	v4 =	vsub.s32 v28, v1  }
0x3bd: {  	v34 =	vld [tilespmem:$0x195B0];
	vm7 =	vge.s32 v29, v1;
	vm8 =	vlt.s32 v29, v2;
	vm9 =	vge.s32 v30, v1  }
0x3be: {  	vm10 =	vlt.s32 v30, v2;
	v5 =	vsub.s32 v29, v1;
	v6 =	vsub.s32 v30, v1  }
0x3bf: {  	vm11 =	vge.s32 v31, v1;
	vm12 =	vlt.s32 v31, v2;
	vm13 =	vge.s32 v32, v1  }
0x3c0: {  	v33 =	vld [tilespmem:$0x195A0];
	v35 =	vsub.s32 v32, v1;
	vm0 =	vmand vm14, vm15;
	vm6 =	vmand vm4, vm5  }
0x3c1: {  	vm1 =	vmand vm9, vm10;
	vm14 =	vlt.s32 v32, v2;
	v3 =	vnsel vm0, $0x30E0, v3  }
0x3c2: {  	vm9 =	vge.s32 v34, v1;
	vm10 =	vlt.s32 v34, v2;
	v4 =	vnsel vm6, $0x30E0, v4;
	[tilespmem:$0x19D40] =	vst v3  }
0x3c3: {  	vm0 =	vmand vm7, vm8;
	v6 =	vnsel vm1, $0x30E0, v6;
	vm15 =	vmand vm13, vm14;
	[tilespmem:$0x19D50] =	vst v4  }
0x3c4: {  	v5 =	vnsel vm0, $0x30E0, v5;
	vm0 =	vmand vm11, vm12;
	v3 =	vsub.s32 v31, v1;
	[tilespmem:$0x19D70] =	vst v6  }
0x3c5: {  	vm6 =	vge.s32 v33, v1;
	vm7 =	vlt.s32 v33, v2;
	[tilespmem:$0x19D60] =	vst v5;
	v3 =	vnsel vm0, $0x30E0, v3  }
0x3c6: {  	v4 =	vnsel vm15, $0x30E0, v35;
	vm8 =	vmand vm6, vm7;
	[tilespmem:$0x19D80] =	vst v3;
	v3 =	vsub.s32 v33, v1  }
0x3c7: {  	v36 =	vsub.s32 v34, v1;
	vm11 =	vmand vm9, vm10;
	[tilespmem:$0x19D90] =	vst v4;
	v3 =	vnsel vm8, $0x30E0, v3  }
0x3c8: {  	[tilespmem:$0x19DA0] =	vst v3;
	v3 =	vnsel vm11, $0x30E0, v36  }
0x3c9: {  	[tilespmem:$0x19DB0] =	vst v3  }
0x3ca: {  	[tilespmem:s24], [sflag:$0x2] =	stream.indirect.gather [hbm4b:s4+s23], $0x80, s28, s23, $0xb8;
	[tilespmem:$0x1DF40] =	vst v63  }
0x3cb: {  	_ =	swait.ge [sflag:s20], $0x4000  }
0x3cc: {  	[sflag:s20] =	ssyncset.done $0x0  }
0x3cd: {  	[sflag:s20] =	ssyncadd.s32 $0xFFFFC000  }
0x3ce: {  	[spmem:s2] =	stream.indirect.scatter.add.f32 [tilespmem:s24], [sflag:$0x2], $0x80, s29, s23, $0xb8;
	[tilespmem:$0x1DF40] =	vst v63  }
0x3cf: {  	_ =	swait.ge [sflag:s20], $0x4000  }
0x3d0: {  	[sflag:s20] =	ssyncset.done $0x0  }
0x3d1: {  	[sflag:s20] =	ssyncadd.s32 $0xFFFFC000  }
0x3d2: {  	v3 =	vld [tilespmem:$0x195C0]  }
0x3d3: {  	v37 =	vld [tilespmem:$0x195D0]  }
0x3d4: {  	v38 =	vld [tilespmem:$0x195E0]  }
0x3d5: {  	v39 =	vld [tilespmem:$0x195F0]  }
0x3d6: {  	v40 =	vld [tilespmem:$0x19600]  }
0x3d7: {  	v41 =	vld [tilespmem:$0x19610]  }
0x3d8: {  	vm12 =	vge.s32 v3, v1;
	vm13 =	vlt.s32 v3, v2;
	v3 =	vsub.s32 v3, v1  }
0x3d9: {  	vm14 =	vge.s32 v37, v1;
	vm15 =	vlt.s32 v37, v2;
	v4 =	vsub.s32 v37, v1  }
0x3da: {  	v42 =	vld [tilespmem:$0x19620];
	vm5 =	vge.s32 v38, v1;
	vm6 =	vlt.s32 v38, v2;
	vm7 =	vge.s32 v39, v1  }
0x3db: {  	v43 =	vld [tilespmem:$0x19630];
	vm8 =	vlt.s32 v39, v2;
	v5 =	vsub.s32 v38, v1;
	v6 =	vsub.s32 v39, v1  }
0x3dc: {  	vm9 =	vge.s32 v40, v1;
	vm10 =	vlt.s32 v40, v2;
	vm11 =	vge.s32 v41, v1  }
0x3dd: {  	v44 =	vsub.s32 v41, v1;
	vm0 =	vmand vm12, vm13;
	vm4 =	vmand vm14, vm15  }
0x3de: {  	vm1 =	vmand vm7, vm8;
	vm12 =	vlt.s32 v41, v2;
	v3 =	vnsel vm0, $0x30E0, v3  }
0x3df: {  	vm14 =	vge.s32 v42, v1;
	vm15 =	vlt.s32 v42, v2;
	v4 =	vnsel vm4, $0x30E0, v4;
	[tilespmem:$0x19DC0] =	vst v3  }
0x3e0: {  	vm7 =	vge.s32 v43, v1;
	vm0 =	vmand vm5, vm6;
	v6 =	vnsel vm1, $0x30E0, v6;
	[tilespmem:$0x19DD0] =	vst v4  }
0x3e1: {  	v5 =	vnsel vm0, $0x30E0, v5;
	vm0 =	vmand vm9, vm10;
	v3 =	vsub.s32 v40, v1;
	[tilespmem:$0x19DF0] =	vst v6  }
0x3e2: {  	vm8 =	vlt.s32 v43, v2;
	vm13 =	vmand vm11, vm12;
	[tilespmem:$0x19DE0] =	vst v5;
	v3 =	vnsel vm0, $0x30E0, v3  }
0x3e3: {  	vm6 =	vmand vm14, vm15;
	v4 =	vnsel vm13, $0x30E0, v44;
	[tilespmem:$0x19E00] =	vst v3;
	v3 =	vsub.s32 v42, v1  }
0x3e4: {  	v45 =	vsub.s32 v43, v1;
	vm9 =	vmand vm7, vm8;
	[tilespmem:$0x19E10] =	vst v4;
	v3 =	vnsel vm6, $0x30E0, v3  }
0x3e5: {  	[tilespmem:$0x19E20] =	vst v3;
	v3 =	vnsel vm9, $0x30E0, v45  }
0x3e6: {  	[tilespmem:$0x19E30] =	vst v3  }
0x3e7: {  	[tilespmem:s24], [sflag:$0x2] =	stream.indirect.gather [hbm4b:s4+s23], $0x80, s30, s23, $0xb8;
	[tilespmem:$0x1DF40] =	vst v63  }
0x3e8: {  	_ =	swait.ge [sflag:s20], $0x4000  }
0x3e9: {  	[sflag:s20] =	ssyncset.done $0x0  }
0x3ea: {  	[sflag:s20] =	ssyncadd.s32 $0xFFFFC000  }
0x3eb: {  	[spmem:s2] =	stream.indirect.scatter.add.f32 [tilespmem:s24], [sflag:$0x2], $0x80, s31, s23, $0xb8;
	[tilespmem:$0x1DF40] =	vst v63  }
0x3ec: {  	_ =	swait.ge [sflag:s20], $0x4000  }
0x3ed: {  	[sflag:s20] =	ssyncset.done $0x0  }
0x3ee: {  	[sflag:s20] =	ssyncadd.s32 $0xFFFFC000  }
0x3ef: {  	v3 =	vld [tilespmem:$0x19640]  }
0x3f0: {  	v46 =	vld [tilespmem:$0x19650]  }
0x3f1: {  	v47 =	vld [tilespmem:$0x19660]  }
0x3f2: {  	v48 =	vld [tilespmem:$0x19670]  }
0x3f3: {  	v49 =	vld [tilespmem:$0x19680]  }
0x3f4: {  	v50 =	vld [tilespmem:$0x19690]  }
0x3f5: {  	vm10 =	vge.s32 v3, v1;
	vm11 =	vlt.s32 v3, v2;
	v3 =	vsub.s32 v3, v1  }
0x3f6: {  	vm12 =	vge.s32 v46, v1;
	vm13 =	vlt.s32 v46, v2;
	v4 =	vsub.s32 v46, v1  }
0x3f7: {  	v51 =	vld [tilespmem:$0x196A0];
	vm15 =	vge.s32 v47, v1;
	vm4 =	vlt.s32 v47, v2;
	vm5 =	vge.s32 v48, v1  }
0x3f8: {  	vm6 =	vlt.s32 v48, v2;
	v5 =	vsub.s32 v47, v1;
	v6 =	vsub.s32 v48, v1  }
0x3f9: {  	vm7 =	vge.s32 v49, v1;
	vm8 =	vlt.s32 v49, v2;
	vm9 =	vge.s32 v50, v1  }
0x3fa: {  	v52 =	vld [tilespmem:$0x196B0];
	v53 =	vsub.s32 v50, v1;
	vm0 =	vmand vm10, vm11;
	vm14 =	vmand vm12, vm13  }
0x3fb: {  	vm1 =	vmand vm5, vm6;
	vm10 =	vlt.s32 v50, v2;
	v3 =	vnsel vm0, $0x30E0, v3  }
0x3fc: {  	vm12 =	vge.s32 v51, v1;
	vm13 =	vlt.s32 v51, v2;
	v4 =	vnsel vm14, $0x30E0, v4;
	[tilespmem:$0x19E40] =	vst v3  }
0x3fd: {  	vm0 =	vmand vm15, vm4;
	v6 =	vnsel vm1, $0x30E0, v6;
	vm11 =	vmand vm9, vm10;
	[tilespmem:$0x19E50] =	vst v4  }
0x3fe: {  	v5 =	vnsel vm0, $0x30E0, v5;
	vm0 =	vmand vm7, vm8;
	v3 =	vsub.s32 v49, v1;
	[tilespmem:$0x19E70] =	vst v6  }
0x3ff: {  	vm14 =	vmand vm12, vm13;
	vm15 =	vge.s32 v52, v1;
	[tilespmem:$0x19E60] =	vst v5;
	v3 =	vnsel vm0, $0x30E0, v3  }
0x400: {  	vm4 =	vlt.s32 v52, v2;
	v4 =	vnsel vm11, $0x30E0, v53;
	[tilespmem:$0x19E80] =	vst v3;
	v3 =	vsub.s32 v51, v1  }
0x401: {  	v54 =	vsub.s32 v52, v1;
	vm5 =	vmand vm15, vm4;
	[tilespmem:$0x19E90] =	vst v4;
	v3 =	vnsel vm14, $0x30E0, v3  }
0x402: {  	[tilespmem:$0x19EA0] =	vst v3;
	v3 =	vnsel vm5, $0x30E0, v54  }
0x403: {  	[tilespmem:$0x19EB0] =	vst v3  }
0x404: {  	[tilespmem:s24], [sflag:$0x2] =	stream.indirect.gather [hbm4b:s4+s23], $0x80, s0, s23, $0xb8;
	[tilespmem:$0x1DF40] =	vst v63  }
0x405: {  	_ =	swait.ge [sflag:s20], $0x4000  }
0x406: {  	[sflag:s20] =	ssyncset.done $0x0  }
0x407: {  	[sflag:s20] =	ssyncadd.s32 $0xFFFFC000  }
0x408: {  	[spmem:s2] =	stream.indirect.scatter.add.f32 [tilespmem:s24], [sflag:$0x2], $0x80, s1, s23, $0xb8;
	[tilespmem:$0x1DF40] =	vst v63  }
0x409: {  	_ =	swait.ge [sflag:s20], $0x4000  }
0x40a: {  	[sflag:s20] =	ssyncset.done $0x0  }
0x40b: {  	[sflag:s20] =	ssyncadd.s32 $0xFFFFC000  }
0x40c: {  	v3 =	vld [tilespmem:$0x196C0]  }
0x40d: {  	v55 =	vld [tilespmem:$0x196D0]  }
0x40e: {  	v56 =	vld [tilespmem:$0x196E0]  }
0x40f: {  	v57 =	vld [tilespmem:$0x196F0]  }
0x410: {  	v58 =	vld [tilespmem:$0x19700]  }
0x411: {  	v59 =	vld [tilespmem:$0x19710]  }
0x412: {  	vm6 =	vge.s32 v3, v1;
	vm7 =	vlt.s32 v3, v2;
	v3 =	vsub.s32 v3, v1  }
0x413: {  	vm8 =	vge.s32 v55, v1;
	vm9 =	vlt.s32 v55, v2;
	v4 =	vsub.s32 v55, v1  }
0x414: {  	v61 =	vld [tilespmem:$0x19730];
	vm11 =	vge.s32 v56, v1;
	vm12 =	vlt.s32 v56, v2;
	vm13 =	vge.s32 v57, v1  }
0x415: {  	vm14 =	vlt.s32 v57, v2;
	v5 =	vsub.s32 v56, v1;
	v6 =	vsub.s32 v57, v1  }
0x416: {  	vm15 =	vge.s32 v58, v1;
	v62 =	vsub.s32 v59, v1;
	vm0 =	vmand vm6, vm7  }
0x417: {  	v60 =	vld [tilespmem:$0x19720];
	vm10 =	vmand vm8, vm9;
	vm1 =	vmand vm13, vm14;
	vm6 =	vlt.s32 v58, v2  }
0x418: {  	vm7 =	vge.s32 v59, v1;
	vm8 =	vlt.s32 v59, v2;
	v3 =	vnsel vm0, $0x30E0, v3  }
0x419: {  	vm13 =	vge.s32 v61, v1;
	vm14 =	vlt.s32 v61, v2;
	v4 =	vnsel vm10, $0x30E0, v4;
	[tilespmem:$0x19EC0] =	vst v3  }
0x41a: {  	vm0 =	vmand vm11, vm12;
	v6 =	vnsel vm1, $0x30E0, v6;
	vm9 =	vmand vm7, vm8;
	[tilespmem:$0x19ED0] =	vst v4  }
0x41b: {  	v5 =	vnsel vm0, $0x30E0, v5;
	vm0 =	vmand vm15, vm6;
	v3 =	vsub.s32 v58, v1;
	[tilespmem:$0x19EF0] =	vst v6  }
0x41c: {  	vm10 =	vge.s32 v60, v1;
	vm11 =	vlt.s32 v60, v2;
	[tilespmem:$0x19EE0] =	vst v5;
	v3 =	vnsel vm0, $0x30E0, v3  }
0x41d: {  	v4 =	vnsel vm9, $0x30E0, v62;
	vm12 =	vmand vm10, vm11;
	[tilespmem:$0x19F00] =	vst v3;
	v3 =	vsub.s32 v60, v1  }
0x41e: {  	v63 =	vsub.s32 v61, v1;
	vm15 =	vmand vm13, vm14;
	[tilespmem:$0x19F10] =	vst v4;
	v3 =	vnsel vm12, $0x30E0, v3  }
0x41f: {  	[tilespmem:$0x19F20] =	vst v3;
	v3 =	vnsel vm15, $0x30E0, v63  }
0x420: {  	[tilespmem:$0x19F30] =	vst v3  }
0x421: {  	[tilespmem:s24], [sflag:$0x2] =	stream.indirect.gather [hbm4b:s4+s23], $0x80, s10, s23, $0xb8;
	[tilespmem:$0x1DF40] =	vst v63  }
0x422: {  	_ =	swait.ge [sflag:s20], $0x4000  }
0x423: {  	[sflag:s20] =	ssyncset.done $0x0  }
.Ltmp9:
0x424: {  	[sflag:s20] =	ssyncadd.s32 $0xFFFFC000;
	(pc) =	sbr.rel .LBB2_8-.Ltmp9, $4  }
0x425: {  	[spmem:s2] =	stream.indirect.scatter.add.f32 [tilespmem:s24], [sflag:$0x1], $0x80, s11, s23, $0xb8;
	[tilespmem:$0x1DF40] =	vst v63  }
0x426: {  	_ =	swait.ge [sflag:s18], $0x4000  }
0x427: {  	[sflag:s18] =	ssyncset.done $0x0  }
0x428: {  	[sflag:s18] =	ssyncadd.s32 $0xFFFFC000  }
.LBB2_10:
0x429: {  	_ =	sfence.sel $0x180000  }
0x42a: {  	[bflag:$0x0] =	sbarrier.arrive $0xFFFF  }
0x42b: {  	_ =	strace $0x90000047  }
0x42c: {  	s0 =	stileid.u32;
	[bflag:$0x2] =	sbarrier.arrive $0xFFFF  }
0x42d: {  	p0 =	sne.s32 s0, $0x0;
	s0 =	rddreg [dreg:$0x3]  }
0x42e: {  	s0 =	sadd.s32 @!p0 $0x100000, s0  }
0x42f: {  	[sflag:s0] =	ssyncadd.tile.s32 @!p0 $0x1;
	_ =	shalt  }
.Lfunc_end2:
_tile_overlayer_lowered:
.L_overlay_start_2:
0x430: {  	(tag) =	ssettag $0x2  }
0x431: {  	s0 =	rddreg [dreg:$0x0];
	s2 =	stileid.u32  }
0x432: {  	s1 =	rddreg [dreg:$0x1];
	p0 =	sne.s32 s2, $0x0  }
0x433: {  	s3 =	rddreg [dreg:$0x2];
	[bflag:$0x3] =	sbarrier.arrive $0xFFFF;
	s2 =	simm.s32 @!p0 $0x1C01  }
0x434: {  	[timem:s3], [sflag:s2] =	dma.local @!p0 [hbm:s0], s1  }
0x435: {  	s0 =	simm.s32 @!p0 $0x1  }
0x436: {  	_ =	swait.ge @!p0 [sflag:s0], s1  }
0x437: {  	s1 =	ssub.s32 @!p0 $0x0, s1;
	[sflag:s0] =	ssyncset.done @!p0 $0x0  }
0x438: {  	[sflag:s0] =	ssyncadd.s32 @!p0 s1  }
0x439: {  	[bflag:$0x3] =	sbarrier.arrive $0xFFFF  }
0x43a: {  	_ =	shalt  }

</sc_bundles>
